<compile_context>
chip_gen: v7x
topology: tpu7x:2x2x1
jax: 0.10.2.dev20260603
libtpu: 0.0.44.dev20260713+nightly
codegen_flags: <defaults>
</compile_context>

<pallas_src>
import functools

import jax
import jax.numpy as jnp
from jax import lax
from jax.experimental import pallas as pl
from jax.experimental.pallas import tpu as pltpu
from jax.experimental.pallas import tpu_sc as plsc

N = 10000
E = N * 32
H = 128

NC = 2
NS = 16
NW = NC * NS
EPW = E // NW
C = 125
CHUNKS = EPW // C
NR = 3
ROWS_PER_TILE = 624
TAIL_ROWS = N - NS * ROWS_PER_TILE

_NEG_SLOPE = 0.2


def _lrelu(x):
    return jnp.where(x >= 0, x, _NEG_SLOPE * x)



def _make_sc_agg(compute_deg: bool):
    mesh = plsc.VectorSubcoreMesh(core_axis_name="c", subcore_axis_name="s")
    if compute_deg:
        out_type = [jax.ShapeDtypeStruct((NC, N, H), jnp.float32),
                    jax.ShapeDtypeStruct((NC, N), jnp.float32)]
    else:
        out_type = jax.ShapeDtypeStruct((NC, N, H), jnp.float32)
    scratch_types = (
        [pltpu.VMEM((2, C), jnp.int32) for _ in range(NR)]
        + [pltpu.VMEM((C, H), jnp.float32) for _ in range(NR)]
        + [
            pltpu.VMEM((128,), jnp.float32),
            pltpu.VMEM_SHARED((N, H), jnp.float32),
            pltpu.VMEM_SHARED((N,), jnp.float32),
        ]
        + [pltpu.SemaphoreType.DMA for _ in range(4 * NR)]
    )

    def body(h_hbm, idx_hbm, zrows_hbm, zdeg_hbm, *refs):
        if compute_deg:
            agg_out, deg_out = refs[0], refs[1]
            rest = refs[2:]
        else:
            agg_out = refs[0]
            deg_out = None
            rest = refs[1:]
        idxb = rest[:NR]
        rowsb = rest[NR:2 * NR]
        ones_v, agg_sh, deg_sh = rest[2 * NR:2 * NR + 3]
        sems = rest[2 * NR + 3:]
        gsem = sems[:NR]
        ssem = sems[NR:2 * NR]
        dsem = sems[2 * NR:3 * NR]
        isem = sems[3 * NR:]

        c = lax.axis_index("c")
        s = lax.axis_index("s")
        wid = c * NS + s

        for m in range(2):
            pltpu.async_copy(idx_hbm.at[0, wid, m], idxb[m].at[0], isem[m])
            pltpu.async_copy(idx_hbm.at[1, wid, m], idxb[m].at[1], isem[m])

        pltpu.sync_copy(zrows_hbm,
                        agg_sh.at[pl.ds(s * ROWS_PER_TILE, ROWS_PER_TILE)])

        @pl.when(s == NS - 1)
        def _():
            pltpu.sync_copy(zrows_hbm.at[pl.ds(0, TAIL_ROWS)],
                            agg_sh.at[pl.ds(NS * ROWS_PER_TILE, TAIL_ROWS)])

        if compute_deg:
            @pl.when(s == 0)
            def _():
                pltpu.sync_copy(zdeg_hbm, deg_sh)
            one16 = jnp.ones((16,), jnp.float32)
            for j in range(8):
                ones_v[pl.ds(j * 16, 16)] = one16

        for m in range(2):
            pltpu.make_async_copy(idx_hbm.at[0, wid, m],
                                  idxb[m].at[0], isem[m]).wait()
            pltpu.make_async_copy(idx_hbm.at[1, wid, m],
                                  idxb[m].at[1], isem[m]).wait()
            pltpu.async_copy(h_hbm.at[idxb[m].at[0]], rowsb[m], gsem[m])
        plsc.subcore_barrier()

        def emit_step(q, b, first, gather):
            bp = (b + NR - 1) % NR
            pltpu.make_async_copy(h_hbm.at[idxb[b].at[0]],
                                  rowsb[b], gsem[b]).wait()
            pltpu.async_copy(rowsb[b], agg_sh.at[idxb[b].at[1]],
                             ssem[b], add=True)
            if compute_deg:
                pltpu.async_copy(ones_v.at[pl.ds(0, C)],
                                 deg_sh.at[idxb[b].at[1]], dsem[b], add=True)
            if not first:
                pltpu.make_async_copy(rowsb[bp], agg_sh.at[idxb[bp].at[1]],
                                      ssem[bp]).wait()
                if compute_deg:
                    pltpu.make_async_copy(ones_v.at[pl.ds(0, C)],
                                          deg_sh.at[idxb[bp].at[1]],
                                          dsem[bp]).wait()

            def advance():
                pltpu.async_copy(idx_hbm.at[0, wid, q + 2],
                                 idxb[bp].at[0], isem[bp])
                pltpu.async_copy(idx_hbm.at[1, wid, q + 2],
                                 idxb[bp].at[1], isem[bp])
                pltpu.make_async_copy(idx_hbm.at[0, wid, q + 2],
                                      idxb[bp].at[0], isem[bp]).wait()
                pltpu.make_async_copy(idx_hbm.at[1, wid, q + 2],
                                      idxb[bp].at[1], isem[bp]).wait()
                pltpu.async_copy(h_hbm.at[idxb[bp].at[0]], rowsb[bp], gsem[bp])

            if gather == "dyn":
                pl.when(q + 2 < CHUNKS)(advance)
            elif gather:
                advance()

        for p in range(NR):
            emit_step(p, p, first=(p == 0), gather=True)

        def round_body(j, carry):
            q0 = j * NR
            for p in range(NR):
                emit_step(q0 + p, p, first=False, gather="dyn")
            return carry

        lax.fori_loop(1, CHUNKS // NR, round_body, 0)

        for q in range(NR * (CHUNKS // NR), CHUNKS):
            emit_step(q, q % NR, first=False, gather=False)
        b = (CHUNKS - 1) % NR
        pltpu.make_async_copy(rowsb[b], agg_sh.at[idxb[b].at[1]],
                              ssem[b]).wait()
        if compute_deg:
            pltpu.make_async_copy(ones_v.at[pl.ds(0, C)],
                                  deg_sh.at[idxb[b].at[1]], dsem[b]).wait()
        plsc.subcore_barrier()

        r0 = s * ROWS_PER_TILE
        pltpu.sync_copy(agg_sh.at[pl.ds(r0, ROWS_PER_TILE)],
                        agg_out.at[c, pl.ds(r0, ROWS_PER_TILE)])

        @pl.when(s == NS - 1)
        def _():
            rt = NS * ROWS_PER_TILE
            pltpu.sync_copy(agg_sh.at[pl.ds(rt, TAIL_ROWS)],
                            agg_out.at[c, pl.ds(rt, TAIL_ROWS)])

        if compute_deg:
            @pl.when(s == 0)
            def _():
                pltpu.sync_copy(deg_sh, deg_out.at[c])

    return functools.partial(pl.kernel, mesh=mesh, out_type=out_type,
                             scratch_types=scratch_types)(body)


_sc_agg_deg = _make_sc_agg(True)
_sc_agg = _make_sc_agg(False)



BLK = 5000


def _layer1_body(p_ref, deg_ref, we_ref, be_ref, w1_ref, b1_ref,
                 w2_ref, b2_ref, o_ref):
    deg = deg_ref[0] + deg_ref[1]
    aggf = (p_ref[0] + p_ref[1]) / jnp.maximum(deg, 1.0)
    agg = jnp.dot(aggf, we_ref[...],
                  preferred_element_type=jnp.float32) + be_ref[...]
    t = _lrelu(jnp.dot(agg, w1_ref[...],
                       preferred_element_type=jnp.float32) + b1_ref[...])
    o_ref[...] = _lrelu(jnp.dot(t, w2_ref[...],
                                preferred_element_type=jnp.float32) + b2_ref[...])


def _tc_layer1(partials, degp, we, be, w1, b1, w2, b2):
    d = we.shape[0]
    return pl.pallas_call(
        _layer1_body,
        grid=(N // BLK,),
        in_specs=[
            pl.BlockSpec((NC, BLK, d), lambda i: (0, i, 0)),
            pl.BlockSpec((NC, BLK, 1), lambda i: (0, i, 0)),
            pl.BlockSpec((d, H), lambda i: (0, 0)),
            pl.BlockSpec((1, H), lambda i: (0, 0)),
            pl.BlockSpec((H, H), lambda i: (0, 0)),
            pl.BlockSpec((1, H), lambda i: (0, 0)),
            pl.BlockSpec((H, H), lambda i: (0, 0)),
            pl.BlockSpec((1, H), lambda i: (0, 0)),
        ],
        out_specs=pl.BlockSpec((BLK, H), lambda i: (i, 0)),
        out_shape=jax.ShapeDtypeStruct((N, H), jnp.float32),
    )(partials, degp, we, be.reshape(1, H), w1, b1.reshape(1, H),
      w2, b2.reshape(1, H))


def _layer_ro_body(p_ref, deg_ref, w1_ref, b1_ref, w2_ref, b2_ref,
                   wro_ref, bro_ref, o_ref):
    agg = p_ref[0] + p_ref[1]
    deg = deg_ref[0] + deg_ref[1]
    agg = agg / jnp.maximum(deg, 1.0)
    t = _lrelu(jnp.dot(agg, w1_ref[...],
                       preferred_element_type=jnp.float32) + b1_ref[...])
    h = _lrelu(jnp.dot(t, w2_ref[...],
                       preferred_element_type=jnp.float32) + b2_ref[...])
    o_ref[...] = jnp.dot(h, wro_ref[...],
                         preferred_element_type=jnp.float32) + bro_ref[...]


def _tc_layer_ro(partials, degp, w1, b1, w2, b2, wro, bro):
    o = wro.shape[1]
    return pl.pallas_call(
        _layer_ro_body,
        grid=(N // BLK,),
        in_specs=[
            pl.BlockSpec((NC, BLK, H), lambda i: (0, i, 0)),
            pl.BlockSpec((NC, BLK, 1), lambda i: (0, i, 0)),
            pl.BlockSpec((H, H), lambda i: (0, 0)),
            pl.BlockSpec((1, H), lambda i: (0, 0)),
            pl.BlockSpec((H, H), lambda i: (0, 0)),
            pl.BlockSpec((1, H), lambda i: (0, 0)),
            pl.BlockSpec((H, o), lambda i: (0, 0)),
            pl.BlockSpec((1, o), lambda i: (0, 0)),
        ],
        out_specs=pl.BlockSpec((BLK, o), lambda i: (i, 0)),
        out_shape=jax.ShapeDtypeStruct((N, o), jnp.float32),
    )(partials, degp, w1, b1.reshape(1, H), w2, b2.reshape(1, H),
      wro, bro.reshape(1, o))



def kernel(feats, edge_index, W_emb, b_emb, W1_0, b1_0, W2_0, b2_0,
           W1_1, b1_1, W2_1, b2_1, W_ro, b_ro):
    idx = edge_index.reshape(2, NW, CHUNKS, C)
    zrows = jnp.zeros((ROWS_PER_TILE, H), jnp.float32)
    zdeg = jnp.zeros((N,), jnp.float32)

    aggp, degp = _sc_agg_deg(feats, idx, zrows, zdeg)
    degp3 = degp.reshape(NC, N, 1)
    h1 = _tc_layer1(aggp, degp3, W_emb, b_emb, W1_0, b1_0, W2_0, b2_0)
    aggp2 = _sc_agg(h1, idx, zrows, zdeg)
    return _tc_layer_ro(aggp2, degp3, W1_1, b1_1, W2_1, b2_1, W_ro, b_ro)

# --- scband reference (transcript-rebuilt; emitter-appended) ---
"""Pipeline reference for scband-sirmodel-30030411333650 (READ-ONLY COPY).

The authoritative reference and input builder live on the scoring server;
editing this copy changes nothing except your own understanding.
"""

import jax, jax.numpy as jnp
import numpy as np

N = 10000
E = N * 32
D = 128
H = 128
O = 128
NUM_LAYERS = 2


def setup_inputs(seed: int = 0) -> dict:
    key = jax.random.key(seed)
    ks = jax.random.split(key, 20)
    scale = 0.05
    inp = {}
    inp["feats"] = jax.random.normal(ks[0], (N, D), dtype=jnp.float32)
    inp["edge_index"] = jax.random.randint(ks[1], (2, E), 0, N, dtype=jnp.int32)
    # embedding MLP_EGC([input_dim, hidden_dim]) -> single Linear (no norm/act for 1-layer MLP)
    inp["W_emb"] = jax.random.normal(ks[2], (D, H), dtype=jnp.float32) * scale
    inp["b_emb"] = jnp.zeros((H,), dtype=jnp.float32)
    # SIRConv(hidden, hidden, hidden): mean-aggregate neighbors then 2-layer MLP
    for i in range(NUM_LAYERS):
        inp[f"W1_{i}"] = jax.random.normal(ks[3 + 4 * i], (H, H), dtype=jnp.float32) * scale
        inp[f"b1_{i}"] = jnp.zeros((H,), dtype=jnp.float32)
        inp[f"W2_{i}"] = jax.random.normal(ks[4 + 4 * i], (H, H), dtype=jnp.float32) * scale
        inp[f"b2_{i}"] = jnp.zeros((H,), dtype=jnp.float32)
    inp["W_ro"] = jax.random.normal(ks[12], (H, O), dtype=jnp.float32) * scale
    inp["b_ro"] = jnp.zeros((O,), dtype=jnp.float32)
    return inp


def _sir_conv(x, src, dst, W1, b1, W2, b2):
    n = x.shape[0]
    deg = jnp.zeros((n,), dtype=x.dtype).at[dst].add(1.0)
    agg = jnp.zeros_like(x).at[dst].add(jnp.take(x, src, axis=0))
    agg = agg / jnp.clip(deg, 1.0)[:, None]
    h = jax.nn.leaky_relu(agg @ W1 + b1, negative_slope=0.2)
    return h @ W2 + b2


def reference(feats, edge_index, W_emb, b_emb, W1_0, b1_0, W2_0, b2_0, W1_1, b1_1, W2_1, b2_1, W_ro, b_ro):
    src = edge_index[0]
    dst = edge_index[1]
    h = feats @ W_emb + b_emb
    layer_params = [(W1_0, b1_0, W2_0, b2_0), (W1_1, b1_1, W2_1, b2_1)]
    for (W1, b1, W2, b2) in layer_params:
        h = _sir_conv(h, src, dst, W1, b1, W2, b2)
        # norm='none' -> identity
        h = jax.nn.leaky_relu(h, negative_slope=0.2)
        # dropout inactive at inference; residual=False
    return h @ W_ro + b_ro

if __name__ == "__main__":
    import jax
    _d = setup_inputs()
    print(jax.jit(kernel)(*tuple(_d.values())))

</pallas_src>

<mosaic_0001>
#map = affine_map<(d0, d1) -> (0, 0)>
#map1 = affine_map<(d0, d1) -> (0, 0, 0, 0)>
#map2 = affine_map<(d0, d1) -> (0)>
#map3 = affine_map<(d0, d1) -> (0, 0, 0)>
module attributes {stable_mosaic.version = 14 : i64} {
  func.func @body(%arg0: i32, %arg1: i32, %arg2: memref<10000x128xf32, #tpu.memory_space<hbm>>, %arg3: memref<2x32x80x125xi32, #tpu.memory_space<hbm>>, %arg4: memref<624x128xf32, #tpu.memory_space<hbm>>, %arg5: memref<10000xf32, #tpu.memory_space<hbm>>, %arg6: memref<2x10000x128xf32, #tpu.memory_space<hbm>>, %arg7: memref<2x125xi32, #tpu.memory_space<vmem>>, %arg8: memref<2x125xi32, #tpu.memory_space<vmem>>, %arg9: memref<2x125xi32, #tpu.memory_space<vmem>>, %arg10: memref<125x128xf32, #tpu.memory_space<vmem>>, %arg11: memref<125x128xf32, #tpu.memory_space<vmem>>, %arg12: memref<125x128xf32, #tpu.memory_space<vmem>>, %arg13: memref<128xf32, #tpu.memory_space<vmem>>, %arg14: memref<10000x128xf32, #tpu.memory_space<vmem_shared>>, %arg15: memref<10000xf32, #tpu.memory_space<vmem_shared>>, %arg16: memref<!tpu.dma_semaphore, #tpu.memory_space<semaphore_mem>>, %arg17: memref<!tpu.dma_semaphore, #tpu.memory_space<semaphore_mem>>, %arg18: memref<!tpu.dma_semaphore, #tpu.memory_space<semaphore_mem>>, %arg19: memref<!tpu.dma_semaphore, #tpu.memory_space<semaphore_mem>>, %arg20: memref<!tpu.dma_semaphore, #tpu.memory_space<semaphore_mem>>, %arg21: memref<!tpu.dma_semaphore, #tpu.memory_space<semaphore_mem>>, %arg22: memref<!tpu.dma_semaphore, #tpu.memory_space<semaphore_mem>>, %arg23: memref<!tpu.dma_semaphore, #tpu.memory_space<semaphore_mem>>, %arg24: memref<!tpu.dma_semaphore, #tpu.memory_space<semaphore_mem>>, %arg25: memref<!tpu.dma_semaphore, #tpu.memory_space<semaphore_mem>>, %arg26: memref<!tpu.dma_semaphore, #tpu.memory_space<semaphore_mem>>, %arg27: memref<!tpu.dma_semaphore, #tpu.memory_space<semaphore_mem>>) attributes {dimension_semantics = [#tpu.dimension_semantics<core_parallel>, #tpu.dimension_semantics<subcore_parallel>], iteration_bounds = array<i64: 2, 16>, scalar_prefetch = 0 : i64, scratch_operands = 21 : i64, tpu.core_type = #tpu.core_type<sc_vector_subcore>, window_params = [{transform_indices = #map}, {transform_indices = #map1}, {transform_indices = #map}, {transform_indices = #map2}, {transform_indices = #map3}]} {
    %mul3A = arith.constant 16 : i32
    %mul3A_0 = arith.muli %arg0, %mul3A : i32
    %add3A = arith.addi %mul3A_0, %arg1 : i32
    %dma_start3A = arith.constant 0 : i32
    %dma_start3A_1 = arith.constant 0 : i32
    %dma_start3A_2 = arith.constant 0 : i32
    %dma_start3A_3 = arith.constant 0 : i32
    %dma_start3A_4 = tpu.memref_slice %arg7[%dma_start3A_2, %dma_start3A_3] : memref<2x125xi32, #tpu.memory_space<vmem>> -> memref<1x125xi32, #tpu.memory_space<vmem>>
    %dma_start3A_5 = tpu.memref_squeeze %dma_start3A_4 : memref<1x125xi32, #tpu.memory_space<vmem>> -> memref<125xi32, #tpu.memory_space<vmem>>
    %dma_start3A_6 = arith.constant 0 : i32
    %dma_start3A_7 = tpu.memref_slice %arg3[%dma_start3A, %add3A, %dma_start3A_1, %dma_start3A_6] : memref<2x32x80x125xi32, #tpu.memory_space<hbm>> -> memref<1x1x1x125xi32, #tpu.memory_space<hbm>>
    %dma_start3A_8 = tpu.memref_squeeze %dma_start3A_7 : memref<1x1x1x125xi32, #tpu.memory_space<hbm>> -> memref<125xi32, #tpu.memory_space<hbm>>
    %dma_start3A_9 = arith.constant 0 : i32
    %dma_start3A_10 = tpu.memref_slice %arg7[%dma_start3A_2, %dma_start3A_9] : memref<2x125xi32, #tpu.memory_space<vmem>> -> memref<1x125xi32, #tpu.memory_space<vmem>>
    %dma_start3A_11 = tpu.memref_squeeze %dma_start3A_10 : memref<1x125xi32, #tpu.memory_space<vmem>> -> memref<125xi32, #tpu.memory_space<vmem>>
    %dma_start3A_12 = arith.constant 0 : i32
    %dma_start3A_13 = tpu.memref_slice %arg3[%dma_start3A, %add3A, %dma_start3A_1, %dma_start3A_12] : memref<2x32x80x125xi32, #tpu.memory_space<hbm>> -> memref<1x1x1x125xi32, #tpu.memory_space<hbm>>
    %dma_start3A_14 = tpu.memref_squeeze %dma_start3A_13 : memref<1x1x1x125xi32, #tpu.memory_space<hbm>> -> memref<125xi32, #tpu.memory_space<hbm>>
    tpu.enqueue_dma source(%dma_start3A_14 : memref<125xi32, #tpu.memory_space<hbm>>) target(%dma_start3A_11 : memref<125xi32, #tpu.memory_space<vmem>>) target_semaphore(%arg25 : memref<!tpu.dma_semaphore, #tpu.memory_space<semaphore_mem>>)
    %dma_start3A_15 = arith.constant 1 : i32
    %dma_start3A_16 = arith.constant 0 : i32
    %dma_start3A_17 = arith.constant 1 : i32
    %dma_start3A_18 = arith.constant 0 : i32
    %dma_start3A_19 = tpu.memref_slice %arg7[%dma_start3A_17, %dma_start3A_18] : memref<2x125xi32, #tpu.memory_space<vmem>> -> memref<1x125xi32, #tpu.memory_space<vmem>>
    %dma_start3A_20 = tpu.memref_squeeze %dma_start3A_19 : memref<1x125xi32, #tpu.memory_space<vmem>> -> memref<125xi32, #tpu.memory_space<vmem>>
    %dma_start3A_21 = arith.constant 0 : i32
    %dma_start3A_22 = tpu.memref_slice %arg3[%dma_start3A_15, %add3A, %dma_start3A_16, %dma_start3A_21] : memref<2x32x80x125xi32, #tpu.memory_space<hbm>> -> memref<1x1x1x125xi32, #tpu.memory_space<hbm>>
    %dma_start3A_23 = tpu.memref_squeeze %dma_start3A_22 : memref<1x1x1x125xi32, #tpu.memory_space<hbm>> -> memref<125xi32, #tpu.memory_space<hbm>>
    %dma_start3A_24 = arith.constant 0 : i32
    %dma_start3A_25 = tpu.memref_slice %arg7[%dma_start3A_17, %dma_start3A_24] : memref<2x125xi32, #tpu.memory_space<vmem>> -> memref<1x125xi32, #tpu.memory_space<vmem>>
    %dma_start3A_26 = tpu.memref_squeeze %dma_start3A_25 : memref<1x125xi32, #tpu.memory_space<vmem>> -> memref<125xi32, #tpu.memory_space<vmem>>
    %dma_start3A_27 = arith.constant 0 : i32
    %dma_start3A_28 = tpu.memref_slice %arg3[%dma_start3A_15, %add3A, %dma_start3A_16, %dma_start3A_27] : memref<2x32x80x125xi32, #tpu.memory_space<hbm>> -> memref<1x1x1x125xi32, #tpu.memory_space<hbm>>
    %dma_start3A_29 = tpu.memref_squeeze %dma_start3A_28 : memref<1x1x1x125xi32, #tpu.memory_space<hbm>> -> memref<125xi32, #tpu.memory_space<hbm>>
    tpu.enqueue_dma source(%dma_start3A_29 : memref<125xi32, #tpu.memory_space<hbm>>) target(%dma_start3A_26 : memref<125xi32, #tpu.memory_space<vmem>>) target_semaphore(%arg25 : memref<!tpu.dma_semaphore, #tpu.memory_space<semaphore_mem>>)
    %dma_start3A_30 = arith.constant 0 : i32
    %dma_start3A_31 = arith.constant 1 : i32
    %dma_start3A_32 = arith.constant 0 : i32
    %dma_start3A_33 = arith.constant 0 : i32
    %dma_start3A_34 = tpu.memref_slice %arg8[%dma_start3A_32, %dma_start3A_33] : memref<2x125xi32, #tpu.memory_space<vmem>> -> memref<1x125xi32, #tpu.memory_space<vmem>>
    %dma_start3A_35 = tpu.memref_squeeze %dma_start3A_34 : memref<1x125xi32, #tpu.memory_space<vmem>> -> memref<125xi32, #tpu.memory_space<vmem>>
    %dma_start3A_36 = arith.constant 0 : i32
    %dma_start3A_37 = tpu.memref_slice %arg3[%dma_start3A_30, %add3A, %dma_start3A_31, %dma_start3A_36] : memref<2x32x80x125xi32, #tpu.memory_space<hbm>> -> memref<1x1x1x125xi32, #tpu.memory_space<hbm>>
    %dma_start3A_38 = tpu.memref_squeeze %dma_start3A_37 : memref<1x1x1x125xi32, #tpu.memory_space<hbm>> -> memref<125xi32, #tpu.memory_space<hbm>>
    %dma_start3A_39 = arith.constant 0 : i32
    %dma_start3A_40 = tpu.memref_slice %arg8[%dma_start3A_32, %dma_start3A_39] : memref<2x125xi32, #tpu.memory_space<vmem>> -> memref<1x125xi32, #tpu.memory_space<vmem>>
    %dma_start3A_41 = tpu.memref_squeeze %dma_start3A_40 : memref<1x125xi32, #tpu.memory_space<vmem>> -> memref<125xi32, #tpu.memory_space<vmem>>
    %dma_start3A_42 = arith.constant 0 : i32
    %dma_start3A_43 = tpu.memref_slice %arg3[%dma_start3A_30, %add3A, %dma_start3A_31, %dma_start3A_42] : memref<2x32x80x125xi32, #tpu.memory_space<hbm>> -> memref<1x1x1x125xi32, #tpu.memory_space<hbm>>
    %dma_start3A_44 = tpu.memref_squeeze %dma_start3A_43 : memref<1x1x1x125xi32, #tpu.memory_space<hbm>> -> memref<125xi32, #tpu.memory_space<hbm>>
    tpu.enqueue_dma source(%dma_start3A_44 : memref<125xi32, #tpu.memory_space<hbm>>) target(%dma_start3A_41 : memref<125xi32, #tpu.memory_space<vmem>>) target_semaphore(%arg26 : memref<!tpu.dma_semaphore, #tpu.memory_space<semaphore_mem>>)
    %dma_start3A_45 = arith.constant 1 : i32
    %dma_start3A_46 = arith.constant 1 : i32
    %dma_start3A_47 = arith.constant 1 : i32
    %dma_start3A_48 = arith.constant 0 : i32
    %dma_start3A_49 = tpu.memref_slice %arg8[%dma_start3A_47, %dma_start3A_48] : memref<2x125xi32, #tpu.memory_space<vmem>> -> memref<1x125xi32, #tpu.memory_space<vmem>>
    %dma_start3A_50 = tpu.memref_squeeze %dma_start3A_49 : memref<1x125xi32, #tpu.memory_space<vmem>> -> memref<125xi32, #tpu.memory_space<vmem>>
    %dma_start3A_51 = arith.constant 0 : i32
    %dma_start3A_52 = tpu.memref_slice %arg3[%dma_start3A_45, %add3A, %dma_start3A_46, %dma_start3A_51] : memref<2x32x80x125xi32, #tpu.memory_space<hbm>> -> memref<1x1x1x125xi32, #tpu.memory_space<hbm>>
    %dma_start3A_53 = tpu.memref_squeeze %dma_start3A_52 : memref<1x1x1x125xi32, #tpu.memory_space<hbm>> -> memref<125xi32, #tpu.memory_space<hbm>>
    %dma_start3A_54 = arith.constant 0 : i32
    %dma_start3A_55 = tpu.memref_slice %arg8[%dma_start3A_47, %dma_start3A_54] : memref<2x125xi32, #tpu.memory_space<vmem>> -> memref<1x125xi32, #tpu.memory_space<vmem>>
    %dma_start3A_56 = tpu.memref_squeeze %dma_start3A_55 : memref<1x125xi32, #tpu.memory_space<vmem>> -> memref<125xi32, #tpu.memory_space<vmem>>
    %dma_start3A_57 = arith.constant 0 : i32
    %dma_start3A_58 = tpu.memref_slice %arg3[%dma_start3A_45, %add3A, %dma_start3A_46, %dma_start3A_57] : memref<2x32x80x125xi32, #tpu.memory_space<hbm>> -> memref<1x1x1x125xi32, #tpu.memory_space<hbm>>
    %dma_start3A_59 = tpu.memref_squeeze %dma_start3A_58 : memref<1x1x1x125xi32, #tpu.memory_space<hbm>> -> memref<125xi32, #tpu.memory_space<hbm>>
    tpu.enqueue_dma source(%dma_start3A_59 : memref<125xi32, #tpu.memory_space<hbm>>) target(%dma_start3A_56 : memref<125xi32, #tpu.memory_space<vmem>>) target_semaphore(%arg26 : memref<!tpu.dma_semaphore, #tpu.memory_space<semaphore_mem>>)
    %mul3A_60 = arith.constant 624 : i32
    %mul3A_61 = arith.muli %arg1, %mul3A_60 : i32
    "tpu.region"() ({
      %run_scoped3A = tpu.sem_alloc : memref<!tpu.dma_semaphore, #tpu.memory_space<semaphore_mem>>
      %dma_start3A_456 = arith.constant 0 : i32
      %dma_start3A_457 = tpu.memref_slice %arg14[%mul3A_61, %dma_start3A_456] : memref<10000x128xf32, #tpu.memory_space<vmem_shared>> -> memref<624x128xf32, #tpu.memory_space<vmem_shared>>
      tpu.enqueue_dma source(%arg4 : memref<624x128xf32, #tpu.memory_space<hbm>>) target(%dma_start3A_457 : memref<624x128xf32, #tpu.memory_space<vmem_shared>>) target_semaphore(%run_scoped3A : memref<!tpu.dma_semaphore, #tpu.memory_space<semaphore_mem>>)
      %dma_wait3A_458 = arith.constant 0 : i32
      %dma_wait3A_459 = tpu.memref_slice %arg14[%mul3A_61, %dma_wait3A_458] : memref<10000x128xf32, #tpu.memory_space<vmem_shared>> -> memref<624x128xf32, #tpu.memory_space<vmem_shared>>
      tpu.wait_dma2 semaphore(%run_scoped3A : memref<!tpu.dma_semaphore, #tpu.memory_space<semaphore_mem>>) src(%arg4 : memref<624x128xf32, #tpu.memory_space<hbm>>) dst(%dma_wait3A_459 : memref<624x128xf32, #tpu.memory_space<vmem_shared>>)
      tpu.yield
    }) : () -> ()
    %eq3A = arith.constant 15 : i32
    %eq3A_62 = arith.cmpi eq, %arg1, %eq3A : i32
    %convert_element_type3A = arith.extui %eq3A_62 : i1 to i32
    %cond3A = arith.constant 0 : i32
    %cond3A_63 = arith.cmpi ne, %convert_element_type3A, %cond3A : i32
    scf.if %cond3A_63 {
      "tpu.region"() ({
        %run_scoped3A = tpu.sem_alloc : memref<!tpu.dma_semaphore, #tpu.memory_space<semaphore_mem>>
        %dma_start3A_456 = arith.constant 9984 : i32
        %dma_start3A_457 = arith.constant 0 : i32
        %dma_start3A_458 = tpu.memref_slice %arg14[%dma_start3A_456, %dma_start3A_457] : memref<10000x128xf32, #tpu.memory_space<vmem_shared>> -> memref<16x128xf32, #tpu.memory_space<vmem_shared>>
        %dma_start3A_459 = arith.constant 0 : i32
        %dma_start3A_460 = arith.constant 0 : i32
        %dma_start3A_461 = tpu.memref_slice %arg4[%dma_start3A_459, %dma_start3A_460] : memref<624x128xf32, #tpu.memory_space<hbm>> -> memref<16x128xf32, #tpu.memory_space<hbm>>
        tpu.enqueue_dma source(%dma_start3A_461 : memref<16x128xf32, #tpu.memory_space<hbm>>) target(%dma_start3A_458 : memref<16x128xf32, #tpu.memory_space<vmem_shared>>) target_semaphore(%run_scoped3A : memref<!tpu.dma_semaphore, #tpu.memory_space<semaphore_mem>>)
        %dma_wait3A_462 = arith.constant 9984 : i32
        %dma_wait3A_463 = arith.constant 0 : i32
        %dma_wait3A_464 = tpu.memref_slice %arg14[%dma_wait3A_462, %dma_wait3A_463] : memref<10000x128xf32, #tpu.memory_space<vmem_shared>> -> memref<16x128xf32, #tpu.memory_space<vmem_shared>>
        %dma_wait3A_465 = arith.constant 0 : i32
        %dma_wait3A_466 = arith.constant 0 : i32
        %dma_wait3A_467 = tpu.memref_slice %arg4[%dma_wait3A_465, %dma_wait3A_466] : memref<624x128xf32, #tpu.memory_space<hbm>> -> memref<16x128xf32, #tpu.memory_space<hbm>>
        tpu.wait_dma2 semaphore(%run_scoped3A : memref<!tpu.dma_semaphore, #tpu.memory_space<semaphore_mem>>) src(%dma_wait3A_467 : memref<16x128xf32, #tpu.memory_space<hbm>>) dst(%dma_wait3A_464 : memref<16x128xf32, #tpu.memory_space<vmem_shared>>)
        tpu.yield
      }) : () -> ()
    } else {
    }
    %dma_wait3A = arith.constant 0 : i32
    %dma_wait3A_64 = arith.constant 0 : i32
    %dma_wait3A_65 = arith.constant 0 : i32
    %dma_wait3A_66 = arith.constant 0 : i32
    %dma_wait3A_67 = tpu.memref_slice %arg7[%dma_wait3A_65, %dma_wait3A_66] : memref<2x125xi32, #tpu.memory_space<vmem>> -> memref<1x125xi32, #tpu.memory_space<vmem>>
    %dma_wait3A_68 = tpu.memref_squeeze %dma_wait3A_67 : memref<1x125xi32, #tpu.memory_space<vmem>> -> memref<125xi32, #tpu.memory_space<vmem>>
    %dma_wait3A_69 = arith.constant 0 : i32
    %dma_wait3A_70 = tpu.memref_slice %arg3[%dma_wait3A, %add3A, %dma_wait3A_64, %dma_wait3A_69] : memref<2x32x80x125xi32, #tpu.memory_space<hbm>> -> memref<1x1x1x125xi32, #tpu.memory_space<hbm>>
    %dma_wait3A_71 = tpu.memref_squeeze %dma_wait3A_70 : memref<1x1x1x125xi32, #tpu.memory_space<hbm>> -> memref<125xi32, #tpu.memory_space<hbm>>
    %dma_wait3A_72 = arith.constant 0 : i32
    %dma_wait3A_73 = tpu.memref_slice %arg7[%dma_wait3A_65, %dma_wait3A_72] : memref<2x125xi32, #tpu.memory_space<vmem>> -> memref<1x125xi32, #tpu.memory_space<vmem>>
    %dma_wait3A_74 = tpu.memref_squeeze %dma_wait3A_73 : memref<1x125xi32, #tpu.memory_space<vmem>> -> memref<125xi32, #tpu.memory_space<vmem>>
    %dma_wait3A_75 = arith.constant 0 : i32
    %dma_wait3A_76 = tpu.memref_slice %arg3[%dma_wait3A, %add3A, %dma_wait3A_64, %dma_wait3A_75] : memref<2x32x80x125xi32, #tpu.memory_space<hbm>> -> memref<1x1x1x125xi32, #tpu.memory_space<hbm>>
    %dma_wait3A_77 = tpu.memref_squeeze %dma_wait3A_76 : memref<1x1x1x125xi32, #tpu.memory_space<hbm>> -> memref<125xi32, #tpu.memory_space<hbm>>
    tpu.wait_dma2 semaphore(%arg25 : memref<!tpu.dma_semaphore, #tpu.memory_space<semaphore_mem>>) src(%dma_wait3A_77 : memref<125xi32, #tpu.memory_space<hbm>>) dst(%dma_wait3A_74 : memref<125xi32, #tpu.memory_space<vmem>>)
    %dma_wait3A_78 = arith.constant 1 : i32
    %dma_wait3A_79 = arith.constant 0 : i32
    %dma_wait3A_80 = arith.constant 1 : i32
    %dma_wait3A_81 = arith.constant 0 : i32
    %dma_wait3A_82 = tpu.memref_slice %arg7[%dma_wait3A_80, %dma_wait3A_81] : memref<2x125xi32, #tpu.memory_space<vmem>> -> memref<1x125xi32, #tpu.memory_space<vmem>>
    %dma_wait3A_83 = tpu.memref_squeeze %dma_wait3A_82 : memref<1x125xi32, #tpu.memory_space<vmem>> -> memref<125xi32, #tpu.memory_space<vmem>>
    %dma_wait3A_84 = arith.constant 0 : i32
    %dma_wait3A_85 = tpu.memref_slice %arg3[%dma_wait3A_78, %add3A, %dma_wait3A_79, %dma_wait3A_84] : memref<2x32x80x125xi32, #tpu.memory_space<hbm>> -> memref<1x1x1x125xi32, #tpu.memory_space<hbm>>
    %dma_wait3A_86 = tpu.memref_squeeze %dma_wait3A_85 : memref<1x1x1x125xi32, #tpu.memory_space<hbm>> -> memref<125xi32, #tpu.memory_space<hbm>>
    %dma_wait3A_87 = arith.constant 0 : i32
    %dma_wait3A_88 = tpu.memref_slice %arg7[%dma_wait3A_80, %dma_wait3A_87] : memref<2x125xi32, #tpu.memory_space<vmem>> -> memref<1x125xi32, #tpu.memory_space<vmem>>
    %dma_wait3A_89 = tpu.memref_squeeze %dma_wait3A_88 : memref<1x125xi32, #tpu.memory_space<vmem>> -> memref<125xi32, #tpu.memory_space<vmem>>
    %dma_wait3A_90 = arith.constant 0 : i32
    %dma_wait3A_91 = tpu.memref_slice %arg3[%dma_wait3A_78, %add3A, %dma_wait3A_79, %dma_wait3A_90] : memref<2x32x80x125xi32, #tpu.memory_space<hbm>> -> memref<1x1x1x125xi32, #tpu.memory_space<hbm>>
    %dma_wait3A_92 = tpu.memref_squeeze %dma_wait3A_91 : memref<1x1x1x125xi32, #tpu.memory_space<hbm>> -> memref<125xi32, #tpu.memory_space<hbm>>
    tpu.wait_dma2 semaphore(%arg25 : memref<!tpu.dma_semaphore, #tpu.memory_space<semaphore_mem>>) src(%dma_wait3A_92 : memref<125xi32, #tpu.memory_space<hbm>>) dst(%dma_wait3A_89 : memref<125xi32, #tpu.memory_space<vmem>>)
    %dma_start3A_93 = arith.constant 0 : i32
    %dma_start3A_94 = arith.constant 0 : i32
    %dma_start3A_95 = tpu.memref_slice %arg7[%dma_start3A_93, %dma_start3A_94] : memref<2x125xi32, #tpu.memory_space<vmem>> -> memref<1x125xi32, #tpu.memory_space<vmem>>
    %dma_start3A_96 = tpu.memref_squeeze %dma_start3A_95 : memref<1x125xi32, #tpu.memory_space<vmem>> -> memref<125xi32, #tpu.memory_space<vmem>>
    %dma_start3A_97 = arith.constant 0 : i32
    %dma_start3A_98 = arith.constant 0 : i32
    %dma_start3A_99 = tpu.memref_slice %arg2[%dma_start3A_97, %dma_start3A_98] : memref<10000x128xf32, #tpu.memory_space<hbm>> -> memref<10000x128xf32, #tpu.memory_space<hbm>>
    tpu.enqueue_indirect_dma source(%dma_start3A_99 : memref<10000x128xf32, #tpu.memory_space<hbm>>) target(%arg10 : memref<125x128xf32, #tpu.memory_space<vmem>>) offsets(%dma_start3A_96 : memref<125xi32, #tpu.memory_space<vmem>>) semaphore(%arg16 : memref<!tpu.dma_semaphore, #tpu.memory_space<semaphore_mem>>)
    %dma_wait3A_100 = arith.constant 0 : i32
    %dma_wait3A_101 = arith.constant 1 : i32
    %dma_wait3A_102 = arith.constant 0 : i32
    %dma_wait3A_103 = arith.constant 0 : i32
    %dma_wait3A_104 = tpu.memref_slice %arg8[%dma_wait3A_102, %dma_wait3A_103] : memref<2x125xi32, #tpu.memory_space<vmem>> -> memref<1x125xi32, #tpu.memory_space<vmem>>
    %dma_wait3A_105 = tpu.memref_squeeze %dma_wait3A_104 : memref<1x125xi32, #tpu.memory_space<vmem>> -> memref<125xi32, #tpu.memory_space<vmem>>
    %dma_wait3A_106 = arith.constant 0 : i32
    %dma_wait3A_107 = tpu.memref_slice %arg3[%dma_wait3A_100, %add3A, %dma_wait3A_101, %dma_wait3A_106] : memref<2x32x80x125xi32, #tpu.memory_space<hbm>> -> memref<1x1x1x125xi32, #tpu.memory_space<hbm>>
    %dma_wait3A_108 = tpu.memref_squeeze %dma_wait3A_107 : memref<1x1x1x125xi32, #tpu.memory_space<hbm>> -> memref<125xi32, #tpu.memory_space<hbm>>
    %dma_wait3A_109 = arith.constant 0 : i32
    %dma_wait3A_110 = tpu.memref_slice %arg8[%dma_wait3A_102, %dma_wait3A_109] : memref<2x125xi32, #tpu.memory_space<vmem>> -> memref<1x125xi32, #tpu.memory_space<vmem>>
    %dma_wait3A_111 = tpu.memref_squeeze %dma_wait3A_110 : memref<1x125xi32, #tpu.memory_space<vmem>> -> memref<125xi32, #tpu.memory_space<vmem>>
    %dma_wait3A_112 = arith.constant 0 : i32
    %dma_wait3A_113 = tpu.memref_slice %arg3[%dma_wait3A_100, %add3A, %dma_wait3A_101, %dma_wait3A_112] : memref<2x32x80x125xi32, #tpu.memory_space<hbm>> -> memref<1x1x1x125xi32, #tpu.memory_space<hbm>>
    %dma_wait3A_114 = tpu.memref_squeeze %dma_wait3A_113 : memref<1x1x1x125xi32, #tpu.memory_space<hbm>> -> memref<125xi32, #tpu.memory_space<hbm>>
    tpu.wait_dma2 semaphore(%arg26 : memref<!tpu.dma_semaphore, #tpu.memory_space<semaphore_mem>>) src(%dma_wait3A_114 : memref<125xi32, #tpu.memory_space<hbm>>) dst(%dma_wait3A_111 : memref<125xi32, #tpu.memory_space<vmem>>)
    %dma_wait3A_115 = arith.constant 1 : i32
    %dma_wait3A_116 = arith.constant 1 : i32
    %dma_wait3A_117 = arith.constant 1 : i32
    %dma_wait3A_118 = arith.constant 0 : i32
    %dma_wait3A_119 = tpu.memref_slice %arg8[%dma_wait3A_117, %dma_wait3A_118] : memref<2x125xi32, #tpu.memory_space<vmem>> -> memref<1x125xi32, #tpu.memory_space<vmem>>
    %dma_wait3A_120 = tpu.memref_squeeze %dma_wait3A_119 : memref<1x125xi32, #tpu.memory_space<vmem>> -> memref<125xi32, #tpu.memory_space<vmem>>
    %dma_wait3A_121 = arith.constant 0 : i32
    %dma_wait3A_122 = tpu.memref_slice %arg3[%dma_wait3A_115, %add3A, %dma_wait3A_116, %dma_wait3A_121] : memref<2x32x80x125xi32, #tpu.memory_space<hbm>> -> memref<1x1x1x125xi32, #tpu.memory_space<hbm>>
    %dma_wait3A_123 = tpu.memref_squeeze %dma_wait3A_122 : memref<1x1x1x125xi32, #tpu.memory_space<hbm>> -> memref<125xi32, #tpu.memory_space<hbm>>
    %dma_wait3A_124 = arith.constant 0 : i32
    %dma_wait3A_125 = tpu.memref_slice %arg8[%dma_wait3A_117, %dma_wait3A_124] : memref<2x125xi32, #tpu.memory_space<vmem>> -> memref<1x125xi32, #tpu.memory_space<vmem>>
    %dma_wait3A_126 = tpu.memref_squeeze %dma_wait3A_125 : memref<1x125xi32, #tpu.memory_space<vmem>> -> memref<125xi32, #tpu.memory_space<vmem>>
    %dma_wait3A_127 = arith.constant 0 : i32
    %dma_wait3A_128 = tpu.memref_slice %arg3[%dma_wait3A_115, %add3A, %dma_wait3A_116, %dma_wait3A_127] : memref<2x32x80x125xi32, #tpu.memory_space<hbm>> -> memref<1x1x1x125xi32, #tpu.memory_space<hbm>>
    %dma_wait3A_129 = tpu.memref_squeeze %dma_wait3A_128 : memref<1x1x1x125xi32, #tpu.memory_space<hbm>> -> memref<125xi32, #tpu.memory_space<hbm>>
    tpu.wait_dma2 semaphore(%arg26 : memref<!tpu.dma_semaphore, #tpu.memory_space<semaphore_mem>>) src(%dma_wait3A_129 : memref<125xi32, #tpu.memory_space<hbm>>) dst(%dma_wait3A_126 : memref<125xi32, #tpu.memory_space<vmem>>)
    %dma_start3A_130 = arith.constant 0 : i32
    %dma_start3A_131 = arith.constant 0 : i32
    %dma_start3A_132 = tpu.memref_slice %arg8[%dma_start3A_130, %dma_start3A_131] : memref<2x125xi32, #tpu.memory_space<vmem>> -> memref<1x125xi32, #tpu.memory_space<vmem>>
    %dma_start3A_133 = tpu.memref_squeeze %dma_start3A_132 : memref<1x125xi32, #tpu.memory_space<vmem>> -> memref<125xi32, #tpu.memory_space<vmem>>
    %dma_start3A_134 = arith.constant 0 : i32
    %dma_start3A_135 = arith.constant 0 : i32
    %dma_start3A_136 = tpu.memref_slice %arg2[%dma_start3A_134, %dma_start3A_135] : memref<10000x128xf32, #tpu.memory_space<hbm>> -> memref<10000x128xf32, #tpu.memory_space<hbm>>
    tpu.enqueue_indirect_dma source(%dma_start3A_136 : memref<10000x128xf32, #tpu.memory_space<hbm>>) target(%arg11 : memref<125x128xf32, #tpu.memory_space<vmem>>) offsets(%dma_start3A_133 : memref<125xi32, #tpu.memory_space<vmem>>) semaphore(%arg17 : memref<!tpu.dma_semaphore, #tpu.memory_space<semaphore_mem>>)
    %barrier3A = arith.constant 0 : index
    tpu.barrier barrier_id(%barrier3A)
    %dma_wait3A_137 = arith.constant 0 : i32
    %dma_wait3A_138 = arith.constant 0 : i32
    %dma_wait3A_139 = tpu.memref_slice %arg7[%dma_wait3A_137, %dma_wait3A_138] : memref<2x125xi32, #tpu.memory_space<vmem>> -> memref<1x125xi32, #tpu.memory_space<vmem>>
    %dma_wait3A_140 = tpu.memref_squeeze %dma_wait3A_139 : memref<1x125xi32, #tpu.memory_space<vmem>> -> memref<125xi32, #tpu.memory_space<vmem>>
    %dma_wait3A_141 = arith.constant 0 : i32
    %dma_wait3A_142 = arith.constant 0 : i32
    %dma_wait3A_143 = tpu.memref_slice %arg2[%dma_wait3A_141, %dma_wait3A_142] : memref<10000x128xf32, #tpu.memory_space<hbm>> -> memref<10000x128xf32, #tpu.memory_space<hbm>>
    tpu.wait_indirect_dma semaphore(%arg16 : memref<!tpu.dma_semaphore, #tpu.memory_space<semaphore_mem>>) src(%dma_wait3A_143 : memref<10000x128xf32, #tpu.memory_space<hbm>>) dst(%arg10 : memref<125x128xf32, #tpu.memory_space<vmem>>)
    %dma_start3A_144 = arith.constant 1 : i32
    %dma_start3A_145 = arith.constant 0 : i32
    %dma_start3A_146 = tpu.memref_slice %arg7[%dma_start3A_144, %dma_start3A_145] : memref<2x125xi32, #tpu.memory_space<vmem>> -> memref<1x125xi32, #tpu.memory_space<vmem>>
    %dma_start3A_147 = tpu.memref_squeeze %dma_start3A_146 : memref<1x125xi32, #tpu.memory_space<vmem>> -> memref<125xi32, #tpu.memory_space<vmem>>
    %dma_start3A_148 = arith.constant 0 : i32
    %dma_start3A_149 = arith.constant 0 : i32
    %dma_start3A_150 = tpu.memref_slice %arg14[%dma_start3A_148, %dma_start3A_149] : memref<10000x128xf32, #tpu.memory_space<vmem_shared>> -> memref<10000x128xf32, #tpu.memory_space<vmem_shared>>
    tpu.enqueue_indirect_dma source(%arg10 : memref<125x128xf32, #tpu.memory_space<vmem>>) target(%dma_start3A_150 : memref<10000x128xf32, #tpu.memory_space<vmem_shared>>) offsets(%dma_start3A_147 : memref<125xi32, #tpu.memory_space<vmem>>) semaphore(%arg19 : memref<!tpu.dma_semaphore, #tpu.memory_space<semaphore_mem>>) {add = true}
    %dma_start3A_151 = arith.constant 0 : i32
    %dma_start3A_152 = arith.constant 2 : i32
    %dma_start3A_153 = arith.constant 0 : i32
    %dma_start3A_154 = arith.constant 0 : i32
    %dma_start3A_155 = tpu.memref_slice %arg9[%dma_start3A_153, %dma_start3A_154] : memref<2x125xi32, #tpu.memory_space<vmem>> -> memref<1x125xi32, #tpu.memory_space<vmem>>
    %dma_start3A_156 = tpu.memref_squeeze %dma_start3A_155 : memref<1x125xi32, #tpu.memory_space<vmem>> -> memref<125xi32, #tpu.memory_space<vmem>>
    %dma_start3A_157 = arith.constant 0 : i32
    %dma_start3A_158 = tpu.memref_slice %arg3[%dma_start3A_151, %add3A, %dma_start3A_152, %dma_start3A_157] : memref<2x32x80x125xi32, #tpu.memory_space<hbm>> -> memref<1x1x1x125xi32, #tpu.memory_space<hbm>>
    %dma_start3A_159 = tpu.memref_squeeze %dma_start3A_158 : memref<1x1x1x125xi32, #tpu.memory_space<hbm>> -> memref<125xi32, #tpu.memory_space<hbm>>
    %dma_start3A_160 = arith.constant 0 : i32
    %dma_start3A_161 = tpu.memref_slice %arg9[%dma_start3A_153, %dma_start3A_160] : memref<2x125xi32, #tpu.memory_space<vmem>> -> memref<1x125xi32, #tpu.memory_space<vmem>>
    %dma_start3A_162 = tpu.memref_squeeze %dma_start3A_161 : memref<1x125xi32, #tpu.memory_space<vmem>> -> memref<125xi32, #tpu.memory_space<vmem>>
    %dma_start3A_163 = arith.constant 0 : i32
    %dma_start3A_164 = tpu.memref_slice %arg3[%dma_start3A_151, %add3A, %dma_start3A_152, %dma_start3A_163] : memref<2x32x80x125xi32, #tpu.memory_space<hbm>> -> memref<1x1x1x125xi32, #tpu.memory_space<hbm>>
    %dma_start3A_165 = tpu.memref_squeeze %dma_start3A_164 : memref<1x1x1x125xi32, #tpu.memory_space<hbm>> -> memref<125xi32, #tpu.memory_space<hbm>>
    tpu.enqueue_dma source(%dma_start3A_165 : memref<125xi32, #tpu.memory_space<hbm>>) target(%dma_start3A_162 : memref<125xi32, #tpu.memory_space<vmem>>) target_semaphore(%arg27 : memref<!tpu.dma_semaphore, #tpu.memory_space<semaphore_mem>>)
    %dma_start3A_166 = arith.constant 1 : i32
    %dma_start3A_167 = arith.constant 2 : i32
    %dma_start3A_168 = arith.constant 1 : i32
    %dma_start3A_169 = arith.constant 0 : i32
    %dma_start3A_170 = tpu.memref_slice %arg9[%dma_start3A_168, %dma_start3A_169] : memref<2x125xi32, #tpu.memory_space<vmem>> -> memref<1x125xi32, #tpu.memory_space<vmem>>
    %dma_start3A_171 = tpu.memref_squeeze %dma_start3A_170 : memref<1x125xi32, #tpu.memory_space<vmem>> -> memref<125xi32, #tpu.memory_space<vmem>>
    %dma_start3A_172 = arith.constant 0 : i32
    %dma_start3A_173 = tpu.memref_slice %arg3[%dma_start3A_166, %add3A, %dma_start3A_167, %dma_start3A_172] : memref<2x32x80x125xi32, #tpu.memory_space<hbm>> -> memref<1x1x1x125xi32, #tpu.memory_space<hbm>>
    %dma_start3A_174 = tpu.memref_squeeze %dma_start3A_173 : memref<1x1x1x125xi32, #tpu.memory_space<hbm>> -> memref<125xi32, #tpu.memory_space<hbm>>
    %dma_start3A_175 = arith.constant 0 : i32
    %dma_start3A_176 = tpu.memref_slice %arg9[%dma_start3A_168, %dma_start3A_175] : memref<2x125xi32, #tpu.memory_space<vmem>> -> memref<1x125xi32, #tpu.memory_space<vmem>>
    %dma_start3A_177 = tpu.memref_squeeze %dma_start3A_176 : memref<1x125xi32, #tpu.memory_space<vmem>> -> memref<125xi32, #tpu.memory_space<vmem>>
    %dma_start3A_178 = arith.constant 0 : i32
    %dma_start3A_179 = tpu.memref_slice %arg3[%dma_start3A_166, %add3A, %dma_start3A_167, %dma_start3A_178] : memref<2x32x80x125xi32, #tpu.memory_space<hbm>> -> memref<1x1x1x125xi32, #tpu.memory_space<hbm>>
    %dma_start3A_180 = tpu.memref_squeeze %dma_start3A_179 : memref<1x1x1x125xi32, #tpu.memory_space<hbm>> -> memref<125xi32, #tpu.memory_space<hbm>>
    tpu.enqueue_dma source(%dma_start3A_180 : memref<125xi32, #tpu.memory_space<hbm>>) target(%dma_start3A_177 : memref<125xi32, #tpu.memory_space<vmem>>) target_semaphore(%arg27 : memref<!tpu.dma_semaphore, #tpu.memory_space<semaphore_mem>>)
    %dma_wait3A_181 = arith.constant 0 : i32
    %dma_wait3A_182 = arith.constant 2 : i32
    %dma_wait3A_183 = arith.constant 0 : i32
    %dma_wait3A_184 = arith.constant 0 : i32
    %dma_wait3A_185 = tpu.memref_slice %arg9[%dma_wait3A_183, %dma_wait3A_184] : memref<2x125xi32, #tpu.memory_space<vmem>> -> memref<1x125xi32, #tpu.memory_space<vmem>>
    %dma_wait3A_186 = tpu.memref_squeeze %dma_wait3A_185 : memref<1x125xi32, #tpu.memory_space<vmem>> -> memref<125xi32, #tpu.memory_space<vmem>>
    %dma_wait3A_187 = arith.constant 0 : i32
    %dma_wait3A_188 = tpu.memref_slice %arg3[%dma_wait3A_181, %add3A, %dma_wait3A_182, %dma_wait3A_187] : memref<2x32x80x125xi32, #tpu.memory_space<hbm>> -> memref<1x1x1x125xi32, #tpu.memory_space<hbm>>
    %dma_wait3A_189 = tpu.memref_squeeze %dma_wait3A_188 : memref<1x1x1x125xi32, #tpu.memory_space<hbm>> -> memref<125xi32, #tpu.memory_space<hbm>>
    %dma_wait3A_190 = arith.constant 0 : i32
    %dma_wait3A_191 = tpu.memref_slice %arg9[%dma_wait3A_183, %dma_wait3A_190] : memref<2x125xi32, #tpu.memory_space<vmem>> -> memref<1x125xi32, #tpu.memory_space<vmem>>
    %dma_wait3A_192 = tpu.memref_squeeze %dma_wait3A_191 : memref<1x125xi32, #tpu.memory_space<vmem>> -> memref<125xi32, #tpu.memory_space<vmem>>
    %dma_wait3A_193 = arith.constant 0 : i32
    %dma_wait3A_194 = tpu.memref_slice %arg3[%dma_wait3A_181, %add3A, %dma_wait3A_182, %dma_wait3A_193] : memref<2x32x80x125xi32, #tpu.memory_space<hbm>> -> memref<1x1x1x125xi32, #tpu.memory_space<hbm>>
    %dma_wait3A_195 = tpu.memref_squeeze %dma_wait3A_194 : memref<1x1x1x125xi32, #tpu.memory_space<hbm>> -> memref<125xi32, #tpu.memory_space<hbm>>
    tpu.wait_dma2 semaphore(%arg27 : memref<!tpu.dma_semaphore, #tpu.memory_space<semaphore_mem>>) src(%dma_wait3A_195 : memref<125xi32, #tpu.memory_space<hbm>>) dst(%dma_wait3A_192 : memref<125xi32, #tpu.memory_space<vmem>>)
    %dma_wait3A_196 = arith.constant 1 : i32
    %dma_wait3A_197 = arith.constant 2 : i32
    %dma_wait3A_198 = arith.constant 1 : i32
    %dma_wait3A_199 = arith.constant 0 : i32
    %dma_wait3A_200 = tpu.memref_slice %arg9[%dma_wait3A_198, %dma_wait3A_199] : memref<2x125xi32, #tpu.memory_space<vmem>> -> memref<1x125xi32, #tpu.memory_space<vmem>>
    %dma_wait3A_201 = tpu.memref_squeeze %dma_wait3A_200 : memref<1x125xi32, #tpu.memory_space<vmem>> -> memref<125xi32, #tpu.memory_space<vmem>>
    %dma_wait3A_202 = arith.constant 0 : i32
    %dma_wait3A_203 = tpu.memref_slice %arg3[%dma_wait3A_196, %add3A, %dma_wait3A_197, %dma_wait3A_202] : memref<2x32x80x125xi32, #tpu.memory_space<hbm>> -> memref<1x1x1x125xi32, #tpu.memory_space<hbm>>
    %dma_wait3A_204 = tpu.memref_squeeze %dma_wait3A_203 : memref<1x1x1x125xi32, #tpu.memory_space<hbm>> -> memref<125xi32, #tpu.memory_space<hbm>>
    %dma_wait3A_205 = arith.constant 0 : i32
    %dma_wait3A_206 = tpu.memref_slice %arg9[%dma_wait3A_198, %dma_wait3A_205] : memref<2x125xi32, #tpu.memory_space<vmem>> -> memref<1x125xi32, #tpu.memory_space<vmem>>
    %dma_wait3A_207 = tpu.memref_squeeze %dma_wait3A_206 : memref<1x125xi32, #tpu.memory_space<vmem>> -> memref<125xi32, #tpu.memory_space<vmem>>
    %dma_wait3A_208 = arith.constant 0 : i32
    %dma_wait3A_209 = tpu.memref_slice %arg3[%dma_wait3A_196, %add3A, %dma_wait3A_197, %dma_wait3A_208] : memref<2x32x80x125xi32, #tpu.memory_space<hbm>> -> memref<1x1x1x125xi32, #tpu.memory_space<hbm>>
    %dma_wait3A_210 = tpu.memref_squeeze %dma_wait3A_209 : memref<1x1x1x125xi32, #tpu.memory_space<hbm>> -> memref<125xi32, #tpu.memory_space<hbm>>
    tpu.wait_dma2 semaphore(%arg27 : memref<!tpu.dma_semaphore, #tpu.memory_space<semaphore_mem>>) src(%dma_wait3A_210 : memref<125xi32, #tpu.memory_space<hbm>>) dst(%dma_wait3A_207 : memref<125xi32, #tpu.memory_space<vmem>>)
    %dma_start3A_211 = arith.constant 0 : i32
    %dma_start3A_212 = arith.constant 0 : i32
    %dma_start3A_213 = tpu.memref_slice %arg9[%dma_start3A_211, %dma_start3A_212] : memref<2x125xi32, #tpu.memory_space<vmem>> -> memref<1x125xi32, #tpu.memory_space<vmem>>
    %dma_start3A_214 = tpu.memref_squeeze %dma_start3A_213 : memref<1x125xi32, #tpu.memory_space<vmem>> -> memref<125xi32, #tpu.memory_space<vmem>>
    %dma_start3A_215 = arith.constant 0 : i32
    %dma_start3A_216 = arith.constant 0 : i32
    %dma_start3A_217 = tpu.memref_slice %arg2[%dma_start3A_215, %dma_start3A_216] : memref<10000x128xf32, #tpu.memory_space<hbm>> -> memref<10000x128xf32, #tpu.memory_space<hbm>>
    tpu.enqueue_indirect_dma source(%dma_start3A_217 : memref<10000x128xf32, #tpu.memory_space<hbm>>) target(%arg12 : memref<125x128xf32, #tpu.memory_space<vmem>>) offsets(%dma_start3A_214 : memref<125xi32, #tpu.memory_space<vmem>>) semaphore(%arg18 : memref<!tpu.dma_semaphore, #tpu.memory_space<semaphore_mem>>)
    %dma_wait3A_218 = arith.constant 0 : i32
    %dma_wait3A_219 = arith.constant 0 : i32
    %dma_wait3A_220 = tpu.memref_slice %arg8[%dma_wait3A_218, %dma_wait3A_219] : memref<2x125xi32, #tpu.memory_space<vmem>> -> memref<1x125xi32, #tpu.memory_space<vmem>>
    %dma_wait3A_221 = tpu.memref_squeeze %dma_wait3A_220 : memref<1x125xi32, #tpu.memory_space<vmem>> -> memref<125xi32, #tpu.memory_space<vmem>>
    %dma_wait3A_222 = arith.constant 0 : i32
    %dma_wait3A_223 = arith.constant 0 : i32
    %dma_wait3A_224 = tpu.memref_slice %arg2[%dma_wait3A_222, %dma_wait3A_223] : memref<10000x128xf32, #tpu.memory_space<hbm>> -> memref<10000x128xf32, #tpu.memory_space<hbm>>
    tpu.wait_indirect_dma semaphore(%arg17 : memref<!tpu.dma_semaphore, #tpu.memory_space<semaphore_mem>>) src(%dma_wait3A_224 : memref<10000x128xf32, #tpu.memory_space<hbm>>) dst(%arg11 : memref<125x128xf32, #tpu.memory_space<vmem>>)
    %dma_start3A_225 = arith.constant 1 : i32
    %dma_start3A_226 = arith.constant 0 : i32
    %dma_start3A_227 = tpu.memref_slice %arg8[%dma_start3A_225, %dma_start3A_226] : memref<2x125xi32, #tpu.memory_space<vmem>> -> memref<1x125xi32, #tpu.memory_space<vmem>>
    %dma_start3A_228 = tpu.memref_squeeze %dma_start3A_227 : memref<1x125xi32, #tpu.memory_space<vmem>> -> memref<125xi32, #tpu.memory_space<vmem>>
    %dma_start3A_229 = arith.constant 0 : i32
    %dma_start3A_230 = arith.constant 0 : i32
    %dma_start3A_231 = tpu.memref_slice %arg14[%dma_start3A_229, %dma_start3A_230] : memref<10000x128xf32, #tpu.memory_space<vmem_shared>> -> memref<10000x128xf32, #tpu.memory_space<vmem_shared>>
    tpu.enqueue_indirect_dma source(%arg11 : memref<125x128xf32, #tpu.memory_space<vmem>>) target(%dma_start3A_231 : memref<10000x128xf32, #tpu.memory_space<vmem_shared>>) offsets(%dma_start3A_228 : memref<125xi32, #tpu.memory_space<vmem>>) semaphore(%arg20 : memref<!tpu.dma_semaphore, #tpu.memory_space<semaphore_mem>>) {add = true}
    %dma_wait3A_232 = arith.constant 1 : i32
    %dma_wait3A_233 = arith.constant 0 : i32
    %dma_wait3A_234 = tpu.memref_slice %arg7[%dma_wait3A_232, %dma_wait3A_233] : memref<2x125xi32, #tpu.memory_space<vmem>> -> memref<1x125xi32, #tpu.memory_space<vmem>>
    %dma_wait3A_235 = tpu.memref_squeeze %dma_wait3A_234 : memref<1x125xi32, #tpu.memory_space<vmem>> -> memref<125xi32, #tpu.memory_space<vmem>>
    %dma_wait3A_236 = arith.constant 0 : i32
    %dma_wait3A_237 = arith.constant 0 : i32
    %dma_wait3A_238 = tpu.memref_slice %arg14[%dma_wait3A_236, %dma_wait3A_237] : memref<10000x128xf32, #tpu.memory_space<vmem_shared>> -> memref<10000x128xf32, #tpu.memory_space<vmem_shared>>
    tpu.wait_indirect_dma semaphore(%arg19 : memref<!tpu.dma_semaphore, #tpu.memory_space<semaphore_mem>>) src(%arg10 : memref<125x128xf32, #tpu.memory_space<vmem>>) dst(%dma_wait3A_238 : memref<10000x128xf32, #tpu.memory_space<vmem_shared>>)
    %dma_start3A_239 = arith.constant 0 : i32
    %dma_start3A_240 = arith.constant 3 : i32
    %dma_start3A_241 = arith.constant 0 : i32
    %dma_start3A_242 = arith.constant 0 : i32
    %dma_start3A_243 = tpu.memref_slice %arg7[%dma_start3A_241, %dma_start3A_242] : memref<2x125xi32, #tpu.memory_space<vmem>> -> memref<1x125xi32, #tpu.memory_space<vmem>>
    %dma_start3A_244 = tpu.memref_squeeze %dma_start3A_243 : memref<1x125xi32, #tpu.memory_space<vmem>> -> memref<125xi32, #tpu.memory_space<vmem>>
    %dma_start3A_245 = arith.constant 0 : i32
    %dma_start3A_246 = tpu.memref_slice %arg3[%dma_start3A_239, %add3A, %dma_start3A_240, %dma_start3A_245] : memref<2x32x80x125xi32, #tpu.memory_space<hbm>> -> memref<1x1x1x125xi32, #tpu.memory_space<hbm>>
    %dma_start3A_247 = tpu.memref_squeeze %dma_start3A_246 : memref<1x1x1x125xi32, #tpu.memory_space<hbm>> -> memref<125xi32, #tpu.memory_space<hbm>>
    %dma_start3A_248 = arith.constant 0 : i32
    %dma_start3A_249 = tpu.memref_slice %arg7[%dma_start3A_241, %dma_start3A_248] : memref<2x125xi32, #tpu.memory_space<vmem>> -> memref<1x125xi32, #tpu.memory_space<vmem>>
    %dma_start3A_250 = tpu.memref_squeeze %dma_start3A_249 : memref<1x125xi32, #tpu.memory_space<vmem>> -> memref<125xi32, #tpu.memory_space<vmem>>
    %dma_start3A_251 = arith.constant 0 : i32
    %dma_start3A_252 = tpu.memref_slice %arg3[%dma_start3A_239, %add3A, %dma_start3A_240, %dma_start3A_251] : memref<2x32x80x125xi32, #tpu.memory_space<hbm>> -> memref<1x1x1x125xi32, #tpu.memory_space<hbm>>
    %dma_start3A_253 = tpu.memref_squeeze %dma_start3A_252 : memref<1x1x1x125xi32, #tpu.memory_space<hbm>> -> memref<125xi32, #tpu.memory_space<hbm>>
    tpu.enqueue_dma source(%dma_start3A_253 : memref<125xi32, #tpu.memory_space<hbm>>) target(%dma_start3A_250 : memref<125xi32, #tpu.memory_space<vmem>>) target_semaphore(%arg25 : memref<!tpu.dma_semaphore, #tpu.memory_space<semaphore_mem>>)
    %dma_start3A_254 = arith.constant 1 : i32
    %dma_start3A_255 = arith.constant 3 : i32
    %dma_start3A_256 = arith.constant 1 : i32
    %dma_start3A_257 = arith.constant 0 : i32
    %dma_start3A_258 = tpu.memref_slice %arg7[%dma_start3A_256, %dma_start3A_257] : memref<2x125xi32, #tpu.memory_space<vmem>> -> memref<1x125xi32, #tpu.memory_space<vmem>>
    %dma_start3A_259 = tpu.memref_squeeze %dma_start3A_258 : memref<1x125xi32, #tpu.memory_space<vmem>> -> memref<125xi32, #tpu.memory_space<vmem>>
    %dma_start3A_260 = arith.constant 0 : i32
    %dma_start3A_261 = tpu.memref_slice %arg3[%dma_start3A_254, %add3A, %dma_start3A_255, %dma_start3A_260] : memref<2x32x80x125xi32, #tpu.memory_space<hbm>> -> memref<1x1x1x125xi32, #tpu.memory_space<hbm>>
    %dma_start3A_262 = tpu.memref_squeeze %dma_start3A_261 : memref<1x1x1x125xi32, #tpu.memory_space<hbm>> -> memref<125xi32, #tpu.memory_space<hbm>>
    %dma_start3A_263 = arith.constant 0 : i32
    %dma_start3A_264 = tpu.memref_slice %arg7[%dma_start3A_256, %dma_start3A_263] : memref<2x125xi32, #tpu.memory_space<vmem>> -> memref<1x125xi32, #tpu.memory_space<vmem>>
    %dma_start3A_265 = tpu.memref_squeeze %dma_start3A_264 : memref<1x125xi32, #tpu.memory_space<vmem>> -> memref<125xi32, #tpu.memory_space<vmem>>
    %dma_start3A_266 = arith.constant 0 : i32
    %dma_start3A_267 = tpu.memref_slice %arg3[%dma_start3A_254, %add3A, %dma_start3A_255, %dma_start3A_266] : memref<2x32x80x125xi32, #tpu.memory_space<hbm>> -> memref<1x1x1x125xi32, #tpu.memory_space<hbm>>
    %dma_start3A_268 = tpu.memref_squeeze %dma_start3A_267 : memref<1x1x1x125xi32, #tpu.memory_space<hbm>> -> memref<125xi32, #tpu.memory_space<hbm>>
    tpu.enqueue_dma source(%dma_start3A_268 : memref<125xi32, #tpu.memory_space<hbm>>) target(%dma_start3A_265 : memref<125xi32, #tpu.memory_space<vmem>>) target_semaphore(%arg25 : memref<!tpu.dma_semaphore, #tpu.memory_space<semaphore_mem>>)
    %dma_wait3A_269 = arith.constant 0 : i32
    %dma_wait3A_270 = arith.constant 3 : i32
    %dma_wait3A_271 = arith.constant 0 : i32
    %dma_wait3A_272 = arith.constant 0 : i32
    %dma_wait3A_273 = tpu.memref_slice %arg7[%dma_wait3A_271, %dma_wait3A_272] : memref<2x125xi32, #tpu.memory_space<vmem>> -> memref<1x125xi32, #tpu.memory_space<vmem>>
    %dma_wait3A_274 = tpu.memref_squeeze %dma_wait3A_273 : memref<1x125xi32, #tpu.memory_space<vmem>> -> memref<125xi32, #tpu.memory_space<vmem>>
    %dma_wait3A_275 = arith.constant 0 : i32
    %dma_wait3A_276 = tpu.memref_slice %arg3[%dma_wait3A_269, %add3A, %dma_wait3A_270, %dma_wait3A_275] : memref<2x32x80x125xi32, #tpu.memory_space<hbm>> -> memref<1x1x1x125xi32, #tpu.memory_space<hbm>>
    %dma_wait3A_277 = tpu.memref_squeeze %dma_wait3A_276 : memref<1x1x1x125xi32, #tpu.memory_space<hbm>> -> memref<125xi32, #tpu.memory_space<hbm>>
    %dma_wait3A_278 = arith.constant 0 : i32
    %dma_wait3A_279 = tpu.memref_slice %arg7[%dma_wait3A_271, %dma_wait3A_278] : memref<2x125xi32, #tpu.memory_space<vmem>> -> memref<1x125xi32, #tpu.memory_space<vmem>>
    %dma_wait3A_280 = tpu.memref_squeeze %dma_wait3A_279 : memref<1x125xi32, #tpu.memory_space<vmem>> -> memref<125xi32, #tpu.memory_space<vmem>>
    %dma_wait3A_281 = arith.constant 0 : i32
    %dma_wait3A_282 = tpu.memref_slice %arg3[%dma_wait3A_269, %add3A, %dma_wait3A_270, %dma_wait3A_281] : memref<2x32x80x125xi32, #tpu.memory_space<hbm>> -> memref<1x1x1x125xi32, #tpu.memory_space<hbm>>
    %dma_wait3A_283 = tpu.memref_squeeze %dma_wait3A_282 : memref<1x1x1x125xi32, #tpu.memory_space<hbm>> -> memref<125xi32, #tpu.memory_space<hbm>>
    tpu.wait_dma2 semaphore(%arg25 : memref<!tpu.dma_semaphore, #tpu.memory_space<semaphore_mem>>) src(%dma_wait3A_283 : memref<125xi32, #tpu.memory_space<hbm>>) dst(%dma_wait3A_280 : memref<125xi32, #tpu.memory_space<vmem>>)
    %dma_wait3A_284 = arith.constant 1 : i32
    %dma_wait3A_285 = arith.constant 3 : i32
    %dma_wait3A_286 = arith.constant 1 : i32
    %dma_wait3A_287 = arith.constant 0 : i32
    %dma_wait3A_288 = tpu.memref_slice %arg7[%dma_wait3A_286, %dma_wait3A_287] : memref<2x125xi32, #tpu.memory_space<vmem>> -> memref<1x125xi32, #tpu.memory_space<vmem>>
    %dma_wait3A_289 = tpu.memref_squeeze %dma_wait3A_288 : memref<1x125xi32, #tpu.memory_space<vmem>> -> memref<125xi32, #tpu.memory_space<vmem>>
    %dma_wait3A_290 = arith.constant 0 : i32
    %dma_wait3A_291 = tpu.memref_slice %arg3[%dma_wait3A_284, %add3A, %dma_wait3A_285, %dma_wait3A_290] : memref<2x32x80x125xi32, #tpu.memory_space<hbm>> -> memref<1x1x1x125xi32, #tpu.memory_space<hbm>>
    %dma_wait3A_292 = tpu.memref_squeeze %dma_wait3A_291 : memref<1x1x1x125xi32, #tpu.memory_space<hbm>> -> memref<125xi32, #tpu.memory_space<hbm>>
    %dma_wait3A_293 = arith.constant 0 : i32
    %dma_wait3A_294 = tpu.memref_slice %arg7[%dma_wait3A_286, %dma_wait3A_293] : memref<2x125xi32, #tpu.memory_space<vmem>> -> memref<1x125xi32, #tpu.memory_space<vmem>>
    %dma_wait3A_295 = tpu.memref_squeeze %dma_wait3A_294 : memref<1x125xi32, #tpu.memory_space<vmem>> -> memref<125xi32, #tpu.memory_space<vmem>>
    %dma_wait3A_296 = arith.constant 0 : i32
    %dma_wait3A_297 = tpu.memref_slice %arg3[%dma_wait3A_284, %add3A, %dma_wait3A_285, %dma_wait3A_296] : memref<2x32x80x125xi32, #tpu.memory_space<hbm>> -> memref<1x1x1x125xi32, #tpu.memory_space<hbm>>
    %dma_wait3A_298 = tpu.memref_squeeze %dma_wait3A_297 : memref<1x1x1x125xi32, #tpu.memory_space<hbm>> -> memref<125xi32, #tpu.memory_space<hbm>>
    tpu.wait_dma2 semaphore(%arg25 : memref<!tpu.dma_semaphore, #tpu.memory_space<semaphore_mem>>) src(%dma_wait3A_298 : memref<125xi32, #tpu.memory_space<hbm>>) dst(%dma_wait3A_295 : memref<125xi32, #tpu.memory_space<vmem>>)
    %dma_start3A_299 = arith.constant 0 : i32
    %dma_start3A_300 = arith.constant 0 : i32
    %dma_start3A_301 = tpu.memref_slice %arg7[%dma_start3A_299, %dma_start3A_300] : memref<2x125xi32, #tpu.memory_space<vmem>> -> memref<1x125xi32, #tpu.memory_space<vmem>>
    %dma_start3A_302 = tpu.memref_squeeze %dma_start3A_301 : memref<1x125xi32, #tpu.memory_space<vmem>> -> memref<125xi32, #tpu.memory_space<vmem>>
    %dma_start3A_303 = arith.constant 0 : i32
    %dma_start3A_304 = arith.constant 0 : i32
    %dma_start3A_305 = tpu.memref_slice %arg2[%dma_start3A_303, %dma_start3A_304] : memref<10000x128xf32, #tpu.memory_space<hbm>> -> memref<10000x128xf32, #tpu.memory_space<hbm>>
    tpu.enqueue_indirect_dma source(%dma_start3A_305 : memref<10000x128xf32, #tpu.memory_space<hbm>>) target(%arg10 : memref<125x128xf32, #tpu.memory_space<vmem>>) offsets(%dma_start3A_302 : memref<125xi32, #tpu.memory_space<vmem>>) semaphore(%arg16 : memref<!tpu.dma_semaphore, #tpu.memory_space<semaphore_mem>>)
    %dma_wait3A_306 = arith.constant 0 : i32
    %dma_wait3A_307 = arith.constant 0 : i32
    %dma_wait3A_308 = tpu.memref_slice %arg9[%dma_wait3A_306, %dma_wait3A_307] : memref<2x125xi32, #tpu.memory_space<vmem>> -> memref<1x125xi32, #tpu.memory_space<vmem>>
    %dma_wait3A_309 = tpu.memref_squeeze %dma_wait3A_308 : memref<1x125xi32, #tpu.memory_space<vmem>> -> memref<125xi32, #tpu.memory_space<vmem>>
    %dma_wait3A_310 = arith.constant 0 : i32
    %dma_wait3A_311 = arith.constant 0 : i32
    %dma_wait3A_312 = tpu.memref_slice %arg2[%dma_wait3A_310, %dma_wait3A_311] : memref<10000x128xf32, #tpu.memory_space<hbm>> -> memref<10000x128xf32, #tpu.memory_space<hbm>>
    tpu.wait_indirect_dma semaphore(%arg18 : memref<!tpu.dma_semaphore, #tpu.memory_space<semaphore_mem>>) src(%dma_wait3A_312 : memref<10000x128xf32, #tpu.memory_space<hbm>>) dst(%arg12 : memref<125x128xf32, #tpu.memory_space<vmem>>)
    %dma_start3A_313 = arith.constant 1 : i32
    %dma_start3A_314 = arith.constant 0 : i32
    %dma_start3A_315 = tpu.memref_slice %arg9[%dma_start3A_313, %dma_start3A_314] : memref<2x125xi32, #tpu.memory_space<vmem>> -> memref<1x125xi32, #tpu.memory_space<vmem>>
    %dma_start3A_316 = tpu.memref_squeeze %dma_start3A_315 : memref<1x125xi32, #tpu.memory_space<vmem>> -> memref<125xi32, #tpu.memory_space<vmem>>
    %dma_start3A_317 = arith.constant 0 : i32
    %dma_start3A_318 = arith.constant 0 : i32
    %dma_start3A_319 = tpu.memref_slice %arg14[%dma_start3A_317, %dma_start3A_318] : memref<10000x128xf32, #tpu.memory_space<vmem_shared>> -> memref<10000x128xf32, #tpu.memory_space<vmem_shared>>
    tpu.enqueue_indirect_dma source(%arg12 : memref<125x128xf32, #tpu.memory_space<vmem>>) target(%dma_start3A_319 : memref<10000x128xf32, #tpu.memory_space<vmem_shared>>) offsets(%dma_start3A_316 : memref<125xi32, #tpu.memory_space<vmem>>) semaphore(%arg21 : memref<!tpu.dma_semaphore, #tpu.memory_space<semaphore_mem>>) {add = true}
    %dma_wait3A_320 = arith.constant 1 : i32
    %dma_wait3A_321 = arith.constant 0 : i32
    %dma_wait3A_322 = tpu.memref_slice %arg8[%dma_wait3A_320, %dma_wait3A_321] : memref<2x125xi32, #tpu.memory_space<vmem>> -> memref<1x125xi32, #tpu.memory_space<vmem>>
    %dma_wait3A_323 = tpu.memref_squeeze %dma_wait3A_322 : memref<1x125xi32, #tpu.memory_space<vmem>> -> memref<125xi32, #tpu.memory_space<vmem>>
    %dma_wait3A_324 = arith.constant 0 : i32
    %dma_wait3A_325 = arith.constant 0 : i32
    %dma_wait3A_326 = tpu.memref_slice %arg14[%dma_wait3A_324, %dma_wait3A_325] : memref<10000x128xf32, #tpu.memory_space<vmem_shared>> -> memref<10000x128xf32, #tpu.memory_space<vmem_shared>>
    tpu.wait_indirect_dma semaphore(%arg20 : memref<!tpu.dma_semaphore, #tpu.memory_space<semaphore_mem>>) src(%arg11 : memref<125x128xf32, #tpu.memory_space<vmem>>) dst(%dma_wait3A_326 : memref<10000x128xf32, #tpu.memory_space<vmem_shared>>)
    %dma_start3A_327 = arith.constant 0 : i32
    %dma_start3A_328 = arith.constant 4 : i32
    %dma_start3A_329 = arith.constant 0 : i32
    %dma_start3A_330 = arith.constant 0 : i32
    %dma_start3A_331 = tpu.memref_slice %arg8[%dma_start3A_329, %dma_start3A_330] : memref<2x125xi32, #tpu.memory_space<vmem>> -> memref<1x125xi32, #tpu.memory_space<vmem>>
    %dma_start3A_332 = tpu.memref_squeeze %dma_start3A_331 : memref<1x125xi32, #tpu.memory_space<vmem>> -> memref<125xi32, #tpu.memory_space<vmem>>
    %dma_start3A_333 = arith.constant 0 : i32
    %dma_start3A_334 = tpu.memref_slice %arg3[%dma_start3A_327, %add3A, %dma_start3A_328, %dma_start3A_333] : memref<2x32x80x125xi32, #tpu.memory_space<hbm>> -> memref<1x1x1x125xi32, #tpu.memory_space<hbm>>
    %dma_start3A_335 = tpu.memref_squeeze %dma_start3A_334 : memref<1x1x1x125xi32, #tpu.memory_space<hbm>> -> memref<125xi32, #tpu.memory_space<hbm>>
    %dma_start3A_336 = arith.constant 0 : i32
    %dma_start3A_337 = tpu.memref_slice %arg8[%dma_start3A_329, %dma_start3A_336] : memref<2x125xi32, #tpu.memory_space<vmem>> -> memref<1x125xi32, #tpu.memory_space<vmem>>
    %dma_start3A_338 = tpu.memref_squeeze %dma_start3A_337 : memref<1x125xi32, #tpu.memory_space<vmem>> -> memref<125xi32, #tpu.memory_space<vmem>>
    %dma_start3A_339 = arith.constant 0 : i32
    %dma_start3A_340 = tpu.memref_slice %arg3[%dma_start3A_327, %add3A, %dma_start3A_328, %dma_start3A_339] : memref<2x32x80x125xi32, #tpu.memory_space<hbm>> -> memref<1x1x1x125xi32, #tpu.memory_space<hbm>>
    %dma_start3A_341 = tpu.memref_squeeze %dma_start3A_340 : memref<1x1x1x125xi32, #tpu.memory_space<hbm>> -> memref<125xi32, #tpu.memory_space<hbm>>
    tpu.enqueue_dma source(%dma_start3A_341 : memref<125xi32, #tpu.memory_space<hbm>>) target(%dma_start3A_338 : memref<125xi32, #tpu.memory_space<vmem>>) target_semaphore(%arg26 : memref<!tpu.dma_semaphore, #tpu.memory_space<semaphore_mem>>)
    %dma_start3A_342 = arith.constant 1 : i32
    %dma_start3A_343 = arith.constant 4 : i32
    %dma_start3A_344 = arith.constant 1 : i32
    %dma_start3A_345 = arith.constant 0 : i32
    %dma_start3A_346 = tpu.memref_slice %arg8[%dma_start3A_344, %dma_start3A_345] : memref<2x125xi32, #tpu.memory_space<vmem>> -> memref<1x125xi32, #tpu.memory_space<vmem>>
    %dma_start3A_347 = tpu.memref_squeeze %dma_start3A_346 : memref<1x125xi32, #tpu.memory_space<vmem>> -> memref<125xi32, #tpu.memory_space<vmem>>
    %dma_start3A_348 = arith.constant 0 : i32
    %dma_start3A_349 = tpu.memref_slice %arg3[%dma_start3A_342, %add3A, %dma_start3A_343, %dma_start3A_348] : memref<2x32x80x125xi32, #tpu.memory_space<hbm>> -> memref<1x1x1x125xi32, #tpu.memory_space<hbm>>
    %dma_start3A_350 = tpu.memref_squeeze %dma_start3A_349 : memref<1x1x1x125xi32, #tpu.memory_space<hbm>> -> memref<125xi32, #tpu.memory_space<hbm>>
    %dma_start3A_351 = arith.constant 0 : i32
    %dma_start3A_352 = tpu.memref_slice %arg8[%dma_start3A_344, %dma_start3A_351] : memref<2x125xi32, #tpu.memory_space<vmem>> -> memref<1x125xi32, #tpu.memory_space<vmem>>
    %dma_start3A_353 = tpu.memref_squeeze %dma_start3A_352 : memref<1x125xi32, #tpu.memory_space<vmem>> -> memref<125xi32, #tpu.memory_space<vmem>>
    %dma_start3A_354 = arith.constant 0 : i32
    %dma_start3A_355 = tpu.memref_slice %arg3[%dma_start3A_342, %add3A, %dma_start3A_343, %dma_start3A_354] : memref<2x32x80x125xi32, #tpu.memory_space<hbm>> -> memref<1x1x1x125xi32, #tpu.memory_space<hbm>>
    %dma_start3A_356 = tpu.memref_squeeze %dma_start3A_355 : memref<1x1x1x125xi32, #tpu.memory_space<hbm>> -> memref<125xi32, #tpu.memory_space<hbm>>
    tpu.enqueue_dma source(%dma_start3A_356 : memref<125xi32, #tpu.memory_space<hbm>>) target(%dma_start3A_353 : memref<125xi32, #tpu.memory_space<vmem>>) target_semaphore(%arg26 : memref<!tpu.dma_semaphore, #tpu.memory_space<semaphore_mem>>)
    %dma_wait3A_357 = arith.constant 0 : i32
    %dma_wait3A_358 = arith.constant 4 : i32
    %dma_wait3A_359 = arith.constant 0 : i32
    %dma_wait3A_360 = arith.constant 0 : i32
    %dma_wait3A_361 = tpu.memref_slice %arg8[%dma_wait3A_359, %dma_wait3A_360] : memref<2x125xi32, #tpu.memory_space<vmem>> -> memref<1x125xi32, #tpu.memory_space<vmem>>
    %dma_wait3A_362 = tpu.memref_squeeze %dma_wait3A_361 : memref<1x125xi32, #tpu.memory_space<vmem>> -> memref<125xi32, #tpu.memory_space<vmem>>
    %dma_wait3A_363 = arith.constant 0 : i32
    %dma_wait3A_364 = tpu.memref_slice %arg3[%dma_wait3A_357, %add3A, %dma_wait3A_358, %dma_wait3A_363] : memref<2x32x80x125xi32, #tpu.memory_space<hbm>> -> memref<1x1x1x125xi32, #tpu.memory_space<hbm>>
    %dma_wait3A_365 = tpu.memref_squeeze %dma_wait3A_364 : memref<1x1x1x125xi32, #tpu.memory_space<hbm>> -> memref<125xi32, #tpu.memory_space<hbm>>
    %dma_wait3A_366 = arith.constant 0 : i32
    %dma_wait3A_367 = tpu.memref_slice %arg8[%dma_wait3A_359, %dma_wait3A_366] : memref<2x125xi32, #tpu.memory_space<vmem>> -> memref<1x125xi32, #tpu.memory_space<vmem>>
    %dma_wait3A_368 = tpu.memref_squeeze %dma_wait3A_367 : memref<1x125xi32, #tpu.memory_space<vmem>> -> memref<125xi32, #tpu.memory_space<vmem>>
    %dma_wait3A_369 = arith.constant 0 : i32
    %dma_wait3A_370 = tpu.memref_slice %arg3[%dma_wait3A_357, %add3A, %dma_wait3A_358, %dma_wait3A_369] : memref<2x32x80x125xi32, #tpu.memory_space<hbm>> -> memref<1x1x1x125xi32, #tpu.memory_space<hbm>>
    %dma_wait3A_371 = tpu.memref_squeeze %dma_wait3A_370 : memref<1x1x1x125xi32, #tpu.memory_space<hbm>> -> memref<125xi32, #tpu.memory_space<hbm>>
    tpu.wait_dma2 semaphore(%arg26 : memref<!tpu.dma_semaphore, #tpu.memory_space<semaphore_mem>>) src(%dma_wait3A_371 : memref<125xi32, #tpu.memory_space<hbm>>) dst(%dma_wait3A_368 : memref<125xi32, #tpu.memory_space<vmem>>)
    %dma_wait3A_372 = arith.constant 1 : i32
    %dma_wait3A_373 = arith.constant 4 : i32
    %dma_wait3A_374 = arith.constant 1 : i32
    %dma_wait3A_375 = arith.constant 0 : i32
    %dma_wait3A_376 = tpu.memref_slice %arg8[%dma_wait3A_374, %dma_wait3A_375] : memref<2x125xi32, #tpu.memory_space<vmem>> -> memref<1x125xi32, #tpu.memory_space<vmem>>
    %dma_wait3A_377 = tpu.memref_squeeze %dma_wait3A_376 : memref<1x125xi32, #tpu.memory_space<vmem>> -> memref<125xi32, #tpu.memory_space<vmem>>
    %dma_wait3A_378 = arith.constant 0 : i32
    %dma_wait3A_379 = tpu.memref_slice %arg3[%dma_wait3A_372, %add3A, %dma_wait3A_373, %dma_wait3A_378] : memref<2x32x80x125xi32, #tpu.memory_space<hbm>> -> memref<1x1x1x125xi32, #tpu.memory_space<hbm>>
    %dma_wait3A_380 = tpu.memref_squeeze %dma_wait3A_379 : memref<1x1x1x125xi32, #tpu.memory_space<hbm>> -> memref<125xi32, #tpu.memory_space<hbm>>
    %dma_wait3A_381 = arith.constant 0 : i32
    %dma_wait3A_382 = tpu.memref_slice %arg8[%dma_wait3A_374, %dma_wait3A_381] : memref<2x125xi32, #tpu.memory_space<vmem>> -> memref<1x125xi32, #tpu.memory_space<vmem>>
    %dma_wait3A_383 = tpu.memref_squeeze %dma_wait3A_382 : memref<1x125xi32, #tpu.memory_space<vmem>> -> memref<125xi32, #tpu.memory_space<vmem>>
    %dma_wait3A_384 = arith.constant 0 : i32
    %dma_wait3A_385 = tpu.memref_slice %arg3[%dma_wait3A_372, %add3A, %dma_wait3A_373, %dma_wait3A_384] : memref<2x32x80x125xi32, #tpu.memory_space<hbm>> -> memref<1x1x1x125xi32, #tpu.memory_space<hbm>>
    %dma_wait3A_386 = tpu.memref_squeeze %dma_wait3A_385 : memref<1x1x1x125xi32, #tpu.memory_space<hbm>> -> memref<125xi32, #tpu.memory_space<hbm>>
    tpu.wait_dma2 semaphore(%arg26 : memref<!tpu.dma_semaphore, #tpu.memory_space<semaphore_mem>>) src(%dma_wait3A_386 : memref<125xi32, #tpu.memory_space<hbm>>) dst(%dma_wait3A_383 : memref<125xi32, #tpu.memory_space<vmem>>)
    %dma_start3A_387 = arith.constant 0 : i32
    %dma_start3A_388 = arith.constant 0 : i32
    %dma_start3A_389 = tpu.memref_slice %arg8[%dma_start3A_387, %dma_start3A_388] : memref<2x125xi32, #tpu.memory_space<vmem>> -> memref<1x125xi32, #tpu.memory_space<vmem>>
    %dma_start3A_390 = tpu.memref_squeeze %dma_start3A_389 : memref<1x125xi32, #tpu.memory_space<vmem>> -> memref<125xi32, #tpu.memory_space<vmem>>
    %dma_start3A_391 = arith.constant 0 : i32
    %dma_start3A_392 = arith.constant 0 : i32
    %dma_start3A_393 = tpu.memref_slice %arg2[%dma_start3A_391, %dma_start3A_392] : memref<10000x128xf32, #tpu.memory_space<hbm>> -> memref<10000x128xf32, #tpu.memory_space<hbm>>
    tpu.enqueue_indirect_dma source(%dma_start3A_393 : memref<10000x128xf32, #tpu.memory_space<hbm>>) target(%arg11 : memref<125x128xf32, #tpu.memory_space<vmem>>) offsets(%dma_start3A_390 : memref<125xi32, #tpu.memory_space<vmem>>) semaphore(%arg17 : memref<!tpu.dma_semaphore, #tpu.memory_space<semaphore_mem>>)
    %scan3A = arith.constant 0 : i32
    %scan3A_394 = arith.constant 1 : i32
    %scan3A_395 = arith.constant 25 : i32
    %scan3A_396 = arith.addi %scan3A_394, %scan3A_395 : i32
    %scan3A_397 = arith.constant 1 : i32
    scf.for %scan3A_456 = %scan3A_394 to %scan3A_396 step %scan3A_397  : i32 {
      %mul3A_457 = arith.constant 3 : i32
      %mul3A_458 = arith.muli %scan3A_456, %mul3A_457 : i32
      %add3A_459 = arith.constant 0 : i32
      %add3A_460 = arith.addi %mul3A_458, %add3A_459 : i32
      %dma_wait3A_461 = arith.constant 0 : i32
      %dma_wait3A_462 = arith.constant 0 : i32
      %dma_wait3A_463 = tpu.memref_slice %arg7[%dma_wait3A_461, %dma_wait3A_462] : memref<2x125xi32, #tpu.memory_space<vmem>> -> memref<1x125xi32, #tpu.memory_space<vmem>>
      %dma_wait3A_464 = tpu.memref_squeeze %dma_wait3A_463 : memref<1x125xi32, #tpu.memory_space<vmem>> -> memref<125xi32, #tpu.memory_space<vmem>>
      %dma_wait3A_465 = arith.constant 0 : i32
      %dma_wait3A_466 = arith.constant 0 : i32
      %dma_wait3A_467 = tpu.memref_slice %arg2[%dma_wait3A_465, %dma_wait3A_466] : memref<10000x128xf32, #tpu.memory_space<hbm>> -> memref<10000x128xf32, #tpu.memory_space<hbm>>
      tpu.wait_indirect_dma semaphore(%arg16 : memref<!tpu.dma_semaphore, #tpu.memory_space<semaphore_mem>>) src(%dma_wait3A_467 : memref<10000x128xf32, #tpu.memory_space<hbm>>) dst(%arg10 : memref<125x128xf32, #tpu.memory_space<vmem>>)
      %dma_start3A_468 = arith.constant 1 : i32
      %dma_start3A_469 = arith.constant 0 : i32
      %dma_start3A_470 = tpu.memref_slice %arg7[%dma_start3A_468, %dma_start3A_469] : memref<2x125xi32, #tpu.memory_space<vmem>> -> memref<1x125xi32, #tpu.memory_space<vmem>>
      %dma_start3A_471 = tpu.memref_squeeze %dma_start3A_470 : memref<1x125xi32, #tpu.memory_space<vmem>> -> memref<125xi32, #tpu.memory_space<vmem>>
      %dma_start3A_472 = arith.constant 0 : i32
      %dma_start3A_473 = arith.constant 0 : i32
      %dma_start3A_474 = tpu.memref_slice %arg14[%dma_start3A_472, %dma_start3A_473] : memref<10000x128xf32, #tpu.memory_space<vmem_shared>> -> memref<10000x128xf32, #tpu.memory_space<vmem_shared>>
      tpu.enqueue_indirect_dma source(%arg10 : memref<125x128xf32, #tpu.memory_space<vmem>>) target(%dma_start3A_474 : memref<10000x128xf32, #tpu.memory_space<vmem_shared>>) offsets(%dma_start3A_471 : memref<125xi32, #tpu.memory_space<vmem>>) semaphore(%arg19 : memref<!tpu.dma_semaphore, #tpu.memory_space<semaphore_mem>>) {add = true}
      %dma_wait3A_475 = arith.constant 1 : i32
      %dma_wait3A_476 = arith.constant 0 : i32
      %dma_wait3A_477 = tpu.memref_slice %arg9[%dma_wait3A_475, %dma_wait3A_476] : memref<2x125xi32, #tpu.memory_space<vmem>> -> memref<1x125xi32, #tpu.memory_space<vmem>>
      %dma_wait3A_478 = tpu.memref_squeeze %dma_wait3A_477 : memref<1x125xi32, #tpu.memory_space<vmem>> -> memref<125xi32, #tpu.memory_space<vmem>>
      %dma_wait3A_479 = arith.constant 0 : i32
      %dma_wait3A_480 = arith.constant 0 : i32
      %dma_wait3A_481 = tpu.memref_slice %arg14[%dma_wait3A_479, %dma_wait3A_480] : memref<10000x128xf32, #tpu.memory_space<vmem_shared>> -> memref<10000x128xf32, #tpu.memory_space<vmem_shared>>
      tpu.wait_indirect_dma semaphore(%arg21 : memref<!tpu.dma_semaphore, #tpu.memory_space<semaphore_mem>>) src(%arg12 : memref<125x128xf32, #tpu.memory_space<vmem>>) dst(%dma_wait3A_481 : memref<10000x128xf32, #tpu.memory_space<vmem_shared>>)
      %add3A_482 = arith.constant 2 : i32
      %add3A_483 = arith.addi %add3A_460, %add3A_482 : i32
      %lt3A = arith.constant 80 : i32
      %lt3A_484 = arith.cmpi slt, %add3A_483, %lt3A : i32
      %convert_element_type3A_485 = arith.extui %lt3A_484 : i1 to i32
      %cond3A_486 = arith.constant 0 : i32
      %cond3A_487 = arith.cmpi ne, %convert_element_type3A_485, %cond3A_486 : i32
      scf.if %cond3A_487 {
        %add3A_548 = arith.constant 2 : i32
        %add3A_549 = arith.addi %add3A_460, %add3A_548 : i32
        %dma_start3A_550 = arith.constant 0 : i32
        %dma_start3A_551 = arith.constant 0 : i32
        %dma_start3A_552 = arith.constant 0 : i32
        %dma_start3A_553 = tpu.memref_slice %arg9[%dma_start3A_551, %dma_start3A_552] : memref<2x125xi32, #tpu.memory_space<vmem>> -> memref<1x125xi32, #tpu.memory_space<vmem>>
        %dma_start3A_554 = tpu.memref_squeeze %dma_start3A_553 : memref<1x125xi32, #tpu.memory_space<vmem>> -> memref<125xi32, #tpu.memory_space<vmem>>
        %dma_start3A_555 = arith.constant 0 : i32
        %dma_start3A_556 = tpu.memref_slice %arg3[%dma_start3A_550, %add3A, %add3A_549, %dma_start3A_555] : memref<2x32x80x125xi32, #tpu.memory_space<hbm>> -> memref<1x1x1x125xi32, #tpu.memory_space<hbm>>
        %dma_start3A_557 = tpu.memref_squeeze %dma_start3A_556 : memref<1x1x1x125xi32, #tpu.memory_space<hbm>> -> memref<125xi32, #tpu.memory_space<hbm>>
        %dma_start3A_558 = arith.constant 0 : i32
        %dma_start3A_559 = tpu.memref_slice %arg9[%dma_start3A_551, %dma_start3A_558] : memref<2x125xi32, #tpu.memory_space<vmem>> -> memref<1x125xi32, #tpu.memory_space<vmem>>
        %dma_start3A_560 = tpu.memref_squeeze %dma_start3A_559 : memref<1x125xi32, #tpu.memory_space<vmem>> -> memref<125xi32, #tpu.memory_space<vmem>>
        %dma_start3A_561 = arith.constant 0 : i32
        %dma_start3A_562 = tpu.memref_slice %arg3[%dma_start3A_550, %add3A, %add3A_549, %dma_start3A_561] : memref<2x32x80x125xi32, #tpu.memory_space<hbm>> -> memref<1x1x1x125xi32, #tpu.memory_space<hbm>>
        %dma_start3A_563 = tpu.memref_squeeze %dma_start3A_562 : memref<1x1x1x125xi32, #tpu.memory_space<hbm>> -> memref<125xi32, #tpu.memory_space<hbm>>
        tpu.enqueue_dma source(%dma_start3A_563 : memref<125xi32, #tpu.memory_space<hbm>>) target(%dma_start3A_560 : memref<125xi32, #tpu.memory_space<vmem>>) target_semaphore(%arg27 : memref<!tpu.dma_semaphore, #tpu.memory_space<semaphore_mem>>)
        %add3A_564 = arith.constant 2 : i32
        %add3A_565 = arith.addi %add3A_460, %add3A_564 : i32
        %dma_start3A_566 = arith.constant 1 : i32
        %dma_start3A_567 = arith.constant 1 : i32
        %dma_start3A_568 = arith.constant 0 : i32
        %dma_start3A_569 = tpu.memref_slice %arg9[%dma_start3A_567, %dma_start3A_568] : memref<2x125xi32, #tpu.memory_space<vmem>> -> memref<1x125xi32, #tpu.memory_space<vmem>>
        %dma_start3A_570 = tpu.memref_squeeze %dma_start3A_569 : memref<1x125xi32, #tpu.memory_space<vmem>> -> memref<125xi32, #tpu.memory_space<vmem>>
        %dma_start3A_571 = arith.constant 0 : i32
        %dma_start3A_572 = tpu.memref_slice %arg3[%dma_start3A_566, %add3A, %add3A_565, %dma_start3A_571] : memref<2x32x80x125xi32, #tpu.memory_space<hbm>> -> memref<1x1x1x125xi32, #tpu.memory_space<hbm>>
        %dma_start3A_573 = tpu.memref_squeeze %dma_start3A_572 : memref<1x1x1x125xi32, #tpu.memory_space<hbm>> -> memref<125xi32, #tpu.memory_space<hbm>>
        %dma_start3A_574 = arith.constant 0 : i32
        %dma_start3A_575 = tpu.memref_slice %arg9[%dma_start3A_567, %dma_start3A_574] : memref<2x125xi32, #tpu.memory_space<vmem>> -> memref<1x125xi32, #tpu.memory_space<vmem>>
        %dma_start3A_576 = tpu.memref_squeeze %dma_start3A_575 : memref<1x125xi32, #tpu.memory_space<vmem>> -> memref<125xi32, #tpu.memory_space<vmem>>
        %dma_start3A_577 = arith.constant 0 : i32
        %dma_start3A_578 = tpu.memref_slice %arg3[%dma_start3A_566, %add3A, %add3A_565, %dma_start3A_577] : memref<2x32x80x125xi32, #tpu.memory_space<hbm>> -> memref<1x1x1x125xi32, #tpu.memory_space<hbm>>
        %dma_start3A_579 = tpu.memref_squeeze %dma_start3A_578 : memref<1x1x1x125xi32, #tpu.memory_space<hbm>> -> memref<125xi32, #tpu.memory_space<hbm>>
        tpu.enqueue_dma source(%dma_start3A_579 : memref<125xi32, #tpu.memory_space<hbm>>) target(%dma_start3A_576 : memref<125xi32, #tpu.memory_space<vmem>>) target_semaphore(%arg27 : memref<!tpu.dma_semaphore, #tpu.memory_space<semaphore_mem>>)
        %add3A_580 = arith.constant 2 : i32
        %add3A_581 = arith.addi %add3A_460, %add3A_580 : i32
        %dma_wait3A_582 = arith.constant 0 : i32
        %dma_wait3A_583 = arith.constant 0 : i32
        %dma_wait3A_584 = arith.constant 0 : i32
        %dma_wait3A_585 = tpu.memref_slice %arg9[%dma_wait3A_583, %dma_wait3A_584] : memref<2x125xi32, #tpu.memory_space<vmem>> -> memref<1x125xi32, #tpu.memory_space<vmem>>
        %dma_wait3A_586 = tpu.memref_squeeze %dma_wait3A_585 : memref<1x125xi32, #tpu.memory_space<vmem>> -> memref<125xi32, #tpu.memory_space<vmem>>
        %dma_wait3A_587 = arith.constant 0 : i32
        %dma_wait3A_588 = tpu.memref_slice %arg3[%dma_wait3A_582, %add3A, %add3A_581, %dma_wait3A_587] : memref<2x32x80x125xi32, #tpu.memory_space<hbm>> -> memref<1x1x1x125xi32, #tpu.memory_space<hbm>>
        %dma_wait3A_589 = tpu.memref_squeeze %dma_wait3A_588 : memref<1x1x1x125xi32, #tpu.memory_space<hbm>> -> memref<125xi32, #tpu.memory_space<hbm>>
        %dma_wait3A_590 = arith.constant 0 : i32
        %dma_wait3A_591 = tpu.memref_slice %arg9[%dma_wait3A_583, %dma_wait3A_590] : memref<2x125xi32, #tpu.memory_space<vmem>> -> memref<1x125xi32, #tpu.memory_space<vmem>>
        %dma_wait3A_592 = tpu.memref_squeeze %dma_wait3A_591 : memref<1x125xi32, #tpu.memory_space<vmem>> -> memref<125xi32, #tpu.memory_space<vmem>>
        %dma_wait3A_593 = arith.constant 0 : i32
        %dma_wait3A_594 = tpu.memref_slice %arg3[%dma_wait3A_582, %add3A, %add3A_581, %dma_wait3A_593] : memref<2x32x80x125xi32, #tpu.memory_space<hbm>> -> memref<1x1x1x125xi32, #tpu.memory_space<hbm>>
        %dma_wait3A_595 = tpu.memref_squeeze %dma_wait3A_594 : memref<1x1x1x125xi32, #tpu.memory_space<hbm>> -> memref<125xi32, #tpu.memory_space<hbm>>
        tpu.wait_dma2 semaphore(%arg27 : memref<!tpu.dma_semaphore, #tpu.memory_space<semaphore_mem>>) src(%dma_wait3A_595 : memref<125xi32, #tpu.memory_space<hbm>>) dst(%dma_wait3A_592 : memref<125xi32, #tpu.memory_space<vmem>>)
        %add3A_596 = arith.constant 2 : i32
        %add3A_597 = arith.addi %add3A_460, %add3A_596 : i32
        %dma_wait3A_598 = arith.constant 1 : i32
        %dma_wait3A_599 = arith.constant 1 : i32
        %dma_wait3A_600 = arith.constant 0 : i32
        %dma_wait3A_601 = tpu.memref_slice %arg9[%dma_wait3A_599, %dma_wait3A_600] : memref<2x125xi32, #tpu.memory_space<vmem>> -> memref<1x125xi32, #tpu.memory_space<vmem>>
        %dma_wait3A_602 = tpu.memref_squeeze %dma_wait3A_601 : memref<1x125xi32, #tpu.memory_space<vmem>> -> memref<125xi32, #tpu.memory_space<vmem>>
        %dma_wait3A_603 = arith.constant 0 : i32
        %dma_wait3A_604 = tpu.memref_slice %arg3[%dma_wait3A_598, %add3A, %add3A_597, %dma_wait3A_603] : memref<2x32x80x125xi32, #tpu.memory_space<hbm>> -> memref<1x1x1x125xi32, #tpu.memory_space<hbm>>
        %dma_wait3A_605 = tpu.memref_squeeze %dma_wait3A_604 : memref<1x1x1x125xi32, #tpu.memory_space<hbm>> -> memref<125xi32, #tpu.memory_space<hbm>>
        %dma_wait3A_606 = arith.constant 0 : i32
        %dma_wait3A_607 = tpu.memref_slice %arg9[%dma_wait3A_599, %dma_wait3A_606] : memref<2x125xi32, #tpu.memory_space<vmem>> -> memref<1x125xi32, #tpu.memory_space<vmem>>
        %dma_wait3A_608 = tpu.memref_squeeze %dma_wait3A_607 : memref<1x125xi32, #tpu.memory_space<vmem>> -> memref<125xi32, #tpu.memory_space<vmem>>
        %dma_wait3A_609 = arith.constant 0 : i32
        %dma_wait3A_610 = tpu.memref_slice %arg3[%dma_wait3A_598, %add3A, %add3A_597, %dma_wait3A_609] : memref<2x32x80x125xi32, #tpu.memory_space<hbm>> -> memref<1x1x1x125xi32, #tpu.memory_space<hbm>>
        %dma_wait3A_611 = tpu.memref_squeeze %dma_wait3A_610 : memref<1x1x1x125xi32, #tpu.memory_space<hbm>> -> memref<125xi32, #tpu.memory_space<hbm>>
        tpu.wait_dma2 semaphore(%arg27 : memref<!tpu.dma_semaphore, #tpu.memory_space<semaphore_mem>>) src(%dma_wait3A_611 : memref<125xi32, #tpu.memory_space<hbm>>) dst(%dma_wait3A_608 : memref<125xi32, #tpu.memory_space<vmem>>)
        %dma_start3A_612 = arith.constant 0 : i32
        %dma_start3A_613 = arith.constant 0 : i32
        %dma_start3A_614 = tpu.memref_slice %arg9[%dma_start3A_612, %dma_start3A_613] : memref<2x125xi32, #tpu.memory_space<vmem>> -> memref<1x125xi32, #tpu.memory_space<vmem>>
        %dma_start3A_615 = tpu.memref_squeeze %dma_start3A_614 : memref<1x125xi32, #tpu.memory_space<vmem>> -> memref<125xi32, #tpu.memory_space<vmem>>
        %dma_start3A_616 = arith.constant 0 : i32
        %dma_start3A_617 = arith.constant 0 : i32
        %dma_start3A_618 = tpu.memref_slice %arg2[%dma_start3A_616, %dma_start3A_617] : memref<10000x128xf32, #tpu.memory_space<hbm>> -> memref<10000x128xf32, #tpu.memory_space<hbm>>
        tpu.enqueue_indirect_dma source(%dma_start3A_618 : memref<10000x128xf32, #tpu.memory_space<hbm>>) target(%arg12 : memref<125x128xf32, #tpu.memory_space<vmem>>) offsets(%dma_start3A_615 : memref<125xi32, #tpu.memory_space<vmem>>) semaphore(%arg18 : memref<!tpu.dma_semaphore, #tpu.memory_space<semaphore_mem>>)
      } else {
      }
      %add3A_488 = arith.constant 1 : i32
      %add3A_489 = arith.addi %mul3A_458, %add3A_488 : i32
      %dma_wait3A_490 = arith.constant 0 : i32
      %dma_wait3A_491 = arith.constant 0 : i32
      %dma_wait3A_492 = tpu.memref_slice %arg8[%dma_wait3A_490, %dma_wait3A_491] : memref<2x125xi32, #tpu.memory_space<vmem>> -> memref<1x125xi32, #tpu.memory_space<vmem>>
      %dma_wait3A_493 = tpu.memref_squeeze %dma_wait3A_492 : memref<1x125xi32, #tpu.memory_space<vmem>> -> memref<125xi32, #tpu.memory_space<vmem>>
      %dma_wait3A_494 = arith.constant 0 : i32
      %dma_wait3A_495 = arith.constant 0 : i32
      %dma_wait3A_496 = tpu.memref_slice %arg2[%dma_wait3A_494, %dma_wait3A_495] : memref<10000x128xf32, #tpu.memory_space<hbm>> -> memref<10000x128xf32, #tpu.memory_space<hbm>>
      tpu.wait_indirect_dma semaphore(%arg17 : memref<!tpu.dma_semaphore, #tpu.memory_space<semaphore_mem>>) src(%dma_wait3A_496 : memref<10000x128xf32, #tpu.memory_space<hbm>>) dst(%arg11 : memref<125x128xf32, #tpu.memory_space<vmem>>)
      %dma_start3A_497 = arith.constant 1 : i32
      %dma_start3A_498 = arith.constant 0 : i32
      %dma_start3A_499 = tpu.memref_slice %arg8[%dma_start3A_497, %dma_start3A_498] : memref<2x125xi32, #tpu.memory_space<vmem>> -> memref<1x125xi32, #tpu.memory_space<vmem>>
      %dma_start3A_500 = tpu.memref_squeeze %dma_start3A_499 : memref<1x125xi32, #tpu.memory_space<vmem>> -> memref<125xi32, #tpu.memory_space<vmem>>
      %dma_start3A_501 = arith.constant 0 : i32
      %dma_start3A_502 = arith.constant 0 : i32
      %dma_start3A_503 = tpu.memref_slice %arg14[%dma_start3A_501, %dma_start3A_502] : memref<10000x128xf32, #tpu.memory_space<vmem_shared>> -> memref<10000x128xf32, #tpu.memory_space<vmem_shared>>
      tpu.enqueue_indirect_dma source(%arg11 : memref<125x128xf32, #tpu.memory_space<vmem>>) target(%dma_start3A_503 : memref<10000x128xf32, #tpu.memory_space<vmem_shared>>) offsets(%dma_start3A_500 : memref<125xi32, #tpu.memory_space<vmem>>) semaphore(%arg20 : memref<!tpu.dma_semaphore, #tpu.memory_space<semaphore_mem>>) {add = true}
      %dma_wait3A_504 = arith.constant 1 : i32
      %dma_wait3A_505 = arith.constant 0 : i32
      %dma_wait3A_506 = tpu.memref_slice %arg7[%dma_wait3A_504, %dma_wait3A_505] : memref<2x125xi32, #tpu.memory_space<vmem>> -> memref<1x125xi32, #tpu.memory_space<vmem>>
      %dma_wait3A_507 = tpu.memref_squeeze %dma_wait3A_506 : memref<1x125xi32, #tpu.memory_space<vmem>> -> memref<125xi32, #tpu.memory_space<vmem>>
      %dma_wait3A_508 = arith.constant 0 : i32
      %dma_wait3A_509 = arith.constant 0 : i32
      %dma_wait3A_510 = tpu.memref_slice %arg14[%dma_wait3A_508, %dma_wait3A_509] : memref<10000x128xf32, #tpu.memory_space<vmem_shared>> -> memref<10000x128xf32, #tpu.memory_space<vmem_shared>>
      tpu.wait_indirect_dma semaphore(%arg19 : memref<!tpu.dma_semaphore, #tpu.memory_space<semaphore_mem>>) src(%arg10 : memref<125x128xf32, #tpu.memory_space<vmem>>) dst(%dma_wait3A_510 : memref<10000x128xf32, #tpu.memory_space<vmem_shared>>)
      %add3A_511 = arith.constant 2 : i32
      %add3A_512 = arith.addi %add3A_489, %add3A_511 : i32
      %lt3A_513 = arith.constant 80 : i32
      %lt3A_514 = arith.cmpi slt, %add3A_512, %lt3A_513 : i32
      %convert_element_type3A_515 = arith.extui %lt3A_514 : i1 to i32
      %cond3A_516 = arith.constant 0 : i32
      %cond3A_517 = arith.cmpi ne, %convert_element_type3A_515, %cond3A_516 : i32
      scf.if %cond3A_517 {
        %add3A_548 = arith.constant 2 : i32
        %add3A_549 = arith.addi %add3A_489, %add3A_548 : i32
        %dma_start3A_550 = arith.constant 0 : i32
        %dma_start3A_551 = arith.constant 0 : i32
        %dma_start3A_552 = arith.constant 0 : i32
        %dma_start3A_553 = tpu.memref_slice %arg7[%dma_start3A_551, %dma_start3A_552] : memref<2x125xi32, #tpu.memory_space<vmem>> -> memref<1x125xi32, #tpu.memory_space<vmem>>
        %dma_start3A_554 = tpu.memref_squeeze %dma_start3A_553 : memref<1x125xi32, #tpu.memory_space<vmem>> -> memref<125xi32, #tpu.memory_space<vmem>>
        %dma_start3A_555 = arith.constant 0 : i32
        %dma_start3A_556 = tpu.memref_slice %arg3[%dma_start3A_550, %add3A, %add3A_549, %dma_start3A_555] : memref<2x32x80x125xi32, #tpu.memory_space<hbm>> -> memref<1x1x1x125xi32, #tpu.memory_space<hbm>>
        %dma_start3A_557 = tpu.memref_squeeze %dma_start3A_556 : memref<1x1x1x125xi32, #tpu.memory_space<hbm>> -> memref<125xi32, #tpu.memory_space<hbm>>
        %dma_start3A_558 = arith.constant 0 : i32
        %dma_start3A_559 = tpu.memref_slice %arg7[%dma_start3A_551, %dma_start3A_558] : memref<2x125xi32, #tpu.memory_space<vmem>> -> memref<1x125xi32, #tpu.memory_space<vmem>>
        %dma_start3A_560 = tpu.memref_squeeze %dma_start3A_559 : memref<1x125xi32, #tpu.memory_space<vmem>> -> memref<125xi32, #tpu.memory_space<vmem>>
        %dma_start3A_561 = arith.constant 0 : i32
        %dma_start3A_562 = tpu.memref_slice %arg3[%dma_start3A_550, %add3A, %add3A_549, %dma_start3A_561] : memref<2x32x80x125xi32, #tpu.memory_space<hbm>> -> memref<1x1x1x125xi32, #tpu.memory_space<hbm>>
        %dma_start3A_563 = tpu.memref_squeeze %dma_start3A_562 : memref<1x1x1x125xi32, #tpu.memory_space<hbm>> -> memref<125xi32, #tpu.memory_space<hbm>>
        tpu.enqueue_dma source(%dma_start3A_563 : memref<125xi32, #tpu.memory_space<hbm>>) target(%dma_start3A_560 : memref<125xi32, #tpu.memory_space<vmem>>) target_semaphore(%arg25 : memref<!tpu.dma_semaphore, #tpu.memory_space<semaphore_mem>>)
        %add3A_564 = arith.constant 2 : i32
        %add3A_565 = arith.addi %add3A_489, %add3A_564 : i32
        %dma_start3A_566 = arith.constant 1 : i32
        %dma_start3A_567 = arith.constant 1 : i32
        %dma_start3A_568 = arith.constant 0 : i32
        %dma_start3A_569 = tpu.memref_slice %arg7[%dma_start3A_567, %dma_start3A_568] : memref<2x125xi32, #tpu.memory_space<vmem>> -> memref<1x125xi32, #tpu.memory_space<vmem>>
        %dma_start3A_570 = tpu.memref_squeeze %dma_start3A_569 : memref<1x125xi32, #tpu.memory_space<vmem>> -> memref<125xi32, #tpu.memory_space<vmem>>
        %dma_start3A_571 = arith.constant 0 : i32
        %dma_start3A_572 = tpu.memref_slice %arg3[%dma_start3A_566, %add3A, %add3A_565, %dma_start3A_571] : memref<2x32x80x125xi32, #tpu.memory_space<hbm>> -> memref<1x1x1x125xi32, #tpu.memory_space<hbm>>
        %dma_start3A_573 = tpu.memref_squeeze %dma_start3A_572 : memref<1x1x1x125xi32, #tpu.memory_space<hbm>> -> memref<125xi32, #tpu.memory_space<hbm>>
        %dma_start3A_574 = arith.constant 0 : i32
        %dma_start3A_575 = tpu.memref_slice %arg7[%dma_start3A_567, %dma_start3A_574] : memref<2x125xi32, #tpu.memory_space<vmem>> -> memref<1x125xi32, #tpu.memory_space<vmem>>
        %dma_start3A_576 = tpu.memref_squeeze %dma_start3A_575 : memref<1x125xi32, #tpu.memory_space<vmem>> -> memref<125xi32, #tpu.memory_space<vmem>>
        %dma_start3A_577 = arith.constant 0 : i32
        %dma_start3A_578 = tpu.memref_slice %arg3[%dma_start3A_566, %add3A, %add3A_565, %dma_start3A_577] : memref<2x32x80x125xi32, #tpu.memory_space<hbm>> -> memref<1x1x1x125xi32, #tpu.memory_space<hbm>>
        %dma_start3A_579 = tpu.memref_squeeze %dma_start3A_578 : memref<1x1x1x125xi32, #tpu.memory_space<hbm>> -> memref<125xi32, #tpu.memory_space<hbm>>
        tpu.enqueue_dma source(%dma_start3A_579 : memref<125xi32, #tpu.memory_space<hbm>>) target(%dma_start3A_576 : memref<125xi32, #tpu.memory_space<vmem>>) target_semaphore(%arg25 : memref<!tpu.dma_semaphore, #tpu.memory_space<semaphore_mem>>)
        %add3A_580 = arith.constant 2 : i32
        %add3A_581 = arith.addi %add3A_489, %add3A_580 : i32
        %dma_wait3A_582 = arith.constant 0 : i32
        %dma_wait3A_583 = arith.constant 0 : i32
        %dma_wait3A_584 = arith.constant 0 : i32
        %dma_wait3A_585 = tpu.memref_slice %arg7[%dma_wait3A_583, %dma_wait3A_584] : memref<2x125xi32, #tpu.memory_space<vmem>> -> memref<1x125xi32, #tpu.memory_space<vmem>>
        %dma_wait3A_586 = tpu.memref_squeeze %dma_wait3A_585 : memref<1x125xi32, #tpu.memory_space<vmem>> -> memref<125xi32, #tpu.memory_space<vmem>>
        %dma_wait3A_587 = arith.constant 0 : i32
        %dma_wait3A_588 = tpu.memref_slice %arg3[%dma_wait3A_582, %add3A, %add3A_581, %dma_wait3A_587] : memref<2x32x80x125xi32, #tpu.memory_space<hbm>> -> memref<1x1x1x125xi32, #tpu.memory_space<hbm>>
        %dma_wait3A_589 = tpu.memref_squeeze %dma_wait3A_588 : memref<1x1x1x125xi32, #tpu.memory_space<hbm>> -> memref<125xi32, #tpu.memory_space<hbm>>
        %dma_wait3A_590 = arith.constant 0 : i32
        %dma_wait3A_591 = tpu.memref_slice %arg7[%dma_wait3A_583, %dma_wait3A_590] : memref<2x125xi32, #tpu.memory_space<vmem>> -> memref<1x125xi32, #tpu.memory_space<vmem>>
        %dma_wait3A_592 = tpu.memref_squeeze %dma_wait3A_591 : memref<1x125xi32, #tpu.memory_space<vmem>> -> memref<125xi32, #tpu.memory_space<vmem>>
        %dma_wait3A_593 = arith.constant 0 : i32
        %dma_wait3A_594 = tpu.memref_slice %arg3[%dma_wait3A_582, %add3A, %add3A_581, %dma_wait3A_593] : memref<2x32x80x125xi32, #tpu.memory_space<hbm>> -> memref<1x1x1x125xi32, #tpu.memory_space<hbm>>
        %dma_wait3A_595 = tpu.memref_squeeze %dma_wait3A_594 : memref<1x1x1x125xi32, #tpu.memory_space<hbm>> -> memref<125xi32, #tpu.memory_space<hbm>>
        tpu.wait_dma2 semaphore(%arg25 : memref<!tpu.dma_semaphore, #tpu.memory_space<semaphore_mem>>) src(%dma_wait3A_595 : memref<125xi32, #tpu.memory_space<hbm>>) dst(%dma_wait3A_592 : memref<125xi32, #tpu.memory_space<vmem>>)
        %add3A_596 = arith.constant 2 : i32
        %add3A_597 = arith.addi %add3A_489, %add3A_596 : i32
        %dma_wait3A_598 = arith.constant 1 : i32
        %dma_wait3A_599 = arith.constant 1 : i32
        %dma_wait3A_600 = arith.constant 0 : i32
        %dma_wait3A_601 = tpu.memref_slice %arg7[%dma_wait3A_599, %dma_wait3A_600] : memref<2x125xi32, #tpu.memory_space<vmem>> -> memref<1x125xi32, #tpu.memory_space<vmem>>
        %dma_wait3A_602 = tpu.memref_squeeze %dma_wait3A_601 : memref<1x125xi32, #tpu.memory_space<vmem>> -> memref<125xi32, #tpu.memory_space<vmem>>
        %dma_wait3A_603 = arith.constant 0 : i32
        %dma_wait3A_604 = tpu.memref_slice %arg3[%dma_wait3A_598, %add3A, %add3A_597, %dma_wait3A_603] : memref<2x32x80x125xi32, #tpu.memory_space<hbm>> -> memref<1x1x1x125xi32, #tpu.memory_space<hbm>>
        %dma_wait3A_605 = tpu.memref_squeeze %dma_wait3A_604 : memref<1x1x1x125xi32, #tpu.memory_space<hbm>> -> memref<125xi32, #tpu.memory_space<hbm>>
        %dma_wait3A_606 = arith.constant 0 : i32
        %dma_wait3A_607 = tpu.memref_slice %arg7[%dma_wait3A_599, %dma_wait3A_606] : memref<2x125xi32, #tpu.memory_space<vmem>> -> memref<1x125xi32, #tpu.memory_space<vmem>>
        %dma_wait3A_608 = tpu.memref_squeeze %dma_wait3A_607 : memref<1x125xi32, #tpu.memory_space<vmem>> -> memref<125xi32, #tpu.memory_space<vmem>>
        %dma_wait3A_609 = arith.constant 0 : i32
        %dma_wait3A_610 = tpu.memref_slice %arg3[%dma_wait3A_598, %add3A, %add3A_597, %dma_wait3A_609] : memref<2x32x80x125xi32, #tpu.memory_space<hbm>> -> memref<1x1x1x125xi32, #tpu.memory_space<hbm>>
        %dma_wait3A_611 = tpu.memref_squeeze %dma_wait3A_610 : memref<1x1x1x125xi32, #tpu.memory_space<hbm>> -> memref<125xi32, #tpu.memory_space<hbm>>
        tpu.wait_dma2 semaphore(%arg25 : memref<!tpu.dma_semaphore, #tpu.memory_space<semaphore_mem>>) src(%dma_wait3A_611 : memref<125xi32, #tpu.memory_space<hbm>>) dst(%dma_wait3A_608 : memref<125xi32, #tpu.memory_space<vmem>>)
        %dma_start3A_612 = arith.constant 0 : i32
        %dma_start3A_613 = arith.constant 0 : i32
        %dma_start3A_614 = tpu.memref_slice %arg7[%dma_start3A_612, %dma_start3A_613] : memref<2x125xi32, #tpu.memory_space<vmem>> -> memref<1x125xi32, #tpu.memory_space<vmem>>
        %dma_start3A_615 = tpu.memref_squeeze %dma_start3A_614 : memref<1x125xi32, #tpu.memory_space<vmem>> -> memref<125xi32, #tpu.memory_space<vmem>>
        %dma_start3A_616 = arith.constant 0 : i32
        %dma_start3A_617 = arith.constant 0 : i32
        %dma_start3A_618 = tpu.memref_slice %arg2[%dma_start3A_616, %dma_start3A_617] : memref<10000x128xf32, #tpu.memory_space<hbm>> -> memref<10000x128xf32, #tpu.memory_space<hbm>>
        tpu.enqueue_indirect_dma source(%dma_start3A_618 : memref<10000x128xf32, #tpu.memory_space<hbm>>) target(%arg10 : memref<125x128xf32, #tpu.memory_space<vmem>>) offsets(%dma_start3A_615 : memref<125xi32, #tpu.memory_space<vmem>>) semaphore(%arg16 : memref<!tpu.dma_semaphore, #tpu.memory_space<semaphore_mem>>)
      } else {
      }
      %add3A_518 = arith.constant 2 : i32
      %add3A_519 = arith.addi %mul3A_458, %add3A_518 : i32
      %dma_wait3A_520 = arith.constant 0 : i32
      %dma_wait3A_521 = arith.constant 0 : i32
      %dma_wait3A_522 = tpu.memref_slice %arg9[%dma_wait3A_520, %dma_wait3A_521] : memref<2x125xi32, #tpu.memory_space<vmem>> -> memref<1x125xi32, #tpu.memory_space<vmem>>
      %dma_wait3A_523 = tpu.memref_squeeze %dma_wait3A_522 : memref<1x125xi32, #tpu.memory_space<vmem>> -> memref<125xi32, #tpu.memory_space<vmem>>
      %dma_wait3A_524 = arith.constant 0 : i32
      %dma_wait3A_525 = arith.constant 0 : i32
      %dma_wait3A_526 = tpu.memref_slice %arg2[%dma_wait3A_524, %dma_wait3A_525] : memref<10000x128xf32, #tpu.memory_space<hbm>> -> memref<10000x128xf32, #tpu.memory_space<hbm>>
      tpu.wait_indirect_dma semaphore(%arg18 : memref<!tpu.dma_semaphore, #tpu.memory_space<semaphore_mem>>) src(%dma_wait3A_526 : memref<10000x128xf32, #tpu.memory_space<hbm>>) dst(%arg12 : memref<125x128xf32, #tpu.memory_space<vmem>>)
      %dma_start3A_527 = arith.constant 1 : i32
      %dma_start3A_528 = arith.constant 0 : i32
      %dma_start3A_529 = tpu.memref_slice %arg9[%dma_start3A_527, %dma_start3A_528] : memref<2x125xi32, #tpu.memory_space<vmem>> -> memref<1x125xi32, #tpu.memory_space<vmem>>
      %dma_start3A_530 = tpu.memref_squeeze %dma_start3A_529 : memref<1x125xi32, #tpu.memory_space<vmem>> -> memref<125xi32, #tpu.memory_space<vmem>>
      %dma_start3A_531 = arith.constant 0 : i32
      %dma_start3A_532 = arith.constant 0 : i32
      %dma_start3A_533 = tpu.memref_slice %arg14[%dma_start3A_531, %dma_start3A_532] : memref<10000x128xf32, #tpu.memory_space<vmem_shared>> -> memref<10000x128xf32, #tpu.memory_space<vmem_shared>>
      tpu.enqueue_indirect_dma source(%arg12 : memref<125x128xf32, #tpu.memory_space<vmem>>) target(%dma_start3A_533 : memref<10000x128xf32, #tpu.memory_space<vmem_shared>>) offsets(%dma_start3A_530 : memref<125xi32, #tpu.memory_space<vmem>>) semaphore(%arg21 : memref<!tpu.dma_semaphore, #tpu.memory_space<semaphore_mem>>) {add = true}
      %dma_wait3A_534 = arith.constant 1 : i32
      %dma_wait3A_535 = arith.constant 0 : i32
      %dma_wait3A_536 = tpu.memref_slice %arg8[%dma_wait3A_534, %dma_wait3A_535] : memref<2x125xi32, #tpu.memory_space<vmem>> -> memref<1x125xi32, #tpu.memory_space<vmem>>
      %dma_wait3A_537 = tpu.memref_squeeze %dma_wait3A_536 : memref<1x125xi32, #tpu.memory_space<vmem>> -> memref<125xi32, #tpu.memory_space<vmem>>
      %dma_wait3A_538 = arith.constant 0 : i32
      %dma_wait3A_539 = arith.constant 0 : i32
      %dma_wait3A_540 = tpu.memref_slice %arg14[%dma_wait3A_538, %dma_wait3A_539] : memref<10000x128xf32, #tpu.memory_space<vmem_shared>> -> memref<10000x128xf32, #tpu.memory_space<vmem_shared>>
      tpu.wait_indirect_dma semaphore(%arg20 : memref<!tpu.dma_semaphore, #tpu.memory_space<semaphore_mem>>) src(%arg11 : memref<125x128xf32, #tpu.memory_space<vmem>>) dst(%dma_wait3A_540 : memref<10000x128xf32, #tpu.memory_space<vmem_shared>>)
      %add3A_541 = arith.constant 2 : i32
      %add3A_542 = arith.addi %add3A_519, %add3A_541 : i32
      %lt3A_543 = arith.constant 80 : i32
      %lt3A_544 = arith.cmpi slt, %add3A_542, %lt3A_543 : i32
      %convert_element_type3A_545 = arith.extui %lt3A_544 : i1 to i32
      %cond3A_546 = arith.constant 0 : i32
      %cond3A_547 = arith.cmpi ne, %convert_element_type3A_545, %cond3A_546 : i32
      scf.if %cond3A_547 {
        %add3A_548 = arith.constant 2 : i32
        %add3A_549 = arith.addi %add3A_519, %add3A_548 : i32
        %dma_start3A_550 = arith.constant 0 : i32
        %dma_start3A_551 = arith.constant 0 : i32
        %dma_start3A_552 = arith.constant 0 : i32
        %dma_start3A_553 = tpu.memref_slice %arg8[%dma_start3A_551, %dma_start3A_552] : memref<2x125xi32, #tpu.memory_space<vmem>> -> memref<1x125xi32, #tpu.memory_space<vmem>>
        %dma_start3A_554 = tpu.memref_squeeze %dma_start3A_553 : memref<1x125xi32, #tpu.memory_space<vmem>> -> memref<125xi32, #tpu.memory_space<vmem>>
        %dma_start3A_555 = arith.constant 0 : i32
        %dma_start3A_556 = tpu.memref_slice %arg3[%dma_start3A_550, %add3A, %add3A_549, %dma_start3A_555] : memref<2x32x80x125xi32, #tpu.memory_space<hbm>> -> memref<1x1x1x125xi32, #tpu.memory_space<hbm>>
        %dma_start3A_557 = tpu.memref_squeeze %dma_start3A_556 : memref<1x1x1x125xi32, #tpu.memory_space<hbm>> -> memref<125xi32, #tpu.memory_space<hbm>>
        %dma_start3A_558 = arith.constant 0 : i32
        %dma_start3A_559 = tpu.memref_slice %arg8[%dma_start3A_551, %dma_start3A_558] : memref<2x125xi32, #tpu.memory_space<vmem>> -> memref<1x125xi32, #tpu.memory_space<vmem>>
        %dma_start3A_560 = tpu.memref_squeeze %dma_start3A_559 : memref<1x125xi32, #tpu.memory_space<vmem>> -> memref<125xi32, #tpu.memory_space<vmem>>
        %dma_start3A_561 = arith.constant 0 : i32
        %dma_start3A_562 = tpu.memref_slice %arg3[%dma_start3A_550, %add3A, %add3A_549, %dma_start3A_561] : memref<2x32x80x125xi32, #tpu.memory_space<hbm>> -> memref<1x1x1x125xi32, #tpu.memory_space<hbm>>
        %dma_start3A_563 = tpu.memref_squeeze %dma_start3A_562 : memref<1x1x1x125xi32, #tpu.memory_space<hbm>> -> memref<125xi32, #tpu.memory_space<hbm>>
        tpu.enqueue_dma source(%dma_start3A_563 : memref<125xi32, #tpu.memory_space<hbm>>) target(%dma_start3A_560 : memref<125xi32, #tpu.memory_space<vmem>>) target_semaphore(%arg26 : memref<!tpu.dma_semaphore, #tpu.memory_space<semaphore_mem>>)
        %add3A_564 = arith.constant 2 : i32
        %add3A_565 = arith.addi %add3A_519, %add3A_564 : i32
        %dma_start3A_566 = arith.constant 1 : i32
        %dma_start3A_567 = arith.constant 1 : i32
        %dma_start3A_568 = arith.constant 0 : i32
        %dma_start3A_569 = tpu.memref_slice %arg8[%dma_start3A_567, %dma_start3A_568] : memref<2x125xi32, #tpu.memory_space<vmem>> -> memref<1x125xi32, #tpu.memory_space<vmem>>
        %dma_start3A_570 = tpu.memref_squeeze %dma_start3A_569 : memref<1x125xi32, #tpu.memory_space<vmem>> -> memref<125xi32, #tpu.memory_space<vmem>>
        %dma_start3A_571 = arith.constant 0 : i32
        %dma_start3A_572 = tpu.memref_slice %arg3[%dma_start3A_566, %add3A, %add3A_565, %dma_start3A_571] : memref<2x32x80x125xi32, #tpu.memory_space<hbm>> -> memref<1x1x1x125xi32, #tpu.memory_space<hbm>>
        %dma_start3A_573 = tpu.memref_squeeze %dma_start3A_572 : memref<1x1x1x125xi32, #tpu.memory_space<hbm>> -> memref<125xi32, #tpu.memory_space<hbm>>
        %dma_start3A_574 = arith.constant 0 : i32
        %dma_start3A_575 = tpu.memref_slice %arg8[%dma_start3A_567, %dma_start3A_574] : memref<2x125xi32, #tpu.memory_space<vmem>> -> memref<1x125xi32, #tpu.memory_space<vmem>>
        %dma_start3A_576 = tpu.memref_squeeze %dma_start3A_575 : memref<1x125xi32, #tpu.memory_space<vmem>> -> memref<125xi32, #tpu.memory_space<vmem>>
        %dma_start3A_577 = arith.constant 0 : i32
        %dma_start3A_578 = tpu.memref_slice %arg3[%dma_start3A_566, %add3A, %add3A_565, %dma_start3A_577] : memref<2x32x80x125xi32, #tpu.memory_space<hbm>> -> memref<1x1x1x125xi32, #tpu.memory_space<hbm>>
        %dma_start3A_579 = tpu.memref_squeeze %dma_start3A_578 : memref<1x1x1x125xi32, #tpu.memory_space<hbm>> -> memref<125xi32, #tpu.memory_space<hbm>>
        tpu.enqueue_dma source(%dma_start3A_579 : memref<125xi32, #tpu.memory_space<hbm>>) target(%dma_start3A_576 : memref<125xi32, #tpu.memory_space<vmem>>) target_semaphore(%arg26 : memref<!tpu.dma_semaphore, #tpu.memory_space<semaphore_mem>>)
        %add3A_580 = arith.constant 2 : i32
        %add3A_581 = arith.addi %add3A_519, %add3A_580 : i32
        %dma_wait3A_582 = arith.constant 0 : i32
        %dma_wait3A_583 = arith.constant 0 : i32
        %dma_wait3A_584 = arith.constant 0 : i32
        %dma_wait3A_585 = tpu.memref_slice %arg8[%dma_wait3A_583, %dma_wait3A_584] : memref<2x125xi32, #tpu.memory_space<vmem>> -> memref<1x125xi32, #tpu.memory_space<vmem>>
        %dma_wait3A_586 = tpu.memref_squeeze %dma_wait3A_585 : memref<1x125xi32, #tpu.memory_space<vmem>> -> memref<125xi32, #tpu.memory_space<vmem>>
        %dma_wait3A_587 = arith.constant 0 : i32
        %dma_wait3A_588 = tpu.memref_slice %arg3[%dma_wait3A_582, %add3A, %add3A_581, %dma_wait3A_587] : memref<2x32x80x125xi32, #tpu.memory_space<hbm>> -> memref<1x1x1x125xi32, #tpu.memory_space<hbm>>
        %dma_wait3A_589 = tpu.memref_squeeze %dma_wait3A_588 : memref<1x1x1x125xi32, #tpu.memory_space<hbm>> -> memref<125xi32, #tpu.memory_space<hbm>>
        %dma_wait3A_590 = arith.constant 0 : i32
        %dma_wait3A_591 = tpu.memref_slice %arg8[%dma_wait3A_583, %dma_wait3A_590] : memref<2x125xi32, #tpu.memory_space<vmem>> -> memref<1x125xi32, #tpu.memory_space<vmem>>
        %dma_wait3A_592 = tpu.memref_squeeze %dma_wait3A_591 : memref<1x125xi32, #tpu.memory_space<vmem>> -> memref<125xi32, #tpu.memory_space<vmem>>
        %dma_wait3A_593 = arith.constant 0 : i32
        %dma_wait3A_594 = tpu.memref_slice %arg3[%dma_wait3A_582, %add3A, %add3A_581, %dma_wait3A_593] : memref<2x32x80x125xi32, #tpu.memory_space<hbm>> -> memref<1x1x1x125xi32, #tpu.memory_space<hbm>>
        %dma_wait3A_595 = tpu.memref_squeeze %dma_wait3A_594 : memref<1x1x1x125xi32, #tpu.memory_space<hbm>> -> memref<125xi32, #tpu.memory_space<hbm>>
        tpu.wait_dma2 semaphore(%arg26 : memref<!tpu.dma_semaphore, #tpu.memory_space<semaphore_mem>>) src(%dma_wait3A_595 : memref<125xi32, #tpu.memory_space<hbm>>) dst(%dma_wait3A_592 : memref<125xi32, #tpu.memory_space<vmem>>)
        %add3A_596 = arith.constant 2 : i32
        %add3A_597 = arith.addi %add3A_519, %add3A_596 : i32
        %dma_wait3A_598 = arith.constant 1 : i32
        %dma_wait3A_599 = arith.constant 1 : i32
        %dma_wait3A_600 = arith.constant 0 : i32
        %dma_wait3A_601 = tpu.memref_slice %arg8[%dma_wait3A_599, %dma_wait3A_600] : memref<2x125xi32, #tpu.memory_space<vmem>> -> memref<1x125xi32, #tpu.memory_space<vmem>>
        %dma_wait3A_602 = tpu.memref_squeeze %dma_wait3A_601 : memref<1x125xi32, #tpu.memory_space<vmem>> -> memref<125xi32, #tpu.memory_space<vmem>>
        %dma_wait3A_603 = arith.constant 0 : i32
        %dma_wait3A_604 = tpu.memref_slice %arg3[%dma_wait3A_598, %add3A, %add3A_597, %dma_wait3A_603] : memref<2x32x80x125xi32, #tpu.memory_space<hbm>> -> memref<1x1x1x125xi32, #tpu.memory_space<hbm>>
        %dma_wait3A_605 = tpu.memref_squeeze %dma_wait3A_604 : memref<1x1x1x125xi32, #tpu.memory_space<hbm>> -> memref<125xi32, #tpu.memory_space<hbm>>
        %dma_wait3A_606 = arith.constant 0 : i32
        %dma_wait3A_607 = tpu.memref_slice %arg8[%dma_wait3A_599, %dma_wait3A_606] : memref<2x125xi32, #tpu.memory_space<vmem>> -> memref<1x125xi32, #tpu.memory_space<vmem>>
        %dma_wait3A_608 = tpu.memref_squeeze %dma_wait3A_607 : memref<1x125xi32, #tpu.memory_space<vmem>> -> memref<125xi32, #tpu.memory_space<vmem>>
        %dma_wait3A_609 = arith.constant 0 : i32
        %dma_wait3A_610 = tpu.memref_slice %arg3[%dma_wait3A_598, %add3A, %add3A_597, %dma_wait3A_609] : memref<2x32x80x125xi32, #tpu.memory_space<hbm>> -> memref<1x1x1x125xi32, #tpu.memory_space<hbm>>
        %dma_wait3A_611 = tpu.memref_squeeze %dma_wait3A_610 : memref<1x1x1x125xi32, #tpu.memory_space<hbm>> -> memref<125xi32, #tpu.memory_space<hbm>>
        tpu.wait_dma2 semaphore(%arg26 : memref<!tpu.dma_semaphore, #tpu.memory_space<semaphore_mem>>) src(%dma_wait3A_611 : memref<125xi32, #tpu.memory_space<hbm>>) dst(%dma_wait3A_608 : memref<125xi32, #tpu.memory_space<vmem>>)
        %dma_start3A_612 = arith.constant 0 : i32
        %dma_start3A_613 = arith.constant 0 : i32
        %dma_start3A_614 = tpu.memref_slice %arg8[%dma_start3A_612, %dma_start3A_613] : memref<2x125xi32, #tpu.memory_space<vmem>> -> memref<1x125xi32, #tpu.memory_space<vmem>>
        %dma_start3A_615 = tpu.memref_squeeze %dma_start3A_614 : memref<1x125xi32, #tpu.memory_space<vmem>> -> memref<125xi32, #tpu.memory_space<vmem>>
        %dma_start3A_616 = arith.constant 0 : i32
        %dma_start3A_617 = arith.constant 0 : i32
        %dma_start3A_618 = tpu.memref_slice %arg2[%dma_start3A_616, %dma_start3A_617] : memref<10000x128xf32, #tpu.memory_space<hbm>> -> memref<10000x128xf32, #tpu.memory_space<hbm>>
        tpu.enqueue_indirect_dma source(%dma_start3A_618 : memref<10000x128xf32, #tpu.memory_space<hbm>>) target(%arg11 : memref<125x128xf32, #tpu.memory_space<vmem>>) offsets(%dma_start3A_615 : memref<125xi32, #tpu.memory_space<vmem>>) semaphore(%arg17 : memref<!tpu.dma_semaphore, #tpu.memory_space<semaphore_mem>>)
      } else {
      }
    }
    %scan3A_398 = arith.constant 25 : i32
    %dma_wait3A_399 = arith.constant 0 : i32
    %dma_wait3A_400 = arith.constant 0 : i32
    %dma_wait3A_401 = tpu.memref_slice %arg7[%dma_wait3A_399, %dma_wait3A_400] : memref<2x125xi32, #tpu.memory_space<vmem>> -> memref<1x125xi32, #tpu.memory_space<vmem>>
    %dma_wait3A_402 = tpu.memref_squeeze %dma_wait3A_401 : memref<1x125xi32, #tpu.memory_space<vmem>> -> memref<125xi32, #tpu.memory_space<vmem>>
    %dma_wait3A_403 = arith.constant 0 : i32
    %dma_wait3A_404 = arith.constant 0 : i32
    %dma_wait3A_405 = tpu.memref_slice %arg2[%dma_wait3A_403, %dma_wait3A_404] : memref<10000x128xf32, #tpu.memory_space<hbm>> -> memref<10000x128xf32, #tpu.memory_space<hbm>>
    tpu.wait_indirect_dma semaphore(%arg16 : memref<!tpu.dma_semaphore, #tpu.memory_space<semaphore_mem>>) src(%dma_wait3A_405 : memref<10000x128xf32, #tpu.memory_space<hbm>>) dst(%arg10 : memref<125x128xf32, #tpu.memory_space<vmem>>)
    %dma_start3A_406 = arith.constant 1 : i32
    %dma_start3A_407 = arith.constant 0 : i32
    %dma_start3A_408 = tpu.memref_slice %arg7[%dma_start3A_406, %dma_start3A_407] : memref<2x125xi32, #tpu.memory_space<vmem>> -> memref<1x125xi32, #tpu.memory_space<vmem>>
    %dma_start3A_409 = tpu.memref_squeeze %dma_start3A_408 : memref<1x125xi32, #tpu.memory_space<vmem>> -> memref<125xi32, #tpu.memory_space<vmem>>
    %dma_start3A_410 = arith.constant 0 : i32
    %dma_start3A_411 = arith.constant 0 : i32
    %dma_start3A_412 = tpu.memref_slice %arg14[%dma_start3A_410, %dma_start3A_411] : memref<10000x128xf32, #tpu.memory_space<vmem_shared>> -> memref<10000x128xf32, #tpu.memory_space<vmem_shared>>
    tpu.enqueue_indirect_dma source(%arg10 : memref<125x128xf32, #tpu.memory_space<vmem>>) target(%dma_start3A_412 : memref<10000x128xf32, #tpu.memory_space<vmem_shared>>) offsets(%dma_start3A_409 : memref<125xi32, #tpu.memory_space<vmem>>) semaphore(%arg19 : memref<!tpu.dma_semaphore, #tpu.memory_space<semaphore_mem>>) {add = true}
    %dma_wait3A_413 = arith.constant 1 : i32
    %dma_wait3A_414 = arith.constant 0 : i32
    %dma_wait3A_415 = tpu.memref_slice %arg9[%dma_wait3A_413, %dma_wait3A_414] : memref<2x125xi32, #tpu.memory_space<vmem>> -> memref<1x125xi32, #tpu.memory_space<vmem>>
    %dma_wait3A_416 = tpu.memref_squeeze %dma_wait3A_415 : memref<1x125xi32, #tpu.memory_space<vmem>> -> memref<125xi32, #tpu.memory_space<vmem>>
    %dma_wait3A_417 = arith.constant 0 : i32
    %dma_wait3A_418 = arith.constant 0 : i32
    %dma_wait3A_419 = tpu.memref_slice %arg14[%dma_wait3A_417, %dma_wait3A_418] : memref<10000x128xf32, #tpu.memory_space<vmem_shared>> -> memref<10000x128xf32, #tpu.memory_space<vmem_shared>>
    tpu.wait_indirect_dma semaphore(%arg21 : memref<!tpu.dma_semaphore, #tpu.memory_space<semaphore_mem>>) src(%arg12 : memref<125x128xf32, #tpu.memory_space<vmem>>) dst(%dma_wait3A_419 : memref<10000x128xf32, #tpu.memory_space<vmem_shared>>)
    %dma_wait3A_420 = arith.constant 0 : i32
    %dma_wait3A_421 = arith.constant 0 : i32
    %dma_wait3A_422 = tpu.memref_slice %arg8[%dma_wait3A_420, %dma_wait3A_421] : memref<2x125xi32, #tpu.memory_space<vmem>> -> memref<1x125xi32, #tpu.memory_space<vmem>>
    %dma_wait3A_423 = tpu.memref_squeeze %dma_wait3A_422 : memref<1x125xi32, #tpu.memory_space<vmem>> -> memref<125xi32, #tpu.memory_space<vmem>>
    %dma_wait3A_424 = arith.constant 0 : i32
    %dma_wait3A_425 = arith.constant 0 : i32
    %dma_wait3A_426 = tpu.memref_slice %arg2[%dma_wait3A_424, %dma_wait3A_425] : memref<10000x128xf32, #tpu.memory_space<hbm>> -> memref<10000x128xf32, #tpu.memory_space<hbm>>
    tpu.wait_indirect_dma semaphore(%arg17 : memref<!tpu.dma_semaphore, #tpu.memory_space<semaphore_mem>>) src(%dma_wait3A_426 : memref<10000x128xf32, #tpu.memory_space<hbm>>) dst(%arg11 : memref<125x128xf32, #tpu.memory_space<vmem>>)
    %dma_start3A_427 = arith.constant 1 : i32
    %dma_start3A_428 = arith.constant 0 : i32
    %dma_start3A_429 = tpu.memref_slice %arg8[%dma_start3A_427, %dma_start3A_428] : memref<2x125xi32, #tpu.memory_space<vmem>> -> memref<1x125xi32, #tpu.memory_space<vmem>>
    %dma_start3A_430 = tpu.memref_squeeze %dma_start3A_429 : memref<1x125xi32, #tpu.memory_space<vmem>> -> memref<125xi32, #tpu.memory_space<vmem>>
    %dma_start3A_431 = arith.constant 0 : i32
    %dma_start3A_432 = arith.constant 0 : i32
    %dma_start3A_433 = tpu.memref_slice %arg14[%dma_start3A_431, %dma_start3A_432] : memref<10000x128xf32, #tpu.memory_space<vmem_shared>> -> memref<10000x128xf32, #tpu.memory_space<vmem_shared>>
    tpu.enqueue_indirect_dma source(%arg11 : memref<125x128xf32, #tpu.memory_space<vmem>>) target(%dma_start3A_433 : memref<10000x128xf32, #tpu.memory_space<vmem_shared>>) offsets(%dma_start3A_430 : memref<125xi32, #tpu.memory_space<vmem>>) semaphore(%arg20 : memref<!tpu.dma_semaphore, #tpu.memory_space<semaphore_mem>>) {add = true}
    %dma_wait3A_434 = arith.constant 1 : i32
    %dma_wait3A_435 = arith.constant 0 : i32
    %dma_wait3A_436 = tpu.memref_slice %arg7[%dma_wait3A_434, %dma_wait3A_435] : memref<2x125xi32, #tpu.memory_space<vmem>> -> memref<1x125xi32, #tpu.memory_space<vmem>>
    %dma_wait3A_437 = tpu.memref_squeeze %dma_wait3A_436 : memref<1x125xi32, #tpu.memory_space<vmem>> -> memref<125xi32, #tpu.memory_space<vmem>>
    %dma_wait3A_438 = arith.constant 0 : i32
    %dma_wait3A_439 = arith.constant 0 : i32
    %dma_wait3A_440 = tpu.memref_slice %arg14[%dma_wait3A_438, %dma_wait3A_439] : memref<10000x128xf32, #tpu.memory_space<vmem_shared>> -> memref<10000x128xf32, #tpu.memory_space<vmem_shared>>
    tpu.wait_indirect_dma semaphore(%arg19 : memref<!tpu.dma_semaphore, #tpu.memory_space<semaphore_mem>>) src(%arg10 : memref<125x128xf32, #tpu.memory_space<vmem>>) dst(%dma_wait3A_440 : memref<10000x128xf32, #tpu.memory_space<vmem_shared>>)
    %dma_wait3A_441 = arith.constant 1 : i32
    %dma_wait3A_442 = arith.constant 0 : i32
    %dma_wait3A_443 = tpu.memref_slice %arg8[%dma_wait3A_441, %dma_wait3A_442] : memref<2x125xi32, #tpu.memory_space<vmem>> -> memref<1x125xi32, #tpu.memory_space<vmem>>
    %dma_wait3A_444 = tpu.memref_squeeze %dma_wait3A_443 : memref<1x125xi32, #tpu.memory_space<vmem>> -> memref<125xi32, #tpu.memory_space<vmem>>
    %dma_wait3A_445 = arith.constant 0 : i32
    %dma_wait3A_446 = arith.constant 0 : i32
    %dma_wait3A_447 = tpu.memref_slice %arg14[%dma_wait3A_445, %dma_wait3A_446] : memref<10000x128xf32, #tpu.memory_space<vmem_shared>> -> memref<10000x128xf32, #tpu.memory_space<vmem_shared>>
    tpu.wait_indirect_dma semaphore(%arg20 : memref<!tpu.dma_semaphore, #tpu.memory_space<semaphore_mem>>) src(%arg11 : memref<125x128xf32, #tpu.memory_space<vmem>>) dst(%dma_wait3A_447 : memref<10000x128xf32, #tpu.memory_space<vmem_shared>>)
    %barrier3A_448 = arith.constant 0 : index
    tpu.barrier barrier_id(%barrier3A_448)
    %mul3A_449 = arith.constant 624 : i32
    %mul3A_450 = arith.muli %arg1, %mul3A_449 : i32
    "tpu.region"() ({
      %run_scoped3A = tpu.sem_alloc : memref<!tpu.dma_semaphore, #tpu.memory_space<semaphore_mem>>
      %dma_start3A_456 = arith.constant 0 : i32
      %dma_start3A_457 = tpu.memref_slice %arg6[%arg0, %mul3A_450, %dma_start3A_456] : memref<2x10000x128xf32, #tpu.memory_space<hbm>> -> memref<1x624x128xf32, #tpu.memory_space<hbm>>
      %dma_start3A_458 = tpu.memref_squeeze %dma_start3A_457 : memref<1x624x128xf32, #tpu.memory_space<hbm>> -> memref<624x128xf32, #tpu.memory_space<hbm>>
      %dma_start3A_459 = arith.constant 0 : i32
      %dma_start3A_460 = tpu.memref_slice %arg14[%mul3A_450, %dma_start3A_459] : memref<10000x128xf32, #tpu.memory_space<vmem_shared>> -> memref<624x128xf32, #tpu.memory_space<vmem_shared>>
      tpu.enqueue_dma source(%dma_start3A_460 : memref<624x128xf32, #tpu.memory_space<vmem_shared>>) target(%dma_start3A_458 : memref<624x128xf32, #tpu.memory_space<hbm>>) target_semaphore(%run_scoped3A : memref<!tpu.dma_semaphore, #tpu.memory_space<semaphore_mem>>)
      %dma_wait3A_461 = arith.constant 0 : i32
      %dma_wait3A_462 = tpu.memref_slice %arg6[%arg0, %mul3A_450, %dma_wait3A_461] : memref<2x10000x128xf32, #tpu.memory_space<hbm>> -> memref<1x624x128xf32, #tpu.memory_space<hbm>>
      %dma_wait3A_463 = tpu.memref_squeeze %dma_wait3A_462 : memref<1x624x128xf32, #tpu.memory_space<hbm>> -> memref<624x128xf32, #tpu.memory_space<hbm>>
      %dma_wait3A_464 = arith.constant 0 : i32
      %dma_wait3A_465 = tpu.memref_slice %arg14[%mul3A_450, %dma_wait3A_464] : memref<10000x128xf32, #tpu.memory_space<vmem_shared>> -> memref<624x128xf32, #tpu.memory_space<vmem_shared>>
      tpu.wait_dma2 semaphore(%run_scoped3A : memref<!tpu.dma_semaphore, #tpu.memory_space<semaphore_mem>>) src(%dma_wait3A_465 : memref<624x128xf32, #tpu.memory_space<vmem_shared>>) dst(%dma_wait3A_463 : memref<624x128xf32, #tpu.memory_space<hbm>>)
      tpu.yield
    }) : () -> ()
    %eq3A_451 = arith.constant 15 : i32
    %eq3A_452 = arith.cmpi eq, %arg1, %eq3A_451 : i32
    %convert_element_type3A_453 = arith.extui %eq3A_452 : i1 to i32
    %cond3A_454 = arith.constant 0 : i32
    %cond3A_455 = arith.cmpi ne, %convert_element_type3A_453, %cond3A_454 : i32
    scf.if %cond3A_455 {
      "tpu.region"() ({
        %run_scoped3A = tpu.sem_alloc : memref<!tpu.dma_semaphore, #tpu.memory_space<semaphore_mem>>
        %dma_start3A_456 = arith.constant 9984 : i32
        %dma_start3A_457 = arith.constant 0 : i32
        %dma_start3A_458 = tpu.memref_slice %arg6[%arg0, %dma_start3A_456, %dma_start3A_457] : memref<2x10000x128xf32, #tpu.memory_space<hbm>> -> memref<1x16x128xf32, #tpu.memory_space<hbm>>
        %dma_start3A_459 = tpu.memref_squeeze %dma_start3A_458 : memref<1x16x128xf32, #tpu.memory_space<hbm>> -> memref<16x128xf32, #tpu.memory_space<hbm>>
        %dma_start3A_460 = arith.constant 9984 : i32
        %dma_start3A_461 = arith.constant 0 : i32
        %dma_start3A_462 = tpu.memref_slice %arg14[%dma_start3A_460, %dma_start3A_461] : memref<10000x128xf32, #tpu.memory_space<vmem_shared>> -> memref<16x128xf32, #tpu.memory_space<vmem_shared>>
        tpu.enqueue_dma source(%dma_start3A_462 : memref<16x128xf32, #tpu.memory_space<vmem_shared>>) target(%dma_start3A_459 : memref<16x128xf32, #tpu.memory_space<hbm>>) target_semaphore(%run_scoped3A : memref<!tpu.dma_semaphore, #tpu.memory_space<semaphore_mem>>)
        %dma_wait3A_463 = arith.constant 9984 : i32
        %dma_wait3A_464 = arith.constant 0 : i32
        %dma_wait3A_465 = tpu.memref_slice %arg6[%arg0, %dma_wait3A_463, %dma_wait3A_464] : memref<2x10000x128xf32, #tpu.memory_space<hbm>> -> memref<1x16x128xf32, #tpu.memory_space<hbm>>
        %dma_wait3A_466 = tpu.memref_squeeze %dma_wait3A_465 : memref<1x16x128xf32, #tpu.memory_space<hbm>> -> memref<16x128xf32, #tpu.memory_space<hbm>>
        %dma_wait3A_467 = arith.constant 9984 : i32
        %dma_wait3A_468 = arith.constant 0 : i32
        %dma_wait3A_469 = tpu.memref_slice %arg14[%dma_wait3A_467, %dma_wait3A_468] : memref<10000x128xf32, #tpu.memory_space<vmem_shared>> -> memref<16x128xf32, #tpu.memory_space<vmem_shared>>
        tpu.wait_dma2 semaphore(%run_scoped3A : memref<!tpu.dma_semaphore, #tpu.memory_space<semaphore_mem>>) src(%dma_wait3A_469 : memref<16x128xf32, #tpu.memory_space<vmem_shared>>) dst(%dma_wait3A_466 : memref<16x128xf32, #tpu.memory_space<hbm>>)
        tpu.yield
      }) : () -> ()
    } else {
    }
    return
  }
}

#map = affine_map<(d0, d1) -> (0, 0)>
#map1 = affine_map<(d0, d1) -> (0, 0, 0, 0)>
#map2 = affine_map<(d0, d1) -> (0)>
#map3 = affine_map<(d0, d1) -> (0, 0, 0)>
module attributes {stable_mosaic.version = 14 : i64} {
  func.func @body(%arg0: i32, %arg1: i32, %arg2: memref<10000x128xf32, #tpu.memory_space<hbm>>, %arg3: memref<2x32x80x125xi32, #tpu.memory_space<hbm>>, %arg4: memref<624x128xf32, #tpu.memory_space<hbm>>, %arg5: memref<10000xf32, #tpu.memory_space<hbm>>, %arg6: memref<2x10000x128xf32, #tpu.memory_space<hbm>>, %arg7: memref<2x10000xf32, #tpu.memory_space<hbm>>, %arg8: memref<2x125xi32, #tpu.memory_space<vmem>>, %arg9: memref<2x125xi32, #tpu.memory_space<vmem>>, %arg10: memref<2x125xi32, #tpu.memory_space<vmem>>, %arg11: memref<125x128xf32, #tpu.memory_space<vmem>>, %arg12: memref<125x128xf32, #tpu.memory_space<vmem>>, %arg13: memref<125x128xf32, #tpu.memory_space<vmem>>, %arg14: memref<128xf32, #tpu.memory_space<vmem>>, %arg15: memref<10000x128xf32, #tpu.memory_space<vmem_shared>>, %arg16: memref<10000xf32, #tpu.memory_space<vmem_shared>>, %arg17: memref<!tpu.dma_semaphore, #tpu.memory_space<semaphore_mem>>, %arg18: memref<!tpu.dma_semaphore, #tpu.memory_space<semaphore_mem>>, %arg19: memref<!tpu.dma_semaphore, #tpu.memory_space<semaphore_mem>>, %arg20: memref<!tpu.dma_semaphore, #tpu.memory_space<semaphore_mem>>, %arg21: memref<!tpu.dma_semaphore, #tpu.memory_space<semaphore_mem>>, %arg22: memref<!tpu.dma_semaphore, #tpu.memory_space<semaphore_mem>>, %arg23: memref<!tpu.dma_semaphore, #tpu.memory_space<semaphore_mem>>, %arg24: memref<!tpu.dma_semaphore, #tpu.memory_space<semaphore_mem>>, %arg25: memref<!tpu.dma_semaphore, #tpu.memory_space<semaphore_mem>>, %arg26: memref<!tpu.dma_semaphore, #tpu.memory_space<semaphore_mem>>, %arg27: memref<!tpu.dma_semaphore, #tpu.memory_space<semaphore_mem>>, %arg28: memref<!tpu.dma_semaphore, #tpu.memory_space<semaphore_mem>>) attributes {dimension_semantics = [#tpu.dimension_semantics<core_parallel>, #tpu.dimension_semantics<subcore_parallel>], iteration_bounds = array<i64: 2, 16>, scalar_prefetch = 0 : i64, scratch_operands = 21 : i64, tpu.core_type = #tpu.core_type<sc_vector_subcore>, window_params = [{transform_indices = #map}, {transform_indices = #map1}, {transform_indices = #map}, {transform_indices = #map2}, {transform_indices = #map3}, {transform_indices = #map}]} {
    %mul3A = arith.constant 16 : i32
    %mul3A_0 = arith.muli %arg0, %mul3A : i32
    %add3A = arith.addi %mul3A_0, %arg1 : i32
    %dma_start3A = arith.constant 0 : i32
    %dma_start3A_1 = arith.constant 0 : i32
    %dma_start3A_2 = arith.constant 0 : i32
    %dma_start3A_3 = arith.constant 0 : i32
    %dma_start3A_4 = tpu.memref_slice %arg8[%dma_start3A_2, %dma_start3A_3] : memref<2x125xi32, #tpu.memory_space<vmem>> -> memref<1x125xi32, #tpu.memory_space<vmem>>
    %dma_start3A_5 = tpu.memref_squeeze %dma_start3A_4 : memref<1x125xi32, #tpu.memory_space<vmem>> -> memref<125xi32, #tpu.memory_space<vmem>>
    %dma_start3A_6 = arith.constant 0 : i32
    %dma_start3A_7 = tpu.memref_slice %arg3[%dma_start3A, %add3A, %dma_start3A_1, %dma_start3A_6] : memref<2x32x80x125xi32, #tpu.memory_space<hbm>> -> memref<1x1x1x125xi32, #tpu.memory_space<hbm>>
    %dma_start3A_8 = tpu.memref_squeeze %dma_start3A_7 : memref<1x1x1x125xi32, #tpu.memory_space<hbm>> -> memref<125xi32, #tpu.memory_space<hbm>>
    %dma_start3A_9 = arith.constant 0 : i32
    %dma_start3A_10 = tpu.memref_slice %arg8[%dma_start3A_2, %dma_start3A_9] : memref<2x125xi32, #tpu.memory_space<vmem>> -> memref<1x125xi32, #tpu.memory_space<vmem>>
    %dma_start3A_11 = tpu.memref_squeeze %dma_start3A_10 : memref<1x125xi32, #tpu.memory_space<vmem>> -> memref<125xi32, #tpu.memory_space<vmem>>
    %dma_start3A_12 = arith.constant 0 : i32
    %dma_start3A_13 = tpu.memref_slice %arg3[%dma_start3A, %add3A, %dma_start3A_1, %dma_start3A_12] : memref<2x32x80x125xi32, #tpu.memory_space<hbm>> -> memref<1x1x1x125xi32, #tpu.memory_space<hbm>>
    %dma_start3A_14 = tpu.memref_squeeze %dma_start3A_13 : memref<1x1x1x125xi32, #tpu.memory_space<hbm>> -> memref<125xi32, #tpu.memory_space<hbm>>
    tpu.enqueue_dma source(%dma_start3A_14 : memref<125xi32, #tpu.memory_space<hbm>>) target(%dma_start3A_11 : memref<125xi32, #tpu.memory_space<vmem>>) target_semaphore(%arg26 : memref<!tpu.dma_semaphore, #tpu.memory_space<semaphore_mem>>)
    %dma_start3A_15 = arith.constant 1 : i32
    %dma_start3A_16 = arith.constant 0 : i32
    %dma_start3A_17 = arith.constant 1 : i32
    %dma_start3A_18 = arith.constant 0 : i32
    %dma_start3A_19 = tpu.memref_slice %arg8[%dma_start3A_17, %dma_start3A_18] : memref<2x125xi32, #tpu.memory_space<vmem>> -> memref<1x125xi32, #tpu.memory_space<vmem>>
    %dma_start3A_20 = tpu.memref_squeeze %dma_start3A_19 : memref<1x125xi32, #tpu.memory_space<vmem>> -> memref<125xi32, #tpu.memory_space<vmem>>
    %dma_start3A_21 = arith.constant 0 : i32
    %dma_start3A_22 = tpu.memref_slice %arg3[%dma_start3A_15, %add3A, %dma_start3A_16, %dma_start3A_21] : memref<2x32x80x125xi32, #tpu.memory_space<hbm>> -> memref<1x1x1x125xi32, #tpu.memory_space<hbm>>
    %dma_start3A_23 = tpu.memref_squeeze %dma_start3A_22 : memref<1x1x1x125xi32, #tpu.memory_space<hbm>> -> memref<125xi32, #tpu.memory_space<hbm>>
    %dma_start3A_24 = arith.constant 0 : i32
    %dma_start3A_25 = tpu.memref_slice %arg8[%dma_start3A_17, %dma_start3A_24] : memref<2x125xi32, #tpu.memory_space<vmem>> -> memref<1x125xi32, #tpu.memory_space<vmem>>
    %dma_start3A_26 = tpu.memref_squeeze %dma_start3A_25 : memref<1x125xi32, #tpu.memory_space<vmem>> -> memref<125xi32, #tpu.memory_space<vmem>>
    %dma_start3A_27 = arith.constant 0 : i32
    %dma_start3A_28 = tpu.memref_slice %arg3[%dma_start3A_15, %add3A, %dma_start3A_16, %dma_start3A_27] : memref<2x32x80x125xi32, #tpu.memory_space<hbm>> -> memref<1x1x1x125xi32, #tpu.memory_space<hbm>>
    %dma_start3A_29 = tpu.memref_squeeze %dma_start3A_28 : memref<1x1x1x125xi32, #tpu.memory_space<hbm>> -> memref<125xi32, #tpu.memory_space<hbm>>
    tpu.enqueue_dma source(%dma_start3A_29 : memref<125xi32, #tpu.memory_space<hbm>>) target(%dma_start3A_26 : memref<125xi32, #tpu.memory_space<vmem>>) target_semaphore(%arg26 : memref<!tpu.dma_semaphore, #tpu.memory_space<semaphore_mem>>)
    %dma_start3A_30 = arith.constant 0 : i32
    %dma_start3A_31 = arith.constant 1 : i32
    %dma_start3A_32 = arith.constant 0 : i32
    %dma_start3A_33 = arith.constant 0 : i32
    %dma_start3A_34 = tpu.memref_slice %arg9[%dma_start3A_32, %dma_start3A_33] : memref<2x125xi32, #tpu.memory_space<vmem>> -> memref<1x125xi32, #tpu.memory_space<vmem>>
    %dma_start3A_35 = tpu.memref_squeeze %dma_start3A_34 : memref<1x125xi32, #tpu.memory_space<vmem>> -> memref<125xi32, #tpu.memory_space<vmem>>
    %dma_start3A_36 = arith.constant 0 : i32
    %dma_start3A_37 = tpu.memref_slice %arg3[%dma_start3A_30, %add3A, %dma_start3A_31, %dma_start3A_36] : memref<2x32x80x125xi32, #tpu.memory_space<hbm>> -> memref<1x1x1x125xi32, #tpu.memory_space<hbm>>
    %dma_start3A_38 = tpu.memref_squeeze %dma_start3A_37 : memref<1x1x1x125xi32, #tpu.memory_space<hbm>> -> memref<125xi32, #tpu.memory_space<hbm>>
    %dma_start3A_39 = arith.constant 0 : i32
    %dma_start3A_40 = tpu.memref_slice %arg9[%dma_start3A_32, %dma_start3A_39] : memref<2x125xi32, #tpu.memory_space<vmem>> -> memref<1x125xi32, #tpu.memory_space<vmem>>
    %dma_start3A_41 = tpu.memref_squeeze %dma_start3A_40 : memref<1x125xi32, #tpu.memory_space<vmem>> -> memref<125xi32, #tpu.memory_space<vmem>>
    %dma_start3A_42 = arith.constant 0 : i32
    %dma_start3A_43 = tpu.memref_slice %arg3[%dma_start3A_30, %add3A, %dma_start3A_31, %dma_start3A_42] : memref<2x32x80x125xi32, #tpu.memory_space<hbm>> -> memref<1x1x1x125xi32, #tpu.memory_space<hbm>>
    %dma_start3A_44 = tpu.memref_squeeze %dma_start3A_43 : memref<1x1x1x125xi32, #tpu.memory_space<hbm>> -> memref<125xi32, #tpu.memory_space<hbm>>
    tpu.enqueue_dma source(%dma_start3A_44 : memref<125xi32, #tpu.memory_space<hbm>>) target(%dma_start3A_41 : memref<125xi32, #tpu.memory_space<vmem>>) target_semaphore(%arg27 : memref<!tpu.dma_semaphore, #tpu.memory_space<semaphore_mem>>)
    %dma_start3A_45 = arith.constant 1 : i32
    %dma_start3A_46 = arith.constant 1 : i32
    %dma_start3A_47 = arith.constant 1 : i32
    %dma_start3A_48 = arith.constant 0 : i32
    %dma_start3A_49 = tpu.memref_slice %arg9[%dma_start3A_47, %dma_start3A_48] : memref<2x125xi32, #tpu.memory_space<vmem>> -> memref<1x125xi32, #tpu.memory_space<vmem>>
    %dma_start3A_50 = tpu.memref_squeeze %dma_start3A_49 : memref<1x125xi32, #tpu.memory_space<vmem>> -> memref<125xi32, #tpu.memory_space<vmem>>
    %dma_start3A_51 = arith.constant 0 : i32
    %dma_start3A_52 = tpu.memref_slice %arg3[%dma_start3A_45, %add3A, %dma_start3A_46, %dma_start3A_51] : memref<2x32x80x125xi32, #tpu.memory_space<hbm>> -> memref<1x1x1x125xi32, #tpu.memory_space<hbm>>
    %dma_start3A_53 = tpu.memref_squeeze %dma_start3A_52 : memref<1x1x1x125xi32, #tpu.memory_space<hbm>> -> memref<125xi32, #tpu.memory_space<hbm>>
    %dma_start3A_54 = arith.constant 0 : i32
    %dma_start3A_55 = tpu.memref_slice %arg9[%dma_start3A_47, %dma_start3A_54] : memref<2x125xi32, #tpu.memory_space<vmem>> -> memref<1x125xi32, #tpu.memory_space<vmem>>
    %dma_start3A_56 = tpu.memref_squeeze %dma_start3A_55 : memref<1x125xi32, #tpu.memory_space<vmem>> -> memref<125xi32, #tpu.memory_space<vmem>>
    %dma_start3A_57 = arith.constant 0 : i32
    %dma_start3A_58 = tpu.memref_slice %arg3[%dma_start3A_45, %add3A, %dma_start3A_46, %dma_start3A_57] : memref<2x32x80x125xi32, #tpu.memory_space<hbm>> -> memref<1x1x1x125xi32, #tpu.memory_space<hbm>>
    %dma_start3A_59 = tpu.memref_squeeze %dma_start3A_58 : memref<1x1x1x125xi32, #tpu.memory_space<hbm>> -> memref<125xi32, #tpu.memory_space<hbm>>
    tpu.enqueue_dma source(%dma_start3A_59 : memref<125xi32, #tpu.memory_space<hbm>>) target(%dma_start3A_56 : memref<125xi32, #tpu.memory_space<vmem>>) target_semaphore(%arg27 : memref<!tpu.dma_semaphore, #tpu.memory_space<semaphore_mem>>)
    %mul3A_60 = arith.constant 624 : i32
    %mul3A_61 = arith.muli %arg1, %mul3A_60 : i32
    "tpu.region"() ({
      %run_scoped3A = tpu.sem_alloc : memref<!tpu.dma_semaphore, #tpu.memory_space<semaphore_mem>>
      %dma_start3A_578 = arith.constant 0 : i32
      %dma_start3A_579 = tpu.memref_slice %arg15[%mul3A_61, %dma_start3A_578] : memref<10000x128xf32, #tpu.memory_space<vmem_shared>> -> memref<624x128xf32, #tpu.memory_space<vmem_shared>>
      tpu.enqueue_dma source(%arg4 : memref<624x128xf32, #tpu.memory_space<hbm>>) target(%dma_start3A_579 : memref<624x128xf32, #tpu.memory_space<vmem_shared>>) target_semaphore(%run_scoped3A : memref<!tpu.dma_semaphore, #tpu.memory_space<semaphore_mem>>)
      %dma_wait3A_580 = arith.constant 0 : i32
      %dma_wait3A_581 = tpu.memref_slice %arg15[%mul3A_61, %dma_wait3A_580] : memref<10000x128xf32, #tpu.memory_space<vmem_shared>> -> memref<624x128xf32, #tpu.memory_space<vmem_shared>>
      tpu.wait_dma2 semaphore(%run_scoped3A : memref<!tpu.dma_semaphore, #tpu.memory_space<semaphore_mem>>) src(%arg4 : memref<624x128xf32, #tpu.memory_space<hbm>>) dst(%dma_wait3A_581 : memref<624x128xf32, #tpu.memory_space<vmem_shared>>)
      tpu.yield
    }) : () -> ()
    %eq3A = arith.constant 15 : i32
    %eq3A_62 = arith.cmpi eq, %arg1, %eq3A : i32
    %convert_element_type3A = arith.extui %eq3A_62 : i1 to i32
    %cond3A = arith.constant 0 : i32
    %cond3A_63 = arith.cmpi ne, %convert_element_type3A, %cond3A : i32
    scf.if %cond3A_63 {
      "tpu.region"() ({
        %run_scoped3A = tpu.sem_alloc : memref<!tpu.dma_semaphore, #tpu.memory_space<semaphore_mem>>
        %dma_start3A_578 = arith.constant 9984 : i32
        %dma_start3A_579 = arith.constant 0 : i32
        %dma_start3A_580 = tpu.memref_slice %arg15[%dma_start3A_578, %dma_start3A_579] : memref<10000x128xf32, #tpu.memory_space<vmem_shared>> -> memref<16x128xf32, #tpu.memory_space<vmem_shared>>
        %dma_start3A_581 = arith.constant 0 : i32
        %dma_start3A_582 = arith.constant 0 : i32
        %dma_start3A_583 = tpu.memref_slice %arg4[%dma_start3A_581, %dma_start3A_582] : memref<624x128xf32, #tpu.memory_space<hbm>> -> memref<16x128xf32, #tpu.memory_space<hbm>>
        tpu.enqueue_dma source(%dma_start3A_583 : memref<16x128xf32, #tpu.memory_space<hbm>>) target(%dma_start3A_580 : memref<16x128xf32, #tpu.memory_space<vmem_shared>>) target_semaphore(%run_scoped3A : memref<!tpu.dma_semaphore, #tpu.memory_space<semaphore_mem>>)
        %dma_wait3A_584 = arith.constant 9984 : i32
        %dma_wait3A_585 = arith.constant 0 : i32
        %dma_wait3A_586 = tpu.memref_slice %arg15[%dma_wait3A_584, %dma_wait3A_585] : memref<10000x128xf32, #tpu.memory_space<vmem_shared>> -> memref<16x128xf32, #tpu.memory_space<vmem_shared>>
        %dma_wait3A_587 = arith.constant 0 : i32
        %dma_wait3A_588 = arith.constant 0 : i32
        %dma_wait3A_589 = tpu.memref_slice %arg4[%dma_wait3A_587, %dma_wait3A_588] : memref<624x128xf32, #tpu.memory_space<hbm>> -> memref<16x128xf32, #tpu.memory_space<hbm>>
        tpu.wait_dma2 semaphore(%run_scoped3A : memref<!tpu.dma_semaphore, #tpu.memory_space<semaphore_mem>>) src(%dma_wait3A_589 : memref<16x128xf32, #tpu.memory_space<hbm>>) dst(%dma_wait3A_586 : memref<16x128xf32, #tpu.memory_space<vmem_shared>>)
        tpu.yield
      }) : () -> ()
    } else {
    }
    %eq3A_64 = arith.constant 0 : i32
    %eq3A_65 = arith.cmpi eq, %arg1, %eq3A_64 : i32
    %convert_element_type3A_66 = arith.extui %eq3A_65 : i1 to i32
    %cond3A_67 = arith.constant 0 : i32
    %cond3A_68 = arith.cmpi ne, %convert_element_type3A_66, %cond3A_67 : i32
    scf.if %cond3A_68 {
      "tpu.region"() ({
        %run_scoped3A = tpu.sem_alloc : memref<!tpu.dma_semaphore, #tpu.memory_space<semaphore_mem>>
        tpu.enqueue_dma source(%arg5 : memref<10000xf32, #tpu.memory_space<hbm>>) target(%arg16 : memref<10000xf32, #tpu.memory_space<vmem_shared>>) target_semaphore(%run_scoped3A : memref<!tpu.dma_semaphore, #tpu.memory_space<semaphore_mem>>)
        tpu.wait_dma2 semaphore(%run_scoped3A : memref<!tpu.dma_semaphore, #tpu.memory_space<semaphore_mem>>) src(%arg5 : memref<10000xf32, #tpu.memory_space<hbm>>) dst(%arg16 : memref<10000xf32, #tpu.memory_space<vmem_shared>>)
        tpu.yield
      }) : () -> ()
    } else {
    }
    %broadcast_in_dim3A = arith.constant 1.000000e+00 : f32
    %broadcast_in_dim3A_69 = vector.broadcast %broadcast_in_dim3A : f32 to vector<16xf32>
    %swap3A = arith.constant 0 : index
    %swap3A_70 = tpu.vector_load %arg14[%swap3A] {strides = array<i32>} : memref<128xf32, #tpu.memory_space<vmem>>, vector<16xf32>,
    %swap3A_71 = vector.shape_cast %swap3A_70 : vector<16xf32> to vector<16xf32>
    %swap3A_72 = vector.shape_cast %broadcast_in_dim3A_69 : vector<16xf32> to vector<16xf32>
    tpu.vector_store %arg14[%swap3A], %swap3A_72 {strides = array<i32>} : memref<128xf32, #tpu.memory_space<vmem>>, vector<16xf32>,
    %swap3A_73 = arith.constant 16 : index
    %swap3A_74 = tpu.vector_load %arg14[%swap3A_73] {strides = array<i32>} : memref<128xf32, #tpu.memory_space<vmem>>, vector<16xf32>,
    %swap3A_75 = vector.shape_cast %swap3A_74 : vector<16xf32> to vector<16xf32>
    %swap3A_76 = vector.shape_cast %broadcast_in_dim3A_69 : vector<16xf32> to vector<16xf32>
    tpu.vector_store %arg14[%swap3A_73], %swap3A_76 {strides = array<i32>} : memref<128xf32, #tpu.memory_space<vmem>>, vector<16xf32>,
    %swap3A_77 = arith.constant 32 : index
    %swap3A_78 = tpu.vector_load %arg14[%swap3A_77] {strides = array<i32>} : memref<128xf32, #tpu.memory_space<vmem>>, vector<16xf32>,
    %swap3A_79 = vector.shape_cast %swap3A_78 : vector<16xf32> to vector<16xf32>
    %swap3A_80 = vector.shape_cast %broadcast_in_dim3A_69 : vector<16xf32> to vector<16xf32>
    tpu.vector_store %arg14[%swap3A_77], %swap3A_80 {strides = array<i32>} : memref<128xf32, #tpu.memory_space<vmem>>, vector<16xf32>,
    %swap3A_81 = arith.constant 48 : index
    %swap3A_82 = tpu.vector_load %arg14[%swap3A_81] {strides = array<i32>} : memref<128xf32, #tpu.memory_space<vmem>>, vector<16xf32>,
    %swap3A_83 = vector.shape_cast %swap3A_82 : vector<16xf32> to vector<16xf32>
    %swap3A_84 = vector.shape_cast %broadcast_in_dim3A_69 : vector<16xf32> to vector<16xf32>
    tpu.vector_store %arg14[%swap3A_81], %swap3A_84 {strides = array<i32>} : memref<128xf32, #tpu.memory_space<vmem>>, vector<16xf32>,
    %swap3A_85 = arith.constant 64 : index
    %swap3A_86 = tpu.vector_load %arg14[%swap3A_85] {strides = array<i32>} : memref<128xf32, #tpu.memory_space<vmem>>, vector<16xf32>,
    %swap3A_87 = vector.shape_cast %swap3A_86 : vector<16xf32> to vector<16xf32>
    %swap3A_88 = vector.shape_cast %broadcast_in_dim3A_69 : vector<16xf32> to vector<16xf32>
    tpu.vector_store %arg14[%swap3A_85], %swap3A_88 {strides = array<i32>} : memref<128xf32, #tpu.memory_space<vmem>>, vector<16xf32>,
    %swap3A_89 = arith.constant 80 : index
    %swap3A_90 = tpu.vector_load %arg14[%swap3A_89] {strides = array<i32>} : memref<128xf32, #tpu.memory_space<vmem>>, vector<16xf32>,
    %swap3A_91 = vector.shape_cast %swap3A_90 : vector<16xf32> to vector<16xf32>
    %swap3A_92 = vector.shape_cast %broadcast_in_dim3A_69 : vector<16xf32> to vector<16xf32>
    tpu.vector_store %arg14[%swap3A_89], %swap3A_92 {strides = array<i32>} : memref<128xf32, #tpu.memory_space<vmem>>, vector<16xf32>,
    %swap3A_93 = arith.constant 96 : index
    %swap3A_94 = tpu.vector_load %arg14[%swap3A_93] {strides = array<i32>} : memref<128xf32, #tpu.memory_space<vmem>>, vector<16xf32>,
    %swap3A_95 = vector.shape_cast %swap3A_94 : vector<16xf32> to vector<16xf32>
    %swap3A_96 = vector.shape_cast %broadcast_in_dim3A_69 : vector<16xf32> to vector<16xf32>
    tpu.vector_store %arg14[%swap3A_93], %swap3A_96 {strides = array<i32>} : memref<128xf32, #tpu.memory_space<vmem>>, vector<16xf32>,
    %swap3A_97 = arith.constant 112 : index
    %swap3A_98 = tpu.vector_load %arg14[%swap3A_97] {strides = array<i32>} : memref<128xf32, #tpu.memory_space<vmem>>, vector<16xf32>,
    %swap3A_99 = vector.shape_cast %swap3A_98 : vector<16xf32> to vector<16xf32>
    %swap3A_100 = vector.shape_cast %broadcast_in_dim3A_69 : vector<16xf32> to vector<16xf32>
    tpu.vector_store %arg14[%swap3A_97], %swap3A_100 {strides = array<i32>} : memref<128xf32, #tpu.memory_space<vmem>>, vector<16xf32>,
    %dma_wait3A = arith.constant 0 : i32
    %dma_wait3A_101 = arith.constant 0 : i32
    %dma_wait3A_102 = arith.constant 0 : i32
    %dma_wait3A_103 = arith.constant 0 : i32
    %dma_wait3A_104 = tpu.memref_slice %arg8[%dma_wait3A_102, %dma_wait3A_103] : memref<2x125xi32, #tpu.memory_space<vmem>> -> memref<1x125xi32, #tpu.memory_space<vmem>>
    %dma_wait3A_105 = tpu.memref_squeeze %dma_wait3A_104 : memref<1x125xi32, #tpu.memory_space<vmem>> -> memref<125xi32, #tpu.memory_space<vmem>>
    %dma_wait3A_106 = arith.constant 0 : i32
    %dma_wait3A_107 = tpu.memref_slice %arg3[%dma_wait3A, %add3A, %dma_wait3A_101, %dma_wait3A_106] : memref<2x32x80x125xi32, #tpu.memory_space<hbm>> -> memref<1x1x1x125xi32, #tpu.memory_space<hbm>>
    %dma_wait3A_108 = tpu.memref_squeeze %dma_wait3A_107 : memref<1x1x1x125xi32, #tpu.memory_space<hbm>> -> memref<125xi32, #tpu.memory_space<hbm>>
    %dma_wait3A_109 = arith.constant 0 : i32
    %dma_wait3A_110 = tpu.memref_slice %arg8[%dma_wait3A_102, %dma_wait3A_109] : memref<2x125xi32, #tpu.memory_space<vmem>> -> memref<1x125xi32, #tpu.memory_space<vmem>>
    %dma_wait3A_111 = tpu.memref_squeeze %dma_wait3A_110 : memref<1x125xi32, #tpu.memory_space<vmem>> -> memref<125xi32, #tpu.memory_space<vmem>>
    %dma_wait3A_112 = arith.constant 0 : i32
    %dma_wait3A_113 = tpu.memref_slice %arg3[%dma_wait3A, %add3A, %dma_wait3A_101, %dma_wait3A_112] : memref<2x32x80x125xi32, #tpu.memory_space<hbm>> -> memref<1x1x1x125xi32, #tpu.memory_space<hbm>>
    %dma_wait3A_114 = tpu.memref_squeeze %dma_wait3A_113 : memref<1x1x1x125xi32, #tpu.memory_space<hbm>> -> memref<125xi32, #tpu.memory_space<hbm>>
    tpu.wait_dma2 semaphore(%arg26 : memref<!tpu.dma_semaphore, #tpu.memory_space<semaphore_mem>>) src(%dma_wait3A_114 : memref<125xi32, #tpu.memory_space<hbm>>) dst(%dma_wait3A_111 : memref<125xi32, #tpu.memory_space<vmem>>)
    %dma_wait3A_115 = arith.constant 1 : i32
    %dma_wait3A_116 = arith.constant 0 : i32
    %dma_wait3A_117 = arith.constant 1 : i32
    %dma_wait3A_118 = arith.constant 0 : i32
    %dma_wait3A_119 = tpu.memref_slice %arg8[%dma_wait3A_117, %dma_wait3A_118] : memref<2x125xi32, #tpu.memory_space<vmem>> -> memref<1x125xi32, #tpu.memory_space<vmem>>
    %dma_wait3A_120 = tpu.memref_squeeze %dma_wait3A_119 : memref<1x125xi32, #tpu.memory_space<vmem>> -> memref<125xi32, #tpu.memory_space<vmem>>
    %dma_wait3A_121 = arith.constant 0 : i32
    %dma_wait3A_122 = tpu.memref_slice %arg3[%dma_wait3A_115, %add3A, %dma_wait3A_116, %dma_wait3A_121] : memref<2x32x80x125xi32, #tpu.memory_space<hbm>> -> memref<1x1x1x125xi32, #tpu.memory_space<hbm>>
    %dma_wait3A_123 = tpu.memref_squeeze %dma_wait3A_122 : memref<1x1x1x125xi32, #tpu.memory_space<hbm>> -> memref<125xi32, #tpu.memory_space<hbm>>
    %dma_wait3A_124 = arith.constant 0 : i32
    %dma_wait3A_125 = tpu.memref_slice %arg8[%dma_wait3A_117, %dma_wait3A_124] : memref<2x125xi32, #tpu.memory_space<vmem>> -> memref<1x125xi32, #tpu.memory_space<vmem>>
    %dma_wait3A_126 = tpu.memref_squeeze %dma_wait3A_125 : memref<1x125xi32, #tpu.memory_space<vmem>> -> memref<125xi32, #tpu.memory_space<vmem>>
    %dma_wait3A_127 = arith.constant 0 : i32
    %dma_wait3A_128 = tpu.memref_slice %arg3[%dma_wait3A_115, %add3A, %dma_wait3A_116, %dma_wait3A_127] : memref<2x32x80x125xi32, #tpu.memory_space<hbm>> -> memref<1x1x1x125xi32, #tpu.memory_space<hbm>>
    %dma_wait3A_129 = tpu.memref_squeeze %dma_wait3A_128 : memref<1x1x1x125xi32, #tpu.memory_space<hbm>> -> memref<125xi32, #tpu.memory_space<hbm>>
    tpu.wait_dma2 semaphore(%arg26 : memref<!tpu.dma_semaphore, #tpu.memory_space<semaphore_mem>>) src(%dma_wait3A_129 : memref<125xi32, #tpu.memory_space<hbm>>) dst(%dma_wait3A_126 : memref<125xi32, #tpu.memory_space<vmem>>)
    %dma_start3A_130 = arith.constant 0 : i32
    %dma_start3A_131 = arith.constant 0 : i32
    %dma_start3A_132 = tpu.memref_slice %arg8[%dma_start3A_130, %dma_start3A_131] : memref<2x125xi32, #tpu.memory_space<vmem>> -> memref<1x125xi32, #tpu.memory_space<vmem>>
    %dma_start3A_133 = tpu.memref_squeeze %dma_start3A_132 : memref<1x125xi32, #tpu.memory_space<vmem>> -> memref<125xi32, #tpu.memory_space<vmem>>
    %dma_start3A_134 = arith.constant 0 : i32
    %dma_start3A_135 = arith.constant 0 : i32
    %dma_start3A_136 = tpu.memref_slice %arg2[%dma_start3A_134, %dma_start3A_135] : memref<10000x128xf32, #tpu.memory_space<hbm>> -> memref<10000x128xf32, #tpu.memory_space<hbm>>
    tpu.enqueue_indirect_dma source(%dma_start3A_136 : memref<10000x128xf32, #tpu.memory_space<hbm>>) target(%arg11 : memref<125x128xf32, #tpu.memory_space<vmem>>) offsets(%dma_start3A_133 : memref<125xi32, #tpu.memory_space<vmem>>) semaphore(%arg17 : memref<!tpu.dma_semaphore, #tpu.memory_space<semaphore_mem>>)
    %dma_wait3A_137 = arith.constant 0 : i32
    %dma_wait3A_138 = arith.constant 1 : i32
    %dma_wait3A_139 = arith.constant 0 : i32
    %dma_wait3A_140 = arith.constant 0 : i32
    %dma_wait3A_141 = tpu.memref_slice %arg9[%dma_wait3A_139, %dma_wait3A_140] : memref<2x125xi32, #tpu.memory_space<vmem>> -> memref<1x125xi32, #tpu.memory_space<vmem>>
    %dma_wait3A_142 = tpu.memref_squeeze %dma_wait3A_141 : memref<1x125xi32, #tpu.memory_space<vmem>> -> memref<125xi32, #tpu.memory_space<vmem>>
    %dma_wait3A_143 = arith.constant 0 : i32
    %dma_wait3A_144 = tpu.memref_slice %arg3[%dma_wait3A_137, %add3A, %dma_wait3A_138, %dma_wait3A_143] : memref<2x32x80x125xi32, #tpu.memory_space<hbm>> -> memref<1x1x1x125xi32, #tpu.memory_space<hbm>>
    %dma_wait3A_145 = tpu.memref_squeeze %dma_wait3A_144 : memref<1x1x1x125xi32, #tpu.memory_space<hbm>> -> memref<125xi32, #tpu.memory_space<hbm>>
    %dma_wait3A_146 = arith.constant 0 : i32
    %dma_wait3A_147 = tpu.memref_slice %arg9[%dma_wait3A_139, %dma_wait3A_146] : memref<2x125xi32, #tpu.memory_space<vmem>> -> memref<1x125xi32, #tpu.memory_space<vmem>>
    %dma_wait3A_148 = tpu.memref_squeeze %dma_wait3A_147 : memref<1x125xi32, #tpu.memory_space<vmem>> -> memref<125xi32, #tpu.memory_space<vmem>>
    %dma_wait3A_149 = arith.constant 0 : i32
    %dma_wait3A_150 = tpu.memref_slice %arg3[%dma_wait3A_137, %add3A, %dma_wait3A_138, %dma_wait3A_149] : memref<2x32x80x125xi32, #tpu.memory_space<hbm>> -> memref<1x1x1x125xi32, #tpu.memory_space<hbm>>
    %dma_wait3A_151 = tpu.memref_squeeze %dma_wait3A_150 : memref<1x1x1x125xi32, #tpu.memory_space<hbm>> -> memref<125xi32, #tpu.memory_space<hbm>>
    tpu.wait_dma2 semaphore(%arg27 : memref<!tpu.dma_semaphore, #tpu.memory_space<semaphore_mem>>) src(%dma_wait3A_151 : memref<125xi32, #tpu.memory_space<hbm>>) dst(%dma_wait3A_148 : memref<125xi32, #tpu.memory_space<vmem>>)
    %dma_wait3A_152 = arith.constant 1 : i32
    %dma_wait3A_153 = arith.constant 1 : i32
    %dma_wait3A_154 = arith.constant 1 : i32
    %dma_wait3A_155 = arith.constant 0 : i32
    %dma_wait3A_156 = tpu.memref_slice %arg9[%dma_wait3A_154, %dma_wait3A_155] : memref<2x125xi32, #tpu.memory_space<vmem>> -> memref<1x125xi32, #tpu.memory_space<vmem>>
    %dma_wait3A_157 = tpu.memref_squeeze %dma_wait3A_156 : memref<1x125xi32, #tpu.memory_space<vmem>> -> memref<125xi32, #tpu.memory_space<vmem>>
    %dma_wait3A_158 = arith.constant 0 : i32
    %dma_wait3A_159 = tpu.memref_slice %arg3[%dma_wait3A_152, %add3A, %dma_wait3A_153, %dma_wait3A_158] : memref<2x32x80x125xi32, #tpu.memory_space<hbm>> -> memref<1x1x1x125xi32, #tpu.memory_space<hbm>>
    %dma_wait3A_160 = tpu.memref_squeeze %dma_wait3A_159 : memref<1x1x1x125xi32, #tpu.memory_space<hbm>> -> memref<125xi32, #tpu.memory_space<hbm>>
    %dma_wait3A_161 = arith.constant 0 : i32
    %dma_wait3A_162 = tpu.memref_slice %arg9[%dma_wait3A_154, %dma_wait3A_161] : memref<2x125xi32, #tpu.memory_space<vmem>> -> memref<1x125xi32, #tpu.memory_space<vmem>>
    %dma_wait3A_163 = tpu.memref_squeeze %dma_wait3A_162 : memref<1x125xi32, #tpu.memory_space<vmem>> -> memref<125xi32, #tpu.memory_space<vmem>>
    %dma_wait3A_164 = arith.constant 0 : i32
    %dma_wait3A_165 = tpu.memref_slice %arg3[%dma_wait3A_152, %add3A, %dma_wait3A_153, %dma_wait3A_164] : memref<2x32x80x125xi32, #tpu.memory_space<hbm>> -> memref<1x1x1x125xi32, #tpu.memory_space<hbm>>
    %dma_wait3A_166 = tpu.memref_squeeze %dma_wait3A_165 : memref<1x1x1x125xi32, #tpu.memory_space<hbm>> -> memref<125xi32, #tpu.memory_space<hbm>>
    tpu.wait_dma2 semaphore(%arg27 : memref<!tpu.dma_semaphore, #tpu.memory_space<semaphore_mem>>) src(%dma_wait3A_166 : memref<125xi32, #tpu.memory_space<hbm>>) dst(%dma_wait3A_163 : memref<125xi32, #tpu.memory_space<vmem>>)
    %dma_start3A_167 = arith.constant 0 : i32
    %dma_start3A_168 = arith.constant 0 : i32
    %dma_start3A_169 = tpu.memref_slice %arg9[%dma_start3A_167, %dma_start3A_168] : memref<2x125xi32, #tpu.memory_space<vmem>> -> memref<1x125xi32, #tpu.memory_space<vmem>>
    %dma_start3A_170 = tpu.memref_squeeze %dma_start3A_169 : memref<1x125xi32, #tpu.memory_space<vmem>> -> memref<125xi32, #tpu.memory_space<vmem>>
    %dma_start3A_171 = arith.constant 0 : i32
    %dma_start3A_172 = arith.constant 0 : i32
    %dma_start3A_173 = tpu.memref_slice %arg2[%dma_start3A_171, %dma_start3A_172] : memref<10000x128xf32, #tpu.memory_space<hbm>> -> memref<10000x128xf32, #tpu.memory_space<hbm>>
    tpu.enqueue_indirect_dma source(%dma_start3A_173 : memref<10000x128xf32, #tpu.memory_space<hbm>>) target(%arg12 : memref<125x128xf32, #tpu.memory_space<vmem>>) offsets(%dma_start3A_170 : memref<125xi32, #tpu.memory_space<vmem>>) semaphore(%arg18 : memref<!tpu.dma_semaphore, #tpu.memory_space<semaphore_mem>>)
    %barrier3A = arith.constant 0 : index
    tpu.barrier barrier_id(%barrier3A)
    %dma_wait3A_174 = arith.constant 0 : i32
    %dma_wait3A_175 = arith.constant 0 : i32
    %dma_wait3A_176 = tpu.memref_slice %arg8[%dma_wait3A_174, %dma_wait3A_175] : memref<2x125xi32, #tpu.memory_space<vmem>> -> memref<1x125xi32, #tpu.memory_space<vmem>>
    %dma_wait3A_177 = tpu.memref_squeeze %dma_wait3A_176 : memref<1x125xi32, #tpu.memory_space<vmem>> -> memref<125xi32, #tpu.memory_space<vmem>>
    %dma_wait3A_178 = arith.constant 0 : i32
    %dma_wait3A_179 = arith.constant 0 : i32
    %dma_wait3A_180 = tpu.memref_slice %arg2[%dma_wait3A_178, %dma_wait3A_179] : memref<10000x128xf32, #tpu.memory_space<hbm>> -> memref<10000x128xf32, #tpu.memory_space<hbm>>
    tpu.wait_indirect_dma semaphore(%arg17 : memref<!tpu.dma_semaphore, #tpu.memory_space<semaphore_mem>>) src(%dma_wait3A_180 : memref<10000x128xf32, #tpu.memory_space<hbm>>) dst(%arg11 : memref<125x128xf32, #tpu.memory_space<vmem>>)
    %dma_start3A_181 = arith.constant 1 : i32
    %dma_start3A_182 = arith.constant 0 : i32
    %dma_start3A_183 = tpu.memref_slice %arg8[%dma_start3A_181, %dma_start3A_182] : memref<2x125xi32, #tpu.memory_space<vmem>> -> memref<1x125xi32, #tpu.memory_space<vmem>>
    %dma_start3A_184 = tpu.memref_squeeze %dma_start3A_183 : memref<1x125xi32, #tpu.memory_space<vmem>> -> memref<125xi32, #tpu.memory_space<vmem>>
    %dma_start3A_185 = arith.constant 0 : i32
    %dma_start3A_186 = arith.constant 0 : i32
    %dma_start3A_187 = tpu.memref_slice %arg15[%dma_start3A_185, %dma_start3A_186] : memref<10000x128xf32, #tpu.memory_space<vmem_shared>> -> memref<10000x128xf32, #tpu.memory_space<vmem_shared>>
    tpu.enqueue_indirect_dma source(%arg11 : memref<125x128xf32, #tpu.memory_space<vmem>>) target(%dma_start3A_187 : memref<10000x128xf32, #tpu.memory_space<vmem_shared>>) offsets(%dma_start3A_184 : memref<125xi32, #tpu.memory_space<vmem>>) semaphore(%arg20 : memref<!tpu.dma_semaphore, #tpu.memory_space<semaphore_mem>>) {add = true}
    %dma_start3A_188 = arith.constant 1 : i32
    %dma_start3A_189 = arith.constant 0 : i32
    %dma_start3A_190 = tpu.memref_slice %arg14[%dma_start3A_189] : memref<128xf32, #tpu.memory_space<vmem>> -> memref<125xf32, #tpu.memory_space<vmem>>
    %dma_start3A_191 = arith.constant 0 : i32
    %dma_start3A_192 = tpu.memref_slice %arg8[%dma_start3A_188, %dma_start3A_191] : memref<2x125xi32, #tpu.memory_space<vmem>> -> memref<1x125xi32, #tpu.memory_space<vmem>>
    %dma_start3A_193 = tpu.memref_squeeze %dma_start3A_192 : memref<1x125xi32, #tpu.memory_space<vmem>> -> memref<125xi32, #tpu.memory_space<vmem>>
    %dma_start3A_194 = arith.constant 0 : i32
    %dma_start3A_195 = tpu.memref_slice %arg16[%dma_start3A_194] : memref<10000xf32, #tpu.memory_space<vmem_shared>> -> memref<10000xf32, #tpu.memory_space<vmem_shared>>
    tpu.enqueue_indirect_dma source(%dma_start3A_190 : memref<125xf32, #tpu.memory_space<vmem>>) target(%dma_start3A_195 : memref<10000xf32, #tpu.memory_space<vmem_shared>>) offsets(%dma_start3A_193 : memref<125xi32, #tpu.memory_space<vmem>>) semaphore(%arg23 : memref<!tpu.dma_semaphore, #tpu.memory_space<semaphore_mem>>) {add = true}
    %dma_start3A_196 = arith.constant 0 : i32
    %dma_start3A_197 = arith.constant 2 : i32
    %dma_start3A_198 = arith.constant 0 : i32
    %dma_start3A_199 = arith.constant 0 : i32
    %dma_start3A_200 = tpu.memref_slice %arg10[%dma_start3A_198, %dma_start3A_199] : memref<2x125xi32, #tpu.memory_space<vmem>> -> memref<1x125xi32, #tpu.memory_space<vmem>>
    %dma_start3A_201 = tpu.memref_squeeze %dma_start3A_200 : memref<1x125xi32, #tpu.memory_space<vmem>> -> memref<125xi32, #tpu.memory_space<vmem>>
    %dma_start3A_202 = arith.constant 0 : i32
    %dma_start3A_203 = tpu.memref_slice %arg3[%dma_start3A_196, %add3A, %dma_start3A_197, %dma_start3A_202] : memref<2x32x80x125xi32, #tpu.memory_space<hbm>> -> memref<1x1x1x125xi32, #tpu.memory_space<hbm>>
    %dma_start3A_204 = tpu.memref_squeeze %dma_start3A_203 : memref<1x1x1x125xi32, #tpu.memory_space<hbm>> -> memref<125xi32, #tpu.memory_space<hbm>>
    %dma_start3A_205 = arith.constant 0 : i32
    %dma_start3A_206 = tpu.memref_slice %arg10[%dma_start3A_198, %dma_start3A_205] : memref<2x125xi32, #tpu.memory_space<vmem>> -> memref<1x125xi32, #tpu.memory_space<vmem>>
    %dma_start3A_207 = tpu.memref_squeeze %dma_start3A_206 : memref<1x125xi32, #tpu.memory_space<vmem>> -> memref<125xi32, #tpu.memory_space<vmem>>
    %dma_start3A_208 = arith.constant 0 : i32
    %dma_start3A_209 = tpu.memref_slice %arg3[%dma_start3A_196, %add3A, %dma_start3A_197, %dma_start3A_208] : memref<2x32x80x125xi32, #tpu.memory_space<hbm>> -> memref<1x1x1x125xi32, #tpu.memory_space<hbm>>
    %dma_start3A_210 = tpu.memref_squeeze %dma_start3A_209 : memref<1x1x1x125xi32, #tpu.memory_space<hbm>> -> memref<125xi32, #tpu.memory_space<hbm>>
    tpu.enqueue_dma source(%dma_start3A_210 : memref<125xi32, #tpu.memory_space<hbm>>) target(%dma_start3A_207 : memref<125xi32, #tpu.memory_space<vmem>>) target_semaphore(%arg28 : memref<!tpu.dma_semaphore, #tpu.memory_space<semaphore_mem>>)
    %dma_start3A_211 = arith.constant 1 : i32
    %dma_start3A_212 = arith.constant 2 : i32
    %dma_start3A_213 = arith.constant 1 : i32
    %dma_start3A_214 = arith.constant 0 : i32
    %dma_start3A_215 = tpu.memref_slice %arg10[%dma_start3A_213, %dma_start3A_214] : memref<2x125xi32, #tpu.memory_space<vmem>> -> memref<1x125xi32, #tpu.memory_space<vmem>>
    %dma_start3A_216 = tpu.memref_squeeze %dma_start3A_215 : memref<1x125xi32, #tpu.memory_space<vmem>> -> memref<125xi32, #tpu.memory_space<vmem>>
    %dma_start3A_217 = arith.constant 0 : i32
    %dma_start3A_218 = tpu.memref_slice %arg3[%dma_start3A_211, %add3A, %dma_start3A_212, %dma_start3A_217] : memref<2x32x80x125xi32, #tpu.memory_space<hbm>> -> memref<1x1x1x125xi32, #tpu.memory_space<hbm>>
    %dma_start3A_219 = tpu.memref_squeeze %dma_start3A_218 : memref<1x1x1x125xi32, #tpu.memory_space<hbm>> -> memref<125xi32, #tpu.memory_space<hbm>>
    %dma_start3A_220 = arith.constant 0 : i32
    %dma_start3A_221 = tpu.memref_slice %arg10[%dma_start3A_213, %dma_start3A_220] : memref<2x125xi32, #tpu.memory_space<vmem>> -> memref<1x125xi32, #tpu.memory_space<vmem>>
    %dma_start3A_222 = tpu.memref_squeeze %dma_start3A_221 : memref<1x125xi32, #tpu.memory_space<vmem>> -> memref<125xi32, #tpu.memory_space<vmem>>
    %dma_start3A_223 = arith.constant 0 : i32
    %dma_start3A_224 = tpu.memref_slice %arg3[%dma_start3A_211, %add3A, %dma_start3A_212, %dma_start3A_223] : memref<2x32x80x125xi32, #tpu.memory_space<hbm>> -> memref<1x1x1x125xi32, #tpu.memory_space<hbm>>
    %dma_start3A_225 = tpu.memref_squeeze %dma_start3A_224 : memref<1x1x1x125xi32, #tpu.memory_space<hbm>> -> memref<125xi32, #tpu.memory_space<hbm>>
    tpu.enqueue_dma source(%dma_start3A_225 : memref<125xi32, #tpu.memory_space<hbm>>) target(%dma_start3A_222 : memref<125xi32, #tpu.memory_space<vmem>>) target_semaphore(%arg28 : memref<!tpu.dma_semaphore, #tpu.memory_space<semaphore_mem>>)
    %dma_wait3A_226 = arith.constant 0 : i32
    %dma_wait3A_227 = arith.constant 2 : i32
    %dma_wait3A_228 = arith.constant 0 : i32
    %dma_wait3A_229 = arith.constant 0 : i32
    %dma_wait3A_230 = tpu.memref_slice %arg10[%dma_wait3A_228, %dma_wait3A_229] : memref<2x125xi32, #tpu.memory_space<vmem>> -> memref<1x125xi32, #tpu.memory_space<vmem>>
    %dma_wait3A_231 = tpu.memref_squeeze %dma_wait3A_230 : memref<1x125xi32, #tpu.memory_space<vmem>> -> memref<125xi32, #tpu.memory_space<vmem>>
    %dma_wait3A_232 = arith.constant 0 : i32
    %dma_wait3A_233 = tpu.memref_slice %arg3[%dma_wait3A_226, %add3A, %dma_wait3A_227, %dma_wait3A_232] : memref<2x32x80x125xi32, #tpu.memory_space<hbm>> -> memref<1x1x1x125xi32, #tpu.memory_space<hbm>>
    %dma_wait3A_234 = tpu.memref_squeeze %dma_wait3A_233 : memref<1x1x1x125xi32, #tpu.memory_space<hbm>> -> memref<125xi32, #tpu.memory_space<hbm>>
    %dma_wait3A_235 = arith.constant 0 : i32
    %dma_wait3A_236 = tpu.memref_slice %arg10[%dma_wait3A_228, %dma_wait3A_235] : memref<2x125xi32, #tpu.memory_space<vmem>> -> memref<1x125xi32, #tpu.memory_space<vmem>>
    %dma_wait3A_237 = tpu.memref_squeeze %dma_wait3A_236 : memref<1x125xi32, #tpu.memory_space<vmem>> -> memref<125xi32, #tpu.memory_space<vmem>>
    %dma_wait3A_238 = arith.constant 0 : i32
    %dma_wait3A_239 = tpu.memref_slice %arg3[%dma_wait3A_226, %add3A, %dma_wait3A_227, %dma_wait3A_238] : memref<2x32x80x125xi32, #tpu.memory_space<hbm>> -> memref<1x1x1x125xi32, #tpu.memory_space<hbm>>
    %dma_wait3A_240 = tpu.memref_squeeze %dma_wait3A_239 : memref<1x1x1x125xi32, #tpu.memory_space<hbm>> -> memref<125xi32, #tpu.memory_space<hbm>>
    tpu.wait_dma2 semaphore(%arg28 : memref<!tpu.dma_semaphore, #tpu.memory_space<semaphore_mem>>) src(%dma_wait3A_240 : memref<125xi32, #tpu.memory_space<hbm>>) dst(%dma_wait3A_237 : memref<125xi32, #tpu.memory_space<vmem>>)
    %dma_wait3A_241 = arith.constant 1 : i32
    %dma_wait3A_242 = arith.constant 2 : i32
    %dma_wait3A_243 = arith.constant 1 : i32
    %dma_wait3A_244 = arith.constant 0 : i32
    %dma_wait3A_245 = tpu.memref_slice %arg10[%dma_wait3A_243, %dma_wait3A_244] : memref<2x125xi32, #tpu.memory_space<vmem>> -> memref<1x125xi32, #tpu.memory_space<vmem>>
    %dma_wait3A_246 = tpu.memref_squeeze %dma_wait3A_245 : memref<1x125xi32, #tpu.memory_space<vmem>> -> memref<125xi32, #tpu.memory_space<vmem>>
    %dma_wait3A_247 = arith.constant 0 : i32
    %dma_wait3A_248 = tpu.memref_slice %arg3[%dma_wait3A_241, %add3A, %dma_wait3A_242, %dma_wait3A_247] : memref<2x32x80x125xi32, #tpu.memory_space<hbm>> -> memref<1x1x1x125xi32, #tpu.memory_space<hbm>>
    %dma_wait3A_249 = tpu.memref_squeeze %dma_wait3A_248 : memref<1x1x1x125xi32, #tpu.memory_space<hbm>> -> memref<125xi32, #tpu.memory_space<hbm>>
    %dma_wait3A_250 = arith.constant 0 : i32
    %dma_wait3A_251 = tpu.memref_slice %arg10[%dma_wait3A_243, %dma_wait3A_250] : memref<2x125xi32, #tpu.memory_space<vmem>> -> memref<1x125xi32, #tpu.memory_space<vmem>>
    %dma_wait3A_252 = tpu.memref_squeeze %dma_wait3A_251 : memref<1x125xi32, #tpu.memory_space<vmem>> -> memref<125xi32, #tpu.memory_space<vmem>>
    %dma_wait3A_253 = arith.constant 0 : i32
    %dma_wait3A_254 = tpu.memref_slice %arg3[%dma_wait3A_241, %add3A, %dma_wait3A_242, %dma_wait3A_253] : memref<2x32x80x125xi32, #tpu.memory_space<hbm>> -> memref<1x1x1x125xi32, #tpu.memory_space<hbm>>
    %dma_wait3A_255 = tpu.memref_squeeze %dma_wait3A_254 : memref<1x1x1x125xi32, #tpu.memory_space<hbm>> -> memref<125xi32, #tpu.memory_space<hbm>>
    tpu.wait_dma2 semaphore(%arg28 : memref<!tpu.dma_semaphore, #tpu.memory_space<semaphore_mem>>) src(%dma_wait3A_255 : memref<125xi32, #tpu.memory_space<hbm>>) dst(%dma_wait3A_252 : memref<125xi32, #tpu.memory_space<vmem>>)
    %dma_start3A_256 = arith.constant 0 : i32
    %dma_start3A_257 = arith.constant 0 : i32
    %dma_start3A_258 = tpu.memref_slice %arg10[%dma_start3A_256, %dma_start3A_257] : memref<2x125xi32, #tpu.memory_space<vmem>> -> memref<1x125xi32, #tpu.memory_space<vmem>>
    %dma_start3A_259 = tpu.memref_squeeze %dma_start3A_258 : memref<1x125xi32, #tpu.memory_space<vmem>> -> memref<125xi32, #tpu.memory_space<vmem>>
    %dma_start3A_260 = arith.constant 0 : i32
    %dma_start3A_261 = arith.constant 0 : i32
    %dma_start3A_262 = tpu.memref_slice %arg2[%dma_start3A_260, %dma_start3A_261] : memref<10000x128xf32, #tpu.memory_space<hbm>> -> memref<10000x128xf32, #tpu.memory_space<hbm>>
    tpu.enqueue_indirect_dma source(%dma_start3A_262 : memref<10000x128xf32, #tpu.memory_space<hbm>>) target(%arg13 : memref<125x128xf32, #tpu.memory_space<vmem>>) offsets(%dma_start3A_259 : memref<125xi32, #tpu.memory_space<vmem>>) semaphore(%arg19 : memref<!tpu.dma_semaphore, #tpu.memory_space<semaphore_mem>>)
    %dma_wait3A_263 = arith.constant 0 : i32
    %dma_wait3A_264 = arith.constant 0 : i32
    %dma_wait3A_265 = tpu.memref_slice %arg9[%dma_wait3A_263, %dma_wait3A_264] : memref<2x125xi32, #tpu.memory_space<vmem>> -> memref<1x125xi32, #tpu.memory_space<vmem>>
    %dma_wait3A_266 = tpu.memref_squeeze %dma_wait3A_265 : memref<1x125xi32, #tpu.memory_space<vmem>> -> memref<125xi32, #tpu.memory_space<vmem>>
    %dma_wait3A_267 = arith.constant 0 : i32
    %dma_wait3A_268 = arith.constant 0 : i32
    %dma_wait3A_269 = tpu.memref_slice %arg2[%dma_wait3A_267, %dma_wait3A_268] : memref<10000x128xf32, #tpu.memory_space<hbm>> -> memref<10000x128xf32, #tpu.memory_space<hbm>>
    tpu.wait_indirect_dma semaphore(%arg18 : memref<!tpu.dma_semaphore, #tpu.memory_space<semaphore_mem>>) src(%dma_wait3A_269 : memref<10000x128xf32, #tpu.memory_space<hbm>>) dst(%arg12 : memref<125x128xf32, #tpu.memory_space<vmem>>)
    %dma_start3A_270 = arith.constant 1 : i32
    %dma_start3A_271 = arith.constant 0 : i32
    %dma_start3A_272 = tpu.memref_slice %arg9[%dma_start3A_270, %dma_start3A_271] : memref<2x125xi32, #tpu.memory_space<vmem>> -> memref<1x125xi32, #tpu.memory_space<vmem>>
    %dma_start3A_273 = tpu.memref_squeeze %dma_start3A_272 : memref<1x125xi32, #tpu.memory_space<vmem>> -> memref<125xi32, #tpu.memory_space<vmem>>
    %dma_start3A_274 = arith.constant 0 : i32
    %dma_start3A_275 = arith.constant 0 : i32
    %dma_start3A_276 = tpu.memref_slice %arg15[%dma_start3A_274, %dma_start3A_275] : memref<10000x128xf32, #tpu.memory_space<vmem_shared>> -> memref<10000x128xf32, #tpu.memory_space<vmem_shared>>
    tpu.enqueue_indirect_dma source(%arg12 : memref<125x128xf32, #tpu.memory_space<vmem>>) target(%dma_start3A_276 : memref<10000x128xf32, #tpu.memory_space<vmem_shared>>) offsets(%dma_start3A_273 : memref<125xi32, #tpu.memory_space<vmem>>) semaphore(%arg21 : memref<!tpu.dma_semaphore, #tpu.memory_space<semaphore_mem>>) {add = true}
    %dma_start3A_277 = arith.constant 1 : i32
    %dma_start3A_278 = arith.constant 0 : i32
    %dma_start3A_279 = tpu.memref_slice %arg14[%dma_start3A_278] : memref<128xf32, #tpu.memory_space<vmem>> -> memref<125xf32, #tpu.memory_space<vmem>>
    %dma_start3A_280 = arith.constant 0 : i32
    %dma_start3A_281 = tpu.memref_slice %arg9[%dma_start3A_277, %dma_start3A_280] : memref<2x125xi32, #tpu.memory_space<vmem>> -> memref<1x125xi32, #tpu.memory_space<vmem>>
    %dma_start3A_282 = tpu.memref_squeeze %dma_start3A_281 : memref<1x125xi32, #tpu.memory_space<vmem>> -> memref<125xi32, #tpu.memory_space<vmem>>
    %dma_start3A_283 = arith.constant 0 : i32
    %dma_start3A_284 = tpu.memref_slice %arg16[%dma_start3A_283] : memref<10000xf32, #tpu.memory_space<vmem_shared>> -> memref<10000xf32, #tpu.memory_space<vmem_shared>>
    tpu.enqueue_indirect_dma source(%dma_start3A_279 : memref<125xf32, #tpu.memory_space<vmem>>) target(%dma_start3A_284 : memref<10000xf32, #tpu.memory_space<vmem_shared>>) offsets(%dma_start3A_282 : memref<125xi32, #tpu.memory_space<vmem>>) semaphore(%arg24 : memref<!tpu.dma_semaphore, #tpu.memory_space<semaphore_mem>>) {add = true}
    %dma_wait3A_285 = arith.constant 1 : i32
    %dma_wait3A_286 = arith.constant 0 : i32
    %dma_wait3A_287 = tpu.memref_slice %arg8[%dma_wait3A_285, %dma_wait3A_286] : memref<2x125xi32, #tpu.memory_space<vmem>> -> memref<1x125xi32, #tpu.memory_space<vmem>>
    %dma_wait3A_288 = tpu.memref_squeeze %dma_wait3A_287 : memref<1x125xi32, #tpu.memory_space<vmem>> -> memref<125xi32, #tpu.memory_space<vmem>>
    %dma_wait3A_289 = arith.constant 0 : i32
    %dma_wait3A_290 = arith.constant 0 : i32
    %dma_wait3A_291 = tpu.memref_slice %arg15[%dma_wait3A_289, %dma_wait3A_290] : memref<10000x128xf32, #tpu.memory_space<vmem_shared>> -> memref<10000x128xf32, #tpu.memory_space<vmem_shared>>
    tpu.wait_indirect_dma semaphore(%arg20 : memref<!tpu.dma_semaphore, #tpu.memory_space<semaphore_mem>>) src(%arg11 : memref<125x128xf32, #tpu.memory_space<vmem>>) dst(%dma_wait3A_291 : memref<10000x128xf32, #tpu.memory_space<vmem_shared>>)
    %dma_wait3A_292 = arith.constant 1 : i32
    %dma_wait3A_293 = arith.constant 0 : i32
    %dma_wait3A_294 = tpu.memref_slice %arg14[%dma_wait3A_293] : memref<128xf32, #tpu.memory_space<vmem>> -> memref<125xf32, #tpu.memory_space<vmem>>
    %dma_wait3A_295 = arith.constant 0 : i32
    %dma_wait3A_296 = tpu.memref_slice %arg8[%dma_wait3A_292, %dma_wait3A_295] : memref<2x125xi32, #tpu.memory_space<vmem>> -> memref<1x125xi32, #tpu.memory_space<vmem>>
    %dma_wait3A_297 = tpu.memref_squeeze %dma_wait3A_296 : memref<1x125xi32, #tpu.memory_space<vmem>> -> memref<125xi32, #tpu.memory_space<vmem>>
    %dma_wait3A_298 = arith.constant 0 : i32
    %dma_wait3A_299 = tpu.memref_slice %arg16[%dma_wait3A_298] : memref<10000xf32, #tpu.memory_space<vmem_shared>> -> memref<10000xf32, #tpu.memory_space<vmem_shared>>
    tpu.wait_indirect_dma semaphore(%arg23 : memref<!tpu.dma_semaphore, #tpu.memory_space<semaphore_mem>>) src(%dma_wait3A_294 : memref<125xf32, #tpu.memory_space<vmem>>) dst(%dma_wait3A_299 : memref<10000xf32, #tpu.memory_space<vmem_shared>>)
    %dma_start3A_300 = arith.constant 0 : i32
    %dma_start3A_301 = arith.constant 3 : i32
    %dma_start3A_302 = arith.constant 0 : i32
    %dma_start3A_303 = arith.constant 0 : i32
    %dma_start3A_304 = tpu.memref_slice %arg8[%dma_start3A_302, %dma_start3A_303] : memref<2x125xi32, #tpu.memory_space<vmem>> -> memref<1x125xi32, #tpu.memory_space<vmem>>
    %dma_start3A_305 = tpu.memref_squeeze %dma_start3A_304 : memref<1x125xi32, #tpu.memory_space<vmem>> -> memref<125xi32, #tpu.memory_space<vmem>>
    %dma_start3A_306 = arith.constant 0 : i32
    %dma_start3A_307 = tpu.memref_slice %arg3[%dma_start3A_300, %add3A, %dma_start3A_301, %dma_start3A_306] : memref<2x32x80x125xi32, #tpu.memory_space<hbm>> -> memref<1x1x1x125xi32, #tpu.memory_space<hbm>>
    %dma_start3A_308 = tpu.memref_squeeze %dma_start3A_307 : memref<1x1x1x125xi32, #tpu.memory_space<hbm>> -> memref<125xi32, #tpu.memory_space<hbm>>
    %dma_start3A_309 = arith.constant 0 : i32
    %dma_start3A_310 = tpu.memref_slice %arg8[%dma_start3A_302, %dma_start3A_309] : memref<2x125xi32, #tpu.memory_space<vmem>> -> memref<1x125xi32, #tpu.memory_space<vmem>>
    %dma_start3A_311 = tpu.memref_squeeze %dma_start3A_310 : memref<1x125xi32, #tpu.memory_space<vmem>> -> memref<125xi32, #tpu.memory_space<vmem>>
    %dma_start3A_312 = arith.constant 0 : i32
    %dma_start3A_313 = tpu.memref_slice %arg3[%dma_start3A_300, %add3A, %dma_start3A_301, %dma_start3A_312] : memref<2x32x80x125xi32, #tpu.memory_space<hbm>> -> memref<1x1x1x125xi32, #tpu.memory_space<hbm>>
    %dma_start3A_314 = tpu.memref_squeeze %dma_start3A_313 : memref<1x1x1x125xi32, #tpu.memory_space<hbm>> -> memref<125xi32, #tpu.memory_space<hbm>>
    tpu.enqueue_dma source(%dma_start3A_314 : memref<125xi32, #tpu.memory_space<hbm>>) target(%dma_start3A_311 : memref<125xi32, #tpu.memory_space<vmem>>) target_semaphore(%arg26 : memref<!tpu.dma_semaphore, #tpu.memory_space<semaphore_mem>>)
    %dma_start3A_315 = arith.constant 1 : i32
    %dma_start3A_316 = arith.constant 3 : i32
    %dma_start3A_317 = arith.constant 1 : i32
    %dma_start3A_318 = arith.constant 0 : i32
    %dma_start3A_319 = tpu.memref_slice %arg8[%dma_start3A_317, %dma_start3A_318] : memref<2x125xi32, #tpu.memory_space<vmem>> -> memref<1x125xi32, #tpu.memory_space<vmem>>
    %dma_start3A_320 = tpu.memref_squeeze %dma_start3A_319 : memref<1x125xi32, #tpu.memory_space<vmem>> -> memref<125xi32, #tpu.memory_space<vmem>>
    %dma_start3A_321 = arith.constant 0 : i32
    %dma_start3A_322 = tpu.memref_slice %arg3[%dma_start3A_315, %add3A, %dma_start3A_316, %dma_start3A_321] : memref<2x32x80x125xi32, #tpu.memory_space<hbm>> -> memref<1x1x1x125xi32, #tpu.memory_space<hbm>>
    %dma_start3A_323 = tpu.memref_squeeze %dma_start3A_322 : memref<1x1x1x125xi32, #tpu.memory_space<hbm>> -> memref<125xi32, #tpu.memory_space<hbm>>
    %dma_start3A_324 = arith.constant 0 : i32
    %dma_start3A_325 = tpu.memref_slice %arg8[%dma_start3A_317, %dma_start3A_324] : memref<2x125xi32, #tpu.memory_space<vmem>> -> memref<1x125xi32, #tpu.memory_space<vmem>>
    %dma_start3A_326 = tpu.memref_squeeze %dma_start3A_325 : memref<1x125xi32, #tpu.memory_space<vmem>> -> memref<125xi32, #tpu.memory_space<vmem>>
    %dma_start3A_327 = arith.constant 0 : i32
    %dma_start3A_328 = tpu.memref_slice %arg3[%dma_start3A_315, %add3A, %dma_start3A_316, %dma_start3A_327] : memref<2x32x80x125xi32, #tpu.memory_space<hbm>> -> memref<1x1x1x125xi32, #tpu.memory_space<hbm>>
    %dma_start3A_329 = tpu.memref_squeeze %dma_start3A_328 : memref<1x1x1x125xi32, #tpu.memory_space<hbm>> -> memref<125xi32, #tpu.memory_space<hbm>>
    tpu.enqueue_dma source(%dma_start3A_329 : memref<125xi32, #tpu.memory_space<hbm>>) target(%dma_start3A_326 : memref<125xi32, #tpu.memory_space<vmem>>) target_semaphore(%arg26 : memref<!tpu.dma_semaphore, #tpu.memory_space<semaphore_mem>>)
    %dma_wait3A_330 = arith.constant 0 : i32
    %dma_wait3A_331 = arith.constant 3 : i32
    %dma_wait3A_332 = arith.constant 0 : i32
    %dma_wait3A_333 = arith.constant 0 : i32
    %dma_wait3A_334 = tpu.memref_slice %arg8[%dma_wait3A_332, %dma_wait3A_333] : memref<2x125xi32, #tpu.memory_space<vmem>> -> memref<1x125xi32, #tpu.memory_space<vmem>>
    %dma_wait3A_335 = tpu.memref_squeeze %dma_wait3A_334 : memref<1x125xi32, #tpu.memory_space<vmem>> -> memref<125xi32, #tpu.memory_space<vmem>>
    %dma_wait3A_336 = arith.constant 0 : i32
    %dma_wait3A_337 = tpu.memref_slice %arg3[%dma_wait3A_330, %add3A, %dma_wait3A_331, %dma_wait3A_336] : memref<2x32x80x125xi32, #tpu.memory_space<hbm>> -> memref<1x1x1x125xi32, #tpu.memory_space<hbm>>
    %dma_wait3A_338 = tpu.memref_squeeze %dma_wait3A_337 : memref<1x1x1x125xi32, #tpu.memory_space<hbm>> -> memref<125xi32, #tpu.memory_space<hbm>>
    %dma_wait3A_339 = arith.constant 0 : i32
    %dma_wait3A_340 = tpu.memref_slice %arg8[%dma_wait3A_332, %dma_wait3A_339] : memref<2x125xi32, #tpu.memory_space<vmem>> -> memref<1x125xi32, #tpu.memory_space<vmem>>
    %dma_wait3A_341 = tpu.memref_squeeze %dma_wait3A_340 : memref<1x125xi32, #tpu.memory_space<vmem>> -> memref<125xi32, #tpu.memory_space<vmem>>
    %dma_wait3A_342 = arith.constant 0 : i32
    %dma_wait3A_343 = tpu.memref_slice %arg3[%dma_wait3A_330, %add3A, %dma_wait3A_331, %dma_wait3A_342] : memref<2x32x80x125xi32, #tpu.memory_space<hbm>> -> memref<1x1x1x125xi32, #tpu.memory_space<hbm>>
    %dma_wait3A_344 = tpu.memref_squeeze %dma_wait3A_343 : memref<1x1x1x125xi32, #tpu.memory_space<hbm>> -> memref<125xi32, #tpu.memory_space<hbm>>
    tpu.wait_dma2 semaphore(%arg26 : memref<!tpu.dma_semaphore, #tpu.memory_space<semaphore_mem>>) src(%dma_wait3A_344 : memref<125xi32, #tpu.memory_space<hbm>>) dst(%dma_wait3A_341 : memref<125xi32, #tpu.memory_space<vmem>>)
    %dma_wait3A_345 = arith.constant 1 : i32
    %dma_wait3A_346 = arith.constant 3 : i32
    %dma_wait3A_347 = arith.constant 1 : i32
    %dma_wait3A_348 = arith.constant 0 : i32
    %dma_wait3A_349 = tpu.memref_slice %arg8[%dma_wait3A_347, %dma_wait3A_348] : memref<2x125xi32, #tpu.memory_space<vmem>> -> memref<1x125xi32, #tpu.memory_space<vmem>>
    %dma_wait3A_350 = tpu.memref_squeeze %dma_wait3A_349 : memref<1x125xi32, #tpu.memory_space<vmem>> -> memref<125xi32, #tpu.memory_space<vmem>>
    %dma_wait3A_351 = arith.constant 0 : i32
    %dma_wait3A_352 = tpu.memref_slice %arg3[%dma_wait3A_345, %add3A, %dma_wait3A_346, %dma_wait3A_351] : memref<2x32x80x125xi32, #tpu.memory_space<hbm>> -> memref<1x1x1x125xi32, #tpu.memory_space<hbm>>
    %dma_wait3A_353 = tpu.memref_squeeze %dma_wait3A_352 : memref<1x1x1x125xi32, #tpu.memory_space<hbm>> -> memref<125xi32, #tpu.memory_space<hbm>>
    %dma_wait3A_354 = arith.constant 0 : i32
    %dma_wait3A_355 = tpu.memref_slice %arg8[%dma_wait3A_347, %dma_wait3A_354] : memref<2x125xi32, #tpu.memory_space<vmem>> -> memref<1x125xi32, #tpu.memory_space<vmem>>
    %dma_wait3A_356 = tpu.memref_squeeze %dma_wait3A_355 : memref<1x125xi32, #tpu.memory_space<vmem>> -> memref<125xi32, #tpu.memory_space<vmem>>
    %dma_wait3A_357 = arith.constant 0 : i32
    %dma_wait3A_358 = tpu.memref_slice %arg3[%dma_wait3A_345, %add3A, %dma_wait3A_346, %dma_wait3A_357] : memref<2x32x80x125xi32, #tpu.memory_space<hbm>> -> memref<1x1x1x125xi32, #tpu.memory_space<hbm>>
    %dma_wait3A_359 = tpu.memref_squeeze %dma_wait3A_358 : memref<1x1x1x125xi32, #tpu.memory_space<hbm>> -> memref<125xi32, #tpu.memory_space<hbm>>
    tpu.wait_dma2 semaphore(%arg26 : memref<!tpu.dma_semaphore, #tpu.memory_space<semaphore_mem>>) src(%dma_wait3A_359 : memref<125xi32, #tpu.memory_space<hbm>>) dst(%dma_wait3A_356 : memref<125xi32, #tpu.memory_space<vmem>>)
    %dma_start3A_360 = arith.constant 0 : i32
    %dma_start3A_361 = arith.constant 0 : i32
    %dma_start3A_362 = tpu.memref_slice %arg8[%dma_start3A_360, %dma_start3A_361] : memref<2x125xi32, #tpu.memory_space<vmem>> -> memref<1x125xi32, #tpu.memory_space<vmem>>
    %dma_start3A_363 = tpu.memref_squeeze %dma_start3A_362 : memref<1x125xi32, #tpu.memory_space<vmem>> -> memref<125xi32, #tpu.memory_space<vmem>>
    %dma_start3A_364 = arith.constant 0 : i32
    %dma_start3A_365 = arith.constant 0 : i32
    %dma_start3A_366 = tpu.memref_slice %arg2[%dma_start3A_364, %dma_start3A_365] : memref<10000x128xf32, #tpu.memory_space<hbm>> -> memref<10000x128xf32, #tpu.memory_space<hbm>>
    tpu.enqueue_indirect_dma source(%dma_start3A_366 : memref<10000x128xf32, #tpu.memory_space<hbm>>) target(%arg11 : memref<125x128xf32, #tpu.memory_space<vmem>>) offsets(%dma_start3A_363 : memref<125xi32, #tpu.memory_space<vmem>>) semaphore(%arg17 : memref<!tpu.dma_semaphore, #tpu.memory_space<semaphore_mem>>)
    %dma_wait3A_367 = arith.constant 0 : i32
    %dma_wait3A_368 = arith.constant 0 : i32
    %dma_wait3A_369 = tpu.memref_slice %arg10[%dma_wait3A_367, %dma_wait3A_368] : memref<2x125xi32, #tpu.memory_space<vmem>> -> memref<1x125xi32, #tpu.memory_space<vmem>>
    %dma_wait3A_370 = tpu.memref_squeeze %dma_wait3A_369 : memref<1x125xi32, #tpu.memory_space<vmem>> -> memref<125xi32, #tpu.memory_space<vmem>>
    %dma_wait3A_371 = arith.constant 0 : i32
    %dma_wait3A_372 = arith.constant 0 : i32
    %dma_wait3A_373 = tpu.memref_slice %arg2[%dma_wait3A_371, %dma_wait3A_372] : memref<10000x128xf32, #tpu.memory_space<hbm>> -> memref<10000x128xf32, #tpu.memory_space<hbm>>
    tpu.wait_indirect_dma semaphore(%arg19 : memref<!tpu.dma_semaphore, #tpu.memory_space<semaphore_mem>>) src(%dma_wait3A_373 : memref<10000x128xf32, #tpu.memory_space<hbm>>) dst(%arg13 : memref<125x128xf32, #tpu.memory_space<vmem>>)
    %dma_start3A_374 = arith.constant 1 : i32
    %dma_start3A_375 = arith.constant 0 : i32
    %dma_start3A_376 = tpu.memref_slice %arg10[%dma_start3A_374, %dma_start3A_375] : memref<2x125xi32, #tpu.memory_space<vmem>> -> memref<1x125xi32, #tpu.memory_space<vmem>>
    %dma_start3A_377 = tpu.memref_squeeze %dma_start3A_376 : memref<1x125xi32, #tpu.memory_space<vmem>> -> memref<125xi32, #tpu.memory_space<vmem>>
    %dma_start3A_378 = arith.constant 0 : i32
    %dma_start3A_379 = arith.constant 0 : i32
    %dma_start3A_380 = tpu.memref_slice %arg15[%dma_start3A_378, %dma_start3A_379] : memref<10000x128xf32, #tpu.memory_space<vmem_shared>> -> memref<10000x128xf32, #tpu.memory_space<vmem_shared>>
    tpu.enqueue_indirect_dma source(%arg13 : memref<125x128xf32, #tpu.memory_space<vmem>>) target(%dma_start3A_380 : memref<10000x128xf32, #tpu.memory_space<vmem_shared>>) offsets(%dma_start3A_377 : memref<125xi32, #tpu.memory_space<vmem>>) semaphore(%arg22 : memref<!tpu.dma_semaphore, #tpu.memory_space<semaphore_mem>>) {add = true}
    %dma_start3A_381 = arith.constant 1 : i32
    %dma_start3A_382 = arith.constant 0 : i32
    %dma_start3A_383 = tpu.memref_slice %arg14[%dma_start3A_382] : memref<128xf32, #tpu.memory_space<vmem>> -> memref<125xf32, #tpu.memory_space<vmem>>
    %dma_start3A_384 = arith.constant 0 : i32
    %dma_start3A_385 = tpu.memref_slice %arg10[%dma_start3A_381, %dma_start3A_384] : memref<2x125xi32, #tpu.memory_space<vmem>> -> memref<1x125xi32, #tpu.memory_space<vmem>>
    %dma_start3A_386 = tpu.memref_squeeze %dma_start3A_385 : memref<1x125xi32, #tpu.memory_space<vmem>> -> memref<125xi32, #tpu.memory_space<vmem>>
    %dma_start3A_387 = arith.constant 0 : i32
    %dma_start3A_388 = tpu.memref_slice %arg16[%dma_start3A_387] : memref<10000xf32, #tpu.memory_space<vmem_shared>> -> memref<10000xf32, #tpu.memory_space<vmem_shared>>
    tpu.enqueue_indirect_dma source(%dma_start3A_383 : memref<125xf32, #tpu.memory_space<vmem>>) target(%dma_start3A_388 : memref<10000xf32, #tpu.memory_space<vmem_shared>>) offsets(%dma_start3A_386 : memref<125xi32, #tpu.memory_space<vmem>>) semaphore(%arg25 : memref<!tpu.dma_semaphore, #tpu.memory_space<semaphore_mem>>) {add = true}
    %dma_wait3A_389 = arith.constant 1 : i32
    %dma_wait3A_390 = arith.constant 0 : i32
    %dma_wait3A_391 = tpu.memref_slice %arg9[%dma_wait3A_389, %dma_wait3A_390] : memref<2x125xi32, #tpu.memory_space<vmem>> -> memref<1x125xi32, #tpu.memory_space<vmem>>
    %dma_wait3A_392 = tpu.memref_squeeze %dma_wait3A_391 : memref<1x125xi32, #tpu.memory_space<vmem>> -> memref<125xi32, #tpu.memory_space<vmem>>
    %dma_wait3A_393 = arith.constant 0 : i32
    %dma_wait3A_394 = arith.constant 0 : i32
    %dma_wait3A_395 = tpu.memref_slice %arg15[%dma_wait3A_393, %dma_wait3A_394] : memref<10000x128xf32, #tpu.memory_space<vmem_shared>> -> memref<10000x128xf32, #tpu.memory_space<vmem_shared>>
    tpu.wait_indirect_dma semaphore(%arg21 : memref<!tpu.dma_semaphore, #tpu.memory_space<semaphore_mem>>) src(%arg12 : memref<125x128xf32, #tpu.memory_space<vmem>>) dst(%dma_wait3A_395 : memref<10000x128xf32, #tpu.memory_space<vmem_shared>>)
    %dma_wait3A_396 = arith.constant 1 : i32
    %dma_wait3A_397 = arith.constant 0 : i32
    %dma_wait3A_398 = tpu.memref_slice %arg14[%dma_wait3A_397] : memref<128xf32, #tpu.memory_space<vmem>> -> memref<125xf32, #tpu.memory_space<vmem>>
    %dma_wait3A_399 = arith.constant 0 : i32
    %dma_wait3A_400 = tpu.memref_slice %arg9[%dma_wait3A_396, %dma_wait3A_399] : memref<2x125xi32, #tpu.memory_space<vmem>> -> memref<1x125xi32, #tpu.memory_space<vmem>>
    %dma_wait3A_401 = tpu.memref_squeeze %dma_wait3A_400 : memref<1x125xi32, #tpu.memory_space<vmem>> -> memref<125xi32, #tpu.memory_space<vmem>>
    %dma_wait3A_402 = arith.constant 0 : i32
    %dma_wait3A_403 = tpu.memref_slice %arg16[%dma_wait3A_402] : memref<10000xf32, #tpu.memory_space<vmem_shared>> -> memref<10000xf32, #tpu.memory_space<vmem_shared>>
    tpu.wait_indirect_dma semaphore(%arg24 : memref<!tpu.dma_semaphore, #tpu.memory_space<semaphore_mem>>) src(%dma_wait3A_398 : memref<125xf32, #tpu.memory_space<vmem>>) dst(%dma_wait3A_403 : memref<10000xf32, #tpu.memory_space<vmem_shared>>)
    %dma_start3A_404 = arith.constant 0 : i32
    %dma_start3A_405 = arith.constant 4 : i32
    %dma_start3A_406 = arith.constant 0 : i32
    %dma_start3A_407 = arith.constant 0 : i32
    %dma_start3A_408 = tpu.memref_slice %arg9[%dma_start3A_406, %dma_start3A_407] : memref<2x125xi32, #tpu.memory_space<vmem>> -> memref<1x125xi32, #tpu.memory_space<vmem>>
    %dma_start3A_409 = tpu.memref_squeeze %dma_start3A_408 : memref<1x125xi32, #tpu.memory_space<vmem>> -> memref<125xi32, #tpu.memory_space<vmem>>
    %dma_start3A_410 = arith.constant 0 : i32
    %dma_start3A_411 = tpu.memref_slice %arg3[%dma_start3A_404, %add3A, %dma_start3A_405, %dma_start3A_410] : memref<2x32x80x125xi32, #tpu.memory_space<hbm>> -> memref<1x1x1x125xi32, #tpu.memory_space<hbm>>
    %dma_start3A_412 = tpu.memref_squeeze %dma_start3A_411 : memref<1x1x1x125xi32, #tpu.memory_space<hbm>> -> memref<125xi32, #tpu.memory_space<hbm>>
    %dma_start3A_413 = arith.constant 0 : i32
    %dma_start3A_414 = tpu.memref_slice %arg9[%dma_start3A_406, %dma_start3A_413] : memref<2x125xi32, #tpu.memory_space<vmem>> -> memref<1x125xi32, #tpu.memory_space<vmem>>
    %dma_start3A_415 = tpu.memref_squeeze %dma_start3A_414 : memref<1x125xi32, #tpu.memory_space<vmem>> -> memref<125xi32, #tpu.memory_space<vmem>>
    %dma_start3A_416 = arith.constant 0 : i32
    %dma_start3A_417 = tpu.memref_slice %arg3[%dma_start3A_404, %add3A, %dma_start3A_405, %dma_start3A_416] : memref<2x32x80x125xi32, #tpu.memory_space<hbm>> -> memref<1x1x1x125xi32, #tpu.memory_space<hbm>>
    %dma_start3A_418 = tpu.memref_squeeze %dma_start3A_417 : memref<1x1x1x125xi32, #tpu.memory_space<hbm>> -> memref<125xi32, #tpu.memory_space<hbm>>
    tpu.enqueue_dma source(%dma_start3A_418 : memref<125xi32, #tpu.memory_space<hbm>>) target(%dma_start3A_415 : memref<125xi32, #tpu.memory_space<vmem>>) target_semaphore(%arg27 : memref<!tpu.dma_semaphore, #tpu.memory_space<semaphore_mem>>)
    %dma_start3A_419 = arith.constant 1 : i32
    %dma_start3A_420 = arith.constant 4 : i32
    %dma_start3A_421 = arith.constant 1 : i32
    %dma_start3A_422 = arith.constant 0 : i32
    %dma_start3A_423 = tpu.memref_slice %arg9[%dma_start3A_421, %dma_start3A_422] : memref<2x125xi32, #tpu.memory_space<vmem>> -> memref<1x125xi32, #tpu.memory_space<vmem>>
    %dma_start3A_424 = tpu.memref_squeeze %dma_start3A_423 : memref<1x125xi32, #tpu.memory_space<vmem>> -> memref<125xi32, #tpu.memory_space<vmem>>
    %dma_start3A_425 = arith.constant 0 : i32
    %dma_start3A_426 = tpu.memref_slice %arg3[%dma_start3A_419, %add3A, %dma_start3A_420, %dma_start3A_425] : memref<2x32x80x125xi32, #tpu.memory_space<hbm>> -> memref<1x1x1x125xi32, #tpu.memory_space<hbm>>
    %dma_start3A_427 = tpu.memref_squeeze %dma_start3A_426 : memref<1x1x1x125xi32, #tpu.memory_space<hbm>> -> memref<125xi32, #tpu.memory_space<hbm>>
    %dma_start3A_428 = arith.constant 0 : i32
    %dma_start3A_429 = tpu.memref_slice %arg9[%dma_start3A_421, %dma_start3A_428] : memref<2x125xi32, #tpu.memory_space<vmem>> -> memref<1x125xi32, #tpu.memory_space<vmem>>
    %dma_start3A_430 = tpu.memref_squeeze %dma_start3A_429 : memref<1x125xi32, #tpu.memory_space<vmem>> -> memref<125xi32, #tpu.memory_space<vmem>>
    %dma_start3A_431 = arith.constant 0 : i32
    %dma_start3A_432 = tpu.memref_slice %arg3[%dma_start3A_419, %add3A, %dma_start3A_420, %dma_start3A_431] : memref<2x32x80x125xi32, #tpu.memory_space<hbm>> -> memref<1x1x1x125xi32, #tpu.memory_space<hbm>>
    %dma_start3A_433 = tpu.memref_squeeze %dma_start3A_432 : memref<1x1x1x125xi32, #tpu.memory_space<hbm>> -> memref<125xi32, #tpu.memory_space<hbm>>
    tpu.enqueue_dma source(%dma_start3A_433 : memref<125xi32, #tpu.memory_space<hbm>>) target(%dma_start3A_430 : memref<125xi32, #tpu.memory_space<vmem>>) target_semaphore(%arg27 : memref<!tpu.dma_semaphore, #tpu.memory_space<semaphore_mem>>)
    %dma_wait3A_434 = arith.constant 0 : i32
    %dma_wait3A_435 = arith.constant 4 : i32
    %dma_wait3A_436 = arith.constant 0 : i32
    %dma_wait3A_437 = arith.constant 0 : i32
    %dma_wait3A_438 = tpu.memref_slice %arg9[%dma_wait3A_436, %dma_wait3A_437] : memref<2x125xi32, #tpu.memory_space<vmem>> -> memref<1x125xi32, #tpu.memory_space<vmem>>
    %dma_wait3A_439 = tpu.memref_squeeze %dma_wait3A_438 : memref<1x125xi32, #tpu.memory_space<vmem>> -> memref<125xi32, #tpu.memory_space<vmem>>
    %dma_wait3A_440 = arith.constant 0 : i32
    %dma_wait3A_441 = tpu.memref_slice %arg3[%dma_wait3A_434, %add3A, %dma_wait3A_435, %dma_wait3A_440] : memref<2x32x80x125xi32, #tpu.memory_space<hbm>> -> memref<1x1x1x125xi32, #tpu.memory_space<hbm>>
    %dma_wait3A_442 = tpu.memref_squeeze %dma_wait3A_441 : memref<1x1x1x125xi32, #tpu.memory_space<hbm>> -> memref<125xi32, #tpu.memory_space<hbm>>
    %dma_wait3A_443 = arith.constant 0 : i32
    %dma_wait3A_444 = tpu.memref_slice %arg9[%dma_wait3A_436, %dma_wait3A_443] : memref<2x125xi32, #tpu.memory_space<vmem>> -> memref<1x125xi32, #tpu.memory_space<vmem>>
    %dma_wait3A_445 = tpu.memref_squeeze %dma_wait3A_444 : memref<1x125xi32, #tpu.memory_space<vmem>> -> memref<125xi32, #tpu.memory_space<vmem>>
    %dma_wait3A_446 = arith.constant 0 : i32
    %dma_wait3A_447 = tpu.memref_slice %arg3[%dma_wait3A_434, %add3A, %dma_wait3A_435, %dma_wait3A_446] : memref<2x32x80x125xi32, #tpu.memory_space<hbm>> -> memref<1x1x1x125xi32, #tpu.memory_space<hbm>>
    %dma_wait3A_448 = tpu.memref_squeeze %dma_wait3A_447 : memref<1x1x1x125xi32, #tpu.memory_space<hbm>> -> memref<125xi32, #tpu.memory_space<hbm>>
    tpu.wait_dma2 semaphore(%arg27 : memref<!tpu.dma_semaphore, #tpu.memory_space<semaphore_mem>>) src(%dma_wait3A_448 : memref<125xi32, #tpu.memory_space<hbm>>) dst(%dma_wait3A_445 : memref<125xi32, #tpu.memory_space<vmem>>)
    %dma_wait3A_449 = arith.constant 1 : i32
    %dma_wait3A_450 = arith.constant 4 : i32
    %dma_wait3A_451 = arith.constant 1 : i32
    %dma_wait3A_452 = arith.constant 0 : i32
    %dma_wait3A_453 = tpu.memref_slice %arg9[%dma_wait3A_451, %dma_wait3A_452] : memref<2x125xi32, #tpu.memory_space<vmem>> -> memref<1x125xi32, #tpu.memory_space<vmem>>
    %dma_wait3A_454 = tpu.memref_squeeze %dma_wait3A_453 : memref<1x125xi32, #tpu.memory_space<vmem>> -> memref<125xi32, #tpu.memory_space<vmem>>
    %dma_wait3A_455 = arith.constant 0 : i32
    %dma_wait3A_456 = tpu.memref_slice %arg3[%dma_wait3A_449, %add3A, %dma_wait3A_450, %dma_wait3A_455] : memref<2x32x80x125xi32, #tpu.memory_space<hbm>> -> memref<1x1x1x125xi32, #tpu.memory_space<hbm>>
    %dma_wait3A_457 = tpu.memref_squeeze %dma_wait3A_456 : memref<1x1x1x125xi32, #tpu.memory_space<hbm>> -> memref<125xi32, #tpu.memory_space<hbm>>
    %dma_wait3A_458 = arith.constant 0 : i32
    %dma_wait3A_459 = tpu.memref_slice %arg9[%dma_wait3A_451, %dma_wait3A_458] : memref<2x125xi32, #tpu.memory_space<vmem>> -> memref<1x125xi32, #tpu.memory_space<vmem>>
    %dma_wait3A_460 = tpu.memref_squeeze %dma_wait3A_459 : memref<1x125xi32, #tpu.memory_space<vmem>> -> memref<125xi32, #tpu.memory_space<vmem>>
    %dma_wait3A_461 = arith.constant 0 : i32
    %dma_wait3A_462 = tpu.memref_slice %arg3[%dma_wait3A_449, %add3A, %dma_wait3A_450, %dma_wait3A_461] : memref<2x32x80x125xi32, #tpu.memory_space<hbm>> -> memref<1x1x1x125xi32, #tpu.memory_space<hbm>>
    %dma_wait3A_463 = tpu.memref_squeeze %dma_wait3A_462 : memref<1x1x1x125xi32, #tpu.memory_space<hbm>> -> memref<125xi32, #tpu.memory_space<hbm>>
    tpu.wait_dma2 semaphore(%arg27 : memref<!tpu.dma_semaphore, #tpu.memory_space<semaphore_mem>>) src(%dma_wait3A_463 : memref<125xi32, #tpu.memory_space<hbm>>) dst(%dma_wait3A_460 : memref<125xi32, #tpu.memory_space<vmem>>)
    %dma_start3A_464 = arith.constant 0 : i32
    %dma_start3A_465 = arith.constant 0 : i32
    %dma_start3A_466 = tpu.memref_slice %arg9[%dma_start3A_464, %dma_start3A_465] : memref<2x125xi32, #tpu.memory_space<vmem>> -> memref<1x125xi32, #tpu.memory_space<vmem>>
    %dma_start3A_467 = tpu.memref_squeeze %dma_start3A_466 : memref<1x125xi32, #tpu.memory_space<vmem>> -> memref<125xi32, #tpu.memory_space<vmem>>
    %dma_start3A_468 = arith.constant 0 : i32
    %dma_start3A_469 = arith.constant 0 : i32
    %dma_start3A_470 = tpu.memref_slice %arg2[%dma_start3A_468, %dma_start3A_469] : memref<10000x128xf32, #tpu.memory_space<hbm>> -> memref<10000x128xf32, #tpu.memory_space<hbm>>
    tpu.enqueue_indirect_dma source(%dma_start3A_470 : memref<10000x128xf32, #tpu.memory_space<hbm>>) target(%arg12 : memref<125x128xf32, #tpu.memory_space<vmem>>) offsets(%dma_start3A_467 : memref<125xi32, #tpu.memory_space<vmem>>) semaphore(%arg18 : memref<!tpu.dma_semaphore, #tpu.memory_space<semaphore_mem>>)
    %scan3A = arith.constant 0 : i32
    %scan3A_471 = arith.constant 1 : i32
    %scan3A_472 = arith.constant 25 : i32
    %scan3A_473 = arith.addi %scan3A_471, %scan3A_472 : i32
    %scan3A_474 = arith.constant 1 : i32
    scf.for %scan3A_578 = %scan3A_471 to %scan3A_473 step %scan3A_474  : i32 {
      %mul3A_579 = arith.constant 3 : i32
      %mul3A_580 = arith.muli %scan3A_578, %mul3A_579 : i32
      %add3A_581 = arith.constant 0 : i32
      %add3A_582 = arith.addi %mul3A_580, %add3A_581 : i32
      %dma_wait3A_583 = arith.constant 0 : i32
      %dma_wait3A_584 = arith.constant 0 : i32
      %dma_wait3A_585 = tpu.memref_slice %arg8[%dma_wait3A_583, %dma_wait3A_584] : memref<2x125xi32, #tpu.memory_space<vmem>> -> memref<1x125xi32, #tpu.memory_space<vmem>>
      %dma_wait3A_586 = tpu.memref_squeeze %dma_wait3A_585 : memref<1x125xi32, #tpu.memory_space<vmem>> -> memref<125xi32, #tpu.memory_space<vmem>>
      %dma_wait3A_587 = arith.constant 0 : i32
      %dma_wait3A_588 = arith.constant 0 : i32
      %dma_wait3A_589 = tpu.memref_slice %arg2[%dma_wait3A_587, %dma_wait3A_588] : memref<10000x128xf32, #tpu.memory_space<hbm>> -> memref<10000x128xf32, #tpu.memory_space<hbm>>
      tpu.wait_indirect_dma semaphore(%arg17 : memref<!tpu.dma_semaphore, #tpu.memory_space<semaphore_mem>>) src(%dma_wait3A_589 : memref<10000x128xf32, #tpu.memory_space<hbm>>) dst(%arg11 : memref<125x128xf32, #tpu.memory_space<vmem>>)
      %dma_start3A_590 = arith.constant 1 : i32
      %dma_start3A_591 = arith.constant 0 : i32
      %dma_start3A_592 = tpu.memref_slice %arg8[%dma_start3A_590, %dma_start3A_591] : memref<2x125xi32, #tpu.memory_space<vmem>> -> memref<1x125xi32, #tpu.memory_space<vmem>>
      %dma_start3A_593 = tpu.memref_squeeze %dma_start3A_592 : memref<1x125xi32, #tpu.memory_space<vmem>> -> memref<125xi32, #tpu.memory_space<vmem>>
      %dma_start3A_594 = arith.constant 0 : i32
      %dma_start3A_595 = arith.constant 0 : i32
      %dma_start3A_596 = tpu.memref_slice %arg15[%dma_start3A_594, %dma_start3A_595] : memref<10000x128xf32, #tpu.memory_space<vmem_shared>> -> memref<10000x128xf32, #tpu.memory_space<vmem_shared>>
      tpu.enqueue_indirect_dma source(%arg11 : memref<125x128xf32, #tpu.memory_space<vmem>>) target(%dma_start3A_596 : memref<10000x128xf32, #tpu.memory_space<vmem_shared>>) offsets(%dma_start3A_593 : memref<125xi32, #tpu.memory_space<vmem>>) semaphore(%arg20 : memref<!tpu.dma_semaphore, #tpu.memory_space<semaphore_mem>>) {add = true}
      %dma_start3A_597 = arith.constant 1 : i32
      %dma_start3A_598 = arith.constant 0 : i32
      %dma_start3A_599 = tpu.memref_slice %arg14[%dma_start3A_598] : memref<128xf32, #tpu.memory_space<vmem>> -> memref<125xf32, #tpu.memory_space<vmem>>
      %dma_start3A_600 = arith.constant 0 : i32
      %dma_start3A_601 = tpu.memref_slice %arg8[%dma_start3A_597, %dma_start3A_600] : memref<2x125xi32, #tpu.memory_space<vmem>> -> memref<1x125xi32, #tpu.memory_space<vmem>>
      %dma_start3A_602 = tpu.memref_squeeze %dma_start3A_601 : memref<1x125xi32, #tpu.memory_space<vmem>> -> memref<125xi32, #tpu.memory_space<vmem>>
      %dma_start3A_603 = arith.constant 0 : i32
      %dma_start3A_604 = tpu.memref_slice %arg16[%dma_start3A_603] : memref<10000xf32, #tpu.memory_space<vmem_shared>> -> memref<10000xf32, #tpu.memory_space<vmem_shared>>
      tpu.enqueue_indirect_dma source(%dma_start3A_599 : memref<125xf32, #tpu.memory_space<vmem>>) target(%dma_start3A_604 : memref<10000xf32, #tpu.memory_space<vmem_shared>>) offsets(%dma_start3A_602 : memref<125xi32, #tpu.memory_space<vmem>>) semaphore(%arg23 : memref<!tpu.dma_semaphore, #tpu.memory_space<semaphore_mem>>) {add = true}
      %dma_wait3A_605 = arith.constant 1 : i32
      %dma_wait3A_606 = arith.constant 0 : i32
      %dma_wait3A_607 = tpu.memref_slice %arg10[%dma_wait3A_605, %dma_wait3A_606] : memref<2x125xi32, #tpu.memory_space<vmem>> -> memref<1x125xi32, #tpu.memory_space<vmem>>
      %dma_wait3A_608 = tpu.memref_squeeze %dma_wait3A_607 : memref<1x125xi32, #tpu.memory_space<vmem>> -> memref<125xi32, #tpu.memory_space<vmem>>
      %dma_wait3A_609 = arith.constant 0 : i32
      %dma_wait3A_610 = arith.constant 0 : i32
      %dma_wait3A_611 = tpu.memref_slice %arg15[%dma_wait3A_609, %dma_wait3A_610] : memref<10000x128xf32, #tpu.memory_space<vmem_shared>> -> memref<10000x128xf32, #tpu.memory_space<vmem_shared>>
      tpu.wait_indirect_dma semaphore(%arg22 : memref<!tpu.dma_semaphore, #tpu.memory_space<semaphore_mem>>) src(%arg13 : memref<125x128xf32, #tpu.memory_space<vmem>>) dst(%dma_wait3A_611 : memref<10000x128xf32, #tpu.memory_space<vmem_shared>>)
      %dma_wait3A_612 = arith.constant 1 : i32
      %dma_wait3A_613 = arith.constant 0 : i32
      %dma_wait3A_614 = tpu.memref_slice %arg14[%dma_wait3A_613] : memref<128xf32, #tpu.memory_space<vmem>> -> memref<125xf32, #tpu.memory_space<vmem>>
      %dma_wait3A_615 = arith.constant 0 : i32
      %dma_wait3A_616 = tpu.memref_slice %arg10[%dma_wait3A_612, %dma_wait3A_615] : memref<2x125xi32, #tpu.memory_space<vmem>> -> memref<1x125xi32, #tpu.memory_space<vmem>>
      %dma_wait3A_617 = tpu.memref_squeeze %dma_wait3A_616 : memref<1x125xi32, #tpu.memory_space<vmem>> -> memref<125xi32, #tpu.memory_space<vmem>>
      %dma_wait3A_618 = arith.constant 0 : i32
      %dma_wait3A_619 = tpu.memref_slice %arg16[%dma_wait3A_618] : memref<10000xf32, #tpu.memory_space<vmem_shared>> -> memref<10000xf32, #tpu.memory_space<vmem_shared>>
      tpu.wait_indirect_dma semaphore(%arg25 : memref<!tpu.dma_semaphore, #tpu.memory_space<semaphore_mem>>) src(%dma_wait3A_614 : memref<125xf32, #tpu.memory_space<vmem>>) dst(%dma_wait3A_619 : memref<10000xf32, #tpu.memory_space<vmem_shared>>)
      %add3A_620 = arith.constant 2 : i32
      %add3A_621 = arith.addi %add3A_582, %add3A_620 : i32
      %lt3A = arith.constant 80 : i32
      %lt3A_622 = arith.cmpi slt, %add3A_621, %lt3A : i32
      %convert_element_type3A_623 = arith.extui %lt3A_622 : i1 to i32
      %cond3A_624 = arith.constant 0 : i32
      %cond3A_625 = arith.cmpi ne, %convert_element_type3A_623, %cond3A_624 : i32
      scf.if %cond3A_625 {
        %add3A_718 = arith.constant 2 : i32
        %add3A_719 = arith.addi %add3A_582, %add3A_718 : i32
        %dma_start3A_720 = arith.constant 0 : i32
        %dma_start3A_721 = arith.constant 0 : i32
        %dma_start3A_722 = arith.constant 0 : i32
        %dma_start3A_723 = tpu.memref_slice %arg10[%dma_start3A_721, %dma_start3A_722] : memref<2x125xi32, #tpu.memory_space<vmem>> -> memref<1x125xi32, #tpu.memory_space<vmem>>
        %dma_start3A_724 = tpu.memref_squeeze %dma_start3A_723 : memref<1x125xi32, #tpu.memory_space<vmem>> -> memref<125xi32, #tpu.memory_space<vmem>>
        %dma_start3A_725 = arith.constant 0 : i32
        %dma_start3A_726 = tpu.memref_slice %arg3[%dma_start3A_720, %add3A, %add3A_719, %dma_start3A_725] : memref<2x32x80x125xi32, #tpu.memory_space<hbm>> -> memref<1x1x1x125xi32, #tpu.memory_space<hbm>>
        %dma_start3A_727 = tpu.memref_squeeze %dma_start3A_726 : memref<1x1x1x125xi32, #tpu.memory_space<hbm>> -> memref<125xi32, #tpu.memory_space<hbm>>
        %dma_start3A_728 = arith.constant 0 : i32
        %dma_start3A_729 = tpu.memref_slice %arg10[%dma_start3A_721, %dma_start3A_728] : memref<2x125xi32, #tpu.memory_space<vmem>> -> memref<1x125xi32, #tpu.memory_space<vmem>>
        %dma_start3A_730 = tpu.memref_squeeze %dma_start3A_729 : memref<1x125xi32, #tpu.memory_space<vmem>> -> memref<125xi32, #tpu.memory_space<vmem>>
        %dma_start3A_731 = arith.constant 0 : i32
        %dma_start3A_732 = tpu.memref_slice %arg3[%dma_start3A_720, %add3A, %add3A_719, %dma_start3A_731] : memref<2x32x80x125xi32, #tpu.memory_space<hbm>> -> memref<1x1x1x125xi32, #tpu.memory_space<hbm>>
        %dma_start3A_733 = tpu.memref_squeeze %dma_start3A_732 : memref<1x1x1x125xi32, #tpu.memory_space<hbm>> -> memref<125xi32, #tpu.memory_space<hbm>>
        tpu.enqueue_dma source(%dma_start3A_733 : memref<125xi32, #tpu.memory_space<hbm>>) target(%dma_start3A_730 : memref<125xi32, #tpu.memory_space<vmem>>) target_semaphore(%arg28 : memref<!tpu.dma_semaphore, #tpu.memory_space<semaphore_mem>>)
        %add3A_734 = arith.constant 2 : i32
        %add3A_735 = arith.addi %add3A_582, %add3A_734 : i32
        %dma_start3A_736 = arith.constant 1 : i32
        %dma_start3A_737 = arith.constant 1 : i32
        %dma_start3A_738 = arith.constant 0 : i32
        %dma_start3A_739 = tpu.memref_slice %arg10[%dma_start3A_737, %dma_start3A_738] : memref<2x125xi32, #tpu.memory_space<vmem>> -> memref<1x125xi32, #tpu.memory_space<vmem>>
        %dma_start3A_740 = tpu.memref_squeeze %dma_start3A_739 : memref<1x125xi32, #tpu.memory_space<vmem>> -> memref<125xi32, #tpu.memory_space<vmem>>
        %dma_start3A_741 = arith.constant 0 : i32
        %dma_start3A_742 = tpu.memref_slice %arg3[%dma_start3A_736, %add3A, %add3A_735, %dma_start3A_741] : memref<2x32x80x125xi32, #tpu.memory_space<hbm>> -> memref<1x1x1x125xi32, #tpu.memory_space<hbm>>
        %dma_start3A_743 = tpu.memref_squeeze %dma_start3A_742 : memref<1x1x1x125xi32, #tpu.memory_space<hbm>> -> memref<125xi32, #tpu.memory_space<hbm>>
        %dma_start3A_744 = arith.constant 0 : i32
        %dma_start3A_745 = tpu.memref_slice %arg10[%dma_start3A_737, %dma_start3A_744] : memref<2x125xi32, #tpu.memory_space<vmem>> -> memref<1x125xi32, #tpu.memory_space<vmem>>
        %dma_start3A_746 = tpu.memref_squeeze %dma_start3A_745 : memref<1x125xi32, #tpu.memory_space<vmem>> -> memref<125xi32, #tpu.memory_space<vmem>>
        %dma_start3A_747 = arith.constant 0 : i32
        %dma_start3A_748 = tpu.memref_slice %arg3[%dma_start3A_736, %add3A, %add3A_735, %dma_start3A_747] : memref<2x32x80x125xi32, #tpu.memory_space<hbm>> -> memref<1x1x1x125xi32, #tpu.memory_space<hbm>>
        %dma_start3A_749 = tpu.memref_squeeze %dma_start3A_748 : memref<1x1x1x125xi32, #tpu.memory_space<hbm>> -> memref<125xi32, #tpu.memory_space<hbm>>
        tpu.enqueue_dma source(%dma_start3A_749 : memref<125xi32, #tpu.memory_space<hbm>>) target(%dma_start3A_746 : memref<125xi32, #tpu.memory_space<vmem>>) target_semaphore(%arg28 : memref<!tpu.dma_semaphore, #tpu.memory_space<semaphore_mem>>)
        %add3A_750 = arith.constant 2 : i32
        %add3A_751 = arith.addi %add3A_582, %add3A_750 : i32
        %dma_wait3A_752 = arith.constant 0 : i32
        %dma_wait3A_753 = arith.constant 0 : i32
        %dma_wait3A_754 = arith.constant 0 : i32
        %dma_wait3A_755 = tpu.memref_slice %arg10[%dma_wait3A_753, %dma_wait3A_754] : memref<2x125xi32, #tpu.memory_space<vmem>> -> memref<1x125xi32, #tpu.memory_space<vmem>>
        %dma_wait3A_756 = tpu.memref_squeeze %dma_wait3A_755 : memref<1x125xi32, #tpu.memory_space<vmem>> -> memref<125xi32, #tpu.memory_space<vmem>>
        %dma_wait3A_757 = arith.constant 0 : i32
        %dma_wait3A_758 = tpu.memref_slice %arg3[%dma_wait3A_752, %add3A, %add3A_751, %dma_wait3A_757] : memref<2x32x80x125xi32, #tpu.memory_space<hbm>> -> memref<1x1x1x125xi32, #tpu.memory_space<hbm>>
        %dma_wait3A_759 = tpu.memref_squeeze %dma_wait3A_758 : memref<1x1x1x125xi32, #tpu.memory_space<hbm>> -> memref<125xi32, #tpu.memory_space<hbm>>
        %dma_wait3A_760 = arith.constant 0 : i32
        %dma_wait3A_761 = tpu.memref_slice %arg10[%dma_wait3A_753, %dma_wait3A_760] : memref<2x125xi32, #tpu.memory_space<vmem>> -> memref<1x125xi32, #tpu.memory_space<vmem>>
        %dma_wait3A_762 = tpu.memref_squeeze %dma_wait3A_761 : memref<1x125xi32, #tpu.memory_space<vmem>> -> memref<125xi32, #tpu.memory_space<vmem>>
        %dma_wait3A_763 = arith.constant 0 : i32
        %dma_wait3A_764 = tpu.memref_slice %arg3[%dma_wait3A_752, %add3A, %add3A_751, %dma_wait3A_763] : memref<2x32x80x125xi32, #tpu.memory_space<hbm>> -> memref<1x1x1x125xi32, #tpu.memory_space<hbm>>
        %dma_wait3A_765 = tpu.memref_squeeze %dma_wait3A_764 : memref<1x1x1x125xi32, #tpu.memory_space<hbm>> -> memref<125xi32, #tpu.memory_space<hbm>>
        tpu.wait_dma2 semaphore(%arg28 : memref<!tpu.dma_semaphore, #tpu.memory_space<semaphore_mem>>) src(%dma_wait3A_765 : memref<125xi32, #tpu.memory_space<hbm>>) dst(%dma_wait3A_762 : memref<125xi32, #tpu.memory_space<vmem>>)
        %add3A_766 = arith.constant 2 : i32
        %add3A_767 = arith.addi %add3A_582, %add3A_766 : i32
        %dma_wait3A_768 = arith.constant 1 : i32
        %dma_wait3A_769 = arith.constant 1 : i32
        %dma_wait3A_770 = arith.constant 0 : i32
        %dma_wait3A_771 = tpu.memref_slice %arg10[%dma_wait3A_769, %dma_wait3A_770] : memref<2x125xi32, #tpu.memory_space<vmem>> -> memref<1x125xi32, #tpu.memory_space<vmem>>
        %dma_wait3A_772 = tpu.memref_squeeze %dma_wait3A_771 : memref<1x125xi32, #tpu.memory_space<vmem>> -> memref<125xi32, #tpu.memory_space<vmem>>
        %dma_wait3A_773 = arith.constant 0 : i32
        %dma_wait3A_774 = tpu.memref_slice %arg3[%dma_wait3A_768, %add3A, %add3A_767, %dma_wait3A_773] : memref<2x32x80x125xi32, #tpu.memory_space<hbm>> -> memref<1x1x1x125xi32, #tpu.memory_space<hbm>>
        %dma_wait3A_775 = tpu.memref_squeeze %dma_wait3A_774 : memref<1x1x1x125xi32, #tpu.memory_space<hbm>> -> memref<125xi32, #tpu.memory_space<hbm>>
        %dma_wait3A_776 = arith.constant 0 : i32
        %dma_wait3A_777 = tpu.memref_slice %arg10[%dma_wait3A_769, %dma_wait3A_776] : memref<2x125xi32, #tpu.memory_space<vmem>> -> memref<1x125xi32, #tpu.memory_space<vmem>>
        %dma_wait3A_778 = tpu.memref_squeeze %dma_wait3A_777 : memref<1x125xi32, #tpu.memory_space<vmem>> -> memref<125xi32, #tpu.memory_space<vmem>>
        %dma_wait3A_779 = arith.constant 0 : i32
        %dma_wait3A_780 = tpu.memref_slice %arg3[%dma_wait3A_768, %add3A, %add3A_767, %dma_wait3A_779] : memref<2x32x80x125xi32, #tpu.memory_space<hbm>> -> memref<1x1x1x125xi32, #tpu.memory_space<hbm>>
        %dma_wait3A_781 = tpu.memref_squeeze %dma_wait3A_780 : memref<1x1x1x125xi32, #tpu.memory_space<hbm>> -> memref<125xi32, #tpu.memory_space<hbm>>
        tpu.wait_dma2 semaphore(%arg28 : memref<!tpu.dma_semaphore, #tpu.memory_space<semaphore_mem>>) src(%dma_wait3A_781 : memref<125xi32, #tpu.memory_space<hbm>>) dst(%dma_wait3A_778 : memref<125xi32, #tpu.memory_space<vmem>>)
        %dma_start3A_782 = arith.constant 0 : i32
        %dma_start3A_783 = arith.constant 0 : i32
        %dma_start3A_784 = tpu.memref_slice %arg10[%dma_start3A_782, %dma_start3A_783] : memref<2x125xi32, #tpu.memory_space<vmem>> -> memref<1x125xi32, #tpu.memory_space<vmem>>
        %dma_start3A_785 = tpu.memref_squeeze %dma_start3A_784 : memref<1x125xi32, #tpu.memory_space<vmem>> -> memref<125xi32, #tpu.memory_space<vmem>>
        %dma_start3A_786 = arith.constant 0 : i32
        %dma_start3A_787 = arith.constant 0 : i32
        %dma_start3A_788 = tpu.memref_slice %arg2[%dma_start3A_786, %dma_start3A_787] : memref<10000x128xf32, #tpu.memory_space<hbm>> -> memref<10000x128xf32, #tpu.memory_space<hbm>>
        tpu.enqueue_indirect_dma source(%dma_start3A_788 : memref<10000x128xf32, #tpu.memory_space<hbm>>) target(%arg13 : memref<125x128xf32, #tpu.memory_space<vmem>>) offsets(%dma_start3A_785 : memref<125xi32, #tpu.memory_space<vmem>>) semaphore(%arg19 : memref<!tpu.dma_semaphore, #tpu.memory_space<semaphore_mem>>)
      } else {
      }
      %add3A_626 = arith.constant 1 : i32
      %add3A_627 = arith.addi %mul3A_580, %add3A_626 : i32
      %dma_wait3A_628 = arith.constant 0 : i32
      %dma_wait3A_629 = arith.constant 0 : i32
      %dma_wait3A_630 = tpu.memref_slice %arg9[%dma_wait3A_628, %dma_wait3A_629] : memref<2x125xi32, #tpu.memory_space<vmem>> -> memref<1x125xi32, #tpu.memory_space<vmem>>
      %dma_wait3A_631 = tpu.memref_squeeze %dma_wait3A_630 : memref<1x125xi32, #tpu.memory_space<vmem>> -> memref<125xi32, #tpu.memory_space<vmem>>
      %dma_wait3A_632 = arith.constant 0 : i32
      %dma_wait3A_633 = arith.constant 0 : i32
      %dma_wait3A_634 = tpu.memref_slice %arg2[%dma_wait3A_632, %dma_wait3A_633] : memref<10000x128xf32, #tpu.memory_space<hbm>> -> memref<10000x128xf32, #tpu.memory_space<hbm>>
      tpu.wait_indirect_dma semaphore(%arg18 : memref<!tpu.dma_semaphore, #tpu.memory_space<semaphore_mem>>) src(%dma_wait3A_634 : memref<10000x128xf32, #tpu.memory_space<hbm>>) dst(%arg12 : memref<125x128xf32, #tpu.memory_space<vmem>>)
      %dma_start3A_635 = arith.constant 1 : i32
      %dma_start3A_636 = arith.constant 0 : i32
      %dma_start3A_637 = tpu.memref_slice %arg9[%dma_start3A_635, %dma_start3A_636] : memref<2x125xi32, #tpu.memory_space<vmem>> -> memref<1x125xi32, #tpu.memory_space<vmem>>
      %dma_start3A_638 = tpu.memref_squeeze %dma_start3A_637 : memref<1x125xi32, #tpu.memory_space<vmem>> -> memref<125xi32, #tpu.memory_space<vmem>>
      %dma_start3A_639 = arith.constant 0 : i32
      %dma_start3A_640 = arith.constant 0 : i32
      %dma_start3A_641 = tpu.memref_slice %arg15[%dma_start3A_639, %dma_start3A_640] : memref<10000x128xf32, #tpu.memory_space<vmem_shared>> -> memref<10000x128xf32, #tpu.memory_space<vmem_shared>>
      tpu.enqueue_indirect_dma source(%arg12 : memref<125x128xf32, #tpu.memory_space<vmem>>) target(%dma_start3A_641 : memref<10000x128xf32, #tpu.memory_space<vmem_shared>>) offsets(%dma_start3A_638 : memref<125xi32, #tpu.memory_space<vmem>>) semaphore(%arg21 : memref<!tpu.dma_semaphore, #tpu.memory_space<semaphore_mem>>) {add = true}
      %dma_start3A_642 = arith.constant 1 : i32
      %dma_start3A_643 = arith.constant 0 : i32
      %dma_start3A_644 = tpu.memref_slice %arg14[%dma_start3A_643] : memref<128xf32, #tpu.memory_space<vmem>> -> memref<125xf32, #tpu.memory_space<vmem>>
      %dma_start3A_645 = arith.constant 0 : i32
      %dma_start3A_646 = tpu.memref_slice %arg9[%dma_start3A_642, %dma_start3A_645] : memref<2x125xi32, #tpu.memory_space<vmem>> -> memref<1x125xi32, #tpu.memory_space<vmem>>
      %dma_start3A_647 = tpu.memref_squeeze %dma_start3A_646 : memref<1x125xi32, #tpu.memory_space<vmem>> -> memref<125xi32, #tpu.memory_space<vmem>>
      %dma_start3A_648 = arith.constant 0 : i32
      %dma_start3A_649 = tpu.memref_slice %arg16[%dma_start3A_648] : memref<10000xf32, #tpu.memory_space<vmem_shared>> -> memref<10000xf32, #tpu.memory_space<vmem_shared>>
      tpu.enqueue_indirect_dma source(%dma_start3A_644 : memref<125xf32, #tpu.memory_space<vmem>>) target(%dma_start3A_649 : memref<10000xf32, #tpu.memory_space<vmem_shared>>) offsets(%dma_start3A_647 : memref<125xi32, #tpu.memory_space<vmem>>) semaphore(%arg24 : memref<!tpu.dma_semaphore, #tpu.memory_space<semaphore_mem>>) {add = true}
      %dma_wait3A_650 = arith.constant 1 : i32
      %dma_wait3A_651 = arith.constant 0 : i32
      %dma_wait3A_652 = tpu.memref_slice %arg8[%dma_wait3A_650, %dma_wait3A_651] : memref<2x125xi32, #tpu.memory_space<vmem>> -> memref<1x125xi32, #tpu.memory_space<vmem>>
      %dma_wait3A_653 = tpu.memref_squeeze %dma_wait3A_652 : memref<1x125xi32, #tpu.memory_space<vmem>> -> memref<125xi32, #tpu.memory_space<vmem>>
      %dma_wait3A_654 = arith.constant 0 : i32
      %dma_wait3A_655 = arith.constant 0 : i32
      %dma_wait3A_656 = tpu.memref_slice %arg15[%dma_wait3A_654, %dma_wait3A_655] : memref<10000x128xf32, #tpu.memory_space<vmem_shared>> -> memref<10000x128xf32, #tpu.memory_space<vmem_shared>>
      tpu.wait_indirect_dma semaphore(%arg20 : memref<!tpu.dma_semaphore, #tpu.memory_space<semaphore_mem>>) src(%arg11 : memref<125x128xf32, #tpu.memory_space<vmem>>) dst(%dma_wait3A_656 : memref<10000x128xf32, #tpu.memory_space<vmem_shared>>)
      %dma_wait3A_657 = arith.constant 1 : i32
      %dma_wait3A_658 = arith.constant 0 : i32
      %dma_wait3A_659 = tpu.memref_slice %arg14[%dma_wait3A_658] : memref<128xf32, #tpu.memory_space<vmem>> -> memref<125xf32, #tpu.memory_space<vmem>>
      %dma_wait3A_660 = arith.constant 0 : i32
      %dma_wait3A_661 = tpu.memref_slice %arg8[%dma_wait3A_657, %dma_wait3A_660] : memref<2x125xi32, #tpu.memory_space<vmem>> -> memref<1x125xi32, #tpu.memory_space<vmem>>
      %dma_wait3A_662 = tpu.memref_squeeze %dma_wait3A_661 : memref<1x125xi32, #tpu.memory_space<vmem>> -> memref<125xi32, #tpu.memory_space<vmem>>
      %dma_wait3A_663 = arith.constant 0 : i32
      %dma_wait3A_664 = tpu.memref_slice %arg16[%dma_wait3A_663] : memref<10000xf32, #tpu.memory_space<vmem_shared>> -> memref<10000xf32, #tpu.memory_space<vmem_shared>>
      tpu.wait_indirect_dma semaphore(%arg23 : memref<!tpu.dma_semaphore, #tpu.memory_space<semaphore_mem>>) src(%dma_wait3A_659 : memref<125xf32, #tpu.memory_space<vmem>>) dst(%dma_wait3A_664 : memref<10000xf32, #tpu.memory_space<vmem_shared>>)
      %add3A_665 = arith.constant 2 : i32
      %add3A_666 = arith.addi %add3A_627, %add3A_665 : i32
      %lt3A_667 = arith.constant 80 : i32
      %lt3A_668 = arith.cmpi slt, %add3A_666, %lt3A_667 : i32
      %convert_element_type3A_669 = arith.extui %lt3A_668 : i1 to i32
      %cond3A_670 = arith.constant 0 : i32
      %cond3A_671 = arith.cmpi ne, %convert_element_type3A_669, %cond3A_670 : i32
      scf.if %cond3A_671 {
        %add3A_718 = arith.constant 2 : i32
        %add3A_719 = arith.addi %add3A_627, %add3A_718 : i32
        %dma_start3A_720 = arith.constant 0 : i32
        %dma_start3A_721 = arith.constant 0 : i32
        %dma_start3A_722 = arith.constant 0 : i32
        %dma_start3A_723 = tpu.memref_slice %arg8[%dma_start3A_721, %dma_start3A_722] : memref<2x125xi32, #tpu.memory_space<vmem>> -> memref<1x125xi32, #tpu.memory_space<vmem>>
        %dma_start3A_724 = tpu.memref_squeeze %dma_start3A_723 : memref<1x125xi32, #tpu.memory_space<vmem>> -> memref<125xi32, #tpu.memory_space<vmem>>
        %dma_start3A_725 = arith.constant 0 : i32
        %dma_start3A_726 = tpu.memref_slice %arg3[%dma_start3A_720, %add3A, %add3A_719, %dma_start3A_725] : memref<2x32x80x125xi32, #tpu.memory_space<hbm>> -> memref<1x1x1x125xi32, #tpu.memory_space<hbm>>
        %dma_start3A_727 = tpu.memref_squeeze %dma_start3A_726 : memref<1x1x1x125xi32, #tpu.memory_space<hbm>> -> memref<125xi32, #tpu.memory_space<hbm>>
        %dma_start3A_728 = arith.constant 0 : i32
        %dma_start3A_729 = tpu.memref_slice %arg8[%dma_start3A_721, %dma_start3A_728] : memref<2x125xi32, #tpu.memory_space<vmem>> -> memref<1x125xi32, #tpu.memory_space<vmem>>
        %dma_start3A_730 = tpu.memref_squeeze %dma_start3A_729 : memref<1x125xi32, #tpu.memory_space<vmem>> -> memref<125xi32, #tpu.memory_space<vmem>>
        %dma_start3A_731 = arith.constant 0 : i32
        %dma_start3A_732 = tpu.memref_slice %arg3[%dma_start3A_720, %add3A, %add3A_719, %dma_start3A_731] : memref<2x32x80x125xi32, #tpu.memory_space<hbm>> -> memref<1x1x1x125xi32, #tpu.memory_space<hbm>>
        %dma_start3A_733 = tpu.memref_squeeze %dma_start3A_732 : memref<1x1x1x125xi32, #tpu.memory_space<hbm>> -> memref<125xi32, #tpu.memory_space<hbm>>
        tpu.enqueue_dma source(%dma_start3A_733 : memref<125xi32, #tpu.memory_space<hbm>>) target(%dma_start3A_730 : memref<125xi32, #tpu.memory_space<vmem>>) target_semaphore(%arg26 : memref<!tpu.dma_semaphore, #tpu.memory_space<semaphore_mem>>)
        %add3A_734 = arith.constant 2 : i32
        %add3A_735 = arith.addi %add3A_627, %add3A_734 : i32
        %dma_start3A_736 = arith.constant 1 : i32
        %dma_start3A_737 = arith.constant 1 : i32
        %dma_start3A_738 = arith.constant 0 : i32
        %dma_start3A_739 = tpu.memref_slice %arg8[%dma_start3A_737, %dma_start3A_738] : memref<2x125xi32, #tpu.memory_space<vmem>> -> memref<1x125xi32, #tpu.memory_space<vmem>>
        %dma_start3A_740 = tpu.memref_squeeze %dma_start3A_739 : memref<1x125xi32, #tpu.memory_space<vmem>> -> memref<125xi32, #tpu.memory_space<vmem>>
        %dma_start3A_741 = arith.constant 0 : i32
        %dma_start3A_742 = tpu.memref_slice %arg3[%dma_start3A_736, %add3A, %add3A_735, %dma_start3A_741] : memref<2x32x80x125xi32, #tpu.memory_space<hbm>> -> memref<1x1x1x125xi32, #tpu.memory_space<hbm>>
        %dma_start3A_743 = tpu.memref_squeeze %dma_start3A_742 : memref<1x1x1x125xi32, #tpu.memory_space<hbm>> -> memref<125xi32, #tpu.memory_space<hbm>>
        %dma_start3A_744 = arith.constant 0 : i32
        %dma_start3A_745 = tpu.memref_slice %arg8[%dma_start3A_737, %dma_start3A_744] : memref<2x125xi32, #tpu.memory_space<vmem>> -> memref<1x125xi32, #tpu.memory_space<vmem>>
        %dma_start3A_746 = tpu.memref_squeeze %dma_start3A_745 : memref<1x125xi32, #tpu.memory_space<vmem>> -> memref<125xi32, #tpu.memory_space<vmem>>
        %dma_start3A_747 = arith.constant 0 : i32
        %dma_start3A_748 = tpu.memref_slice %arg3[%dma_start3A_736, %add3A, %add3A_735, %dma_start3A_747] : memref<2x32x80x125xi32, #tpu.memory_space<hbm>> -> memref<1x1x1x125xi32, #tpu.memory_space<hbm>>
        %dma_start3A_749 = tpu.memref_squeeze %dma_start3A_748 : memref<1x1x1x125xi32, #tpu.memory_space<hbm>> -> memref<125xi32, #tpu.memory_space<hbm>>
        tpu.enqueue_dma source(%dma_start3A_749 : memref<125xi32, #tpu.memory_space<hbm>>) target(%dma_start3A_746 : memref<125xi32, #tpu.memory_space<vmem>>) target_semaphore(%arg26 : memref<!tpu.dma_semaphore, #tpu.memory_space<semaphore_mem>>)
        %add3A_750 = arith.constant 2 : i32
        %add3A_751 = arith.addi %add3A_627, %add3A_750 : i32
        %dma_wait3A_752 = arith.constant 0 : i32
        %dma_wait3A_753 = arith.constant 0 : i32
        %dma_wait3A_754 = arith.constant 0 : i32
        %dma_wait3A_755 = tpu.memref_slice %arg8[%dma_wait3A_753, %dma_wait3A_754] : memref<2x125xi32, #tpu.memory_space<vmem>> -> memref<1x125xi32, #tpu.memory_space<vmem>>
        %dma_wait3A_756 = tpu.memref_squeeze %dma_wait3A_755 : memref<1x125xi32, #tpu.memory_space<vmem>> -> memref<125xi32, #tpu.memory_space<vmem>>
        %dma_wait3A_757 = arith.constant 0 : i32
        %dma_wait3A_758 = tpu.memref_slice %arg3[%dma_wait3A_752, %add3A, %add3A_751, %dma_wait3A_757] : memref<2x32x80x125xi32, #tpu.memory_space<hbm>> -> memref<1x1x1x125xi32, #tpu.memory_space<hbm>>
        %dma_wait3A_759 = tpu.memref_squeeze %dma_wait3A_758 : memref<1x1x1x125xi32, #tpu.memory_space<hbm>> -> memref<125xi32, #tpu.memory_space<hbm>>
        %dma_wait3A_760 = arith.constant 0 : i32
        %dma_wait3A_761 = tpu.memref_slice %arg8[%dma_wait3A_753, %dma_wait3A_760] : memref<2x125xi32, #tpu.memory_space<vmem>> -> memref<1x125xi32, #tpu.memory_space<vmem>>
        %dma_wait3A_762 = tpu.memref_squeeze %dma_wait3A_761 : memref<1x125xi32, #tpu.memory_space<vmem>> -> memref<125xi32, #tpu.memory_space<vmem>>
        %dma_wait3A_763 = arith.constant 0 : i32
        %dma_wait3A_764 = tpu.memref_slice %arg3[%dma_wait3A_752, %add3A, %add3A_751, %dma_wait3A_763] : memref<2x32x80x125xi32, #tpu.memory_space<hbm>> -> memref<1x1x1x125xi32, #tpu.memory_space<hbm>>
        %dma_wait3A_765 = tpu.memref_squeeze %dma_wait3A_764 : memref<1x1x1x125xi32, #tpu.memory_space<hbm>> -> memref<125xi32, #tpu.memory_space<hbm>>
        tpu.wait_dma2 semaphore(%arg26 : memref<!tpu.dma_semaphore, #tpu.memory_space<semaphore_mem>>) src(%dma_wait3A_765 : memref<125xi32, #tpu.memory_space<hbm>>) dst(%dma_wait3A_762 : memref<125xi32, #tpu.memory_space<vmem>>)
        %add3A_766 = arith.constant 2 : i32
        %add3A_767 = arith.addi %add3A_627, %add3A_766 : i32
        %dma_wait3A_768 = arith.constant 1 : i32
        %dma_wait3A_769 = arith.constant 1 : i32
        %dma_wait3A_770 = arith.constant 0 : i32
        %dma_wait3A_771 = tpu.memref_slice %arg8[%dma_wait3A_769, %dma_wait3A_770] : memref<2x125xi32, #tpu.memory_space<vmem>> -> memref<1x125xi32, #tpu.memory_space<vmem>>
        %dma_wait3A_772 = tpu.memref_squeeze %dma_wait3A_771 : memref<1x125xi32, #tpu.memory_space<vmem>> -> memref<125xi32, #tpu.memory_space<vmem>>
        %dma_wait3A_773 = arith.constant 0 : i32
        %dma_wait3A_774 = tpu.memref_slice %arg3[%dma_wait3A_768, %add3A, %add3A_767, %dma_wait3A_773] : memref<2x32x80x125xi32, #tpu.memory_space<hbm>> -> memref<1x1x1x125xi32, #tpu.memory_space<hbm>>
        %dma_wait3A_775 = tpu.memref_squeeze %dma_wait3A_774 : memref<1x1x1x125xi32, #tpu.memory_space<hbm>> -> memref<125xi32, #tpu.memory_space<hbm>>
        %dma_wait3A_776 = arith.constant 0 : i32
        %dma_wait3A_777 = tpu.memref_slice %arg8[%dma_wait3A_769, %dma_wait3A_776] : memref<2x125xi32, #tpu.memory_space<vmem>> -> memref<1x125xi32, #tpu.memory_space<vmem>>
        %dma_wait3A_778 = tpu.memref_squeeze %dma_wait3A_777 : memref<1x125xi32, #tpu.memory_space<vmem>> -> memref<125xi32, #tpu.memory_space<vmem>>
        %dma_wait3A_779 = arith.constant 0 : i32
        %dma_wait3A_780 = tpu.memref_slice %arg3[%dma_wait3A_768, %add3A, %add3A_767, %dma_wait3A_779] : memref<2x32x80x125xi32, #tpu.memory_space<hbm>> -> memref<1x1x1x125xi32, #tpu.memory_space<hbm>>
        %dma_wait3A_781 = tpu.memref_squeeze %dma_wait3A_780 : memref<1x1x1x125xi32, #tpu.memory_space<hbm>> -> memref<125xi32, #tpu.memory_space<hbm>>
        tpu.wait_dma2 semaphore(%arg26 : memref<!tpu.dma_semaphore, #tpu.memory_space<semaphore_mem>>) src(%dma_wait3A_781 : memref<125xi32, #tpu.memory_space<hbm>>) dst(%dma_wait3A_778 : memref<125xi32, #tpu.memory_space<vmem>>)
        %dma_start3A_782 = arith.constant 0 : i32
        %dma_start3A_783 = arith.constant 0 : i32
        %dma_start3A_784 = tpu.memref_slice %arg8[%dma_start3A_782, %dma_start3A_783] : memref<2x125xi32, #tpu.memory_space<vmem>> -> memref<1x125xi32, #tpu.memory_space<vmem>>
        %dma_start3A_785 = tpu.memref_squeeze %dma_start3A_784 : memref<1x125xi32, #tpu.memory_space<vmem>> -> memref<125xi32, #tpu.memory_space<vmem>>
        %dma_start3A_786 = arith.constant 0 : i32
        %dma_start3A_787 = arith.constant 0 : i32
        %dma_start3A_788 = tpu.memref_slice %arg2[%dma_start3A_786, %dma_start3A_787] : memref<10000x128xf32, #tpu.memory_space<hbm>> -> memref<10000x128xf32, #tpu.memory_space<hbm>>
        tpu.enqueue_indirect_dma source(%dma_start3A_788 : memref<10000x128xf32, #tpu.memory_space<hbm>>) target(%arg11 : memref<125x128xf32, #tpu.memory_space<vmem>>) offsets(%dma_start3A_785 : memref<125xi32, #tpu.memory_space<vmem>>) semaphore(%arg17 : memref<!tpu.dma_semaphore, #tpu.memory_space<semaphore_mem>>)
      } else {
      }
      %add3A_672 = arith.constant 2 : i32
      %add3A_673 = arith.addi %mul3A_580, %add3A_672 : i32
      %dma_wait3A_674 = arith.constant 0 : i32
      %dma_wait3A_675 = arith.constant 0 : i32
      %dma_wait3A_676 = tpu.memref_slice %arg10[%dma_wait3A_674, %dma_wait3A_675] : memref<2x125xi32, #tpu.memory_space<vmem>> -> memref<1x125xi32, #tpu.memory_space<vmem>>
      %dma_wait3A_677 = tpu.memref_squeeze %dma_wait3A_676 : memref<1x125xi32, #tpu.memory_space<vmem>> -> memref<125xi32, #tpu.memory_space<vmem>>
      %dma_wait3A_678 = arith.constant 0 : i32
      %dma_wait3A_679 = arith.constant 0 : i32
      %dma_wait3A_680 = tpu.memref_slice %arg2[%dma_wait3A_678, %dma_wait3A_679] : memref<10000x128xf32, #tpu.memory_space<hbm>> -> memref<10000x128xf32, #tpu.memory_space<hbm>>
      tpu.wait_indirect_dma semaphore(%arg19 : memref<!tpu.dma_semaphore, #tpu.memory_space<semaphore_mem>>) src(%dma_wait3A_680 : memref<10000x128xf32, #tpu.memory_space<hbm>>) dst(%arg13 : memref<125x128xf32, #tpu.memory_space<vmem>>)
      %dma_start3A_681 = arith.constant 1 : i32
      %dma_start3A_682 = arith.constant 0 : i32
      %dma_start3A_683 = tpu.memref_slice %arg10[%dma_start3A_681, %dma_start3A_682] : memref<2x125xi32, #tpu.memory_space<vmem>> -> memref<1x125xi32, #tpu.memory_space<vmem>>
      %dma_start3A_684 = tpu.memref_squeeze %dma_start3A_683 : memref<1x125xi32, #tpu.memory_space<vmem>> -> memref<125xi32, #tpu.memory_space<vmem>>
      %dma_start3A_685 = arith.constant 0 : i32
      %dma_start3A_686 = arith.constant 0 : i32
      %dma_start3A_687 = tpu.memref_slice %arg15[%dma_start3A_685, %dma_start3A_686] : memref<10000x128xf32, #tpu.memory_space<vmem_shared>> -> memref<10000x128xf32, #tpu.memory_space<vmem_shared>>
      tpu.enqueue_indirect_dma source(%arg13 : memref<125x128xf32, #tpu.memory_space<vmem>>) target(%dma_start3A_687 : memref<10000x128xf32, #tpu.memory_space<vmem_shared>>) offsets(%dma_start3A_684 : memref<125xi32, #tpu.memory_space<vmem>>) semaphore(%arg22 : memref<!tpu.dma_semaphore, #tpu.memory_space<semaphore_mem>>) {add = true}
      %dma_start3A_688 = arith.constant 1 : i32
      %dma_start3A_689 = arith.constant 0 : i32
      %dma_start3A_690 = tpu.memref_slice %arg14[%dma_start3A_689] : memref<128xf32, #tpu.memory_space<vmem>> -> memref<125xf32, #tpu.memory_space<vmem>>
      %dma_start3A_691 = arith.constant 0 : i32
      %dma_start3A_692 = tpu.memref_slice %arg10[%dma_start3A_688, %dma_start3A_691] : memref<2x125xi32, #tpu.memory_space<vmem>> -> memref<1x125xi32, #tpu.memory_space<vmem>>
      %dma_start3A_693 = tpu.memref_squeeze %dma_start3A_692 : memref<1x125xi32, #tpu.memory_space<vmem>> -> memref<125xi32, #tpu.memory_space<vmem>>
      %dma_start3A_694 = arith.constant 0 : i32
      %dma_start3A_695 = tpu.memref_slice %arg16[%dma_start3A_694] : memref<10000xf32, #tpu.memory_space<vmem_shared>> -> memref<10000xf32, #tpu.memory_space<vmem_shared>>
      tpu.enqueue_indirect_dma source(%dma_start3A_690 : memref<125xf32, #tpu.memory_space<vmem>>) target(%dma_start3A_695 : memref<10000xf32, #tpu.memory_space<vmem_shared>>) offsets(%dma_start3A_693 : memref<125xi32, #tpu.memory_space<vmem>>) semaphore(%arg25 : memref<!tpu.dma_semaphore, #tpu.memory_space<semaphore_mem>>) {add = true}
      %dma_wait3A_696 = arith.constant 1 : i32
      %dma_wait3A_697 = arith.constant 0 : i32
      %dma_wait3A_698 = tpu.memref_slice %arg9[%dma_wait3A_696, %dma_wait3A_697] : memref<2x125xi32, #tpu.memory_space<vmem>> -> memref<1x125xi32, #tpu.memory_space<vmem>>
      %dma_wait3A_699 = tpu.memref_squeeze %dma_wait3A_698 : memref<1x125xi32, #tpu.memory_space<vmem>> -> memref<125xi32, #tpu.memory_space<vmem>>
      %dma_wait3A_700 = arith.constant 0 : i32
      %dma_wait3A_701 = arith.constant 0 : i32
      %dma_wait3A_702 = tpu.memref_slice %arg15[%dma_wait3A_700, %dma_wait3A_701] : memref<10000x128xf32, #tpu.memory_space<vmem_shared>> -> memref<10000x128xf32, #tpu.memory_space<vmem_shared>>
      tpu.wait_indirect_dma semaphore(%arg21 : memref<!tpu.dma_semaphore, #tpu.memory_space<semaphore_mem>>) src(%arg12 : memref<125x128xf32, #tpu.memory_space<vmem>>) dst(%dma_wait3A_702 : memref<10000x128xf32, #tpu.memory_space<vmem_shared>>)
      %dma_wait3A_703 = arith.constant 1 : i32
      %dma_wait3A_704 = arith.constant 0 : i32
      %dma_wait3A_705 = tpu.memref_slice %arg14[%dma_wait3A_704] : memref<128xf32, #tpu.memory_space<vmem>> -> memref<125xf32, #tpu.memory_space<vmem>>
      %dma_wait3A_706 = arith.constant 0 : i32
      %dma_wait3A_707 = tpu.memref_slice %arg9[%dma_wait3A_703, %dma_wait3A_706] : memref<2x125xi32, #tpu.memory_space<vmem>> -> memref<1x125xi32, #tpu.memory_space<vmem>>
      %dma_wait3A_708 = tpu.memref_squeeze %dma_wait3A_707 : memref<1x125xi32, #tpu.memory_space<vmem>> -> memref<125xi32, #tpu.memory_space<vmem>>
      %dma_wait3A_709 = arith.constant 0 : i32
      %dma_wait3A_710 = tpu.memref_slice %arg16[%dma_wait3A_709] : memref<10000xf32, #tpu.memory_space<vmem_shared>> -> memref<10000xf32, #tpu.memory_space<vmem_shared>>
      tpu.wait_indirect_dma semaphore(%arg24 : memref<!tpu.dma_semaphore, #tpu.memory_space<semaphore_mem>>) src(%dma_wait3A_705 : memref<125xf32, #tpu.memory_space<vmem>>) dst(%dma_wait3A_710 : memref<10000xf32, #tpu.memory_space<vmem_shared>>)
      %add3A_711 = arith.constant 2 : i32
      %add3A_712 = arith.addi %add3A_673, %add3A_711 : i32
      %lt3A_713 = arith.constant 80 : i32
      %lt3A_714 = arith.cmpi slt, %add3A_712, %lt3A_713 : i32
      %convert_element_type3A_715 = arith.extui %lt3A_714 : i1 to i32
      %cond3A_716 = arith.constant 0 : i32
      %cond3A_717 = arith.cmpi ne, %convert_element_type3A_715, %cond3A_716 : i32
      scf.if %cond3A_717 {
        %add3A_718 = arith.constant 2 : i32
        %add3A_719 = arith.addi %add3A_673, %add3A_718 : i32
        %dma_start3A_720 = arith.constant 0 : i32
        %dma_start3A_721 = arith.constant 0 : i32
        %dma_start3A_722 = arith.constant 0 : i32
        %dma_start3A_723 = tpu.memref_slice %arg9[%dma_start3A_721, %dma_start3A_722] : memref<2x125xi32, #tpu.memory_space<vmem>> -> memref<1x125xi32, #tpu.memory_space<vmem>>
        %dma_start3A_724 = tpu.memref_squeeze %dma_start3A_723 : memref<1x125xi32, #tpu.memory_space<vmem>> -> memref<125xi32, #tpu.memory_space<vmem>>
        %dma_start3A_725 = arith.constant 0 : i32
        %dma_start3A_726 = tpu.memref_slice %arg3[%dma_start3A_720, %add3A, %add3A_719, %dma_start3A_725] : memref<2x32x80x125xi32, #tpu.memory_space<hbm>> -> memref<1x1x1x125xi32, #tpu.memory_space<hbm>>
        %dma_start3A_727 = tpu.memref_squeeze %dma_start3A_726 : memref<1x1x1x125xi32, #tpu.memory_space<hbm>> -> memref<125xi32, #tpu.memory_space<hbm>>
        %dma_start3A_728 = arith.constant 0 : i32
        %dma_start3A_729 = tpu.memref_slice %arg9[%dma_start3A_721, %dma_start3A_728] : memref<2x125xi32, #tpu.memory_space<vmem>> -> memref<1x125xi32, #tpu.memory_space<vmem>>
        %dma_start3A_730 = tpu.memref_squeeze %dma_start3A_729 : memref<1x125xi32, #tpu.memory_space<vmem>> -> memref<125xi32, #tpu.memory_space<vmem>>
        %dma_start3A_731 = arith.constant 0 : i32
        %dma_start3A_732 = tpu.memref_slice %arg3[%dma_start3A_720, %add3A, %add3A_719, %dma_start3A_731] : memref<2x32x80x125xi32, #tpu.memory_space<hbm>> -> memref<1x1x1x125xi32, #tpu.memory_space<hbm>>
        %dma_start3A_733 = tpu.memref_squeeze %dma_start3A_732 : memref<1x1x1x125xi32, #tpu.memory_space<hbm>> -> memref<125xi32, #tpu.memory_space<hbm>>
        tpu.enqueue_dma source(%dma_start3A_733 : memref<125xi32, #tpu.memory_space<hbm>>) target(%dma_start3A_730 : memref<125xi32, #tpu.memory_space<vmem>>) target_semaphore(%arg27 : memref<!tpu.dma_semaphore, #tpu.memory_space<semaphore_mem>>)
        %add3A_734 = arith.constant 2 : i32
        %add3A_735 = arith.addi %add3A_673, %add3A_734 : i32
        %dma_start3A_736 = arith.constant 1 : i32
        %dma_start3A_737 = arith.constant 1 : i32
        %dma_start3A_738 = arith.constant 0 : i32
        %dma_start3A_739 = tpu.memref_slice %arg9[%dma_start3A_737, %dma_start3A_738] : memref<2x125xi32, #tpu.memory_space<vmem>> -> memref<1x125xi32, #tpu.memory_space<vmem>>
        %dma_start3A_740 = tpu.memref_squeeze %dma_start3A_739 : memref<1x125xi32, #tpu.memory_space<vmem>> -> memref<125xi32, #tpu.memory_space<vmem>>
        %dma_start3A_741 = arith.constant 0 : i32
        %dma_start3A_742 = tpu.memref_slice %arg3[%dma_start3A_736, %add3A, %add3A_735, %dma_start3A_741] : memref<2x32x80x125xi32, #tpu.memory_space<hbm>> -> memref<1x1x1x125xi32, #tpu.memory_space<hbm>>
        %dma_start3A_743 = tpu.memref_squeeze %dma_start3A_742 : memref<1x1x1x125xi32, #tpu.memory_space<hbm>> -> memref<125xi32, #tpu.memory_space<hbm>>
        %dma_start3A_744 = arith.constant 0 : i32
        %dma_start3A_745 = tpu.memref_slice %arg9[%dma_start3A_737, %dma_start3A_744] : memref<2x125xi32, #tpu.memory_space<vmem>> -> memref<1x125xi32, #tpu.memory_space<vmem>>
        %dma_start3A_746 = tpu.memref_squeeze %dma_start3A_745 : memref<1x125xi32, #tpu.memory_space<vmem>> -> memref<125xi32, #tpu.memory_space<vmem>>
        %dma_start3A_747 = arith.constant 0 : i32
        %dma_start3A_748 = tpu.memref_slice %arg3[%dma_start3A_736, %add3A, %add3A_735, %dma_start3A_747] : memref<2x32x80x125xi32, #tpu.memory_space<hbm>> -> memref<1x1x1x125xi32, #tpu.memory_space<hbm>>
        %dma_start3A_749 = tpu.memref_squeeze %dma_start3A_748 : memref<1x1x1x125xi32, #tpu.memory_space<hbm>> -> memref<125xi32, #tpu.memory_space<hbm>>
        tpu.enqueue_dma source(%dma_start3A_749 : memref<125xi32, #tpu.memory_space<hbm>>) target(%dma_start3A_746 : memref<125xi32, #tpu.memory_space<vmem>>) target_semaphore(%arg27 : memref<!tpu.dma_semaphore, #tpu.memory_space<semaphore_mem>>)
        %add3A_750 = arith.constant 2 : i32
        %add3A_751 = arith.addi %add3A_673, %add3A_750 : i32
        %dma_wait3A_752 = arith.constant 0 : i32
        %dma_wait3A_753 = arith.constant 0 : i32
        %dma_wait3A_754 = arith.constant 0 : i32
        %dma_wait3A_755 = tpu.memref_slice %arg9[%dma_wait3A_753, %dma_wait3A_754] : memref<2x125xi32, #tpu.memory_space<vmem>> -> memref<1x125xi32, #tpu.memory_space<vmem>>
        %dma_wait3A_756 = tpu.memref_squeeze %dma_wait3A_755 : memref<1x125xi32, #tpu.memory_space<vmem>> -> memref<125xi32, #tpu.memory_space<vmem>>
        %dma_wait3A_757 = arith.constant 0 : i32
        %dma_wait3A_758 = tpu.memref_slice %arg3[%dma_wait3A_752, %add3A, %add3A_751, %dma_wait3A_757] : memref<2x32x80x125xi32, #tpu.memory_space<hbm>> -> memref<1x1x1x125xi32, #tpu.memory_space<hbm>>
        %dma_wait3A_759 = tpu.memref_squeeze %dma_wait3A_758 : memref<1x1x1x125xi32, #tpu.memory_space<hbm>> -> memref<125xi32, #tpu.memory_space<hbm>>
        %dma_wait3A_760 = arith.constant 0 : i32
        %dma_wait3A_761 = tpu.memref_slice %arg9[%dma_wait3A_753, %dma_wait3A_760] : memref<2x125xi32, #tpu.memory_space<vmem>> -> memref<1x125xi32, #tpu.memory_space<vmem>>
        %dma_wait3A_762 = tpu.memref_squeeze %dma_wait3A_761 : memref<1x125xi32, #tpu.memory_space<vmem>> -> memref<125xi32, #tpu.memory_space<vmem>>
        %dma_wait3A_763 = arith.constant 0 : i32
        %dma_wait3A_764 = tpu.memref_slice %arg3[%dma_wait3A_752, %add3A, %add3A_751, %dma_wait3A_763] : memref<2x32x80x125xi32, #tpu.memory_space<hbm>> -> memref<1x1x1x125xi32, #tpu.memory_space<hbm>>
        %dma_wait3A_765 = tpu.memref_squeeze %dma_wait3A_764 : memref<1x1x1x125xi32, #tpu.memory_space<hbm>> -> memref<125xi32, #tpu.memory_space<hbm>>
        tpu.wait_dma2 semaphore(%arg27 : memref<!tpu.dma_semaphore, #tpu.memory_space<semaphore_mem>>) src(%dma_wait3A_765 : memref<125xi32, #tpu.memory_space<hbm>>) dst(%dma_wait3A_762 : memref<125xi32, #tpu.memory_space<vmem>>)
        %add3A_766 = arith.constant 2 : i32
        %add3A_767 = arith.addi %add3A_673, %add3A_766 : i32
        %dma_wait3A_768 = arith.constant 1 : i32
        %dma_wait3A_769 = arith.constant 1 : i32
        %dma_wait3A_770 = arith.constant 0 : i32
        %dma_wait3A_771 = tpu.memref_slice %arg9[%dma_wait3A_769, %dma_wait3A_770] : memref<2x125xi32, #tpu.memory_space<vmem>> -> memref<1x125xi32, #tpu.memory_space<vmem>>
        %dma_wait3A_772 = tpu.memref_squeeze %dma_wait3A_771 : memref<1x125xi32, #tpu.memory_space<vmem>> -> memref<125xi32, #tpu.memory_space<vmem>>
        %dma_wait3A_773 = arith.constant 0 : i32
        %dma_wait3A_774 = tpu.memref_slice %arg3[%dma_wait3A_768, %add3A, %add3A_767, %dma_wait3A_773] : memref<2x32x80x125xi32, #tpu.memory_space<hbm>> -> memref<1x1x1x125xi32, #tpu.memory_space<hbm>>
        %dma_wait3A_775 = tpu.memref_squeeze %dma_wait3A_774 : memref<1x1x1x125xi32, #tpu.memory_space<hbm>> -> memref<125xi32, #tpu.memory_space<hbm>>
        %dma_wait3A_776 = arith.constant 0 : i32
        %dma_wait3A_777 = tpu.memref_slice %arg9[%dma_wait3A_769, %dma_wait3A_776] : memref<2x125xi32, #tpu.memory_space<vmem>> -> memref<1x125xi32, #tpu.memory_space<vmem>>
        %dma_wait3A_778 = tpu.memref_squeeze %dma_wait3A_777 : memref<1x125xi32, #tpu.memory_space<vmem>> -> memref<125xi32, #tpu.memory_space<vmem>>
        %dma_wait3A_779 = arith.constant 0 : i32
        %dma_wait3A_780 = tpu.memref_slice %arg3[%dma_wait3A_768, %add3A, %add3A_767, %dma_wait3A_779] : memref<2x32x80x125xi32, #tpu.memory_space<hbm>> -> memref<1x1x1x125xi32, #tpu.memory_space<hbm>>
        %dma_wait3A_781 = tpu.memref_squeeze %dma_wait3A_780 : memref<1x1x1x125xi32, #tpu.memory_space<hbm>> -> memref<125xi32, #tpu.memory_space<hbm>>
        tpu.wait_dma2 semaphore(%arg27 : memref<!tpu.dma_semaphore, #tpu.memory_space<semaphore_mem>>) src(%dma_wait3A_781 : memref<125xi32, #tpu.memory_space<hbm>>) dst(%dma_wait3A_778 : memref<125xi32, #tpu.memory_space<vmem>>)
        %dma_start3A_782 = arith.constant 0 : i32
        %dma_start3A_783 = arith.constant 0 : i32
        %dma_start3A_784 = tpu.memref_slice %arg9[%dma_start3A_782, %dma_start3A_783] : memref<2x125xi32, #tpu.memory_space<vmem>> -> memref<1x125xi32, #tpu.memory_space<vmem>>
        %dma_start3A_785 = tpu.memref_squeeze %dma_start3A_784 : memref<1x125xi32, #tpu.memory_space<vmem>> -> memref<125xi32, #tpu.memory_space<vmem>>
        %dma_start3A_786 = arith.constant 0 : i32
        %dma_start3A_787 = arith.constant 0 : i32
        %dma_start3A_788 = tpu.memref_slice %arg2[%dma_start3A_786, %dma_start3A_787] : memref<10000x128xf32, #tpu.memory_space<hbm>> -> memref<10000x128xf32, #tpu.memory_space<hbm>>
        tpu.enqueue_indirect_dma source(%dma_start3A_788 : memref<10000x128xf32, #tpu.memory_space<hbm>>) target(%arg12 : memref<125x128xf32, #tpu.memory_space<vmem>>) offsets(%dma_start3A_785 : memref<125xi32, #tpu.memory_space<vmem>>) semaphore(%arg18 : memref<!tpu.dma_semaphore, #tpu.memory_space<semaphore_mem>>)
      } else {
      }
    }
    %scan3A_475 = arith.constant 25 : i32
    %dma_wait3A_476 = arith.constant 0 : i32
    %dma_wait3A_477 = arith.constant 0 : i32
    %dma_wait3A_478 = tpu.memref_slice %arg8[%dma_wait3A_476, %dma_wait3A_477] : memref<2x125xi32, #tpu.memory_space<vmem>> -> memref<1x125xi32, #tpu.memory_space<vmem>>
    %dma_wait3A_479 = tpu.memref_squeeze %dma_wait3A_478 : memref<1x125xi32, #tpu.memory_space<vmem>> -> memref<125xi32, #tpu.memory_space<vmem>>
    %dma_wait3A_480 = arith.constant 0 : i32
    %dma_wait3A_481 = arith.constant 0 : i32
    %dma_wait3A_482 = tpu.memref_slice %arg2[%dma_wait3A_480, %dma_wait3A_481] : memref<10000x128xf32, #tpu.memory_space<hbm>> -> memref<10000x128xf32, #tpu.memory_space<hbm>>
    tpu.wait_indirect_dma semaphore(%arg17 : memref<!tpu.dma_semaphore, #tpu.memory_space<semaphore_mem>>) src(%dma_wait3A_482 : memref<10000x128xf32, #tpu.memory_space<hbm>>) dst(%arg11 : memref<125x128xf32, #tpu.memory_space<vmem>>)
    %dma_start3A_483 = arith.constant 1 : i32
    %dma_start3A_484 = arith.constant 0 : i32
    %dma_start3A_485 = tpu.memref_slice %arg8[%dma_start3A_483, %dma_start3A_484] : memref<2x125xi32, #tpu.memory_space<vmem>> -> memref<1x125xi32, #tpu.memory_space<vmem>>
    %dma_start3A_486 = tpu.memref_squeeze %dma_start3A_485 : memref<1x125xi32, #tpu.memory_space<vmem>> -> memref<125xi32, #tpu.memory_space<vmem>>
    %dma_start3A_487 = arith.constant 0 : i32
    %dma_start3A_488 = arith.constant 0 : i32
    %dma_start3A_489 = tpu.memref_slice %arg15[%dma_start3A_487, %dma_start3A_488] : memref<10000x128xf32, #tpu.memory_space<vmem_shared>> -> memref<10000x128xf32, #tpu.memory_space<vmem_shared>>
    tpu.enqueue_indirect_dma source(%arg11 : memref<125x128xf32, #tpu.memory_space<vmem>>) target(%dma_start3A_489 : memref<10000x128xf32, #tpu.memory_space<vmem_shared>>) offsets(%dma_start3A_486 : memref<125xi32, #tpu.memory_space<vmem>>) semaphore(%arg20 : memref<!tpu.dma_semaphore, #tpu.memory_space<semaphore_mem>>) {add = true}
    %dma_start3A_490 = arith.constant 1 : i32
    %dma_start3A_491 = arith.constant 0 : i32
    %dma_start3A_492 = tpu.memref_slice %arg14[%dma_start3A_491] : memref<128xf32, #tpu.memory_space<vmem>> -> memref<125xf32, #tpu.memory_space<vmem>>
    %dma_start3A_493 = arith.constant 0 : i32
    %dma_start3A_494 = tpu.memref_slice %arg8[%dma_start3A_490, %dma_start3A_493] : memref<2x125xi32, #tpu.memory_space<vmem>> -> memref<1x125xi32, #tpu.memory_space<vmem>>
    %dma_start3A_495 = tpu.memref_squeeze %dma_start3A_494 : memref<1x125xi32, #tpu.memory_space<vmem>> -> memref<125xi32, #tpu.memory_space<vmem>>
    %dma_start3A_496 = arith.constant 0 : i32
    %dma_start3A_497 = tpu.memref_slice %arg16[%dma_start3A_496] : memref<10000xf32, #tpu.memory_space<vmem_shared>> -> memref<10000xf32, #tpu.memory_space<vmem_shared>>
    tpu.enqueue_indirect_dma source(%dma_start3A_492 : memref<125xf32, #tpu.memory_space<vmem>>) target(%dma_start3A_497 : memref<10000xf32, #tpu.memory_space<vmem_shared>>) offsets(%dma_start3A_495 : memref<125xi32, #tpu.memory_space<vmem>>) semaphore(%arg23 : memref<!tpu.dma_semaphore, #tpu.memory_space<semaphore_mem>>) {add = true}
    %dma_wait3A_498 = arith.constant 1 : i32
    %dma_wait3A_499 = arith.constant 0 : i32
    %dma_wait3A_500 = tpu.memref_slice %arg10[%dma_wait3A_498, %dma_wait3A_499] : memref<2x125xi32, #tpu.memory_space<vmem>> -> memref<1x125xi32, #tpu.memory_space<vmem>>
    %dma_wait3A_501 = tpu.memref_squeeze %dma_wait3A_500 : memref<1x125xi32, #tpu.memory_space<vmem>> -> memref<125xi32, #tpu.memory_space<vmem>>
    %dma_wait3A_502 = arith.constant 0 : i32
    %dma_wait3A_503 = arith.constant 0 : i32
    %dma_wait3A_504 = tpu.memref_slice %arg15[%dma_wait3A_502, %dma_wait3A_503] : memref<10000x128xf32, #tpu.memory_space<vmem_shared>> -> memref<10000x128xf32, #tpu.memory_space<vmem_shared>>
    tpu.wait_indirect_dma semaphore(%arg22 : memref<!tpu.dma_semaphore, #tpu.memory_space<semaphore_mem>>) src(%arg13 : memref<125x128xf32, #tpu.memory_space<vmem>>) dst(%dma_wait3A_504 : memref<10000x128xf32, #tpu.memory_space<vmem_shared>>)
    %dma_wait3A_505 = arith.constant 1 : i32
    %dma_wait3A_506 = arith.constant 0 : i32
    %dma_wait3A_507 = tpu.memref_slice %arg14[%dma_wait3A_506] : memref<128xf32, #tpu.memory_space<vmem>> -> memref<125xf32, #tpu.memory_space<vmem>>
    %dma_wait3A_508 = arith.constant 0 : i32
    %dma_wait3A_509 = tpu.memref_slice %arg10[%dma_wait3A_505, %dma_wait3A_508] : memref<2x125xi32, #tpu.memory_space<vmem>> -> memref<1x125xi32, #tpu.memory_space<vmem>>
    %dma_wait3A_510 = tpu.memref_squeeze %dma_wait3A_509 : memref<1x125xi32, #tpu.memory_space<vmem>> -> memref<125xi32, #tpu.memory_space<vmem>>
    %dma_wait3A_511 = arith.constant 0 : i32
    %dma_wait3A_512 = tpu.memref_slice %arg16[%dma_wait3A_511] : memref<10000xf32, #tpu.memory_space<vmem_shared>> -> memref<10000xf32, #tpu.memory_space<vmem_shared>>
    tpu.wait_indirect_dma semaphore(%arg25 : memref<!tpu.dma_semaphore, #tpu.memory_space<semaphore_mem>>) src(%dma_wait3A_507 : memref<125xf32, #tpu.memory_space<vmem>>) dst(%dma_wait3A_512 : memref<10000xf32, #tpu.memory_space<vmem_shared>>)
    %dma_wait3A_513 = arith.constant 0 : i32
    %dma_wait3A_514 = arith.constant 0 : i32
    %dma_wait3A_515 = tpu.memref_slice %arg9[%dma_wait3A_513, %dma_wait3A_514] : memref<2x125xi32, #tpu.memory_space<vmem>> -> memref<1x125xi32, #tpu.memory_space<vmem>>
    %dma_wait3A_516 = tpu.memref_squeeze %dma_wait3A_515 : memref<1x125xi32, #tpu.memory_space<vmem>> -> memref<125xi32, #tpu.memory_space<vmem>>
    %dma_wait3A_517 = arith.constant 0 : i32
    %dma_wait3A_518 = arith.constant 0 : i32
    %dma_wait3A_519 = tpu.memref_slice %arg2[%dma_wait3A_517, %dma_wait3A_518] : memref<10000x128xf32, #tpu.memory_space<hbm>> -> memref<10000x128xf32, #tpu.memory_space<hbm>>
    tpu.wait_indirect_dma semaphore(%arg18 : memref<!tpu.dma_semaphore, #tpu.memory_space<semaphore_mem>>) src(%dma_wait3A_519 : memref<10000x128xf32, #tpu.memory_space<hbm>>) dst(%arg12 : memref<125x128xf32, #tpu.memory_space<vmem>>)
    %dma_start3A_520 = arith.constant 1 : i32
    %dma_start3A_521 = arith.constant 0 : i32
    %dma_start3A_522 = tpu.memref_slice %arg9[%dma_start3A_520, %dma_start3A_521] : memref<2x125xi32, #tpu.memory_space<vmem>> -> memref<1x125xi32, #tpu.memory_space<vmem>>
    %dma_start3A_523 = tpu.memref_squeeze %dma_start3A_522 : memref<1x125xi32, #tpu.memory_space<vmem>> -> memref<125xi32, #tpu.memory_space<vmem>>
    %dma_start3A_524 = arith.constant 0 : i32
    %dma_start3A_525 = arith.constant 0 : i32
    %dma_start3A_526 = tpu.memref_slice %arg15[%dma_start3A_524, %dma_start3A_525] : memref<10000x128xf32, #tpu.memory_space<vmem_shared>> -> memref<10000x128xf32, #tpu.memory_space<vmem_shared>>
    tpu.enqueue_indirect_dma source(%arg12 : memref<125x128xf32, #tpu.memory_space<vmem>>) target(%dma_start3A_526 : memref<10000x128xf32, #tpu.memory_space<vmem_shared>>) offsets(%dma_start3A_523 : memref<125xi32, #tpu.memory_space<vmem>>) semaphore(%arg21 : memref<!tpu.dma_semaphore, #tpu.memory_space<semaphore_mem>>) {add = true}
    %dma_start3A_527 = arith.constant 1 : i32
    %dma_start3A_528 = arith.constant 0 : i32
    %dma_start3A_529 = tpu.memref_slice %arg14[%dma_start3A_528] : memref<128xf32, #tpu.memory_space<vmem>> -> memref<125xf32, #tpu.memory_space<vmem>>
    %dma_start3A_530 = arith.constant 0 : i32
    %dma_start3A_531 = tpu.memref_slice %arg9[%dma_start3A_527, %dma_start3A_530] : memref<2x125xi32, #tpu.memory_space<vmem>> -> memref<1x125xi32, #tpu.memory_space<vmem>>
    %dma_start3A_532 = tpu.memref_squeeze %dma_start3A_531 : memref<1x125xi32, #tpu.memory_space<vmem>> -> memref<125xi32, #tpu.memory_space<vmem>>
    %dma_start3A_533 = arith.constant 0 : i32
    %dma_start3A_534 = tpu.memref_slice %arg16[%dma_start3A_533] : memref<10000xf32, #tpu.memory_space<vmem_shared>> -> memref<10000xf32, #tpu.memory_space<vmem_shared>>
    tpu.enqueue_indirect_dma source(%dma_start3A_529 : memref<125xf32, #tpu.memory_space<vmem>>) target(%dma_start3A_534 : memref<10000xf32, #tpu.memory_space<vmem_shared>>) offsets(%dma_start3A_532 : memref<125xi32, #tpu.memory_space<vmem>>) semaphore(%arg24 : memref<!tpu.dma_semaphore, #tpu.memory_space<semaphore_mem>>) {add = true}
    %dma_wait3A_535 = arith.constant 1 : i32
    %dma_wait3A_536 = arith.constant 0 : i32
    %dma_wait3A_537 = tpu.memref_slice %arg8[%dma_wait3A_535, %dma_wait3A_536] : memref<2x125xi32, #tpu.memory_space<vmem>> -> memref<1x125xi32, #tpu.memory_space<vmem>>
    %dma_wait3A_538 = tpu.memref_squeeze %dma_wait3A_537 : memref<1x125xi32, #tpu.memory_space<vmem>> -> memref<125xi32, #tpu.memory_space<vmem>>
    %dma_wait3A_539 = arith.constant 0 : i32
    %dma_wait3A_540 = arith.constant 0 : i32
    %dma_wait3A_541 = tpu.memref_slice %arg15[%dma_wait3A_539, %dma_wait3A_540] : memref<10000x128xf32, #tpu.memory_space<vmem_shared>> -> memref<10000x128xf32, #tpu.memory_space<vmem_shared>>
    tpu.wait_indirect_dma semaphore(%arg20 : memref<!tpu.dma_semaphore, #tpu.memory_space<semaphore_mem>>) src(%arg11 : memref<125x128xf32, #tpu.memory_space<vmem>>) dst(%dma_wait3A_541 : memref<10000x128xf32, #tpu.memory_space<vmem_shared>>)
    %dma_wait3A_542 = arith.constant 1 : i32
    %dma_wait3A_543 = arith.constant 0 : i32
    %dma_wait3A_544 = tpu.memref_slice %arg14[%dma_wait3A_543] : memref<128xf32, #tpu.memory_space<vmem>> -> memref<125xf32, #tpu.memory_space<vmem>>
    %dma_wait3A_545 = arith.constant 0 : i32
    %dma_wait3A_546 = tpu.memref_slice %arg8[%dma_wait3A_542, %dma_wait3A_545] : memref<2x125xi32, #tpu.memory_space<vmem>> -> memref<1x125xi32, #tpu.memory_space<vmem>>
    %dma_wait3A_547 = tpu.memref_squeeze %dma_wait3A_546 : memref<1x125xi32, #tpu.memory_space<vmem>> -> memref<125xi32, #tpu.memory_space<vmem>>
    %dma_wait3A_548 = arith.constant 0 : i32
    %dma_wait3A_549 = tpu.memref_slice %arg16[%dma_wait3A_548] : memref<10000xf32, #tpu.memory_space<vmem_shared>> -> memref<10000xf32, #tpu.memory_space<vmem_shared>>
    tpu.wait_indirect_dma semaphore(%arg23 : memref<!tpu.dma_semaphore, #tpu.memory_space<semaphore_mem>>) src(%dma_wait3A_544 : memref<125xf32, #tpu.memory_space<vmem>>) dst(%dma_wait3A_549 : memref<10000xf32, #tpu.memory_space<vmem_shared>>)
    %dma_wait3A_550 = arith.constant 1 : i32
    %dma_wait3A_551 = arith.constant 0 : i32
    %dma_wait3A_552 = tpu.memref_slice %arg9[%dma_wait3A_550, %dma_wait3A_551] : memref<2x125xi32, #tpu.memory_space<vmem>> -> memref<1x125xi32, #tpu.memory_space<vmem>>
    %dma_wait3A_553 = tpu.memref_squeeze %dma_wait3A_552 : memref<1x125xi32, #tpu.memory_space<vmem>> -> memref<125xi32, #tpu.memory_space<vmem>>
    %dma_wait3A_554 = arith.constant 0 : i32
    %dma_wait3A_555 = arith.constant 0 : i32
    %dma_wait3A_556 = tpu.memref_slice %arg15[%dma_wait3A_554, %dma_wait3A_555] : memref<10000x128xf32, #tpu.memory_space<vmem_shared>> -> memref<10000x128xf32, #tpu.memory_space<vmem_shared>>
    tpu.wait_indirect_dma semaphore(%arg21 : memref<!tpu.dma_semaphore, #tpu.memory_space<semaphore_mem>>) src(%arg12 : memref<125x128xf32, #tpu.memory_space<vmem>>) dst(%dma_wait3A_556 : memref<10000x128xf32, #tpu.memory_space<vmem_shared>>)
    %dma_wait3A_557 = arith.constant 1 : i32
    %dma_wait3A_558 = arith.constant 0 : i32
    %dma_wait3A_559 = tpu.memref_slice %arg14[%dma_wait3A_558] : memref<128xf32, #tpu.memory_space<vmem>> -> memref<125xf32, #tpu.memory_space<vmem>>
    %dma_wait3A_560 = arith.constant 0 : i32
    %dma_wait3A_561 = tpu.memref_slice %arg9[%dma_wait3A_557, %dma_wait3A_560] : memref<2x125xi32, #tpu.memory_space<vmem>> -> memref<1x125xi32, #tpu.memory_space<vmem>>
    %dma_wait3A_562 = tpu.memref_squeeze %dma_wait3A_561 : memref<1x125xi32, #tpu.memory_space<vmem>> -> memref<125xi32, #tpu.memory_space<vmem>>
    %dma_wait3A_563 = arith.constant 0 : i32
    %dma_wait3A_564 = tpu.memref_slice %arg16[%dma_wait3A_563] : memref<10000xf32, #tpu.memory_space<vmem_shared>> -> memref<10000xf32, #tpu.memory_space<vmem_shared>>
    tpu.wait_indirect_dma semaphore(%arg24 : memref<!tpu.dma_semaphore, #tpu.memory_space<semaphore_mem>>) src(%dma_wait3A_559 : memref<125xf32, #tpu.memory_space<vmem>>) dst(%dma_wait3A_564 : memref<10000xf32, #tpu.memory_space<vmem_shared>>)
    %barrier3A_565 = arith.constant 0 : index
    tpu.barrier barrier_id(%barrier3A_565)
    %mul3A_566 = arith.constant 624 : i32
    %mul3A_567 = arith.muli %arg1, %mul3A_566 : i32
    "tpu.region"() ({
      %run_scoped3A = tpu.sem_alloc : memref<!tpu.dma_semaphore, #tpu.memory_space<semaphore_mem>>
      %dma_start3A_578 = arith.constant 0 : i32
      %dma_start3A_579 = tpu.memref_slice %arg6[%arg0, %mul3A_567, %dma_start3A_578] : memref<2x10000x128xf32, #tpu.memory_space<hbm>> -> memref<1x624x128xf32, #tpu.memory_space<hbm>>
      %dma_start3A_580 = tpu.memref_squeeze %dma_start3A_579 : memref<1x624x128xf32, #tpu.memory_space<hbm>> -> memref<624x128xf32, #tpu.memory_space<hbm>>
      %dma_start3A_581 = arith.constant 0 : i32
      %dma_start3A_582 = tpu.memref_slice %arg15[%mul3A_567, %dma_start3A_581] : memref<10000x128xf32, #tpu.memory_space<vmem_shared>> -> memref<624x128xf32, #tpu.memory_space<vmem_shared>>
      tpu.enqueue_dma source(%dma_start3A_582 : memref<624x128xf32, #tpu.memory_space<vmem_shared>>) target(%dma_start3A_580 : memref<624x128xf32, #tpu.memory_space<hbm>>) target_semaphore(%run_scoped3A : memref<!tpu.dma_semaphore, #tpu.memory_space<semaphore_mem>>)
      %dma_wait3A_583 = arith.constant 0 : i32
      %dma_wait3A_584 = tpu.memref_slice %arg6[%arg0, %mul3A_567, %dma_wait3A_583] : memref<2x10000x128xf32, #tpu.memory_space<hbm>> -> memref<1x624x128xf32, #tpu.memory_space<hbm>>
      %dma_wait3A_585 = tpu.memref_squeeze %dma_wait3A_584 : memref<1x624x128xf32, #tpu.memory_space<hbm>> -> memref<624x128xf32, #tpu.memory_space<hbm>>
      %dma_wait3A_586 = arith.constant 0 : i32
      %dma_wait3A_587 = tpu.memref_slice %arg15[%mul3A_567, %dma_wait3A_586] : memref<10000x128xf32, #tpu.memory_space<vmem_shared>> -> memref<624x128xf32, #tpu.memory_space<vmem_shared>>
      tpu.wait_dma2 semaphore(%run_scoped3A : memref<!tpu.dma_semaphore, #tpu.memory_space<semaphore_mem>>) src(%dma_wait3A_587 : memref<624x128xf32, #tpu.memory_space<vmem_shared>>) dst(%dma_wait3A_585 : memref<624x128xf32, #tpu.memory_space<hbm>>)
      tpu.yield
    }) : () -> ()
    %eq3A_568 = arith.constant 15 : i32
    %eq3A_569 = arith.cmpi eq, %arg1, %eq3A_568 : i32
    %convert_element_type3A_570 = arith.extui %eq3A_569 : i1 to i32
    %cond3A_571 = arith.constant 0 : i32
    %cond3A_572 = arith.cmpi ne, %convert_element_type3A_570, %cond3A_571 : i32
    scf.if %cond3A_572 {
      "tpu.region"() ({
        %run_scoped3A = tpu.sem_alloc : memref<!tpu.dma_semaphore, #tpu.memory_space<semaphore_mem>>
        %dma_start3A_578 = arith.constant 9984 : i32
        %dma_start3A_579 = arith.constant 0 : i32
        %dma_start3A_580 = tpu.memref_slice %arg6[%arg0, %dma_start3A_578, %dma_start3A_579] : memref<2x10000x128xf32, #tpu.memory_space<hbm>> -> memref<1x16x128xf32, #tpu.memory_space<hbm>>
        %dma_start3A_581 = tpu.memref_squeeze %dma_start3A_580 : memref<1x16x128xf32, #tpu.memory_space<hbm>> -> memref<16x128xf32, #tpu.memory_space<hbm>>
        %dma_start3A_582 = arith.constant 9984 : i32
        %dma_start3A_583 = arith.constant 0 : i32
        %dma_start3A_584 = tpu.memref_slice %arg15[%dma_start3A_582, %dma_start3A_583] : memref<10000x128xf32, #tpu.memory_space<vmem_shared>> -> memref<16x128xf32, #tpu.memory_space<vmem_shared>>
        tpu.enqueue_dma source(%dma_start3A_584 : memref<16x128xf32, #tpu.memory_space<vmem_shared>>) target(%dma_start3A_581 : memref<16x128xf32, #tpu.memory_space<hbm>>) target_semaphore(%run_scoped3A : memref<!tpu.dma_semaphore, #tpu.memory_space<semaphore_mem>>)
        %dma_wait3A_585 = arith.constant 9984 : i32
        %dma_wait3A_586 = arith.constant 0 : i32
        %dma_wait3A_587 = tpu.memref_slice %arg6[%arg0, %dma_wait3A_585, %dma_wait3A_586] : memref<2x10000x128xf32, #tpu.memory_space<hbm>> -> memref<1x16x128xf32, #tpu.memory_space<hbm>>
        %dma_wait3A_588 = tpu.memref_squeeze %dma_wait3A_587 : memref<1x16x128xf32, #tpu.memory_space<hbm>> -> memref<16x128xf32, #tpu.memory_space<hbm>>
        %dma_wait3A_589 = arith.constant 9984 : i32
        %dma_wait3A_590 = arith.constant 0 : i32
        %dma_wait3A_591 = tpu.memref_slice %arg15[%dma_wait3A_589, %dma_wait3A_590] : memref<10000x128xf32, #tpu.memory_space<vmem_shared>> -> memref<16x128xf32, #tpu.memory_space<vmem_shared>>
        tpu.wait_dma2 semaphore(%run_scoped3A : memref<!tpu.dma_semaphore, #tpu.memory_space<semaphore_mem>>) src(%dma_wait3A_591 : memref<16x128xf32, #tpu.memory_space<vmem_shared>>) dst(%dma_wait3A_588 : memref<16x128xf32, #tpu.memory_space<hbm>>)
        tpu.yield
      }) : () -> ()
    } else {
    }
    %eq3A_573 = arith.constant 0 : i32
    %eq3A_574 = arith.cmpi eq, %arg1, %eq3A_573 : i32
    %convert_element_type3A_575 = arith.extui %eq3A_574 : i1 to i32
    %cond3A_576 = arith.constant 0 : i32
    %cond3A_577 = arith.cmpi ne, %convert_element_type3A_575, %cond3A_576 : i32
    scf.if %cond3A_577 {
      "tpu.region"() ({
        %run_scoped3A = tpu.sem_alloc : memref<!tpu.dma_semaphore, #tpu.memory_space<semaphore_mem>>
        %dma_start3A_578 = arith.constant 0 : i32
        %dma_start3A_579 = tpu.memref_slice %arg7[%arg0, %dma_start3A_578] : memref<2x10000xf32, #tpu.memory_space<hbm>> -> memref<1x10000xf32, #tpu.memory_space<hbm>>
        %dma_start3A_580 = tpu.memref_squeeze %dma_start3A_579 : memref<1x10000xf32, #tpu.memory_space<hbm>> -> memref<10000xf32, #tpu.memory_space<hbm>>
        tpu.enqueue_dma source(%arg16 : memref<10000xf32, #tpu.memory_space<vmem_shared>>) target(%dma_start3A_580 : memref<10000xf32, #tpu.memory_space<hbm>>) target_semaphore(%run_scoped3A : memref<!tpu.dma_semaphore, #tpu.memory_space<semaphore_mem>>)
        %dma_wait3A_581 = arith.constant 0 : i32
        %dma_wait3A_582 = tpu.memref_slice %arg7[%arg0, %dma_wait3A_581] : memref<2x10000xf32, #tpu.memory_space<hbm>> -> memref<1x10000xf32, #tpu.memory_space<hbm>>
        %dma_wait3A_583 = tpu.memref_squeeze %dma_wait3A_582 : memref<1x10000xf32, #tpu.memory_space<hbm>> -> memref<10000xf32, #tpu.memory_space<hbm>>
        tpu.wait_dma2 semaphore(%run_scoped3A : memref<!tpu.dma_semaphore, #tpu.memory_space<semaphore_mem>>) src(%arg16 : memref<10000xf32, #tpu.memory_space<vmem_shared>>) dst(%dma_wait3A_583 : memref<10000xf32, #tpu.memory_space<hbm>>)
        tpu.yield
      }) : () -> ()
    } else {
    }
    return
  }
}

module attributes {stable_mosaic.version = 14 : i64} {
  func.func @_layer1_body(%arg0: i32, %arg1: memref<2x5000x128xf32, #tpu.memory_space<vmem>>, %arg2: memref<2x5000x1xf32, #tpu.memory_space<vmem>>, %arg3: memref<128x128xf32, #tpu.memory_space<vmem>>, %arg4: memref<1x128xf32, #tpu.memory_space<vmem>>, %arg5: memref<128x128xf32, #tpu.memory_space<vmem>>, %arg6: memref<1x128xf32, #tpu.memory_space<vmem>>, %arg7: memref<128x128xf32, #tpu.memory_space<vmem>>, %arg8: memref<1x128xf32, #tpu.memory_space<vmem>>, %arg9: memref<5000x128xf32, #tpu.memory_space<vmem>>) attributes {dimension_semantics = [#tpu.dimension_semantics<arbitrary>], iteration_bounds = array<i64: 2>, scalar_prefetch = 0 : i64, scratch_operands = 0 : i64, tpu.core_type = #tpu.core_type<tc>, window_params = [{transform_indices = @transform_0, window_bounds = array<i64: 2, 5000, 128>}, {transform_indices = @transform_1, window_bounds = array<i64: 2, 5000, 1>}, {pipeline_mode = #tpu.pipeline_mode<synchronous>, transform_indices = @transform_2, window_bounds = array<i64: 128, 128>}, {pipeline_mode = #tpu.pipeline_mode<synchronous>, transform_indices = @transform_3, window_bounds = array<i64: 1, 128>}, {pipeline_mode = #tpu.pipeline_mode<synchronous>, transform_indices = @transform_4, window_bounds = array<i64: 128, 128>}, {pipeline_mode = #tpu.pipeline_mode<synchronous>, transform_indices = @transform_5, window_bounds = array<i64: 1, 128>}, {pipeline_mode = #tpu.pipeline_mode<synchronous>, transform_indices = @transform_6, window_bounds = array<i64: 128, 128>}, {pipeline_mode = #tpu.pipeline_mode<synchronous>, transform_indices = @transform_7, window_bounds = array<i64: 1, 128>}, {transform_indices = @transform_8, window_bounds = array<i64: 5000, 128>}]} {
    %get3A = arith.constant 0 : index
    %get3A_0 = arith.constant 0 : index
    %get3A_1 = arith.constant 0 : index
    %get3A_2 = vector.load %arg2[%get3A, %get3A_0, %get3A_1] : memref<2x5000x1xf32, #tpu.memory_space<vmem>>, vector<1x5000x1xf32>
    %get3A_3 = vector.shape_cast %get3A_2 : vector<1x5000x1xf32> to vector<5000x1xf32>
    %get3A_4 = arith.constant 1 : index
    %get3A_5 = arith.constant 0 : index
    %get3A_6 = arith.constant 0 : index
    %get3A_7 = vector.load %arg2[%get3A_4, %get3A_5, %get3A_6] : memref<2x5000x1xf32, #tpu.memory_space<vmem>>, vector<1x5000x1xf32>
    %get3A_8 = vector.shape_cast %get3A_7 : vector<1x5000x1xf32> to vector<5000x1xf32>
    %add3A = arith.addf %get3A_3, %get3A_8 : vector<5000x1xf32>
    %get3A_9 = arith.constant 0 : index
    %get3A_10 = arith.constant 0 : index
    %get3A_11 = arith.constant 0 : index
    %get3A_12 = vector.load %arg1[%get3A_9, %get3A_10, %get3A_11] : memref<2x5000x128xf32, #tpu.memory_space<vmem>>, vector<1x5000x128xf32>
    %get3A_13 = vector.shape_cast %get3A_12 : vector<1x5000x128xf32> to vector<5000x128xf32>
    %get3A_14 = arith.constant 1 : index
    %get3A_15 = arith.constant 0 : index
    %get3A_16 = arith.constant 0 : index
    %get3A_17 = vector.load %arg1[%get3A_14, %get3A_15, %get3A_16] : memref<2x5000x128xf32, #tpu.memory_space<vmem>>, vector<1x5000x128xf32>
    %get3A_18 = vector.shape_cast %get3A_17 : vector<1x5000x128xf32> to vector<5000x128xf32>
    %add3A_19 = arith.addf %get3A_13, %get3A_18 : vector<5000x128xf32>
    %max3A = arith.constant 1.000000e+00 : f32
    %max3A_20 = vector.broadcast %max3A : f32 to vector<5000x1xf32>
    %max3A_21 = arith.maximumf %add3A, %max3A_20 : vector<5000x1xf32>
    %div3A = vector.broadcast %max3A_21 : vector<5000x1xf32> to vector<5000x128xf32>
    %div3A_22 = arith.divf %add3A_19, %div3A : vector<5000x128xf32>
    %get3A_23 = arith.constant 0 : index
    %get3A_24 = arith.constant 0 : index
    %get3A_25 = vector.load %arg3[%get3A_23, %get3A_24] : memref<128x128xf32, #tpu.memory_space<vmem>>, vector<128x128xf32>
    %dot_general3A = arith.constant dense<0.000000e+00> : vector<5000x128xf32>
    %dot_general3A_26 = tpu.matmul %div3A_22, %get3A_25, %dot_general3A {dimension_numbers = #tpu.dot_dimension_numbers<[1], [0], [0], [1], [0, 0, 1, 1], [], []>, transpose_lhs_hint = false} : vector<5000x128xf32>, vector<128x128xf32>, vector<5000x128xf32> -> vector<5000x128xf32>
    %get3A_27 = arith.constant 0 : index
    %get3A_28 = arith.constant 0 : index
    %get3A_29 = vector.load %arg4[%get3A_27, %get3A_28] : memref<1x128xf32, #tpu.memory_space<vmem>>, vector<1x128xf32>
    %add3A_30 = vector.broadcast %get3A_29 : vector<1x128xf32> to vector<5000x128xf32>
    %add3A_31 = arith.addf %dot_general3A_26, %add3A_30 : vector<5000x128xf32>
    %get3A_32 = arith.constant 0 : index
    %get3A_33 = arith.constant 0 : index
    %get3A_34 = vector.load %arg5[%get3A_32, %get3A_33] : memref<128x128xf32, #tpu.memory_space<vmem>>, vector<128x128xf32>
    %dot_general3A_35 = arith.constant dense<0.000000e+00> : vector<5000x128xf32>
    %dot_general3A_36 = tpu.matmul %add3A_31, %get3A_34, %dot_general3A_35 {dimension_numbers = #tpu.dot_dimension_numbers<[1], [0], [0], [1], [0, 0, 1, 1], [], []>, transpose_lhs_hint = false} : vector<5000x128xf32>, vector<128x128xf32>, vector<5000x128xf32> -> vector<5000x128xf32>
    %get3A_37 = arith.constant 0 : index
    %get3A_38 = arith.constant 0 : index
    %get3A_39 = vector.load %arg6[%get3A_37, %get3A_38] : memref<1x128xf32, #tpu.memory_space<vmem>>, vector<1x128xf32>
    %add3A_40 = vector.broadcast %get3A_39 : vector<1x128xf32> to vector<5000x128xf32>
    %add3A_41 = arith.addf %dot_general3A_36, %add3A_40 : vector<5000x128xf32>
    %ge3A = arith.constant 0.000000e+00 : f32
    %ge3A_42 = vector.broadcast %ge3A : f32 to vector<5000x128xf32>
    %ge3A_43 = arith.cmpf oge, %add3A_41, %ge3A_42 : vector<5000x128xf32>
    %mul3A = arith.constant 2.000000e-01 : f32
    %mul3A_44 = vector.broadcast %mul3A : f32 to vector<5000x128xf32>
    %mul3A_45 = arith.mulf %mul3A_44, %add3A_41 : vector<5000x128xf32>
    %select_n3A = arith.select %ge3A_43, %add3A_41, %mul3A_45 : vector<5000x128xi1>, vector<5000x128xf32>
    %get3A_46 = arith.constant 0 : index
    %get3A_47 = arith.constant 0 : index
    %get3A_48 = vector.load %arg7[%get3A_46, %get3A_47] : memref<128x128xf32, #tpu.memory_space<vmem>>, vector<128x128xf32>
    %dot_general3A_49 = arith.constant dense<0.000000e+00> : vector<5000x128xf32>
    %dot_general3A_50 = tpu.matmul %select_n3A, %get3A_48, %dot_general3A_49 {dimension_numbers = #tpu.dot_dimension_numbers<[1], [0], [0], [1], [0, 0, 1, 1], [], []>, transpose_lhs_hint = false} : vector<5000x128xf32>, vector<128x128xf32>, vector<5000x128xf32> -> vector<5000x128xf32>
    %get3A_51 = arith.constant 0 : index
    %get3A_52 = arith.constant 0 : index
    %get3A_53 = vector.load %arg8[%get3A_51, %get3A_52] : memref<1x128xf32, #tpu.memory_space<vmem>>, vector<1x128xf32>
    %add3A_54 = vector.broadcast %get3A_53 : vector<1x128xf32> to vector<5000x128xf32>
    %add3A_55 = arith.addf %dot_general3A_50, %add3A_54 : vector<5000x128xf32>
    %ge3A_56 = arith.constant 0.000000e+00 : f32
    %ge3A_57 = vector.broadcast %ge3A_56 : f32 to vector<5000x128xf32>
    %ge3A_58 = arith.cmpf oge, %add3A_55, %ge3A_57 : vector<5000x128xf32>
    %mul3A_59 = arith.constant 2.000000e-01 : f32
    %mul3A_60 = vector.broadcast %mul3A_59 : f32 to vector<5000x128xf32>
    %mul3A_61 = arith.mulf %mul3A_60, %add3A_55 : vector<5000x128xf32>
    %select_n3A_62 = arith.select %ge3A_58, %add3A_55, %mul3A_61 : vector<5000x128xi1>, vector<5000x128xf32>
    %swap3A = arith.constant 0 : index
    %swap3A_63 = arith.constant 0 : index
    %swap3A_64 = vector.load %arg9[%swap3A, %swap3A_63] : memref<5000x128xf32, #tpu.memory_space<vmem>>, vector<5000x128xf32>
    tpu.vector_store %arg9[%swap3A, %swap3A_63], %select_n3A_62 {strides = array<i32>} : memref<5000x128xf32, #tpu.memory_space<vmem>>, vector<5000x128xf32>,
    return
  }
  func.func @transform_0(%arg0: i32) -> (i32, i32, i32) {
    %c0_i32 = arith.constant 0 : i32
    %c0_i32_0 = arith.constant 0 : i32
    %c0_i32_1 = arith.constant 0 : i32
    return %c0_i32, %arg0, %c0_i32_0 : i32, i32, i32
  }
  func.func @transform_1(%arg0: i32) -> (i32, i32, i32) {
    %c0_i32 = arith.constant 0 : i32
    %c0_i32_0 = arith.constant 0 : i32
    %c0_i32_1 = arith.constant 0 : i32
    return %c0_i32, %arg0, %c0_i32_0 : i32, i32, i32
  }
  func.func @transform_2(%arg0: i32) -> (i32, i32) {
    %c0_i32 = arith.constant 0 : i32
    %c0_i32_0 = arith.constant 0 : i32
    %c0_i32_1 = arith.constant 0 : i32
    return %c0_i32, %c0_i32_0 : i32, i32
  }
  func.func @transform_3(%arg0: i32) -> (i32, i32) {
    %c0_i32 = arith.constant 0 : i32
    %c0_i32_0 = arith.constant 0 : i32
    %c0_i32_1 = arith.constant 0 : i32
    return %c0_i32, %c0_i32_0 : i32, i32
  }
  func.func @transform_4(%arg0: i32) -> (i32, i32) {
    %c0_i32 = arith.constant 0 : i32
    %c0_i32_0 = arith.constant 0 : i32
    %c0_i32_1 = arith.constant 0 : i32
    return %c0_i32, %c0_i32_0 : i32, i32
  }
  func.func @transform_5(%arg0: i32) -> (i32, i32) {
    %c0_i32 = arith.constant 0 : i32
    %c0_i32_0 = arith.constant 0 : i32
    %c0_i32_1 = arith.constant 0 : i32
    return %c0_i32, %c0_i32_0 : i32, i32
  }
  func.func @transform_6(%arg0: i32) -> (i32, i32) {
    %c0_i32 = arith.constant 0 : i32
    %c0_i32_0 = arith.constant 0 : i32
    %c0_i32_1 = arith.constant 0 : i32
    return %c0_i32, %c0_i32_0 : i32, i32
  }
  func.func @transform_7(%arg0: i32) -> (i32, i32) {
    %c0_i32 = arith.constant 0 : i32
    %c0_i32_0 = arith.constant 0 : i32
    %c0_i32_1 = arith.constant 0 : i32
    return %c0_i32, %c0_i32_0 : i32, i32
  }
  func.func @transform_8(%arg0: i32) -> (i32, i32) {
    %c0_i32 = arith.constant 0 : i32
    %c0_i32_0 = arith.constant 0 : i32
    return %arg0, %c0_i32 : i32, i32
  }
}

module attributes {stable_mosaic.version = 14 : i64} {
  func.func @_layer_ro_body(%arg0: i32, %arg1: memref<2x5000x128xf32, #tpu.memory_space<vmem>>, %arg2: memref<2x5000x1xf32, #tpu.memory_space<vmem>>, %arg3: memref<128x128xf32, #tpu.memory_space<vmem>>, %arg4: memref<1x128xf32, #tpu.memory_space<vmem>>, %arg5: memref<128x128xf32, #tpu.memory_space<vmem>>, %arg6: memref<1x128xf32, #tpu.memory_space<vmem>>, %arg7: memref<128x128xf32, #tpu.memory_space<vmem>>, %arg8: memref<1x128xf32, #tpu.memory_space<vmem>>, %arg9: memref<5000x128xf32, #tpu.memory_space<vmem>>) attributes {dimension_semantics = [#tpu.dimension_semantics<arbitrary>], iteration_bounds = array<i64: 2>, scalar_prefetch = 0 : i64, scratch_operands = 0 : i64, tpu.core_type = #tpu.core_type<tc>, window_params = [{transform_indices = @transform_0, window_bounds = array<i64: 2, 5000, 128>}, {transform_indices = @transform_1, window_bounds = array<i64: 2, 5000, 1>}, {pipeline_mode = #tpu.pipeline_mode<synchronous>, transform_indices = @transform_2, window_bounds = array<i64: 128, 128>}, {pipeline_mode = #tpu.pipeline_mode<synchronous>, transform_indices = @transform_3, window_bounds = array<i64: 1, 128>}, {pipeline_mode = #tpu.pipeline_mode<synchronous>, transform_indices = @transform_4, window_bounds = array<i64: 128, 128>}, {pipeline_mode = #tpu.pipeline_mode<synchronous>, transform_indices = @transform_5, window_bounds = array<i64: 1, 128>}, {pipeline_mode = #tpu.pipeline_mode<synchronous>, transform_indices = @transform_6, window_bounds = array<i64: 128, 128>}, {pipeline_mode = #tpu.pipeline_mode<synchronous>, transform_indices = @transform_7, window_bounds = array<i64: 1, 128>}, {transform_indices = @transform_8, window_bounds = array<i64: 5000, 128>}]} {
    %get3A = arith.constant 0 : index
    %get3A_0 = arith.constant 0 : index
    %get3A_1 = arith.constant 0 : index
    %get3A_2 = vector.load %arg1[%get3A, %get3A_0, %get3A_1] : memref<2x5000x128xf32, #tpu.memory_space<vmem>>, vector<1x5000x128xf32>
    %get3A_3 = vector.shape_cast %get3A_2 : vector<1x5000x128xf32> to vector<5000x128xf32>
    %get3A_4 = arith.constant 1 : index
    %get3A_5 = arith.constant 0 : index
    %get3A_6 = arith.constant 0 : index
    %get3A_7 = vector.load %arg1[%get3A_4, %get3A_5, %get3A_6] : memref<2x5000x128xf32, #tpu.memory_space<vmem>>, vector<1x5000x128xf32>
    %get3A_8 = vector.shape_cast %get3A_7 : vector<1x5000x128xf32> to vector<5000x128xf32>
    %add3A = arith.addf %get3A_3, %get3A_8 : vector<5000x128xf32>
    %get3A_9 = arith.constant 0 : index
    %get3A_10 = arith.constant 0 : index
    %get3A_11 = arith.constant 0 : index
    %get3A_12 = vector.load %arg2[%get3A_9, %get3A_10, %get3A_11] : memref<2x5000x1xf32, #tpu.memory_space<vmem>>, vector<1x5000x1xf32>
    %get3A_13 = vector.shape_cast %get3A_12 : vector<1x5000x1xf32> to vector<5000x1xf32>
    %get3A_14 = arith.constant 1 : index
    %get3A_15 = arith.constant 0 : index
    %get3A_16 = arith.constant 0 : index
    %get3A_17 = vector.load %arg2[%get3A_14, %get3A_15, %get3A_16] : memref<2x5000x1xf32, #tpu.memory_space<vmem>>, vector<1x5000x1xf32>
    %get3A_18 = vector.shape_cast %get3A_17 : vector<1x5000x1xf32> to vector<5000x1xf32>
    %add3A_19 = arith.addf %get3A_13, %get3A_18 : vector<5000x1xf32>
    %max3A = arith.constant 1.000000e+00 : f32
    %max3A_20 = vector.broadcast %max3A : f32 to vector<5000x1xf32>
    %max3A_21 = arith.maximumf %add3A_19, %max3A_20 : vector<5000x1xf32>
    %div3A = vector.broadcast %max3A_21 : vector<5000x1xf32> to vector<5000x128xf32>
    %div3A_22 = arith.divf %add3A, %div3A : vector<5000x128xf32>
    %get3A_23 = arith.constant 0 : index
    %get3A_24 = arith.constant 0 : index
    %get3A_25 = vector.load %arg3[%get3A_23, %get3A_24] : memref<128x128xf32, #tpu.memory_space<vmem>>, vector<128x128xf32>
    %dot_general3A = arith.constant dense<0.000000e+00> : vector<5000x128xf32>
    %dot_general3A_26 = tpu.matmul %div3A_22, %get3A_25, %dot_general3A {dimension_numbers = #tpu.dot_dimension_numbers<[1], [0], [0], [1], [0, 0, 1, 1], [], []>, transpose_lhs_hint = false} : vector<5000x128xf32>, vector<128x128xf32>, vector<5000x128xf32> -> vector<5000x128xf32>
    %get3A_27 = arith.constant 0 : index
    %get3A_28 = arith.constant 0 : index
    %get3A_29 = vector.load %arg4[%get3A_27, %get3A_28] : memref<1x128xf32, #tpu.memory_space<vmem>>, vector<1x128xf32>
    %add3A_30 = vector.broadcast %get3A_29 : vector<1x128xf32> to vector<5000x128xf32>
    %add3A_31 = arith.addf %dot_general3A_26, %add3A_30 : vector<5000x128xf32>
    %ge3A = arith.constant 0.000000e+00 : f32
    %ge3A_32 = vector.broadcast %ge3A : f32 to vector<5000x128xf32>
    %ge3A_33 = arith.cmpf oge, %add3A_31, %ge3A_32 : vector<5000x128xf32>
    %mul3A = arith.constant 2.000000e-01 : f32
    %mul3A_34 = vector.broadcast %mul3A : f32 to vector<5000x128xf32>
    %mul3A_35 = arith.mulf %mul3A_34, %add3A_31 : vector<5000x128xf32>
    %select_n3A = arith.select %ge3A_33, %add3A_31, %mul3A_35 : vector<5000x128xi1>, vector<5000x128xf32>
    %get3A_36 = arith.constant 0 : index
    %get3A_37 = arith.constant 0 : index
    %get3A_38 = vector.load %arg5[%get3A_36, %get3A_37] : memref<128x128xf32, #tpu.memory_space<vmem>>, vector<128x128xf32>
    %dot_general3A_39 = arith.constant dense<0.000000e+00> : vector<5000x128xf32>
    %dot_general3A_40 = tpu.matmul %select_n3A, %get3A_38, %dot_general3A_39 {dimension_numbers = #tpu.dot_dimension_numbers<[1], [0], [0], [1], [0, 0, 1, 1], [], []>, transpose_lhs_hint = false} : vector<5000x128xf32>, vector<128x128xf32>, vector<5000x128xf32> -> vector<5000x128xf32>
    %get3A_41 = arith.constant 0 : index
    %get3A_42 = arith.constant 0 : index
    %get3A_43 = vector.load %arg6[%get3A_41, %get3A_42] : memref<1x128xf32, #tpu.memory_space<vmem>>, vector<1x128xf32>
    %add3A_44 = vector.broadcast %get3A_43 : vector<1x128xf32> to vector<5000x128xf32>
    %add3A_45 = arith.addf %dot_general3A_40, %add3A_44 : vector<5000x128xf32>
    %ge3A_46 = arith.constant 0.000000e+00 : f32
    %ge3A_47 = vector.broadcast %ge3A_46 : f32 to vector<5000x128xf32>
    %ge3A_48 = arith.cmpf oge, %add3A_45, %ge3A_47 : vector<5000x128xf32>
    %mul3A_49 = arith.constant 2.000000e-01 : f32
    %mul3A_50 = vector.broadcast %mul3A_49 : f32 to vector<5000x128xf32>
    %mul3A_51 = arith.mulf %mul3A_50, %add3A_45 : vector<5000x128xf32>
    %select_n3A_52 = arith.select %ge3A_48, %add3A_45, %mul3A_51 : vector<5000x128xi1>, vector<5000x128xf32>
    %get3A_53 = arith.constant 0 : index
    %get3A_54 = arith.constant 0 : index
    %get3A_55 = vector.load %arg7[%get3A_53, %get3A_54] : memref<128x128xf32, #tpu.memory_space<vmem>>, vector<128x128xf32>
    %dot_general3A_56 = arith.constant dense<0.000000e+00> : vector<5000x128xf32>
    %dot_general3A_57 = tpu.matmul %select_n3A_52, %get3A_55, %dot_general3A_56 {dimension_numbers = #tpu.dot_dimension_numbers<[1], [0], [0], [1], [0, 0, 1, 1], [], []>, transpose_lhs_hint = false} : vector<5000x128xf32>, vector<128x128xf32>, vector<5000x128xf32> -> vector<5000x128xf32>
    %get3A_58 = arith.constant 0 : index
    %get3A_59 = arith.constant 0 : index
    %get3A_60 = vector.load %arg8[%get3A_58, %get3A_59] : memref<1x128xf32, #tpu.memory_space<vmem>>, vector<1x128xf32>
    %add3A_61 = vector.broadcast %get3A_60 : vector<1x128xf32> to vector<5000x128xf32>
    %add3A_62 = arith.addf %dot_general3A_57, %add3A_61 : vector<5000x128xf32>
    %swap3A = arith.constant 0 : index
    %swap3A_63 = arith.constant 0 : index
    %swap3A_64 = vector.load %arg9[%swap3A, %swap3A_63] : memref<5000x128xf32, #tpu.memory_space<vmem>>, vector<5000x128xf32>
    tpu.vector_store %arg9[%swap3A, %swap3A_63], %add3A_62 {strides = array<i32>} : memref<5000x128xf32, #tpu.memory_space<vmem>>, vector<5000x128xf32>,
    return
  }
  func.func @transform_0(%arg0: i32) -> (i32, i32, i32) {
    %c0_i32 = arith.constant 0 : i32
    %c0_i32_0 = arith.constant 0 : i32
    %c0_i32_1 = arith.constant 0 : i32
    return %c0_i32, %arg0, %c0_i32_0 : i32, i32, i32
  }
  func.func @transform_1(%arg0: i32) -> (i32, i32, i32) {
    %c0_i32 = arith.constant 0 : i32
    %c0_i32_0 = arith.constant 0 : i32
    %c0_i32_1 = arith.constant 0 : i32
    return %c0_i32, %arg0, %c0_i32_0 : i32, i32, i32
  }
  func.func @transform_2(%arg0: i32) -> (i32, i32) {
    %c0_i32 = arith.constant 0 : i32
    %c0_i32_0 = arith.constant 0 : i32
    %c0_i32_1 = arith.constant 0 : i32
    return %c0_i32, %c0_i32_0 : i32, i32
  }
  func.func @transform_3(%arg0: i32) -> (i32, i32) {
    %c0_i32 = arith.constant 0 : i32
    %c0_i32_0 = arith.constant 0 : i32
    %c0_i32_1 = arith.constant 0 : i32
    return %c0_i32, %c0_i32_0 : i32, i32
  }
  func.func @transform_4(%arg0: i32) -> (i32, i32) {
    %c0_i32 = arith.constant 0 : i32
    %c0_i32_0 = arith.constant 0 : i32
    %c0_i32_1 = arith.constant 0 : i32
    return %c0_i32, %c0_i32_0 : i32, i32
  }
  func.func @transform_5(%arg0: i32) -> (i32, i32) {
    %c0_i32 = arith.constant 0 : i32
    %c0_i32_0 = arith.constant 0 : i32
    %c0_i32_1 = arith.constant 0 : i32
    return %c0_i32, %c0_i32_0 : i32, i32
  }
  func.func @transform_6(%arg0: i32) -> (i32, i32) {
    %c0_i32 = arith.constant 0 : i32
    %c0_i32_0 = arith.constant 0 : i32
    %c0_i32_1 = arith.constant 0 : i32
    return %c0_i32, %c0_i32_0 : i32, i32
  }
  func.func @transform_7(%arg0: i32) -> (i32, i32) {
    %c0_i32 = arith.constant 0 : i32
    %c0_i32_0 = arith.constant 0 : i32
    %c0_i32_1 = arith.constant 0 : i32
    return %c0_i32, %c0_i32_0 : i32, i32
  }
  func.func @transform_8(%arg0: i32) -> (i32, i32) {
    %c0_i32 = arith.constant 0 : i32
    %c0_i32_0 = arith.constant 0 : i32
    return %arg0, %c0_i32 : i32, i32
  }
}

</mosaic_0001>

<sc_bundles>
// kernel: kernel.6.cloned.1.call-start
scs
__scs_entry_jumppad:
0x0: {  	(pc) =	sbr.rel $0x88, $3  }
0x1: {  	(tag) =	ssettag $0x0;
	lr =	simm.s32 $0x1  }
0x2: {  	[smem:$0x3F93] =	sst lr;
	_ =	strace $0xD0000000  }
0x3: {  	_ = 	snop  }
0x4: {  	_ = 	snop  }
0x5: {  	_ = 	snop  }
0x6: {  	_ = 	snop  }
0x7: {  	_ = 	snop  }
__scs_overlays_trampoline_lowered:
0x8: {  	[smem:$0x3FA2] =	sst s0  }
0x9: {  	[smem:$0x3FA3] =	sst s1  }
0xa: {  	[smem:$0x3FA4] =	sst s2  }
0xb: {  	[smem:$0x3FA5] =	sst s3  }
0xc: {  	[smem:$0x3FA6] =	sst s4  }
0xd: {  	[smem:$0x3FA7] =	sst s5  }
0xe: {  	[smem:$0x3FA8] =	sst s6  }
0xf: {  	[smem:$0x3FA9] =	sst s7  }
0x10: {  	[smem:$0x3FAA] =	sst s8  }
0x11: {  	[smem:$0x3FAB] =	sst s9;
	s0 =	simm.s32 @!p0 $0x0  }
0x12: {  	s1 =	sld [smem:$0x3F91];
	s0 =	simm.s32 @p0 $0x1  }
0x13: {  	[smem:$0x3FAC] =	sst s0;
	s0 =	simm.s32 @!p1 $0x0  }
0x14: {  	s2 =	sld [smem:$0x3F90];
	s0 =	simm.s32 @p1 $0x1  }
0x15: {  	[smem:$0x3FAD] =	sst s0;
	s0 =	simm.s32 @!p2 $0x0  }
0x16: {  	s3 =	sld [smem:$0x3FDB];
	s0 =	simm.s32 @p2 $0x1  }
0x17: {  	s4 =	simm.s32 $0x1BF5;
	[smem:$0x3FAF] =	sst s0  }
0x18: {  	s0 =	sld [smem:$0x3F92];
	_ =	swait.ge [sflag:s4], $0x0  }
0x19: {  	s7 =	sld [smem:$0x3F93]  }
0x1a: {  	s8 =	sadd.s32 $0xFFFFE003, lr  }
0x1b: {  	s9 =	sadd.s32 $0xFFFFFEF7, lr;
	s5 =	simm.s32 $0xFFFFFFFF;
	p2 =	slt.u32 s8, $0xFFFFF086  }
0x1c: {  	p1 =	slt.u32 s9, $0xF7A;
	s5 =	simm.s32 @!p2 $0x0  }
0x1d: {  	s5 =	simm.s32 @p1 $0x1;
	p0 =	seq.s32 s7, s2  }
0x1e: {  	s7 =	smul.u32 @!p0 $0xF7A, s2;
	p2 =	seq.s32 @!p0 s5, $0x0  }
0x1f: {  	s9 =	smul.u32 $0xF7A, s1;
	s8 =	simm.s32 @!p0 $0x1BF5;
	p2 =	por !p2, p0  }
0x20: {  	[sflag:s8] =	ssyncset.s32 @!p0 $0xFFFFF086;
	s6 =	sadd.s32 @!p0 s3, s7;
	s7 =	simm.s32 @!p0 $0x108  }
0x21: {  	s3 =	sadd.s32 s3, s9;
	s6 =	sadd.s32 @!p0 $0x88, s6;
	s7 =	simm.s32 @p2 $0x1082  }
0x22: {  	[simem:s7], [sflag:s8] =	dma.local @!p0 [hbm:s6], $0xF7A  }
0x23: {  	s9 =	sor.u32 $0xD0000000, s2;
	s6 =	simm.s32 $0x108;
	_ =	swait.ge @!p0 [sflag:s8], $0x0  }
0x24: {  	s3 =	sadd.s32 $0x88, s3;
	s6 =	simm.s32 @!p1 $0x1082;
	[sflag:s4] =	ssyncset.s32 $0xFFFFF086  }
0x25: {  	[simem:s6], [sflag:s4] =	dma.local [hbm:s3], $0xF7A  }
0x26: {  	[smem:$0x3F93] =	sst s1;
	(tag) =	ssettag s2;
	_ =	strace s9  }
0x27: {  	s1 =	sld [smem:$0x3FA3]  }
0x28: {  	s2 =	sld [smem:$0x3FA4]  }
0x29: {  	s4 =	sld [smem:$0x3FA6]  }
0x2a: {  	p0 =	seq.s32 s5, $0x0;
	s5 =	sld [smem:$0x3FA7]  }
0x2b: {  	s6 =	sld [smem:$0x3FA8]  }
0x2c: {  	s7 =	sld [smem:$0x3FA9]  }
0x2d: {  	s3 =	simm.s32 $0x108;
	s8 =	sld [smem:$0x3FAA]  }
0x2e: {  	s3 =	simm.s32 @!p0 $0x1082;
	s9 =	sld [smem:$0x3FAB]  }
0x2f: {  	lr =	sadd.s32 s0, s3;
	s0 =	sld [smem:$0x3FA2]  }
0x30: {  	s3 =	sld [smem:$0x3FA5]  }
0x31: {  	[smem:$0x3FAE] =	sst s10  }
0x32: {  	s10 =	sld [smem:$0x3FAC];
	_ =	sdelay $0x3  }
0x33: {  	p0 =	seq.s32 s10, $0x1;
	s10 =	sld [smem:$0x3FAE];
	_ =	sdelay $0x3  }
0x34: {  	[smem:$0x3FAE] =	sst s10  }
0x35: {  	s10 =	sld [smem:$0x3FAD];
	_ =	sdelay $0x3  }
0x36: {  	p1 =	seq.s32 s10, $0x1;
	s10 =	sld [smem:$0x3FAE];
	_ =	sdelay $0x3  }
0x37: {  	[smem:$0x3FAE] =	sst s10  }
0x38: {  	s10 =	sld [smem:$0x3FAF]  }
0x39: {  	_ = 	snop;
	(pc) =	sbr.ind lr, $3  }
0x3a: {  	_ = 	snop  }
0x3b: {  	_ = 	snop  }
0x3c: {  	p2 =	seq.s32 s10, $0x1;
	s10 =	sld [smem:$0x3FAE]  }
0x3d: {  	_ =	shalt  }
0x3e: {  	_ =	shalt  }
0x3f: {  	_ =	shalt  }
0x40: {  	_ =	shalt  }
0x41: {  	_ =	shalt  }
0x42: {  	_ =	shalt  }
0x43: {  	_ =	shalt  }
0x44: {  	_ =	shalt  }
0x45: {  	_ =	shalt  }
0x46: {  	_ =	shalt  }
0x47: {  	_ =	shalt  }
0x48: {  	_ =	shalt  }
0x49: {  	_ =	shalt  }
0x4a: {  	_ =	shalt  }
0x4b: {  	_ =	shalt  }
0x4c: {  	_ =	shalt  }
0x4d: {  	_ =	shalt  }
0x4e: {  	_ =	shalt  }
0x4f: {  	_ =	shalt  }
0x50: {  	_ =	shalt  }
0x51: {  	_ =	shalt  }
0x52: {  	_ =	shalt  }
0x53: {  	_ =	shalt  }
0x54: {  	_ =	shalt  }
0x55: {  	_ =	shalt  }
0x56: {  	_ =	shalt  }
0x57: {  	_ =	shalt  }
0x58: {  	_ =	shalt  }
0x59: {  	_ =	shalt  }
0x5a: {  	_ =	shalt  }
0x5b: {  	_ =	shalt  }
0x5c: {  	_ =	shalt  }
0x5d: {  	_ =	shalt  }
0x5e: {  	_ =	shalt  }
0x5f: {  	_ =	shalt  }
0x60: {  	_ =	shalt  }
0x61: {  	_ =	shalt  }
0x62: {  	_ =	shalt  }
0x63: {  	_ =	shalt  }
0x64: {  	_ =	shalt  }
0x65: {  	_ =	shalt  }
0x66: {  	_ =	shalt  }
0x67: {  	_ =	shalt  }
0x68: {  	_ =	shalt  }
0x69: {  	_ =	shalt  }
0x6a: {  	_ =	shalt  }
0x6b: {  	_ =	shalt  }
0x6c: {  	_ =	shalt  }
0x6d: {  	_ =	shalt  }
0x6e: {  	_ =	shalt  }
0x6f: {  	_ =	shalt  }
0x70: {  	_ =	shalt  }
0x71: {  	_ =	shalt  }
0x72: {  	_ =	shalt  }
0x73: {  	_ =	shalt  }
0x74: {  	_ =	shalt  }
0x75: {  	_ =	shalt  }
0x76: {  	_ =	shalt  }
0x77: {  	_ =	shalt  }
0x78: {  	_ =	shalt  }
0x79: {  	_ =	shalt  }
0x7a: {  	_ =	shalt  }
0x7b: {  	_ =	shalt  }
0x7c: {  	_ =	shalt  }
0x7d: {  	_ =	shalt  }
0x7e: {  	_ =	shalt  }
0x7f: {  	_ =	shalt  }
0x80: {  	_ =	shalt  }
0x81: {  	_ =	shalt  }
0x82: {  	_ =	shalt  }
0x83: {  	_ =	shalt  }
0x84: {  	_ =	shalt  }
0x85: {  	_ =	shalt  }
0x86: {  	_ =	shalt  }
0x87: {  	_ =	shalt  }
.Lfunc_end0:
.L_simem_size_0:
called_computation_lowered:
.L_overlay_start_0:
0x88: {  	s2 =	sld [smem:$0x3FD9]  }
0x89: {  	s3 =	sld [smem:$0x3FFE];
	_ =	sdelay $0x1  }
0x8a: {  	s1 =	srdreg.scid  }
0x8b: {  	s0 =	sand.u32 $0x1, s1  }
0x8c: {  	s17 =	sshll.u32 s0, $0xA;
	s2 =	sadd.s32 s3, s2  }
0x8d: {  	s2 =	sadd.s32 s2, s17  }
0x8e: {  	[smem:$0x3FBA] =	sst s2  }
0x8f: {  	_ = 	snop  }
0x90: {  	s2 =	sld [smem:$0x3FC9]  }
0x91: {  	s18 =	sld [smem:$0x3FD0];
	(tm) =	ssettm $0x1  }
0x92: {  	s4 =	sld [smem:$0x3FFB];
	_ =	sdelay $0x3  }
0x93: {  	_ =	strace s4  }
0x94: {  	s4 =	sld [smem:$0x3FFC];
	_ =	sdelay $0x3  }
0x95: {  	_ =	strace s4  }
0x96: {  	s4 =	sld [smem:$0x3FFD];
	_ =	sdelay $0x3  }
0x97: {  	_ =	strace s4  }
0x98: {  	_ =	strace $0x8FFFFFFF  }
0x99: {  	s19 =	sld [smem:$0x3FDB];
	_ =	sdelay $0x1  }
0x9a: {  	s5 =	simm.s32 $_scs_section_size  }
0x9b: {  	s6 =	simm.s32 $_size__tile_overlayer_lowered;
	s7 =	simm.s32 $_tile_overlayer_lowered  }
0x9c: {  	s22 =	simm.s32 $0x1BFF;
	s21 =	sshll.u32 s7, $0x1;
	s4 =	sadd.s32 s5, s19  }
0x9d: {  	s8 =	simm.s32 $0x0;
	s20 =	sshll.u32 s6, $0x1;
	s6 =	sadd.s32 s21, s4  }
0x9e: {  	[timem:s8], [sflag:s22] =	dma.local [hbm:s6], s20  }
0x9f: {  	_ =	swait.ge [sflag:s22], s20  }
0xa0: {  	s5 =	ssub.s32 $0x0, s20;
	[sflag:s22] =	ssyncset.done $0x0  }
0xa1: {  	[sflag:s22] =	ssyncadd.s32 s5;
	_ =	sdelay $0x1  }
0xa2: {  	s23 =	simm.s32 $0x1B8B  }
0xa3: {  	_ =	swait.ge [sflag:s23], $0x1  }
0xa4: {  	[sflag:s23] =	ssyncset.done $0x0  }
0xa5: {  	s25 =	simm.s32 $0x1B8E;
	s24 =	sld [smem:$0x3FFE];
	[sflag:s23] =	ssyncadd.s32 $0xFFFFFFFF  }
0xa6: {  	s26 =	simm.s32 $execute0_lowered;
	[smem:$0x3FD2] =	sst s25  }
0xa7: {  	s6 =	sshll.u32 s26, $0x1;
	_ =	strace $0x80000046;
	[dreg:$0x1] =	wrdreg $0xFFFFFFFF  }
0xa8: {  	s28 =	simm.s32 $_size_execute0_lowered;
	s4 =	sadd.s32 s4, s6;
	[dreg:$0x0] =	wrdreg $0x0  }
0xa9: {  	s6 =	sshll.u32 s28, $0x1;
	[dreg:$0x2] =	wrdreg s4  }
0xaa: {  	[dreg:$0x3] =	wrdreg s6  }
0xab: {  	[dreg:$0x4] =	wrdreg $0xC0  }
0xac: {  	_ =	task [dreg:s8], $0x5FFFF  }
0xad: {  	[dreg:$0x1] =	wrdreg $0xFFFFFFFF  }
0xae: {  	[dreg:$0x0] =	wrdreg $0x60  }
0xaf: {  	[dreg:$0x2] =	wrdreg s2  }
0xb0: {  	[dreg:$0x3] =	wrdreg s24  }
0xb1: {  	[dreg:$0x4] =	wrdreg s18  }
0xb2: {  	[dreg:$0x5] =	wrdreg $0xC3800  }
0xb3: {  	[dreg:$0x6] =	wrdreg $0x1FC000  }
0xb4: {  	[dreg:$0x7] =	wrdreg $0x9  }
0xb5: {  	_ =	task.clear_ibuf [dreg:s8], $0x8FFFF;
	_ =	strace $0x90000046  }
0xb6: {  	s29 =	simm.s32 $0x9;
	_ =	strace $0x80000048  }
0xb7: {  	_ =	swait.ge [sflag:s29], $0x1  }
0xb8: {  	[sflag:s29] =	ssyncadd.s32 $0xFFFFFFFF  }
0xb9: {  	_ =	strace $0x90000048  }
0xba: {  	_ =	sfence  }
0xbb: {  	s30 =	sld [smem:$0x0];
	_ =	sdelay $0x2  }
0xbc: {  	s31 =	sshll.u32 s1, $0xD;
	s1 =	sshrl.u32 s1, $0x2  }
0xbd: {  	s3 =	sand.u32 $0x4000, s31;
	s1 =	sadd.s32 s1, s30  }
0xbe: {  	s0 =	sor.u32 s3, s0;
	s1 =	sshll.u32 s1, $0x11  }
0xbf: {  	s0 =	sor.u32 s1, s0  }
0xc0: {  	s0 =	sadd.s32 $0x8F2B, s0  }
0xc1: {  	[sflag:s0] =	ssyncadd.remote.s32 $0x1  }
0xc2: {  	_ =	sfence.sel $0xFFFF  }
0xc3: {  	[dreg:$0x0] =	wrdreg $0xFFFFFFFF;
	(pc) =	sbr.abs _section_cstart, $3  }
0xc4: {  	[dreg:$0x1] =	wrdreg $0xFFFFFFFF  }
0xc5: {  	_ =	task.clear_ibuf [dreg:s8], $0x2FFFF;
	_ =	strace $0x9FFFFFFF  }
0xc6: {  	(tm) =	ssettm $0x7FFFFFFF  }
0xc7: {  	_ =	shalt  }
tec
execute0_lowered:
.L_overlay_start_1:
0x0: {  	(tag) =	ssettag $0x1  }
0x1: {  	s0 =	rddreg [dreg:$0x1]  }
0x2: {  	s4 =	rddreg [dreg:$0x2]  }
0x3: {  	s1 =	rddreg [dreg:$0x3];
	s6 =	srdreg.scid  }
0x4: {  	s5 =	simm.s32 $0x0;
	s15 =	stileid.u32;
	p1 =	por $0x0, $0x0  }
0x5: {  	s28 =	simm.s32 $0x5;
	s7 =	sand.u32 $0x1, s6;
	[smem:$0x7FF] =	sst s5  }
0x6: {  	s6 =	sadd.s32 $0x3600, s0;
	s10 =	sadd.s32 $0x17C00, s0;
	s11 =	sadd.s32 $0x17600, s0  }
0x7: {  	s0 =	sadd.s32 $0x1A400, s0;
	s19 =	sshll.u32 s15, $0x6;
	s23 =	sadd.s32 $0x138000, s1  }
0x8: {  	p0 =	seq.s32 s15, $0x0;
	p4 =	sne.s32 s15, $0xF;
	s9 =	sshll.u32 s7, $0x4  }
0x9: {  	_ =	strace $0x80000047;
	[dreg:$0x6] =	wrdreg s10;
	s12 =	ssub.s32 $0x2, s7  }
0xa: {  	[dreg:$0x7] =	wrdreg s11;
	s7 =	smul.u32 $0x138800, s7;
	s30 =	sor.u32 $0x1C0D, s19  }
0xb: {  	p3 =	sne.s32 @!p0 s15, $0xF;
	s19 =	simm.s32 $0xD;
	[dreg:$0xe] =	wrdreg s23  }
0xc: {  	s8 =	sor.u32 s15, s9;
	s13 =	sshrl.u32 s12, $0x1;
	s4 =	sadd.s32 s4, s9  }
0xd: {  	p2 =	por p3, p0;
	[dreg:$0xd] =	wrdreg s30;
	s8 =	smul.u32 $0x2800, s8  }
0xe: {  	p3 =	por !p3, p0;
	s11 =	ssub.s32 s12, s13;
	[dreg:$0x13] =	wrdreg s4  }
0xf: {  	s26 =	smax.u32 s11, $0x1;
	s12 =	sshrl.u32 s8, $0x3;
	s10 =	sadd.s32 $0x50000, s8  }
0x10: {  	[dreg:$0x16] =	wrdreg s26;
	s16 =	sadd.s32 s6, s12;
	s14 =	sshrl.u32 s10, $0x3  }
0x11: {  	s9 =	simm.s32 $0x7D;
	s12 =	sadd.s32 s6, s14;
	[dreg:$0x8] =	wrdreg s16  }
0x12: {  	s13 =	smul.u32 $0x4E000, s15;
	s17 =	sadd.s32 $0x10, s16;
	[dreg:$0x9] =	wrdreg s12  }
0x13: {  	s4 =	simm.s32 $0xA;
	s20 =	sadd.s32 $0x20, s16;
	[dreg:$0xa] =	wrdreg s17  }
0x14: {  	s11 =	simm.s32 $0x8;
	s22 =	sadd.s32 $0xA020, s16;
	[dreg:$0xf] =	wrdreg s20  }
0x15: {  	s18 =	sshrl.u32 s13, $0x2;
	s24 =	sadd.s32 $0x30, s16;
	[dreg:$0x10] =	wrdreg s22  }
0x16: {  	s13 =	simm.s32 $0xB;
	s25 =	sadd.s32 $0xA030, s16;
	[dreg:$0x12] =	wrdreg s24  }
0x17: {  	s26 =	simm.s32 $0x3;
	s29 =	sadd.s32 $0x40, s16;
	[dreg:$0x14] =	wrdreg s25  }
0x18: {  	s14 =	smul.u32 $0x13800, s15;
	s31 =	sadd.s32 $0xA040, s16;
	[dreg:$0x17] =	wrdreg s29  }
0x19: {  	s17 =	sadd.s32 $0xA010, s16;
	s12 =	sadd.s32 s18, s1;
	[dreg:$0x18] =	wrdreg s31  }
0x1a: {  	s18 =	simm.s32 $0x200;
	s16 =	simm.s32 $0x280;
	s20 =	simm.s32 $0x8300  }
0x1b: {  	s25 =	simm.s32 $0x7;
	s1 =	simm.s32 $0x0;
	s21 =	sadd.s32 s14, s7  }
0x1c: {  	[dreg:$0xc] =	wrdreg s12;
	s7 =	sshrl.u32 s7, $0x3;
	s12 =	sshrl.u32 s21, $0x3  }
0x1d: {  	[dreg:$0xb] =	wrdreg s17;
	s12 =	sadd.s32 s0, s12;
	s0 =	sadd.s32 s0, s7  }
0x1e: {  	s17 =	simm.s32 $0x9;
	[dreg:$0x11] =	wrdreg s12;
	s0 =	sadd.s32 $0x27000, s0  }
0x1f: {  	v0 =	vimm.f32 $1.000000000e+00;
	s21 =	simm.s32 $0xC;
	s7 =	simm.s32 $0x6;
	[dreg:$0x15] =	wrdreg s0  }
.LBB2_1:
0x20: {  	[dreg:$0x19] =	wrdreg s1  }
0x21: {  	s0 =	rddreg [dreg:$0x8]  }
0x22: {  	s3 =	rddreg [dreg:$0x9]  }
0x23: {  	s12 =	rddreg [dreg:$0xa]  }
0x24: {  	s15 =	rddreg [dreg:$0xc]  }
0x25: {  	[tilespmem:s5], [sflag:$0xA] =	stream.linear.gather [hbm4b:s0+s5], $0x80, $0x38;
	[tilespmem:$0x1FE78] =	vst v63  }
0x26: {  	s22 =	simm.s32 $0x80;
	s14 =	rddreg [dreg:$0xb];
	s0 =	sshrl.u32 s15, $0x3  }
0x27: {  	[tilespmem:s22], [sflag:$0xA] =	stream.linear.gather [hbm4b:s3+s5], $0x80, $0x38;
	[tilespmem:$0x1FE78] =	vst v63  }
0x28: {  	s31 =	simm.s32 $0x100;
	[dreg:$0x1a] =	wrdreg s0  }
0x29: {  	[tilespmem:s31], [sflag:$0xB] =	stream.linear.gather [hbm4b:s12+s5], $0x80, $0x38;
	[tilespmem:$0x1FE78] =	vst v63  }
0x2a: {  	s29 =	simm.s32 $0x180;
	s12 =	rddreg [dreg:$0x6]  }
0x2b: {  	[tilespmem:s29], [sflag:$0xB] =	stream.linear.gather [hbm4b:s14+s5], $0x80, $0x38;
	[tilespmem:$0x1FE78] =	vst v63  }
0x2c: {  	[spmem:s0], [sflag:s30] =	dma.local [hbm:s12], $0x2700  }
0x2d: {  	_ =	swait.ge [sflag:s19], $0x2700  }
0x2e: {  	[sflag:s19] =	ssyncset.done $0x0  }
0x2f: {  	[sflag:s19] =	ssyncadd.s32 $0xFFFFD900  }
0x30: {  	s3 =	rddreg [dreg:$0x4]  }
0x31: {  	s14 =	rddreg [dreg:$0x7];
	s0 =	sshrl.u32 @p0 s3, $0x3  }
0x32: {  	[spmem:s0], [sflag:s30] =	dma.local @p0 [hbm:s14], $0x4F0  }
0x33: {  	s0 =	simm.s32 @p0 $0xD  }
0x34: {  	_ =	swait.ge @p0 [sflag:s0], $0x4F0  }
0x35: {  	[sflag:s0] =	ssyncset.done @p0 $0x0  }
0x36: {  	[sflag:s0] =	ssyncadd.s32 @p0 $0xFFFFFB10;
	s0 =	sshrl.u32 @!p2 s23, $0x3  }
0x37: {  	[spmem:s0], [sflag:s30] =	dma.local @!p2 [hbm:s12], $0x100  }
0x38: {  	s0 =	simm.s32 @!p2 $0xD  }
0x39: {  	_ =	swait.ge @!p2 [sflag:s0], $0x100  }
0x3a: {  	[sflag:s0] =	ssyncset.done @!p2 $0x0  }
0x3b: {  	[sflag:s0] =	ssyncadd.s32 @!p2 $0xFFFFFF00  }
0x3c: {  	[tilespmem:$0xC300] =	vst v0  }
0x3d: {  	[tilespmem:$0xC310] =	vst v0  }
0x3e: {  	[tilespmem:$0xC320] =	vst v0  }
0x3f: {  	[tilespmem:$0xC330] =	vst v0  }
0x40: {  	[tilespmem:$0xC340] =	vst v0  }
0x41: {  	[tilespmem:$0xC350] =	vst v0  }
0x42: {  	[tilespmem:$0xC360] =	vst v0  }
0x43: {  	[tilespmem:$0xC370] =	vst v0  }
0x44: {  	_ =	swait.ge [sflag:s4], $0x80  }
0x45: {  	[sflag:s4] =	ssyncset.done $0x0  }
0x46: {  	[sflag:s4] =	ssyncadd.s32 $0xFFFFFF80  }
0x47: {  	_ =	swait.ge [sflag:s4], $0x80  }
0x48: {  	[sflag:s4] =	ssyncset.done $0x0  }
0x49: {  	[sflag:s4] =	ssyncadd.s32 $0xFFFFFF80  }
0x4a: {  	s12 =	simm.s32 $0x300;
	s1 =	rddreg [dreg:$0x0]  }
0x4b: {  	[tilespmem:s12], [sflag:$0x1] =	stream.indirect.gather [hbm4b:s1+s9], $0x80, s5, s9, $0xb8;
	[tilespmem:$0x1FE78] =	vst v63  }
0x4c: {  	_ =	swait.ge [sflag:s13], $0x80  }
0x4d: {  	[sflag:s13] =	ssyncset.done $0x0  }
0x4e: {  	[sflag:s13] =	ssyncadd.s32 $0xFFFFFF80  }
0x4f: {  	_ =	swait.ge [sflag:s13], $0x80  }
0x50: {  	[sflag:s13] =	ssyncset.done $0x0  }
0x51: {  	s14 =	simm.s32 $0x4300;
	[sflag:s13] =	ssyncadd.s32 $0xFFFFFF80  }
0x52: {  	[tilespmem:s14], [sflag:$0x2] =	stream.indirect.gather [hbm4b:s1+s9], $0x80, s31, s9, $0xb8;
	[tilespmem:$0x1FE78] =	vst v63  }
0x53: {  	s15 =	simm.s32 $0x1;
	[bflag:$0x0] =	sbarrier.arrive $0xFFFF  }
0x54: {  	_ =	swait.ge [sflag:s15], $0x3E80  }
0x55: {  	[sflag:s15] =	ssyncset.done $0x0  }
0x56: {  	[sflag:s15] =	ssyncadd.s32 $0xFFFFC180  }
0x57: {  	s2 =	rddreg [dreg:$0x3]  }
0x58: {  	[spmem:s2] =	stream.indirect.scatter.add.f32 [tilespmem:s12], [sflag:$0x4], $0x80, s22, s9, $0xb8;
	[tilespmem:$0x1FE78] =	vst v63  }
0x59: {  	s19 =	simm.s32 $0xC300  }
0x5a: {  	[spmem:s3] =	stream.indirect.scatter.add.f32 [tilespmem:s19], [sflag:$0x7], $0x1, s22, s9, $0xb8;
	[tilespmem:$0x1FE78] =	vst v63  }
0x5b: {  	s24 =	rddreg [dreg:$0xf]  }
0x5c: {  	[tilespmem:s18], [sflag:$0xC] =	stream.linear.gather [hbm4b:s24+s5], $0x80, $0x38;
	[tilespmem:$0x1FE78] =	vst v63  }
0x5d: {  	s30 =	rddreg [dreg:$0x10]  }
0x5e: {  	[tilespmem:s16], [sflag:$0xC] =	stream.linear.gather [hbm4b:s30+s5], $0x80, $0x38;
	[tilespmem:$0x1FE78] =	vst v63  }
0x5f: {  	_ =	swait.ge [sflag:s21], $0x80  }
0x60: {  	[sflag:s21] =	ssyncset.done $0x0  }
0x61: {  	[sflag:s21] =	ssyncadd.s32 $0xFFFFFF80  }
0x62: {  	_ =	swait.ge [sflag:s21], $0x80  }
0x63: {  	[sflag:s21] =	ssyncset.done $0x0  }
0x64: {  	s24 =	simm.s32 $0x2;
	[sflag:s21] =	ssyncadd.s32 $0xFFFFFF80  }
0x65: {  	[tilespmem:s20], [sflag:$0x3] =	stream.indirect.gather [hbm4b:s1+s9], $0x80, s18, s9, $0xb8;
	[tilespmem:$0x1FE78] =	vst v63  }
0x66: {  	_ =	swait.ge [sflag:s24], $0x3E80  }
0x67: {  	[sflag:s24] =	ssyncset.done $0x0  }
0x68: {  	[sflag:s24] =	ssyncadd.s32 $0xFFFFC180  }
0x69: {  	[spmem:s2] =	stream.indirect.scatter.add.f32 [tilespmem:s14], [sflag:$0x5], $0x80, s29, s9, $0xb8;
	[tilespmem:$0x1FE78] =	vst v63  }
0x6a: {  	s30 =	simm.s32 $0x4  }
0x6b: {  	[spmem:s3] =	stream.indirect.scatter.add.f32 [tilespmem:s19], [sflag:$0x8], $0x1, s29, s9, $0xb8;
	[tilespmem:$0x1FE78] =	vst v63  }
0x6c: {  	_ =	swait.ge [sflag:s30], $0x3E80  }
0x6d: {  	[sflag:s30] =	ssyncset.done $0x0  }
0x6e: {  	[sflag:s30] =	ssyncadd.s32 $0xFFFFC180  }
0x6f: {  	_ =	swait.ge [sflag:s25], $0x7D  }
0x70: {  	[sflag:s25] =	ssyncset.done $0x0  }
0x71: {  	s23 =	rddreg [dreg:$0x12];
	[sflag:s25] =	ssyncadd.s32 $0xFFFFFF83  }
0x72: {  	[tilespmem:s5], [sflag:$0xA] =	stream.linear.gather [hbm4b:s23+s5], $0x80, $0x38;
	[tilespmem:$0x1FE78] =	vst v63  }
0x73: {  	s23 =	rddreg [dreg:$0x14]  }
0x74: {  	[tilespmem:s22], [sflag:$0xA] =	stream.linear.gather [hbm4b:s23+s5], $0x80, $0x38;
	[tilespmem:$0x1FE78] =	vst v63  }
0x75: {  	_ =	swait.ge [sflag:s4], $0x80  }
0x76: {  	[sflag:s4] =	ssyncset.done $0x0  }
0x77: {  	[sflag:s4] =	ssyncadd.s32 $0xFFFFFF80  }
0x78: {  	_ =	swait.ge [sflag:s4], $0x80  }
0x79: {  	[sflag:s4] =	ssyncset.done $0x0  }
0x7a: {  	[sflag:s4] =	ssyncadd.s32 $0xFFFFFF80  }
0x7b: {  	[tilespmem:s12], [sflag:$0x1] =	stream.indirect.gather [hbm4b:s1+s9], $0x80, s5, s9, $0xb8;
	[tilespmem:$0x1FE78] =	vst v63  }
0x7c: {  	_ =	swait.ge [sflag:s26], $0x3E80  }
0x7d: {  	[sflag:s26] =	ssyncset.done $0x0  }
0x7e: {  	[sflag:s26] =	ssyncadd.s32 $0xFFFFC180  }
0x7f: {  	[spmem:s2] =	stream.indirect.scatter.add.f32 [tilespmem:s20], [sflag:$0x6], $0x80, s16, s9, $0xb8;
	[tilespmem:$0x1FE78] =	vst v63  }
0x80: {  	_ = 	snop  }
0x81: {  	[spmem:s3] =	stream.indirect.scatter.add.f32 [tilespmem:s19], [sflag:$0x9], $0x1, s16, s9, $0xb8;
	[tilespmem:$0x1FE78] =	vst v63  }
0x82: {  	_ =	swait.ge [sflag:s28], $0x3E80  }
0x83: {  	[sflag:s28] =	ssyncset.done $0x0  }
0x84: {  	[sflag:s28] =	ssyncadd.s32 $0xFFFFC180  }
0x85: {  	_ =	swait.ge [sflag:s11], $0x7D  }
0x86: {  	[sflag:s11] =	ssyncset.done $0x0  }
0x87: {  	s16 =	rddreg [dreg:$0x17];
	[sflag:s11] =	ssyncadd.s32 $0xFFFFFF83  }
0x88: {  	[tilespmem:s31], [sflag:$0xB] =	stream.linear.gather [hbm4b:s16+s5], $0x80, $0x38;
	[tilespmem:$0x1FE78] =	vst v63  }
0x89: {  	s23 =	rddreg [dreg:$0x18]  }
0x8a: {  	[tilespmem:s29], [sflag:$0xB] =	stream.linear.gather [hbm4b:s23+s5], $0x80, $0x38;
	[tilespmem:$0x1FE78] =	vst v63  }
0x8b: {  	_ =	swait.ge [sflag:s13], $0x80  }
0x8c: {  	[sflag:s13] =	ssyncset.done $0x0  }
0x8d: {  	[sflag:s13] =	ssyncadd.s32 $0xFFFFFF80  }
0x8e: {  	_ =	swait.ge [sflag:s13], $0x80  }
0x8f: {  	[sflag:s13] =	ssyncset.done $0x0  }
0x90: {  	[sflag:s13] =	ssyncadd.s32 $0xFFFFFF80  }
0x91: {  	[tilespmem:s14], [sflag:$0x2] =	stream.indirect.gather [hbm4b:s1+s9], $0x80, s31, s9, $0xb8;
	[tilespmem:$0x1FE78] =	vst v63  }
0x92: {  	_ =	swait.ge [sflag:s15], $0x3E80  }
0x93: {  	[sflag:s15] =	ssyncset.done $0x0  }
0x94: {  	[sflag:s15] =	ssyncadd.s32 $0xFFFFC180  }
0x95: {  	[spmem:s2] =	stream.indirect.scatter.add.f32 [tilespmem:s12], [sflag:$0x4], $0x80, s22, s9, $0xb8;
	[tilespmem:$0x1FE78] =	vst v63  }
0x96: {  	_ = 	snop  }
0x97: {  	[spmem:s3] =	stream.indirect.scatter.add.f32 [tilespmem:s19], [sflag:$0x7], $0x1, s22, s9, $0xb8;
	[tilespmem:$0x1FE78] =	vst v63  }
0x98: {  	s15 =	simm.s32 $0x280;
	_ =	swait.ge [sflag:s7], $0x3E80  }
0x99: {  	s16 =	sand.u32 $0x7C00, s15;
	[sflag:s7] =	ssyncset.done $0x0  }
0x9a: {  	s0 =	sand.u32 $0x380, s15;
	s15 =	sadd.s32 s8, s16;
	[sflag:s7] =	ssyncadd.s32 $0xFFFFC180  }
0x9b: {  	s16 =	sadd.s32 s10, s16;
	s15 =	sor.u32 s0, s15;
	_ =	swait.ge [sflag:s17], $0x7D  }
0x9c: {  	s0 =	sor.u32 s0, s16;
	s15 =	sshrl.u32 s15, $0x3;
	[sflag:s17] =	ssyncset.done $0x0  }
0x9d: {  	s0 =	sshrl.u32 s0, $0x3;
	s16 =	sadd.s32 s6, s15;
	[sflag:s17] =	ssyncadd.s32 $0xFFFFFF83  }
0x9e: {  	[tilespmem:s18], [sflag:$0xC] =	stream.linear.gather [hbm4b:s16+s5], $0x80, $0x38;
	[tilespmem:$0x1FE78] =	vst v63  }
0x9f: {  	s23 =	simm.s32 $0x280;
	s0 =	sadd.s32 s6, s0  }
0xa0: {  	[tilespmem:s23], [sflag:$0xC] =	stream.linear.gather [hbm4b:s0+s5], $0x80, $0x38;
	[tilespmem:$0x1FE78] =	vst v63  }
0xa1: {  	_ =	swait.ge [sflag:s21], $0x80  }
0xa2: {  	[sflag:s21] =	ssyncset.done $0x0  }
0xa3: {  	[sflag:s21] =	ssyncadd.s32 $0xFFFFFF80  }
0xa4: {  	_ =	swait.ge [sflag:s21], $0x80  }
0xa5: {  	[sflag:s21] =	ssyncset.done $0x0  }
0xa6: {  	[sflag:s21] =	ssyncadd.s32 $0xFFFFFF80  }
0xa7: {  	[tilespmem:s20], [sflag:$0x3] =	stream.indirect.gather [hbm4b:s1+s9], $0x80, s18, s9, $0xb8;
	[tilespmem:$0x1FE78] =	vst v63  }
0xa8: {  	_ =	swait.ge [sflag:s24], $0x3E80  }
0xa9: {  	[sflag:s24] =	ssyncset.done $0x0  }
0xaa: {  	[sflag:s24] =	ssyncadd.s32 $0xFFFFC180  }
0xab: {  	[spmem:s2] =	stream.indirect.scatter.add.f32 [tilespmem:s14], [sflag:$0x5], $0x80, s29, s9, $0xb8;
	[tilespmem:$0x1FE78] =	vst v63  }
0xac: {  	_ = 	snop  }
0xad: {  	[spmem:s3] =	stream.indirect.scatter.add.f32 [tilespmem:s19], [sflag:$0x8], $0x1, s29, s9, $0xb8;
	[tilespmem:$0x1FE78] =	vst v63  }
0xae: {  	s18 =	simm.s32 $0x300;
	_ =	swait.ge [sflag:s30], $0x3E80  }
0xaf: {  	s24 =	sand.u32 $0x7C00, s18;
	[sflag:s30] =	ssyncset.done $0x0  }
0xb0: {  	s0 =	sand.u32 $0x380, s18;
	s15 =	sadd.s32 s8, s24;
	[sflag:s30] =	ssyncadd.s32 $0xFFFFC180  }
0xb1: {  	s16 =	sadd.s32 s10, s24;
	s14 =	sor.u32 s0, s15;
	_ =	swait.ge [sflag:s25], $0x7D  }
0xb2: {  	s0 =	sor.u32 s0, s16;
	s14 =	sshrl.u32 s14, $0x3;
	[sflag:s25] =	ssyncset.done $0x0  }
0xb3: {  	s0 =	sshrl.u32 s0, $0x3;
	s18 =	sadd.s32 s6, s14;
	[sflag:s25] =	ssyncadd.s32 $0xFFFFFF83  }
0xb4: {  	[tilespmem:s5], [sflag:$0xA] =	stream.linear.gather [hbm4b:s18+s5], $0x80, $0x38;
	[tilespmem:$0x1FE78] =	vst v63  }
0xb5: {  	s0 =	sadd.s32 s6, s0  }
0xb6: {  	[tilespmem:s22], [sflag:$0xA] =	stream.linear.gather [hbm4b:s0+s5], $0x80, $0x38;
	[tilespmem:$0x1FE78] =	vst v63  }
0xb7: {  	_ =	swait.ge [sflag:s4], $0x80  }
0xb8: {  	[sflag:s4] =	ssyncset.done $0x0  }
0xb9: {  	[sflag:s4] =	ssyncadd.s32 $0xFFFFFF80  }
0xba: {  	_ =	swait.ge [sflag:s4], $0x80  }
0xbb: {  	[sflag:s4] =	ssyncset.done $0x0  }
0xbc: {  	[sflag:s4] =	ssyncadd.s32 $0xFFFFFF80  }
0xbd: {  	[tilespmem:s12], [sflag:$0x1] =	stream.indirect.gather [hbm4b:s1+s9], $0x80, s5, s9, $0xb8;
	[tilespmem:$0x1FE78] =	vst v63  }
0xbe: {  	_ =	swait.ge [sflag:s26], $0x3E80  }
0xbf: {  	[sflag:s26] =	ssyncset.done $0x0  }
0xc0: {  	[sflag:s26] =	ssyncadd.s32 $0xFFFFC180  }
0xc1: {  	[spmem:s2] =	stream.indirect.scatter.add.f32 [tilespmem:s20], [sflag:$0x6], $0x80, s23, s9, $0xb8;
	[tilespmem:$0x1FE78] =	vst v63  }
0xc2: {  	_ = 	snop  }
0xc3: {  	[spmem:s3] =	stream.indirect.scatter.add.f32 [tilespmem:s19], [sflag:$0x9], $0x1, s23, s9, $0xb8;
	[tilespmem:$0x1FE78] =	vst v63  }
0xc4: {  	s20 =	simm.s32 $0x380;
	_ =	swait.ge [sflag:s28], $0x3E80  }
0xc5: {  	s22 =	sand.u32 $0x7C00, s20;
	[sflag:s28] =	ssyncset.done $0x0  }
0xc6: {  	s0 =	sand.u32 $0x380, s20;
	s24 =	sadd.s32 s8, s22;
	[sflag:s28] =	ssyncadd.s32 $0xFFFFC180  }
0xc7: {  	s16 =	sadd.s32 s10, s22;
	s1 =	sor.u32 s0, s24;
	_ =	swait.ge [sflag:s11], $0x7D  }
0xc8: {  	s0 =	sor.u32 s0, s16;
	s1 =	sshrl.u32 s1, $0x3;
	[sflag:s11] =	ssyncset.done $0x0  }
0xc9: {  	s0 =	sshrl.u32 s0, $0x3;
	s30 =	sadd.s32 s6, s1;
	[sflag:s11] =	ssyncadd.s32 $0xFFFFFF83  }
0xca: {  	[tilespmem:s31], [sflag:$0xB] =	stream.linear.gather [hbm4b:s30+s5], $0x80, $0x38;
	[tilespmem:$0x1FE78] =	vst v63  }
0xcb: {  	s0 =	sadd.s32 s6, s0  }
0xcc: {  	[tilespmem:s29], [sflag:$0xB] =	stream.linear.gather [hbm4b:s0+s5], $0x80, $0x38;
	[tilespmem:$0x1FE78] =	vst v63  }
0xcd: {  	_ =	swait.ge [sflag:s13], $0x80  }
0xce: {  	[sflag:s13] =	ssyncset.done $0x0  }
0xcf: {  	p6 =	por @!p2 $0x0, $0x0;
	[sflag:s13] =	ssyncadd.s32 $0xFFFFFF80  }
0xd0: {  	p5 =	por @p0 $0x1, $0x1;
	p6 =	por @!p3 p1, p1;
	_ =	swait.ge [sflag:s13], $0x80  }
0xd1: {  	p5 =	por @!p0 p6, p6;
	s18 =	simm.s32 $0x200;
	[sflag:s13] =	ssyncset.done $0x0  }
0xd2: {  	s16 =	simm.s32 $0x500;
	s24 =	simm.s32 $0x8300;
	[sflag:s13] =	ssyncadd.s32 $0xFFFFFF80  }
.LBB2_2:
0xd3: {  	s19 =	simm.s32 $0x100  }
0xd4: {  	s1 =	simm.s32 $0x4300;
	s2 =	rddreg [dreg:$0x0];
	s3 =	simm.s32 $0x1  }
0xd5: {  	[tilespmem:s1], [sflag:$0x2] =	stream.indirect.gather [hbm4b:s2+s9], $0x80, s19, s9, $0xb8;
	[tilespmem:$0x1FE78] =	vst v63  }
0xd6: {  	_ =	swait.ge [sflag:s3], $0x3E80  }
0xd7: {  	[sflag:s3] =	ssyncset.done $0x0  }
0xd8: {  	[sflag:s3] =	ssyncadd.s32 $0xFFFFC180  }
0xd9: {  	s22 =	simm.s32 $0x300;
	s31 =	simm.s32 $0x80;
	s3 =	rddreg [dreg:$0x3]  }
0xda: {  	[spmem:s3] =	stream.indirect.scatter.add.f32 [tilespmem:s22], [sflag:$0x4], $0x80, s31, s9, $0xb8;
	[tilespmem:$0x1FE78] =	vst v63  }
0xdb: {  	s0 =	smov.u32 s16;
	s20 =	simm.s32 $0xC300;
	s29 =	rddreg [dreg:$0x4]  }
0xdc: {  	[spmem:s29] =	stream.indirect.scatter.add.f32 [tilespmem:s20], [sflag:$0x7], $0x1, s31, s9, $0xb8;
	[tilespmem:$0x1FE78] =	vst v63  }
0xdd: {  	s30 =	sadd.s32 $0xFFFFFF00, s0;
	_ =	swait.ge [sflag:s7], $0x3E80  }
0xde: {  	s12 =	sand.u32 $0x7C00, s30;
	[sflag:s7] =	ssyncset.done $0x0  }
0xdf: {  	s30 =	sand.u32 $0x380, s30;
	s14 =	sadd.s32 s8, s12;
	[sflag:s7] =	ssyncadd.s32 $0xFFFFC180  }
0xe0: {  	s12 =	sadd.s32 s10, s12;
	s14 =	sor.u32 s30, s14;
	_ =	swait.ge [sflag:s17], $0x7D  }
0xe1: {  	s12 =	sor.u32 s30, s12;
	s14 =	sshrl.u32 s14, $0x3;
	[sflag:s17] =	ssyncset.done $0x0  }
0xe2: {  	s12 =	sshrl.u32 s12, $0x3;
	s14 =	sadd.s32 s6, s14;
	[sflag:s17] =	ssyncadd.s32 $0xFFFFFF83  }
0xe3: {  	[tilespmem:s18], [sflag:$0xC] =	stream.linear.gather [hbm4b:s14+s5], $0x80, $0x38;
	[tilespmem:$0x1FE78] =	vst v63  }
0xe4: {  	s12 =	sadd.s32 s6, s12  }
0xe5: {  	[tilespmem:s23], [sflag:$0xC] =	stream.linear.gather [hbm4b:s12+s5], $0x80, $0x38;
	[tilespmem:$0x1FE78] =	vst v63  }
0xe6: {  	_ =	swait.ge [sflag:s21], $0x80  }
0xe7: {  	[sflag:s21] =	ssyncset.done $0x0  }
0xe8: {  	[sflag:s21] =	ssyncadd.s32 $0xFFFFFF80  }
0xe9: {  	_ =	swait.ge [sflag:s21], $0x80  }
0xea: {  	[sflag:s21] =	ssyncset.done $0x0  }
0xeb: {  	s15 =	simm.s32 $0x2;
	[sflag:s21] =	ssyncadd.s32 $0xFFFFFF80  }
0xec: {  	[tilespmem:s24], [sflag:$0x3] =	stream.indirect.gather [hbm4b:s2+s9], $0x80, s18, s9, $0xb8;
	[tilespmem:$0x1FE78] =	vst v63  }
0xed: {  	_ =	swait.ge [sflag:s15], $0x3E80  }
0xee: {  	[sflag:s15] =	ssyncset.done $0x0  }
0xef: {  	[sflag:s15] =	ssyncadd.s32 $0xFFFFC180;
	s15 =	simm.s32 $0x180  }
0xf0: {  	[spmem:s3] =	stream.indirect.scatter.add.f32 [tilespmem:s1], [sflag:$0x5], $0x80, s15, s9, $0xb8;
	[tilespmem:$0x1FE78] =	vst v63  }
0xf1: {  	s1 =	simm.s32 $0x4  }
0xf2: {  	[spmem:s29] =	stream.indirect.scatter.add.f32 [tilespmem:s20], [sflag:$0x8], $0x1, s15, s9, $0xb8;
	[tilespmem:$0x1FE78] =	vst v63  }
0xf3: {  	s12 =	sadd.s32 $0xFFFFFF80, s0;
	_ =	swait.ge [sflag:s1], $0x3E80  }
0xf4: {  	s14 =	sand.u32 $0x7C00, s12;
	[sflag:s1] =	ssyncset.done $0x0  }
0xf5: {  	s12 =	sand.u32 $0x380, s12;
	s30 =	sadd.s32 s8, s14;
	[sflag:s1] =	ssyncadd.s32 $0xFFFFC180  }
0xf6: {  	s14 =	sadd.s32 s10, s14;
	s30 =	sor.u32 s12, s30;
	_ =	swait.ge [sflag:s25], $0x7D  }
0xf7: {  	s12 =	sor.u32 s12, s14;
	s30 =	sshrl.u32 s30, $0x3;
	[sflag:s25] =	ssyncset.done $0x0  }
0xf8: {  	s12 =	sshrl.u32 s12, $0x3;
	s1 =	sadd.s32 s6, s30;
	[sflag:s25] =	ssyncadd.s32 $0xFFFFFF83  }
0xf9: {  	[tilespmem:s5], [sflag:$0xA] =	stream.linear.gather [hbm4b:s1+s5], $0x80, $0x38;
	[tilespmem:$0x1FE78] =	vst v63  }
0xfa: {  	s12 =	sadd.s32 s6, s12  }
0xfb: {  	[tilespmem:s31], [sflag:$0xA] =	stream.linear.gather [hbm4b:s12+s5], $0x80, $0x38;
	[tilespmem:$0x1FE78] =	vst v63  }
0xfc: {  	_ =	swait.ge [sflag:s4], $0x80  }
0xfd: {  	[sflag:s4] =	ssyncset.done $0x0  }
0xfe: {  	[sflag:s4] =	ssyncadd.s32 $0xFFFFFF80  }
0xff: {  	_ =	swait.ge [sflag:s4], $0x80  }
0x100: {  	[sflag:s4] =	ssyncset.done $0x0  }
0x101: {  	[sflag:s4] =	ssyncadd.s32 $0xFFFFFF80  }
0x102: {  	[tilespmem:s22], [sflag:$0x1] =	stream.indirect.gather [hbm4b:s2+s9], $0x80, s5, s9, $0xb8;
	[tilespmem:$0x1FE78] =	vst v63  }
0x103: {  	_ =	swait.ge [sflag:s26], $0x3E80  }
0x104: {  	[sflag:s26] =	ssyncset.done $0x0  }
0x105: {  	[sflag:s26] =	ssyncadd.s32 $0xFFFFC180  }
0x106: {  	[spmem:s3] =	stream.indirect.scatter.add.f32 [tilespmem:s24], [sflag:$0x6], $0x80, s23, s9, $0xb8;
	[tilespmem:$0x1FE78] =	vst v63  }
0x107: {  	_ = 	snop  }
0x108: {  	[spmem:s29] =	stream.indirect.scatter.add.f32 [tilespmem:s20], [sflag:$0x9], $0x1, s23, s9, $0xb8;
	[tilespmem:$0x1FE78] =	vst v63  }
0x109: {  	_ =	swait.ge [sflag:s28], $0x3E80  }
0x10a: {  	s22 =	sand.u32 $0x7C00, s0;
	[sflag:s28] =	ssyncset.done $0x0  }
0x10b: {  	s0 =	sand.u32 $0x380, s0;
	s29 =	sadd.s32 s8, s22;
	[sflag:s28] =	ssyncadd.s32 $0xFFFFC180  }
0x10c: {  	s12 =	sadd.s32 s10, s22;
	s14 =	sor.u32 s0, s29;
	_ =	swait.ge [sflag:s11], $0x7D  }
0x10d: {  	s0 =	sor.u32 s0, s12;
	s31 =	sshrl.u32 s14, $0x3;
	[sflag:s11] =	ssyncset.done $0x0  }
0x10e: {  	s0 =	sshrl.u32 s0, $0x3;
	s12 =	sadd.s32 s6, s31;
	[sflag:s11] =	ssyncadd.s32 $0xFFFFFF83  }
0x10f: {  	[tilespmem:s19], [sflag:$0xB] =	stream.linear.gather [hbm4b:s12+s5], $0x80, $0x38;
	[tilespmem:$0x1FE78] =	vst v63  }
0x110: {  	s0 =	sadd.s32 s6, s0  }
0x111: {  	[tilespmem:s15], [sflag:$0xB] =	stream.linear.gather [hbm4b:s0+s5], $0x80, $0x38;
	[tilespmem:$0x1FE78] =	vst v63  }
0x112: {  	p6 =	sne.s32 s16, $0x2780;
	_ =	swait.ge [sflag:s13], $0x80  }
.Ltmp0:
0x113: {  	[sflag:s13] =	ssyncset.done $0x0;
	(pc) =	sbr.rel @p6 .LBB2_2-.Ltmp0, $4  }
0x114: {  	[sflag:s13] =	ssyncadd.s32 $0xFFFFFF80  }
0x115: {  	_ =	swait.ge [sflag:s13], $0x80  }
0x116: {  	s16 =	sadd.s32 $0x180, s16;
	[sflag:s13] =	ssyncset.done $0x0  }
0x117: {  	s30 =	simm.s32 $0x300;
	s14 =	simm.s32 $0x100;
	[sflag:s13] =	ssyncadd.s32 $0xFFFFFF80  }
0x118: {  	s0 =	simm.s32 $0x4300;
	s1 =	rddreg [dreg:$0x0];
	s18 =	simm.s32 $0x1  }
0x119: {  	[tilespmem:s0], [sflag:$0x2] =	stream.indirect.gather [hbm4b:s1+s9], $0x80, s14, s9, $0xb8;
	[tilespmem:$0x1FE78] =	vst v63  }
0x11a: {  	_ =	swait.ge [sflag:s18], $0x3E80  }
0x11b: {  	[sflag:s18] =	ssyncset.done $0x0  }
0x11c: {  	[sflag:s18] =	ssyncadd.s32 $0xFFFFC180  }
0x11d: {  	s3 =	simm.s32 $0x80;
	s1 =	rddreg [dreg:$0x3]  }
0x11e: {  	[spmem:s1] =	stream.indirect.scatter.add.f32 [tilespmem:s30], [sflag:$0x4], $0x80, s3, s9, $0xb8;
	[tilespmem:$0x1FE78] =	vst v63  }
0x11f: {  	s12 =	simm.s32 $0xC300;
	s2 =	rddreg [dreg:$0x4]  }
0x120: {  	[spmem:s2] =	stream.indirect.scatter.add.f32 [tilespmem:s12], [sflag:$0x7], $0x1, s3, s9, $0xb8;
	[tilespmem:$0x1FE78] =	vst v63  }
0x121: {  	_ =	swait.ge [sflag:s7], $0x3E80  }
0x122: {  	[sflag:s7] =	ssyncset.done $0x0  }
0x123: {  	[sflag:s7] =	ssyncadd.s32 $0xFFFFC180  }
0x124: {  	_ =	swait.ge [sflag:s17], $0x7D  }
0x125: {  	[sflag:s17] =	ssyncset.done $0x0  }
0x126: {  	s19 =	simm.s32 $0x2;
	[sflag:s17] =	ssyncadd.s32 $0xFFFFFF83  }
0x127: {  	_ =	swait.ge [sflag:s19], $0x3E80  }
0x128: {  	[sflag:s19] =	ssyncset.done $0x0  }
0x129: {  	s20 =	simm.s32 $0x180;
	[sflag:s19] =	ssyncadd.s32 $0xFFFFC180  }
0x12a: {  	[spmem:s1] =	stream.indirect.scatter.add.f32 [tilespmem:s0], [sflag:$0x5], $0x80, s20, s9, $0xb8;
	[tilespmem:$0x1FE78] =	vst v63  }
0x12b: {  	s22 =	simm.s32 $0x4  }
0x12c: {  	[spmem:s2] =	stream.indirect.scatter.add.f32 [tilespmem:s12], [sflag:$0x8], $0x1, s20, s9, $0xb8;
	[tilespmem:$0x1FE78] =	vst v63  }
0x12d: {  	_ =	swait.ge [sflag:s22], $0x3E80  }
0x12e: {  	[sflag:s22] =	ssyncset.done $0x0  }
0x12f: {  	[sflag:s22] =	ssyncadd.s32 $0xFFFFC180  }
0x130: {  	_ =	swait.ge [sflag:s25], $0x7D  }
0x131: {  	[sflag:s25] =	ssyncset.done $0x0  }
0x132: {  	[sflag:s25] =	ssyncadd.s32 $0xFFFFFF83  }
0x133: {  	_ =	swait.ge [sflag:s28], $0x3E80  }
0x134: {  	[sflag:s28] =	ssyncset.done $0x0  }
0x135: {  	[sflag:s28] =	ssyncadd.s32 $0xFFFFC180  }
0x136: {  	_ =	swait.ge [sflag:s11], $0x7D  }
0x137: {  	[sflag:s11] =	ssyncset.done $0x0  }
0x138: {  	[sflag:s11] =	ssyncadd.s32 $0xFFFFFF83  }
0x139: {  	[bflag:$0x0] =	sbarrier.arrive $0xFFFF  }
0x13a: {  	s30 =	rddreg [dreg:$0xd]  }
0x13b: {  	s23 =	rddreg [dreg:$0x11]  }
0x13c: {  	s19 =	simm.s32 $0xD;
	s24 =	rddreg [dreg:$0x1a]  }
0x13d: {  	[hbm:s23], [sflag:s30] =	dma.local [spmem:s24], $0x2700  }
0x13e: {  	_ =	swait.ge [sflag:s19], $0x2700  }
0x13f: {  	[sflag:s19] =	ssyncset.done $0x0;
	s23 =	rddreg [dreg:$0xe]  }
0x140: {  	s12 =	rddreg [dreg:$0x15];
	[sflag:s19] =	ssyncadd.s32 $0xFFFFD900;
	s0 =	sshrl.u32 @!p4 s23, $0x3  }
0x141: {  	[hbm:s12], [sflag:s30] =	dma.local @!p4 [spmem:s0], $0x100  }
0x142: {  	s0 =	simm.s32 @!p4 $0xD  }
0x143: {  	s16 =	simm.s32 @p5 $0x10;
	_ =	swait.ge @!p4 [sflag:s0], $0x100  }
0x144: {  	s14 =	simm.s32 @p5 $0x20;
	s1 =	simm.s32 @p5 $0x1;
	[sflag:s0] =	ssyncset.done @!p4 $0x0  }
0x145: {  	s12 =	rddreg [dreg:$0x13];
	[sflag:s0] =	ssyncadd.s32 @!p4 $0xFFFFFF00;
	s0 =	sshrl.u32 @p5 s2, $0x3  }
0x146: {  	[hbm:s12@s14], [sflag:s30] =	dma.strided @p5 [spmem:s0@s16], $0x4F0, s1, $0x10   }
0x147: {  	s0 =	simm.s32 @p5 $0xD  }
0x148: {  	_ =	swait.ge @p5 [sflag:s0], $0x4F0  }
0x149: {  	s29 =	rddreg [dreg:$0x19]  }
0x14a: {  	s31 =	rddreg [dreg:$0x16];
	s1 =	sadd.s32 $0x1, s29  }
0x14b: {  	p6 =	sne.s32 s1, s31  }
.Ltmp1:
0x14c: {  	_ = 	snop;
	(pc) =	sbr.rel @p6 .LBB2_1-.Ltmp1, $3  }
0x14d: {  	_ =	sdelay $0x1  }
0x14e: {  	s18 =	simm.s32 $0x200;
	[sflag:s0] =	ssyncset.done @p5 $0x0  }
0x14f: {  	s20 =	simm.s32 $0x8300;
	s16 =	simm.s32 $0x280;
	[sflag:s0] =	ssyncadd.s32 @p5 $0xFFFFFB10  }
0x150: {  	_ =	sfence.sel $0x180000  }
0x151: {  	[bflag:$0x0] =	sbarrier.arrive $0xFFFF  }
0x152: {  	_ =	strace $0x90000047  }
0x153: {  	s0 =	stileid.u32;
	[bflag:$0x2] =	sbarrier.arrive $0xFFFF  }
0x154: {  	p0 =	sne.s32 s0, $0x0;
	s0 =	rddreg [dreg:$0x5]  }
0x155: {  	s0 =	sadd.s32 @!p0 $0x100000, s0  }
0x156: {  	[sflag:s0] =	ssyncadd.tile.s32 @!p0 $0x1;
	_ =	shalt  }
.Lfunc_end2:
_tile_overlayer_lowered:
.L_overlay_start_2:
0x157: {  	(tag) =	ssettag $0x2  }
0x158: {  	s0 =	rddreg [dreg:$0x0];
	s2 =	stileid.u32  }
0x159: {  	s1 =	rddreg [dreg:$0x1];
	p0 =	sne.s32 s2, $0x0  }
0x15a: {  	s3 =	rddreg [dreg:$0x2];
	[bflag:$0x3] =	sbarrier.arrive $0xFFFF;
	s2 =	simm.s32 @!p0 $0x1C0D  }
0x15b: {  	[timem:s3], [sflag:s2] =	dma.local @!p0 [hbm:s0], s1  }
0x15c: {  	s0 =	simm.s32 @!p0 $0xD  }
0x15d: {  	_ =	swait.ge @!p0 [sflag:s0], s1  }
0x15e: {  	s1 =	ssub.s32 @!p0 $0x0, s1;
	[sflag:s0] =	ssyncset.done @!p0 $0x0  }
0x15f: {  	[sflag:s0] =	ssyncadd.s32 @!p0 s1  }
0x160: {  	[bflag:$0x3] =	sbarrier.arrive $0xFFFF  }
0x161: {  	_ =	shalt  }

// kernel: kernel.9.cloned.1.call-start
scs
__scs_entry_jumppad:
0x0: {  	(pc) =	sbr.rel $0x88, $3  }
0x1: {  	(tag) =	ssettag $0x0;
	lr =	simm.s32 $0x1  }
0x2: {  	[smem:$0x3F93] =	sst lr;
	_ =	strace $0xD0000000  }
0x3: {  	_ = 	snop  }
0x4: {  	_ = 	snop  }
0x5: {  	_ = 	snop  }
0x6: {  	_ = 	snop  }
0x7: {  	_ = 	snop  }
__scs_overlays_trampoline_lowered:
0x8: {  	[smem:$0x3FA2] =	sst s0  }
0x9: {  	[smem:$0x3FA3] =	sst s1  }
0xa: {  	[smem:$0x3FA4] =	sst s2  }
0xb: {  	[smem:$0x3FA5] =	sst s3  }
0xc: {  	[smem:$0x3FA6] =	sst s4  }
0xd: {  	[smem:$0x3FA7] =	sst s5  }
0xe: {  	[smem:$0x3FA8] =	sst s6  }
0xf: {  	[smem:$0x3FA9] =	sst s7  }
0x10: {  	[smem:$0x3FAA] =	sst s8  }
0x11: {  	[smem:$0x3FAB] =	sst s9;
	s0 =	simm.s32 @!p0 $0x0  }
0x12: {  	s1 =	sld [smem:$0x3F91];
	s0 =	simm.s32 @p0 $0x1  }
0x13: {  	[smem:$0x3FAC] =	sst s0;
	s0 =	simm.s32 @!p1 $0x0  }
0x14: {  	s2 =	sld [smem:$0x3F90];
	s0 =	simm.s32 @p1 $0x1  }
0x15: {  	[smem:$0x3FAD] =	sst s0;
	s0 =	simm.s32 @!p2 $0x0  }
0x16: {  	s3 =	sld [smem:$0x3FDB];
	s0 =	simm.s32 @p2 $0x1  }
0x17: {  	s4 =	simm.s32 $0x1BF5;
	[smem:$0x3FAF] =	sst s0  }
0x18: {  	s0 =	sld [smem:$0x3F92];
	_ =	swait.ge [sflag:s4], $0x0  }
0x19: {  	s7 =	sld [smem:$0x3F93]  }
0x1a: {  	s8 =	sadd.s32 $0xFFFFE003, lr  }
0x1b: {  	s9 =	sadd.s32 $0xFFFFFEF7, lr;
	s5 =	simm.s32 $0xFFFFFFFF;
	p2 =	slt.u32 s8, $0xFFFFF086  }
0x1c: {  	p1 =	slt.u32 s9, $0xF7A;
	s5 =	simm.s32 @!p2 $0x0  }
0x1d: {  	s5 =	simm.s32 @p1 $0x1;
	p0 =	seq.s32 s7, s2  }
0x1e: {  	s7 =	smul.u32 @!p0 $0xF7A, s2;
	p2 =	seq.s32 @!p0 s5, $0x0  }
0x1f: {  	s9 =	smul.u32 $0xF7A, s1;
	s8 =	simm.s32 @!p0 $0x1BF5;
	p2 =	por !p2, p0  }
0x20: {  	[sflag:s8] =	ssyncset.s32 @!p0 $0xFFFFF086;
	s6 =	sadd.s32 @!p0 s3, s7;
	s7 =	simm.s32 @!p0 $0x108  }
0x21: {  	s3 =	sadd.s32 s3, s9;
	s6 =	sadd.s32 @!p0 $0x88, s6;
	s7 =	simm.s32 @p2 $0x1082  }
0x22: {  	[simem:s7], [sflag:s8] =	dma.local @!p0 [hbm:s6], $0xF7A  }
0x23: {  	s9 =	sor.u32 $0xD0000000, s2;
	s6 =	simm.s32 $0x108;
	_ =	swait.ge @!p0 [sflag:s8], $0x0  }
0x24: {  	s3 =	sadd.s32 $0x88, s3;
	s6 =	simm.s32 @!p1 $0x1082;
	[sflag:s4] =	ssyncset.s32 $0xFFFFF086  }
0x25: {  	[simem:s6], [sflag:s4] =	dma.local [hbm:s3], $0xF7A  }
0x26: {  	[smem:$0x3F93] =	sst s1;
	(tag) =	ssettag s2;
	_ =	strace s9  }
0x27: {  	s1 =	sld [smem:$0x3FA3]  }
0x28: {  	s2 =	sld [smem:$0x3FA4]  }
0x29: {  	s4 =	sld [smem:$0x3FA6]  }
0x2a: {  	p0 =	seq.s32 s5, $0x0;
	s5 =	sld [smem:$0x3FA7]  }
0x2b: {  	s6 =	sld [smem:$0x3FA8]  }
0x2c: {  	s7 =	sld [smem:$0x3FA9]  }
0x2d: {  	s3 =	simm.s32 $0x108;
	s8 =	sld [smem:$0x3FAA]  }
0x2e: {  	s3 =	simm.s32 @!p0 $0x1082;
	s9 =	sld [smem:$0x3FAB]  }
0x2f: {  	lr =	sadd.s32 s0, s3;
	s0 =	sld [smem:$0x3FA2]  }
0x30: {  	s3 =	sld [smem:$0x3FA5]  }
0x31: {  	[smem:$0x3FAE] =	sst s10  }
0x32: {  	s10 =	sld [smem:$0x3FAC];
	_ =	sdelay $0x3  }
0x33: {  	p0 =	seq.s32 s10, $0x1;
	s10 =	sld [smem:$0x3FAE];
	_ =	sdelay $0x3  }
0x34: {  	[smem:$0x3FAE] =	sst s10  }
0x35: {  	s10 =	sld [smem:$0x3FAD];
	_ =	sdelay $0x3  }
0x36: {  	p1 =	seq.s32 s10, $0x1;
	s10 =	sld [smem:$0x3FAE];
	_ =	sdelay $0x3  }
0x37: {  	[smem:$0x3FAE] =	sst s10  }
0x38: {  	s10 =	sld [smem:$0x3FAF]  }
0x39: {  	_ = 	snop;
	(pc) =	sbr.ind lr, $3  }
0x3a: {  	_ = 	snop  }
0x3b: {  	_ = 	snop  }
0x3c: {  	p2 =	seq.s32 s10, $0x1;
	s10 =	sld [smem:$0x3FAE]  }
0x3d: {  	_ =	shalt  }
0x3e: {  	_ =	shalt  }
0x3f: {  	_ =	shalt  }
0x40: {  	_ =	shalt  }
0x41: {  	_ =	shalt  }
0x42: {  	_ =	shalt  }
0x43: {  	_ =	shalt  }
0x44: {  	_ =	shalt  }
0x45: {  	_ =	shalt  }
0x46: {  	_ =	shalt  }
0x47: {  	_ =	shalt  }
0x48: {  	_ =	shalt  }
0x49: {  	_ =	shalt  }
0x4a: {  	_ =	shalt  }
0x4b: {  	_ =	shalt  }
0x4c: {  	_ =	shalt  }
0x4d: {  	_ =	shalt  }
0x4e: {  	_ =	shalt  }
0x4f: {  	_ =	shalt  }
0x50: {  	_ =	shalt  }
0x51: {  	_ =	shalt  }
0x52: {  	_ =	shalt  }
0x53: {  	_ =	shalt  }
0x54: {  	_ =	shalt  }
0x55: {  	_ =	shalt  }
0x56: {  	_ =	shalt  }
0x57: {  	_ =	shalt  }
0x58: {  	_ =	shalt  }
0x59: {  	_ =	shalt  }
0x5a: {  	_ =	shalt  }
0x5b: {  	_ =	shalt  }
0x5c: {  	_ =	shalt  }
0x5d: {  	_ =	shalt  }
0x5e: {  	_ =	shalt  }
0x5f: {  	_ =	shalt  }
0x60: {  	_ =	shalt  }
0x61: {  	_ =	shalt  }
0x62: {  	_ =	shalt  }
0x63: {  	_ =	shalt  }
0x64: {  	_ =	shalt  }
0x65: {  	_ =	shalt  }
0x66: {  	_ =	shalt  }
0x67: {  	_ =	shalt  }
0x68: {  	_ =	shalt  }
0x69: {  	_ =	shalt  }
0x6a: {  	_ =	shalt  }
0x6b: {  	_ =	shalt  }
0x6c: {  	_ =	shalt  }
0x6d: {  	_ =	shalt  }
0x6e: {  	_ =	shalt  }
0x6f: {  	_ =	shalt  }
0x70: {  	_ =	shalt  }
0x71: {  	_ =	shalt  }
0x72: {  	_ =	shalt  }
0x73: {  	_ =	shalt  }
0x74: {  	_ =	shalt  }
0x75: {  	_ =	shalt  }
0x76: {  	_ =	shalt  }
0x77: {  	_ =	shalt  }
0x78: {  	_ =	shalt  }
0x79: {  	_ =	shalt  }
0x7a: {  	_ =	shalt  }
0x7b: {  	_ =	shalt  }
0x7c: {  	_ =	shalt  }
0x7d: {  	_ =	shalt  }
0x7e: {  	_ =	shalt  }
0x7f: {  	_ =	shalt  }
0x80: {  	_ =	shalt  }
0x81: {  	_ =	shalt  }
0x82: {  	_ =	shalt  }
0x83: {  	_ =	shalt  }
0x84: {  	_ =	shalt  }
0x85: {  	_ =	shalt  }
0x86: {  	_ =	shalt  }
0x87: {  	_ =	shalt  }
.Lfunc_end0:
.L_simem_size_0:
called_computation.1_lowered:
.L_overlay_start_0:
0x88: {  	s2 =	sld [smem:$0x3FD9]  }
0x89: {  	s3 =	sld [smem:$0x3FFE];
	_ =	sdelay $0x1  }
0x8a: {  	s1 =	srdreg.scid  }
0x8b: {  	s0 =	sand.u32 $0x1, s1  }
0x8c: {  	s17 =	sshll.u32 s0, $0xA;
	s2 =	sadd.s32 s3, s2  }
0x8d: {  	s2 =	sadd.s32 s2, s17  }
0x8e: {  	[smem:$0x3FBA] =	sst s2  }
0x8f: {  	_ = 	snop  }
0x90: {  	s2 =	sld [smem:$0x3FD0];
	(tm) =	ssettm $0x1  }
0x91: {  	s18 =	sld [smem:$0x3FFB];
	_ =	sdelay $0x3  }
0x92: {  	_ =	strace s18  }
0x93: {  	s3 =	sld [smem:$0x3FFC];
	_ =	sdelay $0x3  }
0x94: {  	_ =	strace s3  }
0x95: {  	s3 =	sld [smem:$0x3FFD];
	_ =	sdelay $0x3  }
0x96: {  	_ =	strace s3  }
0x97: {  	_ =	strace $0x8FFFFFFF  }
0x98: {  	s19 =	sld [smem:$0x3FDB];
	_ =	sdelay $0x1  }
0x99: {  	s4 =	simm.s32 $_scs_section_size  }
0x9a: {  	s5 =	simm.s32 $_size__tile_overlayer_lowered;
	s6 =	simm.s32 $_tile_overlayer_lowered  }
0x9b: {  	s22 =	simm.s32 $0x1BFF;
	s21 =	sshll.u32 s6, $0x1;
	s3 =	sadd.s32 s4, s19  }
0x9c: {  	s7 =	simm.s32 $0x0;
	s20 =	sshll.u32 s5, $0x1;
	s5 =	sadd.s32 s21, s3  }
0x9d: {  	[timem:s7], [sflag:s22] =	dma.local [hbm:s5], s20  }
0x9e: {  	_ =	swait.ge [sflag:s22], s20  }
0x9f: {  	s4 =	ssub.s32 $0x0, s20;
	[sflag:s22] =	ssyncset.done $0x0  }
0xa0: {  	[sflag:s22] =	ssyncadd.s32 s4;
	_ =	sdelay $0x1  }
0xa1: {  	s23 =	simm.s32 $0x1B8B  }
0xa2: {  	_ =	swait.ge [sflag:s23], $0x1  }
0xa3: {  	[sflag:s23] =	ssyncset.done $0x0  }
0xa4: {  	s25 =	simm.s32 $0x1B8E;
	s24 =	sld [smem:$0x3FFE];
	[sflag:s23] =	ssyncadd.s32 $0xFFFFFFFF  }
0xa5: {  	s26 =	simm.s32 $execute0_lowered;
	[smem:$0x3FD2] =	sst s25  }
0xa6: {  	s5 =	sshll.u32 s26, $0x1;
	_ =	strace $0x80000049;
	[dreg:$0x1] =	wrdreg $0xFFFFFFFF  }
0xa7: {  	s28 =	simm.s32 $_size_execute0_lowered;
	s3 =	sadd.s32 s3, s5;
	[dreg:$0x0] =	wrdreg $0x0  }
0xa8: {  	s5 =	sshll.u32 s28, $0x1;
	[dreg:$0x2] =	wrdreg s3  }
0xa9: {  	[dreg:$0x3] =	wrdreg s5  }
0xaa: {  	[dreg:$0x4] =	wrdreg $0xC0  }
0xab: {  	_ =	task [dreg:s7], $0x5FFFF  }
0xac: {  	[dreg:$0x1] =	wrdreg $0xFFFFFFFF  }
0xad: {  	[dreg:$0x0] =	wrdreg $0x60  }
0xae: {  	[dreg:$0x2] =	wrdreg s2  }
0xaf: {  	[dreg:$0x3] =	wrdreg s24  }
0xb0: {  	[dreg:$0x4] =	wrdreg $0xC3000  }
0xb1: {  	[dreg:$0x5] =	wrdreg $0x9  }
0xb2: {  	_ =	task.clear_ibuf [dreg:s7], $0x6FFFF;
	_ =	strace $0x90000049  }
0xb3: {  	s29 =	simm.s32 $0x9;
	_ =	strace $0x8000004B  }
0xb4: {  	_ =	swait.ge [sflag:s29], $0x1  }
0xb5: {  	[sflag:s29] =	ssyncadd.s32 $0xFFFFFFFF  }
0xb6: {  	_ =	strace $0x9000004B  }
0xb7: {  	_ =	sfence  }
0xb8: {  	s30 =	sld [smem:$0x0];
	_ =	sdelay $0x2  }
0xb9: {  	s31 =	sshll.u32 s1, $0xD;
	s1 =	sshrl.u32 s1, $0x2  }
0xba: {  	s3 =	sand.u32 $0x4000, s31;
	s1 =	sadd.s32 s1, s30  }
0xbb: {  	s0 =	sor.u32 s3, s0;
	s1 =	sshll.u32 s1, $0x11  }
0xbc: {  	s0 =	sor.u32 s1, s0  }
0xbd: {  	s0 =	sadd.s32 $0x8F2B, s0  }
0xbe: {  	[sflag:s0] =	ssyncadd.remote.s32 $0x1  }
0xbf: {  	_ =	sfence.sel $0xFFFF  }
0xc0: {  	[dreg:$0x0] =	wrdreg $0xFFFFFFFF;
	(pc) =	sbr.abs _section_cstart, $3  }
0xc1: {  	[dreg:$0x1] =	wrdreg $0xFFFFFFFF  }
0xc2: {  	_ =	task.clear_ibuf [dreg:s7], $0x2FFFF;
	_ =	strace $0x9FFFFFFF  }
0xc3: {  	(tm) =	ssettm $0x7FFFFFFF  }
tec
execute0_lowered:
.L_overlay_start_1:
0x0: {  	(tag) =	ssettag $0x1  }
0x1: {  	s1 =	rddreg [dreg:$0x0]  }
0x2: {  	s0 =	rddreg [dreg:$0x1]  }
0x3: {  	s2 =	rddreg [dreg:$0x2];
	s3 =	srdreg.scid;
	s4 =	simm.s32 $0x0  }
0x4: {  	s12 =	stileid.u32;
	s28 =	simm.s32 $0x180;
	s30 =	simm.s32 $0x7  }
0x5: {  	s31 =	simm.s32 $0x7D;
	s3 =	sand.u32 $0x1, s3;
	[smem:$0x7FF] =	sst s4  }
0x6: {  	s7 =	sadd.s32 $0x17C00, s0;
	s11 =	smul.u32 $0x4E000, s12;
	s17 =	sshll.u32 s12, $0x6  }
0x7: {  	s18 =	sadd.s32 $0x138000, s2;
	s20 =	smul.u32 $0x13800, s12;
	p0 =	sne.s32 s12, $0xF  }
0x8: {  	s5 =	sshll.u32 s3, $0x4;
	_ =	strace $0x8000004A;
	[dreg:$0x4] =	wrdreg s7  }
0x9: {  	s26 =	ssub.s32 $0x2, s3;
	s3 =	smul.u32 $0x138800, s3;
	[dreg:$0xa] =	wrdreg s18  }
0xa: {  	s6 =	sor.u32 s12, s5;
	s9 =	sshrl.u32 s26, $0x1;
	s16 =	sshrl.u32 s11, $0x2  }
0xb: {  	s6 =	smul.u32 $0x2800, s6;
	s7 =	ssub.s32 s26, s9;
	s9 =	sadd.s32 s16, s2  }
0xc: {  	s5 =	sadd.s32 $0x3600, s0;
	s0 =	sadd.s32 $0x1A400, s0;
	[dreg:$0x9] =	wrdreg s9  }
0xd: {  	s9 =	sadd.s32 s20, s3;
	s3 =	sshrl.u32 s3, $0x3;
	s10 =	sshrl.u32 s6, $0x3  }
0xe: {  	s8 =	sadd.s32 $0x50000, s6;
	s9 =	sshrl.u32 s9, $0x3;
	s13 =	sadd.s32 s5, s10  }
0xf: {  	s3 =	sadd.s32 s0, s3;
	s0 =	sadd.s32 s0, s9;
	[dreg:$0x5] =	wrdreg s13  }
0x10: {  	s29 =	sshrl.u32 s8, $0x3;
	s26 =	sadd.s32 $0x27000, s3;
	[dreg:$0x11] =	wrdreg s0  }
0x11: {  	s18 =	simm.s32 $0x4;
	s10 =	sadd.s32 s5, s29;
	[dreg:$0x12] =	wrdreg s26  }
0x12: {  	s11 =	simm.s32 $0x1;
	s14 =	sadd.s32 $0x10, s13;
	[dreg:$0x6] =	wrdreg s10  }
0x13: {  	s12 =	simm.s32 $0x200;
	s15 =	sadd.s32 $0xA010, s13;
	[dreg:$0x7] =	wrdreg s14  }
0x14: {  	s16 =	simm.s32 $0x8300;
	s19 =	sadd.s32 $0x20, s13;
	[dreg:$0x8] =	wrdreg s15  }
0x15: {  	s20 =	simm.s32 $0x5;
	s21 =	sadd.s32 $0xA020, s13;
	[dreg:$0xb] =	wrdreg s19  }
0x16: {  	s3 =	simm.s32 $0x8;
	s22 =	sadd.s32 $0x30, s13;
	[dreg:$0xc] =	wrdreg s21  }
0x17: {  	s23 =	sadd.s32 $0xA030, s13;
	s24 =	sadd.s32 $0x40, s13;
	[dreg:$0xd] =	wrdreg s22  }
0x18: {  	s25 =	sadd.s32 $0xA040, s13;
	s29 =	smax.u32 s7, $0x1;
	[dreg:$0xe] =	wrdreg s23  }
0x19: {  	s26 =	simm.s32 $0x100;
	s0 =	simm.s32 $0x300;
	[dreg:$0xf] =	wrdreg s24  }
0x1a: {  	s13 =	simm.s32 $0x280;
	s14 =	sor.u32 $0x1C0A, s17;
	[dreg:$0x10] =	wrdreg s25  }
0x1b: {  	[dreg:$0x13] =	wrdreg s29;
	s25 =	simm.s32 $0x80;
	s23 =	simm.s32 $0xA  }
0x1c: {  	s10 =	simm.s32 $0x4300;
	s15 =	simm.s32 $0x9;
	s17 =	simm.s32 $0x2  }
0x1d: {  	s19 =	simm.s32 $0x3;
	s21 =	simm.s32 $0x6;
	s22 =	simm.s32 $0x0  }
.LBB2_1:
0x1e: {  	s7 =	rddreg [dreg:$0x5]  }
0x1f: {  	s24 =	rddreg [dreg:$0x6]  }
0x20: {  	[tilespmem:s4], [sflag:$0x7] =	stream.linear.gather [hbm4b:s7+s4], $0x80, $0x38;
	[tilespmem:$0x1FB80] =	vst v63  }
0x21: {  	s29 =	rddreg [dreg:$0x7]  }
0x22: {  	[tilespmem:s25], [sflag:$0x7] =	stream.linear.gather [hbm4b:s24+s4], $0x80, $0x38;
	[tilespmem:$0x1FB80] =	vst v63  }
0x23: {  	s9 =	rddreg [dreg:$0x8]  }
0x24: {  	[tilespmem:s26], [sflag:$0x8] =	stream.linear.gather [hbm4b:s29+s4], $0x80, $0x38;
	[tilespmem:$0x1FB80] =	vst v63  }
0x25: {  	s24 =	rddreg [dreg:$0x9]  }
0x26: {  	[tilespmem:s28], [sflag:$0x8] =	stream.linear.gather [hbm4b:s9+s4], $0x80, $0x38;
	[tilespmem:$0x1FB80] =	vst v63  }
0x27: {  	s7 =	rddreg [dreg:$0x4];
	s9 =	sshrl.u32 s24, $0x3  }
0x28: {  	[dreg:$0x14] =	wrdreg s9  }
0x29: {  	[spmem:s9], [sflag:s14] =	dma.local [hbm:s7], $0x2700  }
0x2a: {  	_ =	swait.ge [sflag:s23], $0x2700  }
0x2b: {  	s9 =	rddreg [dreg:$0xa]  }
0x2c: {  	[sflag:s23] =	ssyncset.done $0x0;
	s9 =	sshrl.u32 @!p0 s9, $0x3  }
0x2d: {  	[sflag:s23] =	ssyncadd.s32 $0xFFFFD900;
	[dreg:$0x15] =	wrdreg s9  }
0x2e: {  	[spmem:s9], [sflag:s14] =	dma.local @!p0 [hbm:s7], $0x100  }
0x2f: {  	s7 =	simm.s32 @!p0 $0xA  }
0x30: {  	_ =	swait.ge @!p0 [sflag:s7], $0x100  }
0x31: {  	[sflag:s7] =	ssyncset.done @!p0 $0x0  }
0x32: {  	[sflag:s7] =	ssyncadd.s32 @!p0 $0xFFFFFF00  }
0x33: {  	_ =	swait.ge [sflag:s30], $0x80  }
0x34: {  	[sflag:s30] =	ssyncset.done $0x0  }
0x35: {  	[sflag:s30] =	ssyncadd.s32 $0xFFFFFF80  }
0x36: {  	_ =	swait.ge [sflag:s30], $0x80  }
0x37: {  	[sflag:s30] =	ssyncset.done $0x0  }
0x38: {  	[sflag:s30] =	ssyncadd.s32 $0xFFFFFF80  }
0x39: {  	[tilespmem:s0], [sflag:$0x1] =	stream.indirect.gather [hbm4b:s1+s31], $0x80, s4, s31, $0xb8;
	[tilespmem:$0x1FB80] =	vst v63  }
0x3a: {  	_ =	swait.ge [sflag:s3], $0x80  }
0x3b: {  	[sflag:s3] =	ssyncset.done $0x0  }
0x3c: {  	[sflag:s3] =	ssyncadd.s32 $0xFFFFFF80  }
0x3d: {  	_ =	swait.ge [sflag:s3], $0x80  }
0x3e: {  	[sflag:s3] =	ssyncset.done $0x0  }
0x3f: {  	[sflag:s3] =	ssyncadd.s32 $0xFFFFFF80  }
0x40: {  	[tilespmem:s10], [sflag:$0x2] =	stream.indirect.gather [hbm4b:s1+s31], $0x80, s26, s31, $0xb8;
	[tilespmem:$0x1FB80] =	vst v63  }
0x41: {  	[bflag:$0x0] =	sbarrier.arrive $0xFFFF  }
0x42: {  	_ =	swait.ge [sflag:s11], $0x3E80  }
0x43: {  	[sflag:s11] =	ssyncset.done $0x0  }
0x44: {  	[sflag:s11] =	ssyncadd.s32 $0xFFFFC180  }
0x45: {  	[spmem:s2] =	stream.indirect.scatter.add.f32 [tilespmem:s0], [sflag:$0x4], $0x80, s25, s31, $0xb8;
	[tilespmem:$0x1FB80] =	vst v63  }
0x46: {  	s29 =	rddreg [dreg:$0xb]  }
0x47: {  	[tilespmem:s12], [sflag:$0x9] =	stream.linear.gather [hbm4b:s29+s4], $0x80, $0x38;
	[tilespmem:$0x1FB80] =	vst v63  }
0x48: {  	s9 =	rddreg [dreg:$0xc]  }
0x49: {  	[tilespmem:s13], [sflag:$0x9] =	stream.linear.gather [hbm4b:s9+s4], $0x80, $0x38;
	[tilespmem:$0x1FB80] =	vst v63  }
0x4a: {  	_ =	swait.ge [sflag:s15], $0x80  }
0x4b: {  	[sflag:s15] =	ssyncset.done $0x0  }
0x4c: {  	[sflag:s15] =	ssyncadd.s32 $0xFFFFFF80  }
0x4d: {  	_ =	swait.ge [sflag:s15], $0x80  }
0x4e: {  	[sflag:s15] =	ssyncset.done $0x0  }
0x4f: {  	[sflag:s15] =	ssyncadd.s32 $0xFFFFFF80  }
0x50: {  	[tilespmem:s16], [sflag:$0x3] =	stream.indirect.gather [hbm4b:s1+s31], $0x80, s12, s31, $0xb8;
	[tilespmem:$0x1FB80] =	vst v63  }
0x51: {  	_ =	swait.ge [sflag:s17], $0x3E80  }
0x52: {  	[sflag:s17] =	ssyncset.done $0x0  }
0x53: {  	[sflag:s17] =	ssyncadd.s32 $0xFFFFC180  }
0x54: {  	[spmem:s2] =	stream.indirect.scatter.add.f32 [tilespmem:s10], [sflag:$0x5], $0x80, s28, s31, $0xb8;
	[tilespmem:$0x1FB80] =	vst v63  }
0x55: {  	_ =	swait.ge [sflag:s18], $0x3E80  }
0x56: {  	[sflag:s18] =	ssyncset.done $0x0  }
0x57: {  	s23 =	rddreg [dreg:$0xd];
	[sflag:s18] =	ssyncadd.s32 $0xFFFFC180  }
0x58: {  	[tilespmem:s4], [sflag:$0x7] =	stream.linear.gather [hbm4b:s23+s4], $0x80, $0x38;
	[tilespmem:$0x1FB80] =	vst v63  }
0x59: {  	s24 =	rddreg [dreg:$0xe]  }
0x5a: {  	[tilespmem:s25], [sflag:$0x7] =	stream.linear.gather [hbm4b:s24+s4], $0x80, $0x38;
	[tilespmem:$0x1FB80] =	vst v63  }
0x5b: {  	_ =	swait.ge [sflag:s30], $0x80  }
0x5c: {  	[sflag:s30] =	ssyncset.done $0x0  }
0x5d: {  	[sflag:s30] =	ssyncadd.s32 $0xFFFFFF80  }
0x5e: {  	_ =	swait.ge [sflag:s30], $0x80  }
0x5f: {  	[sflag:s30] =	ssyncset.done $0x0  }
0x60: {  	[sflag:s30] =	ssyncadd.s32 $0xFFFFFF80  }
0x61: {  	[tilespmem:s0], [sflag:$0x1] =	stream.indirect.gather [hbm4b:s1+s31], $0x80, s4, s31, $0xb8;
	[tilespmem:$0x1FB80] =	vst v63  }
0x62: {  	_ =	swait.ge [sflag:s19], $0x3E80  }
0x63: {  	[sflag:s19] =	ssyncset.done $0x0  }
0x64: {  	[sflag:s19] =	ssyncadd.s32 $0xFFFFC180  }
0x65: {  	[spmem:s2] =	stream.indirect.scatter.add.f32 [tilespmem:s16], [sflag:$0x6], $0x80, s13, s31, $0xb8;
	[tilespmem:$0x1FB80] =	vst v63  }
0x66: {  	_ =	swait.ge [sflag:s20], $0x3E80  }
0x67: {  	[sflag:s20] =	ssyncset.done $0x0  }
0x68: {  	s29 =	rddreg [dreg:$0xf];
	[sflag:s20] =	ssyncadd.s32 $0xFFFFC180  }
0x69: {  	[tilespmem:s26], [sflag:$0x8] =	stream.linear.gather [hbm4b:s29+s4], $0x80, $0x38;
	[tilespmem:$0x1FB80] =	vst v63  }
0x6a: {  	s9 =	rddreg [dreg:$0x10]  }
0x6b: {  	[tilespmem:s28], [sflag:$0x8] =	stream.linear.gather [hbm4b:s9+s4], $0x80, $0x38;
	[tilespmem:$0x1FB80] =	vst v63  }
0x6c: {  	_ =	swait.ge [sflag:s3], $0x80  }
0x6d: {  	[sflag:s3] =	ssyncset.done $0x0  }
0x6e: {  	[sflag:s3] =	ssyncadd.s32 $0xFFFFFF80  }
0x6f: {  	_ =	swait.ge [sflag:s3], $0x80  }
0x70: {  	[sflag:s3] =	ssyncset.done $0x0  }
0x71: {  	[sflag:s3] =	ssyncadd.s32 $0xFFFFFF80  }
0x72: {  	[tilespmem:s10], [sflag:$0x2] =	stream.indirect.gather [hbm4b:s1+s31], $0x80, s26, s31, $0xb8;
	[tilespmem:$0x1FB80] =	vst v63  }
0x73: {  	s23 =	simm.s32 $0x280;
	_ =	swait.ge [sflag:s11], $0x3E80  }
0x74: {  	s24 =	sand.u32 $0x7C00, s23;
	[sflag:s11] =	ssyncset.done $0x0  }
0x75: {  	s7 =	sand.u32 $0x380, s23;
	s29 =	sadd.s32 s6, s24;
	[sflag:s11] =	ssyncadd.s32 $0xFFFFC180  }
0x76: {  	[spmem:s2] =	stream.indirect.scatter.add.f32 [tilespmem:s0], [sflag:$0x4], $0x80, s25, s31, $0xb8;
	[tilespmem:$0x1FB80] =	vst v63  }
0x77: {  	s29 =	sor.u32 s7, s29;
	s9 =	sadd.s32 s8, s24;
	_ =	swait.ge [sflag:s21], $0x3E80  }
0x78: {  	s29 =	sshrl.u32 s29, $0x3;
	s7 =	sor.u32 s7, s9;
	[sflag:s21] =	ssyncset.done $0x0  }
0x79: {  	s9 =	sadd.s32 s5, s29;
	s7 =	sshrl.u32 s7, $0x3;
	[sflag:s21] =	ssyncadd.s32 $0xFFFFC180  }
0x7a: {  	[tilespmem:s12], [sflag:$0x9] =	stream.linear.gather [hbm4b:s9+s4], $0x80, $0x38;
	[tilespmem:$0x1FB80] =	vst v63  }
0x7b: {  	s7 =	sadd.s32 s5, s7  }
0x7c: {  	[tilespmem:s13], [sflag:$0x9] =	stream.linear.gather [hbm4b:s7+s4], $0x80, $0x38;
	[tilespmem:$0x1FB80] =	vst v63  }
0x7d: {  	_ =	swait.ge [sflag:s15], $0x80  }
0x7e: {  	[sflag:s15] =	ssyncset.done $0x0  }
0x7f: {  	[sflag:s15] =	ssyncadd.s32 $0xFFFFFF80  }
0x80: {  	_ =	swait.ge [sflag:s15], $0x80  }
0x81: {  	[sflag:s15] =	ssyncset.done $0x0  }
0x82: {  	[sflag:s15] =	ssyncadd.s32 $0xFFFFFF80  }
0x83: {  	[tilespmem:s16], [sflag:$0x3] =	stream.indirect.gather [hbm4b:s1+s31], $0x80, s12, s31, $0xb8;
	[tilespmem:$0x1FB80] =	vst v63  }
0x84: {  	s9 =	simm.s32 $0x300;
	_ =	swait.ge [sflag:s17], $0x3E80  }
0x85: {  	s23 =	sand.u32 $0x7C00, s9;
	[sflag:s17] =	ssyncset.done $0x0  }
0x86: {  	s7 =	sand.u32 $0x380, s9;
	s24 =	sadd.s32 s6, s23;
	[sflag:s17] =	ssyncadd.s32 $0xFFFFC180  }
0x87: {  	[spmem:s2] =	stream.indirect.scatter.add.f32 [tilespmem:s10], [sflag:$0x5], $0x80, s28, s31, $0xb8;
	[tilespmem:$0x1FB80] =	vst v63  }
0x88: {  	s9 =	sadd.s32 s8, s23;
	s29 =	sor.u32 s7, s24;
	_ =	swait.ge [sflag:s18], $0x3E80  }
0x89: {  	s7 =	sor.u32 s7, s9;
	s29 =	sshrl.u32 s29, $0x3;
	[sflag:s18] =	ssyncset.done $0x0  }
0x8a: {  	s7 =	sshrl.u32 s7, $0x3;
	s9 =	sadd.s32 s5, s29;
	[sflag:s18] =	ssyncadd.s32 $0xFFFFC180  }
0x8b: {  	[tilespmem:s4], [sflag:$0x7] =	stream.linear.gather [hbm4b:s9+s4], $0x80, $0x38;
	[tilespmem:$0x1FB80] =	vst v63  }
0x8c: {  	s7 =	sadd.s32 s5, s7  }
0x8d: {  	[tilespmem:s25], [sflag:$0x7] =	stream.linear.gather [hbm4b:s7+s4], $0x80, $0x38;
	[tilespmem:$0x1FB80] =	vst v63  }
0x8e: {  	_ =	swait.ge [sflag:s30], $0x80  }
0x8f: {  	[sflag:s30] =	ssyncset.done $0x0  }
0x90: {  	[sflag:s30] =	ssyncadd.s32 $0xFFFFFF80  }
0x91: {  	_ =	swait.ge [sflag:s30], $0x80  }
0x92: {  	[sflag:s30] =	ssyncset.done $0x0  }
0x93: {  	[sflag:s30] =	ssyncadd.s32 $0xFFFFFF80  }
0x94: {  	[tilespmem:s0], [sflag:$0x1] =	stream.indirect.gather [hbm4b:s1+s31], $0x80, s4, s31, $0xb8;
	[tilespmem:$0x1FB80] =	vst v63  }
0x95: {  	s9 =	simm.s32 $0x380;
	_ =	swait.ge [sflag:s19], $0x3E80  }
0x96: {  	s23 =	sand.u32 $0x7C00, s9;
	[sflag:s19] =	ssyncset.done $0x0  }
0x97: {  	s7 =	sand.u32 $0x380, s9;
	s24 =	sadd.s32 s6, s23;
	[sflag:s19] =	ssyncadd.s32 $0xFFFFC180  }
0x98: {  	[spmem:s2] =	stream.indirect.scatter.add.f32 [tilespmem:s16], [sflag:$0x6], $0x80, s13, s31, $0xb8;
	[tilespmem:$0x1FB80] =	vst v63  }
0x99: {  	s9 =	sadd.s32 s8, s23;
	s29 =	sor.u32 s7, s24;
	_ =	swait.ge [sflag:s20], $0x3E80  }
0x9a: {  	s7 =	sor.u32 s7, s9;
	s29 =	sshrl.u32 s29, $0x3;
	[sflag:s20] =	ssyncset.done $0x0  }
0x9b: {  	s7 =	sshrl.u32 s7, $0x3;
	s29 =	sadd.s32 s5, s29;
	[sflag:s20] =	ssyncadd.s32 $0xFFFFC180  }
0x9c: {  	[tilespmem:s26], [sflag:$0x8] =	stream.linear.gather [hbm4b:s29+s4], $0x80, $0x38;
	[tilespmem:$0x1FB80] =	vst v63  }
0x9d: {  	s7 =	sadd.s32 s5, s7  }
0x9e: {  	[tilespmem:s28], [sflag:$0x8] =	stream.linear.gather [hbm4b:s7+s4], $0x80, $0x38;
	[tilespmem:$0x1FB80] =	vst v63  }
0x9f: {  	_ =	swait.ge [sflag:s3], $0x80  }
0xa0: {  	[sflag:s3] =	ssyncset.done $0x0  }
0xa1: {  	[sflag:s3] =	ssyncadd.s32 $0xFFFFFF80  }
0xa2: {  	_ =	swait.ge [sflag:s3], $0x80  }
0xa3: {  	s9 =	simm.s32 $0x500;
	[sflag:s3] =	ssyncset.done $0x0  }
.LBB2_2:
0xa4: {  	p1 =	sne.s32 s9, $0x2780  }
0xa5: {  	[sflag:s3] =	ssyncadd.s32 $0xFFFFFF80;
	s7 =	smov.u32 s9;
	s9 =	sadd.s32 $0x180, s9  }
0xa6: {  	[tilespmem:s10], [sflag:$0x2] =	stream.indirect.gather [hbm4b:s1+s31], $0x80, s26, s31, $0xb8;
	[tilespmem:$0x1FB80] =	vst v63  }
0xa7: {  	s29 =	sadd.s32 $0xFFFFFF00, s7;
	_ =	swait.ge [sflag:s11], $0x3E80  }
0xa8: {  	s23 =	sand.u32 $0x7C00, s29;
	s29 =	sand.u32 $0x380, s29;
	[sflag:s11] =	ssyncset.done $0x0  }
0xa9: {  	s24 =	sadd.s32 s6, s23;
	s23 =	sadd.s32 s8, s23;
	[sflag:s11] =	ssyncadd.s32 $0xFFFFC180  }
0xaa: {  	[spmem:s2] =	stream.indirect.scatter.add.f32 [tilespmem:s0], [sflag:$0x4], $0x80, s25, s31, $0xb8;
	[tilespmem:$0x1FB80] =	vst v63  }
0xab: {  	s24 =	sor.u32 s29, s24;
	s23 =	sor.u32 s29, s23;
	_ =	swait.ge [sflag:s21], $0x3E80  }
0xac: {  	s24 =	sshrl.u32 s24, $0x3;
	s23 =	sshrl.u32 s23, $0x3;
	[sflag:s21] =	ssyncset.done $0x0  }
0xad: {  	s24 =	sadd.s32 s5, s24;
	s23 =	sadd.s32 s5, s23;
	[sflag:s21] =	ssyncadd.s32 $0xFFFFC180  }
0xae: {  	[tilespmem:s12], [sflag:$0x9] =	stream.linear.gather [hbm4b:s24+s4], $0x80, $0x38;
	[tilespmem:$0x1FB80] =	vst v63  }
0xaf: {  	_ = 	snop  }
0xb0: {  	[tilespmem:s13], [sflag:$0x9] =	stream.linear.gather [hbm4b:s23+s4], $0x80, $0x38;
	[tilespmem:$0x1FB80] =	vst v63  }
0xb1: {  	_ =	swait.ge [sflag:s15], $0x80  }
0xb2: {  	[sflag:s15] =	ssyncset.done $0x0  }
0xb3: {  	[sflag:s15] =	ssyncadd.s32 $0xFFFFFF80  }
0xb4: {  	_ =	swait.ge [sflag:s15], $0x80  }
0xb5: {  	[sflag:s15] =	ssyncset.done $0x0  }
0xb6: {  	[sflag:s15] =	ssyncadd.s32 $0xFFFFFF80  }
0xb7: {  	[tilespmem:s16], [sflag:$0x3] =	stream.indirect.gather [hbm4b:s1+s31], $0x80, s12, s31, $0xb8;
	[tilespmem:$0x1FB80] =	vst v63  }
0xb8: {  	s23 =	sadd.s32 $0xFFFFFF80, s7;
	_ =	swait.ge [sflag:s17], $0x3E80  }
0xb9: {  	s24 =	sand.u32 $0x7C00, s23;
	s23 =	sand.u32 $0x380, s23;
	[sflag:s17] =	ssyncset.done $0x0  }
0xba: {  	s29 =	sadd.s32 s6, s24;
	s24 =	sadd.s32 s8, s24;
	[sflag:s17] =	ssyncadd.s32 $0xFFFFC180  }
0xbb: {  	[spmem:s2] =	stream.indirect.scatter.add.f32 [tilespmem:s10], [sflag:$0x5], $0x80, s28, s31, $0xb8;
	[tilespmem:$0x1FB80] =	vst v63  }
0xbc: {  	s29 =	sor.u32 s23, s29;
	s23 =	sor.u32 s23, s24;
	_ =	swait.ge [sflag:s18], $0x3E80  }
0xbd: {  	s24 =	sshrl.u32 s29, $0x3;
	s23 =	sshrl.u32 s23, $0x3;
	[sflag:s18] =	ssyncset.done $0x0  }
0xbe: {  	s24 =	sadd.s32 s5, s24;
	s23 =	sadd.s32 s5, s23;
	[sflag:s18] =	ssyncadd.s32 $0xFFFFC180  }
0xbf: {  	[tilespmem:s4], [sflag:$0x7] =	stream.linear.gather [hbm4b:s24+s4], $0x80, $0x38;
	[tilespmem:$0x1FB80] =	vst v63  }
0xc0: {  	_ = 	snop  }
0xc1: {  	[tilespmem:s25], [sflag:$0x7] =	stream.linear.gather [hbm4b:s23+s4], $0x80, $0x38;
	[tilespmem:$0x1FB80] =	vst v63  }
0xc2: {  	_ =	swait.ge [sflag:s30], $0x80  }
0xc3: {  	[sflag:s30] =	ssyncset.done $0x0  }
0xc4: {  	[sflag:s30] =	ssyncadd.s32 $0xFFFFFF80  }
0xc5: {  	_ =	swait.ge [sflag:s30], $0x80  }
0xc6: {  	[sflag:s30] =	ssyncset.done $0x0  }
0xc7: {  	[sflag:s30] =	ssyncadd.s32 $0xFFFFFF80  }
0xc8: {  	[tilespmem:s0], [sflag:$0x1] =	stream.indirect.gather [hbm4b:s1+s31], $0x80, s4, s31, $0xb8;
	[tilespmem:$0x1FB80] =	vst v63  }
0xc9: {  	_ =	swait.ge [sflag:s19], $0x3E80  }
0xca: {  	s23 =	sand.u32 $0x7C00, s7;
	s7 =	sand.u32 $0x380, s7;
	[sflag:s19] =	ssyncset.done $0x0  }
0xcb: {  	s24 =	sadd.s32 s6, s23;
	s23 =	sadd.s32 s8, s23;
	[sflag:s19] =	ssyncadd.s32 $0xFFFFC180  }
0xcc: {  	[spmem:s2] =	stream.indirect.scatter.add.f32 [tilespmem:s16], [sflag:$0x6], $0x80, s13, s31, $0xb8;
	[tilespmem:$0x1FB80] =	vst v63  }
0xcd: {  	s24 =	sor.u32 s7, s24;
	s7 =	sor.u32 s7, s23;
	_ =	swait.ge [sflag:s20], $0x3E80  }
0xce: {  	s23 =	sshrl.u32 s24, $0x3;
	s7 =	sshrl.u32 s7, $0x3;
	[sflag:s20] =	ssyncset.done $0x0  }
0xcf: {  	s23 =	sadd.s32 s5, s23;
	s7 =	sadd.s32 s5, s7;
	[sflag:s20] =	ssyncadd.s32 $0xFFFFC180  }
0xd0: {  	[tilespmem:s26], [sflag:$0x8] =	stream.linear.gather [hbm4b:s23+s4], $0x80, $0x38;
	[tilespmem:$0x1FB80] =	vst v63  }
0xd1: {  	_ = 	snop  }
0xd2: {  	[tilespmem:s28], [sflag:$0x8] =	stream.linear.gather [hbm4b:s7+s4], $0x80, $0x38;
	[tilespmem:$0x1FB80] =	vst v63  }
.Ltmp0:
0xd3: {  	_ =	swait.ge [sflag:s3], $0x80;
	(pc) =	sbr.rel @p1 .LBB2_2-.Ltmp0, $4  }
0xd4: {  	[sflag:s3] =	ssyncset.done $0x0  }
0xd5: {  	[sflag:s3] =	ssyncadd.s32 $0xFFFFFF80  }
0xd6: {  	_ =	swait.ge [sflag:s3], $0x80  }
0xd7: {  	[sflag:s3] =	ssyncset.done $0x0  }
0xd8: {  	[sflag:s3] =	ssyncadd.s32 $0xFFFFFF80  }
0xd9: {  	[tilespmem:s10], [sflag:$0x2] =	stream.indirect.gather [hbm4b:s1+s31], $0x80, s26, s31, $0xb8;
	[tilespmem:$0x1FB80] =	vst v63  }
0xda: {  	_ =	swait.ge [sflag:s11], $0x3E80  }
0xdb: {  	[sflag:s11] =	ssyncset.done $0x0  }
0xdc: {  	[sflag:s11] =	ssyncadd.s32 $0xFFFFC180  }
0xdd: {  	[spmem:s2] =	stream.indirect.scatter.add.f32 [tilespmem:s0], [sflag:$0x4], $0x80, s25, s31, $0xb8;
	[tilespmem:$0x1FB80] =	vst v63  }
0xde: {  	_ =	swait.ge [sflag:s21], $0x3E80  }
0xdf: {  	[sflag:s21] =	ssyncset.done $0x0  }
0xe0: {  	[sflag:s21] =	ssyncadd.s32 $0xFFFFC180  }
0xe1: {  	_ =	swait.ge [sflag:s17], $0x3E80  }
0xe2: {  	[sflag:s17] =	ssyncset.done $0x0  }
0xe3: {  	[sflag:s17] =	ssyncadd.s32 $0xFFFFC180  }
0xe4: {  	[spmem:s2] =	stream.indirect.scatter.add.f32 [tilespmem:s10], [sflag:$0x5], $0x80, s28, s31, $0xb8;
	[tilespmem:$0x1FB80] =	vst v63  }
0xe5: {  	_ =	swait.ge [sflag:s18], $0x3E80  }
0xe6: {  	[sflag:s18] =	ssyncset.done $0x0  }
0xe7: {  	[sflag:s18] =	ssyncadd.s32 $0xFFFFC180  }
0xe8: {  	_ =	swait.ge [sflag:s20], $0x3E80  }
0xe9: {  	[sflag:s20] =	ssyncset.done $0x0  }
0xea: {  	[sflag:s20] =	ssyncadd.s32 $0xFFFFC180  }
0xeb: {  	[bflag:$0x0] =	sbarrier.arrive $0xFFFF  }
0xec: {  	s7 =	rddreg [dreg:$0x11]  }
0xed: {  	s23 =	simm.s32 $0xA;
	s9 =	rddreg [dreg:$0x14]  }
0xee: {  	[hbm:s7], [sflag:s14] =	dma.local [spmem:s9], $0x2700  }
0xef: {  	_ =	swait.ge [sflag:s23], $0x2700  }
0xf0: {  	[sflag:s23] =	ssyncset.done $0x0;
	s7 =	rddreg [dreg:$0x12]  }
0xf1: {  	s9 =	rddreg [dreg:$0x15];
	[sflag:s23] =	ssyncadd.s32 $0xFFFFD900  }
0xf2: {  	[hbm:s7], [sflag:s14] =	dma.local @!p0 [spmem:s9], $0x100  }
0xf3: {  	s7 =	simm.s32 @!p0 $0xA  }
0xf4: {  	_ =	swait.ge @!p0 [sflag:s7], $0x100  }
0xf5: {  	s22 =	sadd.s32 $0x1, s22;
	s29 =	rddreg [dreg:$0x13]  }
0xf6: {  	p1 =	sne.s32 s22, s29  }
.Ltmp1:
0xf7: {  	_ = 	snop;
	(pc) =	sbr.rel @p1 .LBB2_1-.Ltmp1, $3  }
0xf8: {  	_ =	sdelay $0x1  }
0xf9: {  	[sflag:s7] =	ssyncset.done @!p0 $0x0  }
0xfa: {  	[sflag:s7] =	ssyncadd.s32 @!p0 $0xFFFFFF00  }
0xfb: {  	_ =	sfence.sel $0x180000  }
0xfc: {  	[bflag:$0x0] =	sbarrier.arrive $0xFFFF  }
0xfd: {  	_ =	strace $0x9000004A  }
0xfe: {  	s0 =	stileid.u32;
	[bflag:$0x2] =	sbarrier.arrive $0xFFFF  }
0xff: {  	p0 =	sne.s32 s0, $0x0;
	s0 =	rddreg [dreg:$0x3]  }
0x100: {  	s0 =	sadd.s32 @!p0 $0x100000, s0  }
0x101: {  	[sflag:s0] =	ssyncadd.tile.s32 @!p0 $0x1;
	_ =	shalt  }
.Lfunc_end2:
_tile_overlayer_lowered:
.L_overlay_start_2:
0x102: {  	(tag) =	ssettag $0x2  }
0x103: {  	s0 =	rddreg [dreg:$0x0];
	s2 =	stileid.u32  }
0x104: {  	s1 =	rddreg [dreg:$0x1];
	p0 =	sne.s32 s2, $0x0  }
0x105: {  	s3 =	rddreg [dreg:$0x2];
	[bflag:$0x3] =	sbarrier.arrive $0xFFFF;
	s2 =	simm.s32 @!p0 $0x1C0A  }
0x106: {  	[timem:s3], [sflag:s2] =	dma.local @!p0 [hbm:s0], s1  }
0x107: {  	s0 =	simm.s32 @!p0 $0xA  }
0x108: {  	_ =	swait.ge @!p0 [sflag:s0], s1  }
0x109: {  	s1 =	ssub.s32 @!p0 $0x0, s1;
	[sflag:s0] =	ssyncset.done @!p0 $0x0  }
0x10a: {  	[sflag:s0] =	ssyncadd.s32 @!p0 s1  }
0x10b: {  	[bflag:$0x3] =	sbarrier.arrive $0xFFFF  }
0x10c: {  	_ =	shalt  }

</sc_bundles>
